<compile_context>
chip_gen: v7x
topology: tpu7x:2x2x1
jax: 0.10.2.dev20260603
libtpu: 0.0.44.dev20260713+nightly
codegen_flags: <defaults>
</compile_context>

<pallas_src>
import jax
import jax.numpy as jnp
from jax import lax
from jax.experimental import pallas as pl
from jax.experimental.pallas import tpu as pltpu
from jax.experimental.pallas import tpu_sc as plsc

B = 1024
S = 200
D = 128
NC, NS, L = 2, 16, 16
NW = NC * NS
BPW = B // NW
NREG = D // L


def _renorm_body(w_ref, out_ref):
    w = w_ref[...]
    n = jnp.sqrt(jnp.sum(w * w, axis=1, keepdims=True))
    scale = jnp.where(n > 1.0, 1.0 / (n + 1e-7), 1.0)
    out_ref[...] = w * scale


def _renorm_tables(tables):
    return pl.pallas_call(
        _renorm_body,
        out_shape=jax.ShapeDtypeStruct(tables.shape, tables.dtype),
    )(tables)


def _sc_bias_body(bt_hbm, lh_hbm, tab_hbm, bias_hbm, bidx_v, lidx_v, tabs_v,
                  brow_v, s0, s1, s2):
    wid = lax.axis_index("s") * NC + lax.axis_index("c")
    base = wid * BPW

    c0 = pltpu.async_copy(bt_hbm.at[pl.ds(base, BPW)], bidx_v, s0)
    c1 = pltpu.async_copy(lh_hbm.at[pl.ds(base, BPW)], lidx_v, s1)
    c2 = pltpu.async_copy(tab_hbm, tabs_v, s2)
    c0.wait()
    c1.wait()
    c2.wait()

    b0 = [tabs_v[0, pl.ds(j * L, L)] for j in range(NREG)]
    bd = [tabs_v[1, pl.ds(j * L, L)] - b0[j] for j in range(NREG)]
    l0 = [tabs_v[2, pl.ds(j * L, L)] for j in range(NREG)]
    ld = [tabs_v[3, pl.ds(j * L, L)] - l0[j] for j in range(NREG)]
    for g in range(BPW // L):
        btf = bidx_v[pl.ds(g * L, L)].astype(jnp.float32)
        lhf = lidx_v[pl.ds(g * L, L)].astype(jnp.float32)
        for b in range(L):
            lane = jnp.full((L,), b, jnp.int32)
            fb = jnp.take_along_axis(btf, lane, axis=0)
            fl = jnp.take_along_axis(lhf, lane, axis=0)
            for j in range(NREG):
                brow_v[g * L + b, pl.ds(j * L, L)] = (
                    b0[j] + bd[j] * fb + l0[j] + ld[j] * fl)

    pltpu.sync_copy(brow_v, bias_hbm.at[pl.ds(base, BPW)])


def _sc_bias(brush_type, is_left_handed, bl_r):
    mesh = plsc.VectorSubcoreMesh(core_axis_name="c", subcore_axis_name="s",
                                  num_cores=NC, num_subcores=NS)
    f = pl.kernel(
        _sc_bias_body,
        out_type=jax.ShapeDtypeStruct((B, D), jnp.float32),
        mesh=mesh,
        scratch_types=[
            pltpu.VMEM((BPW,), jnp.int32),
            pltpu.VMEM((BPW,), jnp.int32),
            pltpu.VMEM((8, D), jnp.float32),
            pltpu.VMEM((BPW, D), jnp.float32),
            pltpu.SemaphoreType.DMA,
            pltpu.SemaphoreType.DMA,
            pltpu.SemaphoreType.DMA,
        ],
    )
    return f(brush_type, is_left_handed, bl_r)


SB = 8
NSB = S // SB


def _dense_body(bias_ref, pos_ref, cls_ref, in_ref, out_ref, carry_ref):
    k = pl.program_id(0)
    bias = bias_ref[...]
    pos = pos_ref[...]
    x = jnp.concatenate([carry_ref[...], in_ref[: SB - 1]], axis=0)
    t = jnp.transpose(x, (1, 0, 2))
    out_ref[...] = t + pos[None, :, :] + bias[:, None, :]

    @pl.when(k == 0)
    def _():
        out_ref[:, 0, :] = cls_ref[...] + pos[0:1, :] + bias

    carry_ref[...] = in_ref[SB - 1: SB]


def _dense(bias, pos_r, cls2d, in_t):
    return pl.pallas_call(
        _dense_body,
        grid=(NSB,),
        in_specs=[
            pl.BlockSpec((B, D), lambda k: (0, 0)),
            pl.BlockSpec((SB, D), lambda k: (k, 0)),
            pl.BlockSpec((1, D), lambda k: (0, 0)),
            pl.BlockSpec((SB, B, D), lambda k: (k, 0, 0)),
        ],
        out_specs=pl.BlockSpec((B, SB, D), lambda k: (0, k, 0)),
        out_shape=jax.ShapeDtypeStruct((B, S, D), jnp.float32),
        scratch_shapes=[pltpu.VMEM((1, B, D), jnp.float32)],
    )(bias, pos_r, cls2d, in_t)


def kernel(input_segment, brush_type, is_left_handed, pos_emb, brush_emb,
           left_emb, cls_token):
    bl = jnp.concatenate(
        [brush_emb, left_emb, jnp.zeros((4, D), jnp.float32)], axis=0)
    bl_r = _renorm_tables(bl)
    bias = _sc_bias(brush_type, is_left_handed, bl_r)
    pos_r = _renorm_tables(pos_emb)
    in_t = jnp.transpose(input_segment, (1, 0, 2))
    return _dense(bias, pos_r, cls_token[None, :], in_t)

# --- scband reference (transcript-rebuilt; emitter-appended) ---
"""Pipeline reference for scband-embedded-features-66932770341222 (READ-ONLY COPY).

The authoritative reference and input builder live on the scoring server;
editing this copy changes nothing except your own understanding.
"""

import jax, jax.numpy as jnp
import numpy as np

B = 1024
SEG_LEN = 200  # segment_length + 1 (cls token prepended)
D = 128


def _renorm(w, max_norm=1.0):
    # torch nn.Embedding(max_norm=1): rows with norm > max_norm are rescaled to max_norm
    # (done in-place under no_grad in torch, so the scale is not differentiated)
    n = jnp.linalg.norm(w, axis=1, keepdims=True)
    scale = jnp.where(n > max_norm, max_norm / (n + 1e-7), 1.0)
    return w * jax.lax.stop_gradient(scale)


def setup_inputs(seed: int = 0) -> dict:
    key = jax.random.key(seed)
    ks = jax.random.split(key, 7)
    return {
        "input_segment": jax.random.normal(ks[0], (B, SEG_LEN - 1, D), dtype=jnp.float32),
        "brush_type": jax.random.randint(ks[1], (B,), 0, 2, dtype=jnp.int32),
        "is_left_handed": jax.random.randint(ks[2], (B,), 0, 2, dtype=jnp.int32),
        # learned parameters
        "pos_emb": jax.random.normal(ks[3], (SEG_LEN, D), dtype=jnp.float32),
        "brush_emb": jax.random.normal(ks[4], (2, D), dtype=jnp.float32),
        "left_emb": jax.random.normal(ks[5], (2, D), dtype=jnp.float32),
        "cls_token": jax.random.uniform(ks[6], (D,), dtype=jnp.float32),
    }


def reference(input_segment, brush_type, is_left_handed, pos_emb, brush_emb, left_emb, cls_token):
    # NOTE: in the torch module, layer_norm_input(input_segment) is computed then
    # immediately overwritten (dead code), so it does not affect the output.
    bsz = input_segment.shape[0]
    batch_cls = jnp.broadcast_to(cls_token[None, None, :], (bsz, 1, cls_token.shape[0]))
    x = jnp.concatenate([batch_cls, input_segment], axis=1)  # [B, SEG_LEN, D]
    # position embedding: lookup of all positions (gather over full table)
    pos = jnp.take(_renorm(pos_emb), jnp.arange(SEG_LEN), axis=0)  # [SEG_LEN, D]
    x = x + pos[None, :, :]
    # brush type embedding (brush_embedding_flag=True)
    bt = jnp.take(_renorm(brush_emb), brush_type, axis=0)  # [B, D]
    x = x + bt[:, None, :]
    # left-handedness embedding
    lh = jnp.take(_renorm(left_emb), is_left_handed, axis=0)  # [B, D]
    x = x + lh[:, None, :]
    return x

if __name__ == "__main__":
    import jax
    _d = setup_inputs()
    print(jax.jit(kernel)(*tuple(_d.values())))

</pallas_src>

<mosaic_0001>
#map = affine_map<(d0, d1) -> (0)>
#map1 = affine_map<(d0, d1) -> (0, 0)>
module attributes {stable_mosaic.version = 14 : i64} {
  func.func @_sc_bias_body(%arg0: i32, %arg1: i32, %arg2: memref<1024xi32, #tpu.memory_space<hbm>>, %arg3: memref<1024xi32, #tpu.memory_space<hbm>>, %arg4: memref<8x128xf32, #tpu.memory_space<hbm>>, %arg5: memref<1024x128xf32, #tpu.memory_space<hbm>>, %arg6: memref<32xi32, #tpu.memory_space<vmem>>, %arg7: memref<32xi32, #tpu.memory_space<vmem>>, %arg8: memref<8x128xf32, #tpu.memory_space<vmem>>, %arg9: memref<32x128xf32, #tpu.memory_space<vmem>>, %arg10: memref<!tpu.dma_semaphore, #tpu.memory_space<semaphore_mem>>, %arg11: memref<!tpu.dma_semaphore, #tpu.memory_space<semaphore_mem>>, %arg12: memref<!tpu.dma_semaphore, #tpu.memory_space<semaphore_mem>>) attributes {dimension_semantics = [#tpu.dimension_semantics<core_parallel>, #tpu.dimension_semantics<subcore_parallel>], iteration_bounds = array<i64: 2, 16>, scalar_prefetch = 0 : i64, scratch_operands = 7 : i64, tpu.core_type = #tpu.core_type<sc_vector_subcore>, window_params = [{transform_indices = #map}, {transform_indices = #map}, {transform_indices = #map1}, {transform_indices = #map1}]} {
    %mul3A = arith.constant 2 : i32
    %mul3A_0 = arith.muli %arg1, %mul3A : i32
    %add3A = arith.addi %mul3A_0, %arg0 : i32
    %mul3A_1 = arith.constant 32 : i32
    %mul3A_2 = arith.muli %add3A, %mul3A_1 : i32
    %dma_start3A = tpu.memref_slice %arg2[%mul3A_2] : memref<1024xi32, #tpu.memory_space<hbm>> -> memref<32xi32, #tpu.memory_space<hbm>>
    %dma_start3A_3 = tpu.memref_slice %arg2[%mul3A_2] : memref<1024xi32, #tpu.memory_space<hbm>> -> memref<32xi32, #tpu.memory_space<hbm>>
    tpu.enqueue_dma source(%dma_start3A_3 : memref<32xi32, #tpu.memory_space<hbm>>) target(%arg6 : memref<32xi32, #tpu.memory_space<vmem>>) target_semaphore(%arg10 : memref<!tpu.dma_semaphore, #tpu.memory_space<semaphore_mem>>)
    %dma_start3A_4 = tpu.memref_slice %arg3[%mul3A_2] : memref<1024xi32, #tpu.memory_space<hbm>> -> memref<32xi32, #tpu.memory_space<hbm>>
    %dma_start3A_5 = tpu.memref_slice %arg3[%mul3A_2] : memref<1024xi32, #tpu.memory_space<hbm>> -> memref<32xi32, #tpu.memory_space<hbm>>
    tpu.enqueue_dma source(%dma_start3A_5 : memref<32xi32, #tpu.memory_space<hbm>>) target(%arg7 : memref<32xi32, #tpu.memory_space<vmem>>) target_semaphore(%arg11 : memref<!tpu.dma_semaphore, #tpu.memory_space<semaphore_mem>>)
    tpu.enqueue_dma source(%arg4 : memref<8x128xf32, #tpu.memory_space<hbm>>) target(%arg8 : memref<8x128xf32, #tpu.memory_space<vmem>>) target_semaphore(%arg12 : memref<!tpu.dma_semaphore, #tpu.memory_space<semaphore_mem>>)
    %dma_wait3A = tpu.memref_slice %arg2[%mul3A_2] : memref<1024xi32, #tpu.memory_space<hbm>> -> memref<32xi32, #tpu.memory_space<hbm>>
    %dma_wait3A_6 = tpu.memref_slice %arg2[%mul3A_2] : memref<1024xi32, #tpu.memory_space<hbm>> -> memref<32xi32, #tpu.memory_space<hbm>>
    tpu.wait_dma2 semaphore(%arg10 : memref<!tpu.dma_semaphore, #tpu.memory_space<semaphore_mem>>) src(%dma_wait3A_6 : memref<32xi32, #tpu.memory_space<hbm>>) dst(%arg6 : memref<32xi32, #tpu.memory_space<vmem>>)
    %dma_wait3A_7 = tpu.memref_slice %arg3[%mul3A_2] : memref<1024xi32, #tpu.memory_space<hbm>> -> memref<32xi32, #tpu.memory_space<hbm>>
    %dma_wait3A_8 = tpu.memref_slice %arg3[%mul3A_2] : memref<1024xi32, #tpu.memory_space<hbm>> -> memref<32xi32, #tpu.memory_space<hbm>>
    tpu.wait_dma2 semaphore(%arg11 : memref<!tpu.dma_semaphore, #tpu.memory_space<semaphore_mem>>) src(%dma_wait3A_8 : memref<32xi32, #tpu.memory_space<hbm>>) dst(%arg7 : memref<32xi32, #tpu.memory_space<vmem>>)
    tpu.wait_dma2 semaphore(%arg12 : memref<!tpu.dma_semaphore, #tpu.memory_space<semaphore_mem>>) src(%arg4 : memref<8x128xf32, #tpu.memory_space<hbm>>) dst(%arg8 : memref<8x128xf32, #tpu.memory_space<vmem>>)
    %get3A = arith.constant 0 : i32
    %get3A_9 = arith.index_cast %get3A : i32 to index
    %get3A_10 = arith.constant 0 : index
    %get3A_11 = tpu.vector_load %arg8[%get3A_9, %get3A_10] {strides = array<i32>} : memref<8x128xf32, #tpu.memory_space<vmem>>, vector<1x16xf32>,
    %get3A_12 = vector.shape_cast %get3A_11 : vector<1x16xf32> to vector<16xf32>
    %get3A_13 = arith.constant 0 : i32
    %get3A_14 = arith.index_cast %get3A_13 : i32 to index
    %get3A_15 = arith.constant 16 : index
    %get3A_16 = tpu.vector_load %arg8[%get3A_14, %get3A_15] {strides = array<i32>} : memref<8x128xf32, #tpu.memory_space<vmem>>, vector<1x16xf32>,
    %get3A_17 = vector.shape_cast %get3A_16 : vector<1x16xf32> to vector<16xf32>
    %get3A_18 = arith.constant 0 : i32
    %get3A_19 = arith.index_cast %get3A_18 : i32 to index
    %get3A_20 = arith.constant 32 : index
    %get3A_21 = tpu.vector_load %arg8[%get3A_19, %get3A_20] {strides = array<i32>} : memref<8x128xf32, #tpu.memory_space<vmem>>, vector<1x16xf32>,
    %get3A_22 = vector.shape_cast %get3A_21 : vector<1x16xf32> to vector<16xf32>
    %get3A_23 = arith.constant 0 : i32
    %get3A_24 = arith.index_cast %get3A_23 : i32 to index
    %get3A_25 = arith.constant 48 : index
    %get3A_26 = tpu.vector_load %arg8[%get3A_24, %get3A_25] {strides = array<i32>} : memref<8x128xf32, #tpu.memory_space<vmem>>, vector<1x16xf32>,
    %get3A_27 = vector.shape_cast %get3A_26 : vector<1x16xf32> to vector<16xf32>
    %get3A_28 = arith.constant 0 : i32
    %get3A_29 = arith.index_cast %get3A_28 : i32 to index
    %get3A_30 = arith.constant 64 : index
    %get3A_31 = tpu.vector_load %arg8[%get3A_29, %get3A_30] {strides = array<i32>} : memref<8x128xf32, #tpu.memory_space<vmem>>, vector<1x16xf32>,
    %get3A_32 = vector.shape_cast %get3A_31 : vector<1x16xf32> to vector<16xf32>
    %get3A_33 = arith.constant 0 : i32
    %get3A_34 = arith.index_cast %get3A_33 : i32 to index
    %get3A_35 = arith.constant 80 : index
    %get3A_36 = tpu.vector_load %arg8[%get3A_34, %get3A_35] {strides = array<i32>} : memref<8x128xf32, #tpu.memory_space<vmem>>, vector<1x16xf32>,
    %get3A_37 = vector.shape_cast %get3A_36 : vector<1x16xf32> to vector<16xf32>
    %get3A_38 = arith.constant 0 : i32
    %get3A_39 = arith.index_cast %get3A_38 : i32 to index
    %get3A_40 = arith.constant 96 : index
    %get3A_41 = tpu.vector_load %arg8[%get3A_39, %get3A_40] {strides = array<i32>} : memref<8x128xf32, #tpu.memory_space<vmem>>, vector<1x16xf32>,
    %get3A_42 = vector.shape_cast %get3A_41 : vector<1x16xf32> to vector<16xf32>
    %get3A_43 = arith.constant 0 : i32
    %get3A_44 = arith.index_cast %get3A_43 : i32 to index
    %get3A_45 = arith.constant 112 : index
    %get3A_46 = tpu.vector_load %arg8[%get3A_44, %get3A_45] {strides = array<i32>} : memref<8x128xf32, #tpu.memory_space<vmem>>, vector<1x16xf32>,
    %get3A_47 = vector.shape_cast %get3A_46 : vector<1x16xf32> to vector<16xf32>
    %get3A_48 = arith.constant 1 : i32
    %get3A_49 = arith.index_cast %get3A_48 : i32 to index
    %get3A_50 = arith.constant 0 : index
    %get3A_51 = tpu.vector_load %arg8[%get3A_49, %get3A_50] {strides = array<i32>} : memref<8x128xf32, #tpu.memory_space<vmem>>, vector<1x16xf32>,
    %get3A_52 = vector.shape_cast %get3A_51 : vector<1x16xf32> to vector<16xf32>
    %sub3A = arith.subf %get3A_52, %get3A_12 : vector<16xf32>
    %get3A_53 = arith.constant 1 : i32
    %get3A_54 = arith.index_cast %get3A_53 : i32 to index
    %get3A_55 = arith.constant 16 : index
    %get3A_56 = tpu.vector_load %arg8[%get3A_54, %get3A_55] {strides = array<i32>} : memref<8x128xf32, #tpu.memory_space<vmem>>, vector<1x16xf32>,
    %get3A_57 = vector.shape_cast %get3A_56 : vector<1x16xf32> to vector<16xf32>
    %sub3A_58 = arith.subf %get3A_57, %get3A_17 : vector<16xf32>
    %get3A_59 = arith.constant 1 : i32
    %get3A_60 = arith.index_cast %get3A_59 : i32 to index
    %get3A_61 = arith.constant 32 : index
    %get3A_62 = tpu.vector_load %arg8[%get3A_60, %get3A_61] {strides = array<i32>} : memref<8x128xf32, #tpu.memory_space<vmem>>, vector<1x16xf32>,
    %get3A_63 = vector.shape_cast %get3A_62 : vector<1x16xf32> to vector<16xf32>
    %sub3A_64 = arith.subf %get3A_63, %get3A_22 : vector<16xf32>
    %get3A_65 = arith.constant 1 : i32
    %get3A_66 = arith.index_cast %get3A_65 : i32 to index
    %get3A_67 = arith.constant 48 : index
    %get3A_68 = tpu.vector_load %arg8[%get3A_66, %get3A_67] {strides = array<i32>} : memref<8x128xf32, #tpu.memory_space<vmem>>, vector<1x16xf32>,
    %get3A_69 = vector.shape_cast %get3A_68 : vector<1x16xf32> to vector<16xf32>
    %sub3A_70 = arith.subf %get3A_69, %get3A_27 : vector<16xf32>
    %get3A_71 = arith.constant 1 : i32
    %get3A_72 = arith.index_cast %get3A_71 : i32 to index
    %get3A_73 = arith.constant 64 : index
    %get3A_74 = tpu.vector_load %arg8[%get3A_72, %get3A_73] {strides = array<i32>} : memref<8x128xf32, #tpu.memory_space<vmem>>, vector<1x16xf32>,
    %get3A_75 = vector.shape_cast %get3A_74 : vector<1x16xf32> to vector<16xf32>
    %sub3A_76 = arith.subf %get3A_75, %get3A_32 : vector<16xf32>
    %get3A_77 = arith.constant 1 : i32
    %get3A_78 = arith.index_cast %get3A_77 : i32 to index
    %get3A_79 = arith.constant 80 : index
    %get3A_80 = tpu.vector_load %arg8[%get3A_78, %get3A_79] {strides = array<i32>} : memref<8x128xf32, #tpu.memory_space<vmem>>, vector<1x16xf32>,
    %get3A_81 = vector.shape_cast %get3A_80 : vector<1x16xf32> to vector<16xf32>
    %sub3A_82 = arith.subf %get3A_81, %get3A_37 : vector<16xf32>
    %get3A_83 = arith.constant 1 : i32
    %get3A_84 = arith.index_cast %get3A_83 : i32 to index
    %get3A_85 = arith.constant 96 : index
    %get3A_86 = tpu.vector_load %arg8[%get3A_84, %get3A_85] {strides = array<i32>} : memref<8x128xf32, #tpu.memory_space<vmem>>, vector<1x16xf32>,
    %get3A_87 = vector.shape_cast %get3A_86 : vector<1x16xf32> to vector<16xf32>
    %sub3A_88 = arith.subf %get3A_87, %get3A_42 : vector<16xf32>
    %get3A_89 = arith.constant 1 : i32
    %get3A_90 = arith.index_cast %get3A_89 : i32 to index
    %get3A_91 = arith.constant 112 : index
    %get3A_92 = tpu.vector_load %arg8[%get3A_90, %get3A_91] {strides = array<i32>} : memref<8x128xf32, #tpu.memory_space<vmem>>, vector<1x16xf32>,
    %get3A_93 = vector.shape_cast %get3A_92 : vector<1x16xf32> to vector<16xf32>
    %sub3A_94 = arith.subf %get3A_93, %get3A_47 : vector<16xf32>
    %get3A_95 = arith.constant 2 : i32
    %get3A_96 = arith.index_cast %get3A_95 : i32 to index
    %get3A_97 = arith.constant 0 : index
    %get3A_98 = tpu.vector_load %arg8[%get3A_96, %get3A_97] {strides = array<i32>} : memref<8x128xf32, #tpu.memory_space<vmem>>, vector<1x16xf32>,
    %get3A_99 = vector.shape_cast %get3A_98 : vector<1x16xf32> to vector<16xf32>
    %get3A_100 = arith.constant 2 : i32
    %get3A_101 = arith.index_cast %get3A_100 : i32 to index
    %get3A_102 = arith.constant 16 : index
    %get3A_103 = tpu.vector_load %arg8[%get3A_101, %get3A_102] {strides = array<i32>} : memref<8x128xf32, #tpu.memory_space<vmem>>, vector<1x16xf32>,
    %get3A_104 = vector.shape_cast %get3A_103 : vector<1x16xf32> to vector<16xf32>
    %get3A_105 = arith.constant 2 : i32
    %get3A_106 = arith.index_cast %get3A_105 : i32 to index
    %get3A_107 = arith.constant 32 : index
    %get3A_108 = tpu.vector_load %arg8[%get3A_106, %get3A_107] {strides = array<i32>} : memref<8x128xf32, #tpu.memory_space<vmem>>, vector<1x16xf32>,
    %get3A_109 = vector.shape_cast %get3A_108 : vector<1x16xf32> to vector<16xf32>
    %get3A_110 = arith.constant 2 : i32
    %get3A_111 = arith.index_cast %get3A_110 : i32 to index
    %get3A_112 = arith.constant 48 : index
    %get3A_113 = tpu.vector_load %arg8[%get3A_111, %get3A_112] {strides = array<i32>} : memref<8x128xf32, #tpu.memory_space<vmem>>, vector<1x16xf32>,
    %get3A_114 = vector.shape_cast %get3A_113 : vector<1x16xf32> to vector<16xf32>
    %get3A_115 = arith.constant 2 : i32
    %get3A_116 = arith.index_cast %get3A_115 : i32 to index
    %get3A_117 = arith.constant 64 : index
    %get3A_118 = tpu.vector_load %arg8[%get3A_116, %get3A_117] {strides = array<i32>} : memref<8x128xf32, #tpu.memory_space<vmem>>, vector<1x16xf32>,
    %get3A_119 = vector.shape_cast %get3A_118 : vector<1x16xf32> to vector<16xf32>
    %get3A_120 = arith.constant 2 : i32
    %get3A_121 = arith.index_cast %get3A_120 : i32 to index
    %get3A_122 = arith.constant 80 : index
    %get3A_123 = tpu.vector_load %arg8[%get3A_121, %get3A_122] {strides = array<i32>} : memref<8x128xf32, #tpu.memory_space<vmem>>, vector<1x16xf32>,
    %get3A_124 = vector.shape_cast %get3A_123 : vector<1x16xf32> to vector<16xf32>
    %get3A_125 = arith.constant 2 : i32
    %get3A_126 = arith.index_cast %get3A_125 : i32 to index
    %get3A_127 = arith.constant 96 : index
    %get3A_128 = tpu.vector_load %arg8[%get3A_126, %get3A_127] {strides = array<i32>} : memref<8x128xf32, #tpu.memory_space<vmem>>, vector<1x16xf32>,
    %get3A_129 = vector.shape_cast %get3A_128 : vector<1x16xf32> to vector<16xf32>
    %get3A_130 = arith.constant 2 : i32
    %get3A_131 = arith.index_cast %get3A_130 : i32 to index
    %get3A_132 = arith.constant 112 : index
    %get3A_133 = tpu.vector_load %arg8[%get3A_131, %get3A_132] {strides = array<i32>} : memref<8x128xf32, #tpu.memory_space<vmem>>, vector<1x16xf32>,
    %get3A_134 = vector.shape_cast %get3A_133 : vector<1x16xf32> to vector<16xf32>
    %get3A_135 = arith.constant 3 : i32
    %get3A_136 = arith.index_cast %get3A_135 : i32 to index
    %get3A_137 = arith.constant 0 : index
    %get3A_138 = tpu.vector_load %arg8[%get3A_136, %get3A_137] {strides = array<i32>} : memref<8x128xf32, #tpu.memory_space<vmem>>, vector<1x16xf32>,
    %get3A_139 = vector.shape_cast %get3A_138 : vector<1x16xf32> to vector<16xf32>
    %sub3A_140 = arith.subf %get3A_139, %get3A_99 : vector<16xf32>
    %get3A_141 = arith.constant 3 : i32
    %get3A_142 = arith.index_cast %get3A_141 : i32 to index
    %get3A_143 = arith.constant 16 : index
    %get3A_144 = tpu.vector_load %arg8[%get3A_142, %get3A_143] {strides = array<i32>} : memref<8x128xf32, #tpu.memory_space<vmem>>, vector<1x16xf32>,
    %get3A_145 = vector.shape_cast %get3A_144 : vector<1x16xf32> to vector<16xf32>
    %sub3A_146 = arith.subf %get3A_145, %get3A_104 : vector<16xf32>
    %get3A_147 = arith.constant 3 : i32
    %get3A_148 = arith.index_cast %get3A_147 : i32 to index
    %get3A_149 = arith.constant 32 : index
    %get3A_150 = tpu.vector_load %arg8[%get3A_148, %get3A_149] {strides = array<i32>} : memref<8x128xf32, #tpu.memory_space<vmem>>, vector<1x16xf32>,
    %get3A_151 = vector.shape_cast %get3A_150 : vector<1x16xf32> to vector<16xf32>
    %sub3A_152 = arith.subf %get3A_151, %get3A_109 : vector<16xf32>
    %get3A_153 = arith.constant 3 : i32
    %get3A_154 = arith.index_cast %get3A_153 : i32 to index
    %get3A_155 = arith.constant 48 : index
    %get3A_156 = tpu.vector_load %arg8[%get3A_154, %get3A_155] {strides = array<i32>} : memref<8x128xf32, #tpu.memory_space<vmem>>, vector<1x16xf32>,
    %get3A_157 = vector.shape_cast %get3A_156 : vector<1x16xf32> to vector<16xf32>
    %sub3A_158 = arith.subf %get3A_157, %get3A_114 : vector<16xf32>
    %get3A_159 = arith.constant 3 : i32
    %get3A_160 = arith.index_cast %get3A_159 : i32 to index
    %get3A_161 = arith.constant 64 : index
    %get3A_162 = tpu.vector_load %arg8[%get3A_160, %get3A_161] {strides = array<i32>} : memref<8x128xf32, #tpu.memory_space<vmem>>, vector<1x16xf32>,
    %get3A_163 = vector.shape_cast %get3A_162 : vector<1x16xf32> to vector<16xf32>
    %sub3A_164 = arith.subf %get3A_163, %get3A_119 : vector<16xf32>
    %get3A_165 = arith.constant 3 : i32
    %get3A_166 = arith.index_cast %get3A_165 : i32 to index
    %get3A_167 = arith.constant 80 : index
    %get3A_168 = tpu.vector_load %arg8[%get3A_166, %get3A_167] {strides = array<i32>} : memref<8x128xf32, #tpu.memory_space<vmem>>, vector<1x16xf32>,
    %get3A_169 = vector.shape_cast %get3A_168 : vector<1x16xf32> to vector<16xf32>
    %sub3A_170 = arith.subf %get3A_169, %get3A_124 : vector<16xf32>
    %get3A_171 = arith.constant 3 : i32
    %get3A_172 = arith.index_cast %get3A_171 : i32 to index
    %get3A_173 = arith.constant 96 : index
    %get3A_174 = tpu.vector_load %arg8[%get3A_172, %get3A_173] {strides = array<i32>} : memref<8x128xf32, #tpu.memory_space<vmem>>, vector<1x16xf32>,
    %get3A_175 = vector.shape_cast %get3A_174 : vector<1x16xf32> to vector<16xf32>
    %sub3A_176 = arith.subf %get3A_175, %get3A_129 : vector<16xf32>
    %get3A_177 = arith.constant 3 : i32
    %get3A_178 = arith.index_cast %get3A_177 : i32 to index
    %get3A_179 = arith.constant 112 : index
    %get3A_180 = tpu.vector_load %arg8[%get3A_178, %get3A_179] {strides = array<i32>} : memref<8x128xf32, #tpu.memory_space<vmem>>, vector<1x16xf32>,
    %get3A_181 = vector.shape_cast %get3A_180 : vector<1x16xf32> to vector<16xf32>
    %sub3A_182 = arith.subf %get3A_181, %get3A_134 : vector<16xf32>
    %get3A_183 = arith.constant 0 : index
    %get3A_184 = tpu.vector_load %arg6[%get3A_183] {strides = array<i32>} : memref<32xi32, #tpu.memory_space<vmem>>, vector<16xi32>,
    %get3A_185 = vector.shape_cast %get3A_184 : vector<16xi32> to vector<16xi32>
    %convert_element_type3A = arith.sitofp %get3A_185 : vector<16xi32> to vector<16xf32>
    %get3A_186 = arith.constant 0 : index
    %get3A_187 = tpu.vector_load %arg7[%get3A_186] {strides = array<i32>} : memref<32xi32, #tpu.memory_space<vmem>>, vector<16xi32>,
    %get3A_188 = vector.shape_cast %get3A_187 : vector<16xi32> to vector<16xi32>
    %convert_element_type3A_189 = arith.sitofp %get3A_188 : vector<16xi32> to vector<16xf32>
    %broadcast_in_dim3A = arith.constant 0 : i32
    %broadcast_in_dim3A_190 = vector.broadcast %broadcast_in_dim3A : i32 to vector<16xi32>
    %lt3A = arith.constant 0 : i32
    %lt3A_191 = vector.broadcast %lt3A : i32 to vector<16xi32>
    %lt3A_192 = arith.cmpi slt, %broadcast_in_dim3A_190, %lt3A_191 : vector<16xi32>
    %add3A_193 = arith.constant 16 : i32
    %add3A_194 = vector.broadcast %add3A_193 : i32 to vector<16xi32>
    %add3A_195 = arith.addi %broadcast_in_dim3A_190, %add3A_194 : vector<16xi32>
    %select_n3A = arith.select %lt3A_192, %add3A_195, %broadcast_in_dim3A_190 : vector<16xi1>, vector<16xi32>
    %reshape3A = vector.shape_cast %select_n3A : vector<16xi32> to vector<16x1xi32>
    %gather3A = vector.shape_cast %reshape3A : vector<16x1xi32> to vector<16xi32>
    %gather3A_196 = tpu.dynamic_gather %convert_element_type3A[%gather3A] in [0] : vector<16xf32>, vector<16xi32> -> vector<16xf32>
    %lt3A_197 = arith.constant 0 : i32
    %lt3A_198 = vector.broadcast %lt3A_197 : i32 to vector<16xi32>
    %lt3A_199 = arith.cmpi slt, %broadcast_in_dim3A_190, %lt3A_198 : vector<16xi32>
    %add3A_200 = arith.constant 16 : i32
    %add3A_201 = vector.broadcast %add3A_200 : i32 to vector<16xi32>
    %add3A_202 = arith.addi %broadcast_in_dim3A_190, %add3A_201 : vector<16xi32>
    %select_n3A_203 = arith.select %lt3A_199, %add3A_202, %broadcast_in_dim3A_190 : vector<16xi1>, vector<16xi32>
    %reshape3A_204 = vector.shape_cast %select_n3A_203 : vector<16xi32> to vector<16x1xi32>
    %gather3A_205 = vector.shape_cast %reshape3A_204 : vector<16x1xi32> to vector<16xi32>
    %gather3A_206 = tpu.dynamic_gather %convert_element_type3A_189[%gather3A_205] in [0] : vector<16xf32>, vector<16xi32> -> vector<16xf32>
    %mul3A_207 = arith.mulf %sub3A, %gather3A_196 : vector<16xf32>
    %add3A_208 = arith.addf %get3A_12, %mul3A_207 : vector<16xf32>
    %add3A_209 = arith.addf %add3A_208, %get3A_99 : vector<16xf32>
    %mul3A_210 = arith.mulf %sub3A_140, %gather3A_206 : vector<16xf32>
    %add3A_211 = arith.addf %add3A_209, %mul3A_210 : vector<16xf32>
    %swap3A = arith.constant 0 : i32
    %swap3A_212 = arith.index_cast %swap3A : i32 to index
    %swap3A_213 = arith.constant 0 : index
    %swap3A_214 = tpu.vector_load %arg9[%swap3A_212, %swap3A_213] {strides = array<i32>} : memref<32x128xf32, #tpu.memory_space<vmem>>, vector<1x16xf32>,
    %swap3A_215 = vector.shape_cast %swap3A_214 : vector<1x16xf32> to vector<16xf32>
    %swap3A_216 = vector.shape_cast %add3A_211 : vector<16xf32> to vector<1x16xf32>
    tpu.vector_store %arg9[%swap3A_212, %swap3A_213], %swap3A_216 {strides = array<i32>} : memref<32x128xf32, #tpu.memory_space<vmem>>, vector<1x16xf32>,
    %mul3A_217 = arith.mulf %sub3A_58, %gather3A_196 : vector<16xf32>
    %add3A_218 = arith.addf %get3A_17, %mul3A_217 : vector<16xf32>
    %add3A_219 = arith.addf %add3A_218, %get3A_104 : vector<16xf32>
    %mul3A_220 = arith.mulf %sub3A_146, %gather3A_206 : vector<16xf32>
    %add3A_221 = arith.addf %add3A_219, %mul3A_220 : vector<16xf32>
    %swap3A_222 = arith.constant 0 : i32
    %swap3A_223 = arith.index_cast %swap3A_222 : i32 to index
    %swap3A_224 = arith.constant 16 : index
    %swap3A_225 = tpu.vector_load %arg9[%swap3A_223, %swap3A_224] {strides = array<i32>} : memref<32x128xf32, #tpu.memory_space<vmem>>, vector<1x16xf32>,
    %swap3A_226 = vector.shape_cast %swap3A_225 : vector<1x16xf32> to vector<16xf32>
    %swap3A_227 = vector.shape_cast %add3A_221 : vector<16xf32> to vector<1x16xf32>
    tpu.vector_store %arg9[%swap3A_223, %swap3A_224], %swap3A_227 {strides = array<i32>} : memref<32x128xf32, #tpu.memory_space<vmem>>, vector<1x16xf32>,
    %mul3A_228 = arith.mulf %sub3A_64, %gather3A_196 : vector<16xf32>
    %add3A_229 = arith.addf %get3A_22, %mul3A_228 : vector<16xf32>
    %add3A_230 = arith.addf %add3A_229, %get3A_109 : vector<16xf32>
    %mul3A_231 = arith.mulf %sub3A_152, %gather3A_206 : vector<16xf32>
    %add3A_232 = arith.addf %add3A_230, %mul3A_231 : vector<16xf32>
    %swap3A_233 = arith.constant 0 : i32
    %swap3A_234 = arith.index_cast %swap3A_233 : i32 to index
    %swap3A_235 = arith.constant 32 : index
    %swap3A_236 = tpu.vector_load %arg9[%swap3A_234, %swap3A_235] {strides = array<i32>} : memref<32x128xf32, #tpu.memory_space<vmem>>, vector<1x16xf32>,
    %swap3A_237 = vector.shape_cast %swap3A_236 : vector<1x16xf32> to vector<16xf32>
    %swap3A_238 = vector.shape_cast %add3A_232 : vector<16xf32> to vector<1x16xf32>
    tpu.vector_store %arg9[%swap3A_234, %swap3A_235], %swap3A_238 {strides = array<i32>} : memref<32x128xf32, #tpu.memory_space<vmem>>, vector<1x16xf32>,
    %mul3A_239 = arith.mulf %sub3A_70, %gather3A_196 : vector<16xf32>
    %add3A_240 = arith.addf %get3A_27, %mul3A_239 : vector<16xf32>
    %add3A_241 = arith.addf %add3A_240, %get3A_114 : vector<16xf32>
    %mul3A_242 = arith.mulf %sub3A_158, %gather3A_206 : vector<16xf32>
    %add3A_243 = arith.addf %add3A_241, %mul3A_242 : vector<16xf32>
    %swap3A_244 = arith.constant 0 : i32
    %swap3A_245 = arith.index_cast %swap3A_244 : i32 to index
    %swap3A_246 = arith.constant 48 : index
    %swap3A_247 = tpu.vector_load %arg9[%swap3A_245, %swap3A_246] {strides = array<i32>} : memref<32x128xf32, #tpu.memory_space<vmem>>, vector<1x16xf32>,
    %swap3A_248 = vector.shape_cast %swap3A_247 : vector<1x16xf32> to vector<16xf32>
    %swap3A_249 = vector.shape_cast %add3A_243 : vector<16xf32> to vector<1x16xf32>
    tpu.vector_store %arg9[%swap3A_245, %swap3A_246], %swap3A_249 {strides = array<i32>} : memref<32x128xf32, #tpu.memory_space<vmem>>, vector<1x16xf32>,
    %mul3A_250 = arith.mulf %sub3A_76, %gather3A_196 : vector<16xf32>
    %add3A_251 = arith.addf %get3A_32, %mul3A_250 : vector<16xf32>
    %add3A_252 = arith.addf %add3A_251, %get3A_119 : vector<16xf32>
    %mul3A_253 = arith.mulf %sub3A_164, %gather3A_206 : vector<16xf32>
    %add3A_254 = arith.addf %add3A_252, %mul3A_253 : vector<16xf32>
    %swap3A_255 = arith.constant 0 : i32
    %swap3A_256 = arith.index_cast %swap3A_255 : i32 to index
    %swap3A_257 = arith.constant 64 : index
    %swap3A_258 = tpu.vector_load %arg9[%swap3A_256, %swap3A_257] {strides = array<i32>} : memref<32x128xf32, #tpu.memory_space<vmem>>, vector<1x16xf32>,
    %swap3A_259 = vector.shape_cast %swap3A_258 : vector<1x16xf32> to vector<16xf32>
    %swap3A_260 = vector.shape_cast %add3A_254 : vector<16xf32> to vector<1x16xf32>
    tpu.vector_store %arg9[%swap3A_256, %swap3A_257], %swap3A_260 {strides = array<i32>} : memref<32x128xf32, #tpu.memory_space<vmem>>, vector<1x16xf32>,
    %mul3A_261 = arith.mulf %sub3A_82, %gather3A_196 : vector<16xf32>
    %add3A_262 = arith.addf %get3A_37, %mul3A_261 : vector<16xf32>
    %add3A_263 = arith.addf %add3A_262, %get3A_124 : vector<16xf32>
    %mul3A_264 = arith.mulf %sub3A_170, %gather3A_206 : vector<16xf32>
    %add3A_265 = arith.addf %add3A_263, %mul3A_264 : vector<16xf32>
    %swap3A_266 = arith.constant 0 : i32
    %swap3A_267 = arith.index_cast %swap3A_266 : i32 to index
    %swap3A_268 = arith.constant 80 : index
    %swap3A_269 = tpu.vector_load %arg9[%swap3A_267, %swap3A_268] {strides = array<i32>} : memref<32x128xf32, #tpu.memory_space<vmem>>, vector<1x16xf32>,
    %swap3A_270 = vector.shape_cast %swap3A_269 : vector<1x16xf32> to vector<16xf32>
    %swap3A_271 = vector.shape_cast %add3A_265 : vector<16xf32> to vector<1x16xf32>
    tpu.vector_store %arg9[%swap3A_267, %swap3A_268], %swap3A_271 {strides = array<i32>} : memref<32x128xf32, #tpu.memory_space<vmem>>, vector<1x16xf32>,
    %mul3A_272 = arith.mulf %sub3A_88, %gather3A_196 : vector<16xf32>
    %add3A_273 = arith.addf %get3A_42, %mul3A_272 : vector<16xf32>
    %add3A_274 = arith.addf %add3A_273, %get3A_129 : vector<16xf32>
    %mul3A_275 = arith.mulf %sub3A_176, %gather3A_206 : vector<16xf32>
    %add3A_276 = arith.addf %add3A_274, %mul3A_275 : vector<16xf32>
    %swap3A_277 = arith.constant 0 : i32
    %swap3A_278 = arith.index_cast %swap3A_277 : i32 to index
    %swap3A_279 = arith.constant 96 : index
    %swap3A_280 = tpu.vector_load %arg9[%swap3A_278, %swap3A_279] {strides = array<i32>} : memref<32x128xf32, #tpu.memory_space<vmem>>, vector<1x16xf32>,
    %swap3A_281 = vector.shape_cast %swap3A_280 : vector<1x16xf32> to vector<16xf32>
    %swap3A_282 = vector.shape_cast %add3A_276 : vector<16xf32> to vector<1x16xf32>
    tpu.vector_store %arg9[%swap3A_278, %swap3A_279], %swap3A_282 {strides = array<i32>} : memref<32x128xf32, #tpu.memory_space<vmem>>, vector<1x16xf32>,
    %mul3A_283 = arith.mulf %sub3A_94, %gather3A_196 : vector<16xf32>
    %add3A_284 = arith.addf %get3A_47, %mul3A_283 : vector<16xf32>
    %add3A_285 = arith.addf %add3A_284, %get3A_134 : vector<16xf32>
    %mul3A_286 = arith.mulf %sub3A_182, %gather3A_206 : vector<16xf32>
    %add3A_287 = arith.addf %add3A_285, %mul3A_286 : vector<16xf32>
    %swap3A_288 = arith.constant 0 : i32
    %swap3A_289 = arith.index_cast %swap3A_288 : i32 to index
    %swap3A_290 = arith.constant 112 : index
    %swap3A_291 = tpu.vector_load %arg9[%swap3A_289, %swap3A_290] {strides = array<i32>} : memref<32x128xf32, #tpu.memory_space<vmem>>, vector<1x16xf32>,
    %swap3A_292 = vector.shape_cast %swap3A_291 : vector<1x16xf32> to vector<16xf32>
    %swap3A_293 = vector.shape_cast %add3A_287 : vector<16xf32> to vector<1x16xf32>
    tpu.vector_store %arg9[%swap3A_289, %swap3A_290], %swap3A_293 {strides = array<i32>} : memref<32x128xf32, #tpu.memory_space<vmem>>, vector<1x16xf32>,
    %broadcast_in_dim3A_294 = arith.constant 1 : i32
    %broadcast_in_dim3A_295 = vector.broadcast %broadcast_in_dim3A_294 : i32 to vector<16xi32>
    %lt3A_296 = arith.constant 0 : i32
    %lt3A_297 = vector.broadcast %lt3A_296 : i32 to vector<16xi32>
    %lt3A_298 = arith.cmpi slt, %broadcast_in_dim3A_295, %lt3A_297 : vector<16xi32>
    %add3A_299 = arith.constant 16 : i32
    %add3A_300 = vector.broadcast %add3A_299 : i32 to vector<16xi32>
    %add3A_301 = arith.addi %broadcast_in_dim3A_295, %add3A_300 : vector<16xi32>
    %select_n3A_302 = arith.select %lt3A_298, %add3A_301, %broadcast_in_dim3A_295 : vector<16xi1>, vector<16xi32>
    %reshape3A_303 = vector.shape_cast %select_n3A_302 : vector<16xi32> to vector<16x1xi32>
    %gather3A_304 = vector.shape_cast %reshape3A_303 : vector<16x1xi32> to vector<16xi32>
    %gather3A_305 = tpu.dynamic_gather %convert_element_type3A[%gather3A_304] in [0] : vector<16xf32>, vector<16xi32> -> vector<16xf32>
    %lt3A_306 = arith.constant 0 : i32
    %lt3A_307 = vector.broadcast %lt3A_306 : i32 to vector<16xi32>
    %lt3A_308 = arith.cmpi slt, %broadcast_in_dim3A_295, %lt3A_307 : vector<16xi32>
    %add3A_309 = arith.constant 16 : i32
    %add3A_310 = vector.broadcast %add3A_309 : i32 to vector<16xi32>
    %add3A_311 = arith.addi %broadcast_in_dim3A_295, %add3A_310 : vector<16xi32>
    %select_n3A_312 = arith.select %lt3A_308, %add3A_311, %broadcast_in_dim3A_295 : vector<16xi1>, vector<16xi32>
    %reshape3A_313 = vector.shape_cast %select_n3A_312 : vector<16xi32> to vector<16x1xi32>
    %gather3A_314 = vector.shape_cast %reshape3A_313 : vector<16x1xi32> to vector<16xi32>
    %gather3A_315 = tpu.dynamic_gather %convert_element_type3A_189[%gather3A_314] in [0] : vector<16xf32>, vector<16xi32> -> vector<16xf32>
    %mul3A_316 = arith.mulf %sub3A, %gather3A_305 : vector<16xf32>
    %add3A_317 = arith.addf %get3A_12, %mul3A_316 : vector<16xf32>
    %add3A_318 = arith.addf %add3A_317, %get3A_99 : vector<16xf32>
    %mul3A_319 = arith.mulf %sub3A_140, %gather3A_315 : vector<16xf32>
    %add3A_320 = arith.addf %add3A_318, %mul3A_319 : vector<16xf32>
    %swap3A_321 = arith.constant 1 : i32
    %swap3A_322 = arith.index_cast %swap3A_321 : i32 to index
    %swap3A_323 = arith.constant 0 : index
    %swap3A_324 = tpu.vector_load %arg9[%swap3A_322, %swap3A_323] {strides = array<i32>} : memref<32x128xf32, #tpu.memory_space<vmem>>, vector<1x16xf32>,
    %swap3A_325 = vector.shape_cast %swap3A_324 : vector<1x16xf32> to vector<16xf32>
    %swap3A_326 = vector.shape_cast %add3A_320 : vector<16xf32> to vector<1x16xf32>
    tpu.vector_store %arg9[%swap3A_322, %swap3A_323], %swap3A_326 {strides = array<i32>} : memref<32x128xf32, #tpu.memory_space<vmem>>, vector<1x16xf32>,
    %mul3A_327 = arith.mulf %sub3A_58, %gather3A_305 : vector<16xf32>
    %add3A_328 = arith.addf %get3A_17, %mul3A_327 : vector<16xf32>
    %add3A_329 = arith.addf %add3A_328, %get3A_104 : vector<16xf32>
    %mul3A_330 = arith.mulf %sub3A_146, %gather3A_315 : vector<16xf32>
    %add3A_331 = arith.addf %add3A_329, %mul3A_330 : vector<16xf32>
    %swap3A_332 = arith.constant 1 : i32
    %swap3A_333 = arith.index_cast %swap3A_332 : i32 to index
    %swap3A_334 = arith.constant 16 : index
    %swap3A_335 = tpu.vector_load %arg9[%swap3A_333, %swap3A_334] {strides = array<i32>} : memref<32x128xf32, #tpu.memory_space<vmem>>, vector<1x16xf32>,
    %swap3A_336 = vector.shape_cast %swap3A_335 : vector<1x16xf32> to vector<16xf32>
    %swap3A_337 = vector.shape_cast %add3A_331 : vector<16xf32> to vector<1x16xf32>
    tpu.vector_store %arg9[%swap3A_333, %swap3A_334], %swap3A_337 {strides = array<i32>} : memref<32x128xf32, #tpu.memory_space<vmem>>, vector<1x16xf32>,
    %mul3A_338 = arith.mulf %sub3A_64, %gather3A_305 : vector<16xf32>
    %add3A_339 = arith.addf %get3A_22, %mul3A_338 : vector<16xf32>
    %add3A_340 = arith.addf %add3A_339, %get3A_109 : vector<16xf32>
    %mul3A_341 = arith.mulf %sub3A_152, %gather3A_315 : vector<16xf32>
    %add3A_342 = arith.addf %add3A_340, %mul3A_341 : vector<16xf32>
    %swap3A_343 = arith.constant 1 : i32
    %swap3A_344 = arith.index_cast %swap3A_343 : i32 to index
    %swap3A_345 = arith.constant 32 : index
    %swap3A_346 = tpu.vector_load %arg9[%swap3A_344, %swap3A_345] {strides = array<i32>} : memref<32x128xf32, #tpu.memory_space<vmem>>, vector<1x16xf32>,
    %swap3A_347 = vector.shape_cast %swap3A_346 : vector<1x16xf32> to vector<16xf32>
    %swap3A_348 = vector.shape_cast %add3A_342 : vector<16xf32> to vector<1x16xf32>
    tpu.vector_store %arg9[%swap3A_344, %swap3A_345], %swap3A_348 {strides = array<i32>} : memref<32x128xf32, #tpu.memory_space<vmem>>, vector<1x16xf32>,
    %mul3A_349 = arith.mulf %sub3A_70, %gather3A_305 : vector<16xf32>
    %add3A_350 = arith.addf %get3A_27, %mul3A_349 : vector<16xf32>
    %add3A_351 = arith.addf %add3A_350, %get3A_114 : vector<16xf32>
    %mul3A_352 = arith.mulf %sub3A_158, %gather3A_315 : vector<16xf32>
    %add3A_353 = arith.addf %add3A_351, %mul3A_352 : vector<16xf32>
    %swap3A_354 = arith.constant 1 : i32
    %swap3A_355 = arith.index_cast %swap3A_354 : i32 to index
    %swap3A_356 = arith.constant 48 : index
    %swap3A_357 = tpu.vector_load %arg9[%swap3A_355, %swap3A_356] {strides = array<i32>} : memref<32x128xf32, #tpu.memory_space<vmem>>, vector<1x16xf32>,
    %swap3A_358 = vector.shape_cast %swap3A_357 : vector<1x16xf32> to vector<16xf32>
    %swap3A_359 = vector.shape_cast %add3A_353 : vector<16xf32> to vector<1x16xf32>
    tpu.vector_store %arg9[%swap3A_355, %swap3A_356], %swap3A_359 {strides = array<i32>} : memref<32x128xf32, #tpu.memory_space<vmem>>, vector<1x16xf32>,
    %mul3A_360 = arith.mulf %sub3A_76, %gather3A_305 : vector<16xf32>
    %add3A_361 = arith.addf %get3A_32, %mul3A_360 : vector<16xf32>
    %add3A_362 = arith.addf %add3A_361, %get3A_119 : vector<16xf32>
    %mul3A_363 = arith.mulf %sub3A_164, %gather3A_315 : vector<16xf32>
    %add3A_364 = arith.addf %add3A_362, %mul3A_363 : vector<16xf32>
    %swap3A_365 = arith.constant 1 : i32
    %swap3A_366 = arith.index_cast %swap3A_365 : i32 to index
    %swap3A_367 = arith.constant 64 : index
    %swap3A_368 = tpu.vector_load %arg9[%swap3A_366, %swap3A_367] {strides = array<i32>} : memref<32x128xf32, #tpu.memory_space<vmem>>, vector<1x16xf32>,
    %swap3A_369 = vector.shape_cast %swap3A_368 : vector<1x16xf32> to vector<16xf32>
    %swap3A_370 = vector.shape_cast %add3A_364 : vector<16xf32> to vector<1x16xf32>
    tpu.vector_store %arg9[%swap3A_366, %swap3A_367], %swap3A_370 {strides = array<i32>} : memref<32x128xf32, #tpu.memory_space<vmem>>, vector<1x16xf32>,
    %mul3A_371 = arith.mulf %sub3A_82, %gather3A_305 : vector<16xf32>
    %add3A_372 = arith.addf %get3A_37, %mul3A_371 : vector<16xf32>
    %add3A_373 = arith.addf %add3A_372, %get3A_124 : vector<16xf32>
    %mul3A_374 = arith.mulf %sub3A_170, %gather3A_315 : vector<16xf32>
    %add3A_375 = arith.addf %add3A_373, %mul3A_374 : vector<16xf32>
    %swap3A_376 = arith.constant 1 : i32
    %swap3A_377 = arith.index_cast %swap3A_376 : i32 to index
    %swap3A_378 = arith.constant 80 : index
    %swap3A_379 = tpu.vector_load %arg9[%swap3A_377, %swap3A_378] {strides = array<i32>} : memref<32x128xf32, #tpu.memory_space<vmem>>, vector<1x16xf32>,
    %swap3A_380 = vector.shape_cast %swap3A_379 : vector<1x16xf32> to vector<16xf32>
    %swap3A_381 = vector.shape_cast %add3A_375 : vector<16xf32> to vector<1x16xf32>
    tpu.vector_store %arg9[%swap3A_377, %swap3A_378], %swap3A_381 {strides = array<i32>} : memref<32x128xf32, #tpu.memory_space<vmem>>, vector<1x16xf32>,
    %mul3A_382 = arith.mulf %sub3A_88, %gather3A_305 : vector<16xf32>
    %add3A_383 = arith.addf %get3A_42, %mul3A_382 : vector<16xf32>
    %add3A_384 = arith.addf %add3A_383, %get3A_129 : vector<16xf32>
    %mul3A_385 = arith.mulf %sub3A_176, %gather3A_315 : vector<16xf32>
    %add3A_386 = arith.addf %add3A_384, %mul3A_385 : vector<16xf32>
    %swap3A_387 = arith.constant 1 : i32
    %swap3A_388 = arith.index_cast %swap3A_387 : i32 to index
    %swap3A_389 = arith.constant 96 : index
    %swap3A_390 = tpu.vector_load %arg9[%swap3A_388, %swap3A_389] {strides = array<i32>} : memref<32x128xf32, #tpu.memory_space<vmem>>, vector<1x16xf32>,
    %swap3A_391 = vector.shape_cast %swap3A_390 : vector<1x16xf32> to vector<16xf32>
    %swap3A_392 = vector.shape_cast %add3A_386 : vector<16xf32> to vector<1x16xf32>
    tpu.vector_store %arg9[%swap3A_388, %swap3A_389], %swap3A_392 {strides = array<i32>} : memref<32x128xf32, #tpu.memory_space<vmem>>, vector<1x16xf32>,
    %mul3A_393 = arith.mulf %sub3A_94, %gather3A_305 : vector<16xf32>
    %add3A_394 = arith.addf %get3A_47, %mul3A_393 : vector<16xf32>
    %add3A_395 = arith.addf %add3A_394, %get3A_134 : vector<16xf32>
    %mul3A_396 = arith.mulf %sub3A_182, %gather3A_315 : vector<16xf32>
    %add3A_397 = arith.addf %add3A_395, %mul3A_396 : vector<16xf32>
    %swap3A_398 = arith.constant 1 : i32
    %swap3A_399 = arith.index_cast %swap3A_398 : i32 to index
    %swap3A_400 = arith.constant 112 : index
    %swap3A_401 = tpu.vector_load %arg9[%swap3A_399, %swap3A_400] {strides = array<i32>} : memref<32x128xf32, #tpu.memory_space<vmem>>, vector<1x16xf32>,
    %swap3A_402 = vector.shape_cast %swap3A_401 : vector<1x16xf32> to vector<16xf32>
    %swap3A_403 = vector.shape_cast %add3A_397 : vector<16xf32> to vector<1x16xf32>
    tpu.vector_store %arg9[%swap3A_399, %swap3A_400], %swap3A_403 {strides = array<i32>} : memref<32x128xf32, #tpu.memory_space<vmem>>, vector<1x16xf32>,
    %broadcast_in_dim3A_404 = arith.constant 2 : i32
    %broadcast_in_dim3A_405 = vector.broadcast %broadcast_in_dim3A_404 : i32 to vector<16xi32>
    %lt3A_406 = arith.constant 0 : i32
    %lt3A_407 = vector.broadcast %lt3A_406 : i32 to vector<16xi32>
    %lt3A_408 = arith.cmpi slt, %broadcast_in_dim3A_405, %lt3A_407 : vector<16xi32>
    %add3A_409 = arith.constant 16 : i32
    %add3A_410 = vector.broadcast %add3A_409 : i32 to vector<16xi32>
    %add3A_411 = arith.addi %broadcast_in_dim3A_405, %add3A_410 : vector<16xi32>
    %select_n3A_412 = arith.select %lt3A_408, %add3A_411, %broadcast_in_dim3A_405 : vector<16xi1>, vector<16xi32>
    %reshape3A_413 = vector.shape_cast %select_n3A_412 : vector<16xi32> to vector<16x1xi32>
    %gather3A_414 = vector.shape_cast %reshape3A_413 : vector<16x1xi32> to vector<16xi32>
    %gather3A_415 = tpu.dynamic_gather %convert_element_type3A[%gather3A_414] in [0] : vector<16xf32>, vector<16xi32> -> vector<16xf32>
    %lt3A_416 = arith.constant 0 : i32
    %lt3A_417 = vector.broadcast %lt3A_416 : i32 to vector<16xi32>
    %lt3A_418 = arith.cmpi slt, %broadcast_in_dim3A_405, %lt3A_417 : vector<16xi32>
    %add3A_419 = arith.constant 16 : i32
    %add3A_420 = vector.broadcast %add3A_419 : i32 to vector<16xi32>
    %add3A_421 = arith.addi %broadcast_in_dim3A_405, %add3A_420 : vector<16xi32>
    %select_n3A_422 = arith.select %lt3A_418, %add3A_421, %broadcast_in_dim3A_405 : vector<16xi1>, vector<16xi32>
    %reshape3A_423 = vector.shape_cast %select_n3A_422 : vector<16xi32> to vector<16x1xi32>
    %gather3A_424 = vector.shape_cast %reshape3A_423 : vector<16x1xi32> to vector<16xi32>
    %gather3A_425 = tpu.dynamic_gather %convert_element_type3A_189[%gather3A_424] in [0] : vector<16xf32>, vector<16xi32> -> vector<16xf32>
    %mul3A_426 = arith.mulf %sub3A, %gather3A_415 : vector<16xf32>
    %add3A_427 = arith.addf %get3A_12, %mul3A_426 : vector<16xf32>
    %add3A_428 = arith.addf %add3A_427, %get3A_99 : vector<16xf32>
    %mul3A_429 = arith.mulf %sub3A_140, %gather3A_425 : vector<16xf32>
    %add3A_430 = arith.addf %add3A_428, %mul3A_429 : vector<16xf32>
    %swap3A_431 = arith.constant 2 : i32
    %swap3A_432 = arith.index_cast %swap3A_431 : i32 to index
    %swap3A_433 = arith.constant 0 : index
    %swap3A_434 = tpu.vector_load %arg9[%swap3A_432, %swap3A_433] {strides = array<i32>} : memref<32x128xf32, #tpu.memory_space<vmem>>, vector<1x16xf32>,
    %swap3A_435 = vector.shape_cast %swap3A_434 : vector<1x16xf32> to vector<16xf32>
    %swap3A_436 = vector.shape_cast %add3A_430 : vector<16xf32> to vector<1x16xf32>
    tpu.vector_store %arg9[%swap3A_432, %swap3A_433], %swap3A_436 {strides = array<i32>} : memref<32x128xf32, #tpu.memory_space<vmem>>, vector<1x16xf32>,
    %mul3A_437 = arith.mulf %sub3A_58, %gather3A_415 : vector<16xf32>
    %add3A_438 = arith.addf %get3A_17, %mul3A_437 : vector<16xf32>
    %add3A_439 = arith.addf %add3A_438, %get3A_104 : vector<16xf32>
    %mul3A_440 = arith.mulf %sub3A_146, %gather3A_425 : vector<16xf32>
    %add3A_441 = arith.addf %add3A_439, %mul3A_440 : vector<16xf32>
    %swap3A_442 = arith.constant 2 : i32
    %swap3A_443 = arith.index_cast %swap3A_442 : i32 to index
    %swap3A_444 = arith.constant 16 : index
    %swap3A_445 = tpu.vector_load %arg9[%swap3A_443, %swap3A_444] {strides = array<i32>} : memref<32x128xf32, #tpu.memory_space<vmem>>, vector<1x16xf32>,
    %swap3A_446 = vector.shape_cast %swap3A_445 : vector<1x16xf32> to vector<16xf32>
    %swap3A_447 = vector.shape_cast %add3A_441 : vector<16xf32> to vector<1x16xf32>
    tpu.vector_store %arg9[%swap3A_443, %swap3A_444], %swap3A_447 {strides = array<i32>} : memref<32x128xf32, #tpu.memory_space<vmem>>, vector<1x16xf32>,
    %mul3A_448 = arith.mulf %sub3A_64, %gather3A_415 : vector<16xf32>
    %add3A_449 = arith.addf %get3A_22, %mul3A_448 : vector<16xf32>
    %add3A_450 = arith.addf %add3A_449, %get3A_109 : vector<16xf32>
    %mul3A_451 = arith.mulf %sub3A_152, %gather3A_425 : vector<16xf32>
    %add3A_452 = arith.addf %add3A_450, %mul3A_451 : vector<16xf32>
    %swap3A_453 = arith.constant 2 : i32
    %swap3A_454 = arith.index_cast %swap3A_453 : i32 to index
    %swap3A_455 = arith.constant 32 : index
    %swap3A_456 = tpu.vector_load %arg9[%swap3A_454, %swap3A_455] {strides = array<i32>} : memref<32x128xf32, #tpu.memory_space<vmem>>, vector<1x16xf32>,
    %swap3A_457 = vector.shape_cast %swap3A_456 : vector<1x16xf32> to vector<16xf32>
    %swap3A_458 = vector.shape_cast %add3A_452 : vector<16xf32> to vector<1x16xf32>
    tpu.vector_store %arg9[%swap3A_454, %swap3A_455], %swap3A_458 {strides = array<i32>} : memref<32x128xf32, #tpu.memory_space<vmem>>, vector<1x16xf32>,
    %mul3A_459 = arith.mulf %sub3A_70, %gather3A_415 : vector<16xf32>
    %add3A_460 = arith.addf %get3A_27, %mul3A_459 : vector<16xf32>
    %add3A_461 = arith.addf %add3A_460, %get3A_114 : vector<16xf32>
    %mul3A_462 = arith.mulf %sub3A_158, %gather3A_425 : vector<16xf32>
    %add3A_463 = arith.addf %add3A_461, %mul3A_462 : vector<16xf32>
    %swap3A_464 = arith.constant 2 : i32
    %swap3A_465 = arith.index_cast %swap3A_464 : i32 to index
    %swap3A_466 = arith.constant 48 : index
    %swap3A_467 = tpu.vector_load %arg9[%swap3A_465, %swap3A_466] {strides = array<i32>} : memref<32x128xf32, #tpu.memory_space<vmem>>, vector<1x16xf32>,
    %swap3A_468 = vector.shape_cast %swap3A_467 : vector<1x16xf32> to vector<16xf32>
    %swap3A_469 = vector.shape_cast %add3A_463 : vector<16xf32> to vector<1x16xf32>
    tpu.vector_store %arg9[%swap3A_465, %swap3A_466], %swap3A_469 {strides = array<i32>} : memref<32x128xf32, #tpu.memory_space<vmem>>, vector<1x16xf32>,
    %mul3A_470 = arith.mulf %sub3A_76, %gather3A_415 : vector<16xf32>
    %add3A_471 = arith.addf %get3A_32, %mul3A_470 : vector<16xf32>
    %add3A_472 = arith.addf %add3A_471, %get3A_119 : vector<16xf32>
    %mul3A_473 = arith.mulf %sub3A_164, %gather3A_425 : vector<16xf32>
    %add3A_474 = arith.addf %add3A_472, %mul3A_473 : vector<16xf32>
    %swap3A_475 = arith.constant 2 : i32
    %swap3A_476 = arith.index_cast %swap3A_475 : i32 to index
    %swap3A_477 = arith.constant 64 : index
    %swap3A_478 = tpu.vector_load %arg9[%swap3A_476, %swap3A_477] {strides = array<i32>} : memref<32x128xf32, #tpu.memory_space<vmem>>, vector<1x16xf32>,
    %swap3A_479 = vector.shape_cast %swap3A_478 : vector<1x16xf32> to vector<16xf32>
    %swap3A_480 = vector.shape_cast %add3A_474 : vector<16xf32> to vector<1x16xf32>
    tpu.vector_store %arg9[%swap3A_476, %swap3A_477], %swap3A_480 {strides = array<i32>} : memref<32x128xf32, #tpu.memory_space<vmem>>, vector<1x16xf32>,
    %mul3A_481 = arith.mulf %sub3A_82, %gather3A_415 : vector<16xf32>
    %add3A_482 = arith.addf %get3A_37, %mul3A_481 : vector<16xf32>
    %add3A_483 = arith.addf %add3A_482, %get3A_124 : vector<16xf32>
    %mul3A_484 = arith.mulf %sub3A_170, %gather3A_425 : vector<16xf32>
    %add3A_485 = arith.addf %add3A_483, %mul3A_484 : vector<16xf32>
    %swap3A_486 = arith.constant 2 : i32
    %swap3A_487 = arith.index_cast %swap3A_486 : i32 to index
    %swap3A_488 = arith.constant 80 : index
    %swap3A_489 = tpu.vector_load %arg9[%swap3A_487, %swap3A_488] {strides = array<i32>} : memref<32x128xf32, #tpu.memory_space<vmem>>, vector<1x16xf32>,
    %swap3A_490 = vector.shape_cast %swap3A_489 : vector<1x16xf32> to vector<16xf32>
    %swap3A_491 = vector.shape_cast %add3A_485 : vector<16xf32> to vector<1x16xf32>
    tpu.vector_store %arg9[%swap3A_487, %swap3A_488], %swap3A_491 {strides = array<i32>} : memref<32x128xf32, #tpu.memory_space<vmem>>, vector<1x16xf32>,
    %mul3A_492 = arith.mulf %sub3A_88, %gather3A_415 : vector<16xf32>
    %add3A_493 = arith.addf %get3A_42, %mul3A_492 : vector<16xf32>
    %add3A_494 = arith.addf %add3A_493, %get3A_129 : vector<16xf32>
    %mul3A_495 = arith.mulf %sub3A_176, %gather3A_425 : vector<16xf32>
    %add3A_496 = arith.addf %add3A_494, %mul3A_495 : vector<16xf32>
    %swap3A_497 = arith.constant 2 : i32
    %swap3A_498 = arith.index_cast %swap3A_497 : i32 to index
    %swap3A_499 = arith.constant 96 : index
    %swap3A_500 = tpu.vector_load %arg9[%swap3A_498, %swap3A_499] {strides = array<i32>} : memref<32x128xf32, #tpu.memory_space<vmem>>, vector<1x16xf32>,
    %swap3A_501 = vector.shape_cast %swap3A_500 : vector<1x16xf32> to vector<16xf32>
    %swap3A_502 = vector.shape_cast %add3A_496 : vector<16xf32> to vector<1x16xf32>
    tpu.vector_store %arg9[%swap3A_498, %swap3A_499], %swap3A_502 {strides = array<i32>} : memref<32x128xf32, #tpu.memory_space<vmem>>, vector<1x16xf32>,
    %mul3A_503 = arith.mulf %sub3A_94, %gather3A_415 : vector<16xf32>
    %add3A_504 = arith.addf %get3A_47, %mul3A_503 : vector<16xf32>
    %add3A_505 = arith.addf %add3A_504, %get3A_134 : vector<16xf32>
    %mul3A_506 = arith.mulf %sub3A_182, %gather3A_425 : vector<16xf32>
    %add3A_507 = arith.addf %add3A_505, %mul3A_506 : vector<16xf32>
    %swap3A_508 = arith.constant 2 : i32
    %swap3A_509 = arith.index_cast %swap3A_508 : i32 to index
    %swap3A_510 = arith.constant 112 : index
    %swap3A_511 = tpu.vector_load %arg9[%swap3A_509, %swap3A_510] {strides = array<i32>} : memref<32x128xf32, #tpu.memory_space<vmem>>, vector<1x16xf32>,
    %swap3A_512 = vector.shape_cast %swap3A_511 : vector<1x16xf32> to vector<16xf32>
    %swap3A_513 = vector.shape_cast %add3A_507 : vector<16xf32> to vector<1x16xf32>
    tpu.vector_store %arg9[%swap3A_509, %swap3A_510], %swap3A_513 {strides = array<i32>} : memref<32x128xf32, #tpu.memory_space<vmem>>, vector<1x16xf32>,
    %broadcast_in_dim3A_514 = arith.constant 3 : i32
    %broadcast_in_dim3A_515 = vector.broadcast %broadcast_in_dim3A_514 : i32 to vector<16xi32>
    %lt3A_516 = arith.constant 0 : i32
    %lt3A_517 = vector.broadcast %lt3A_516 : i32 to vector<16xi32>
    %lt3A_518 = arith.cmpi slt, %broadcast_in_dim3A_515, %lt3A_517 : vector<16xi32>
    %add3A_519 = arith.constant 16 : i32
    %add3A_520 = vector.broadcast %add3A_519 : i32 to vector<16xi32>
    %add3A_521 = arith.addi %broadcast_in_dim3A_515, %add3A_520 : vector<16xi32>
    %select_n3A_522 = arith.select %lt3A_518, %add3A_521, %broadcast_in_dim3A_515 : vector<16xi1>, vector<16xi32>
    %reshape3A_523 = vector.shape_cast %select_n3A_522 : vector<16xi32> to vector<16x1xi32>
    %gather3A_524 = vector.shape_cast %reshape3A_523 : vector<16x1xi32> to vector<16xi32>
    %gather3A_525 = tpu.dynamic_gather %convert_element_type3A[%gather3A_524] in [0] : vector<16xf32>, vector<16xi32> -> vector<16xf32>
    %lt3A_526 = arith.constant 0 : i32
    %lt3A_527 = vector.broadcast %lt3A_526 : i32 to vector<16xi32>
    %lt3A_528 = arith.cmpi slt, %broadcast_in_dim3A_515, %lt3A_527 : vector<16xi32>
    %add3A_529 = arith.constant 16 : i32
    %add3A_530 = vector.broadcast %add3A_529 : i32 to vector<16xi32>
    %add3A_531 = arith.addi %broadcast_in_dim3A_515, %add3A_530 : vector<16xi32>
    %select_n3A_532 = arith.select %lt3A_528, %add3A_531, %broadcast_in_dim3A_515 : vector<16xi1>, vector<16xi32>
    %reshape3A_533 = vector.shape_cast %select_n3A_532 : vector<16xi32> to vector<16x1xi32>
    %gather3A_534 = vector.shape_cast %reshape3A_533 : vector<16x1xi32> to vector<16xi32>
    %gather3A_535 = tpu.dynamic_gather %convert_element_type3A_189[%gather3A_534] in [0] : vector<16xf32>, vector<16xi32> -> vector<16xf32>
    %mul3A_536 = arith.mulf %sub3A, %gather3A_525 : vector<16xf32>
    %add3A_537 = arith.addf %get3A_12, %mul3A_536 : vector<16xf32>
    %add3A_538 = arith.addf %add3A_537, %get3A_99 : vector<16xf32>
    %mul3A_539 = arith.mulf %sub3A_140, %gather3A_535 : vector<16xf32>
    %add3A_540 = arith.addf %add3A_538, %mul3A_539 : vector<16xf32>
    %swap3A_541 = arith.constant 3 : i32
    %swap3A_542 = arith.index_cast %swap3A_541 : i32 to index
    %swap3A_543 = arith.constant 0 : index
    %swap3A_544 = tpu.vector_load %arg9[%swap3A_542, %swap3A_543] {strides = array<i32>} : memref<32x128xf32, #tpu.memory_space<vmem>>, vector<1x16xf32>,
    %swap3A_545 = vector.shape_cast %swap3A_544 : vector<1x16xf32> to vector<16xf32>
    %swap3A_546 = vector.shape_cast %add3A_540 : vector<16xf32> to vector<1x16xf32>
    tpu.vector_store %arg9[%swap3A_542, %swap3A_543], %swap3A_546 {strides = array<i32>} : memref<32x128xf32, #tpu.memory_space<vmem>>, vector<1x16xf32>,
    %mul3A_547 = arith.mulf %sub3A_58, %gather3A_525 : vector<16xf32>
    %add3A_548 = arith.addf %get3A_17, %mul3A_547 : vector<16xf32>
    %add3A_549 = arith.addf %add3A_548, %get3A_104 : vector<16xf32>
    %mul3A_550 = arith.mulf %sub3A_146, %gather3A_535 : vector<16xf32>
    %add3A_551 = arith.addf %add3A_549, %mul3A_550 : vector<16xf32>
    %swap3A_552 = arith.constant 3 : i32
    %swap3A_553 = arith.index_cast %swap3A_552 : i32 to index
    %swap3A_554 = arith.constant 16 : index
    %swap3A_555 = tpu.vector_load %arg9[%swap3A_553, %swap3A_554] {strides = array<i32>} : memref<32x128xf32, #tpu.memory_space<vmem>>, vector<1x16xf32>,
    %swap3A_556 = vector.shape_cast %swap3A_555 : vector<1x16xf32> to vector<16xf32>
    %swap3A_557 = vector.shape_cast %add3A_551 : vector<16xf32> to vector<1x16xf32>
    tpu.vector_store %arg9[%swap3A_553, %swap3A_554], %swap3A_557 {strides = array<i32>} : memref<32x128xf32, #tpu.memory_space<vmem>>, vector<1x16xf32>,
    %mul3A_558 = arith.mulf %sub3A_64, %gather3A_525 : vector<16xf32>
    %add3A_559 = arith.addf %get3A_22, %mul3A_558 : vector<16xf32>
    %add3A_560 = arith.addf %add3A_559, %get3A_109 : vector<16xf32>
    %mul3A_561 = arith.mulf %sub3A_152, %gather3A_535 : vector<16xf32>
    %add3A_562 = arith.addf %add3A_560, %mul3A_561 : vector<16xf32>
    %swap3A_563 = arith.constant 3 : i32
    %swap3A_564 = arith.index_cast %swap3A_563 : i32 to index
    %swap3A_565 = arith.constant 32 : index
    %swap3A_566 = tpu.vector_load %arg9[%swap3A_564, %swap3A_565] {strides = array<i32>} : memref<32x128xf32, #tpu.memory_space<vmem>>, vector<1x16xf32>,
    %swap3A_567 = vector.shape_cast %swap3A_566 : vector<1x16xf32> to vector<16xf32>
    %swap3A_568 = vector.shape_cast %add3A_562 : vector<16xf32> to vector<1x16xf32>
    tpu.vector_store %arg9[%swap3A_564, %swap3A_565], %swap3A_568 {strides = array<i32>} : memref<32x128xf32, #tpu.memory_space<vmem>>, vector<1x16xf32>,
    %mul3A_569 = arith.mulf %sub3A_70, %gather3A_525 : vector<16xf32>
    %add3A_570 = arith.addf %get3A_27, %mul3A_569 : vector<16xf32>
    %add3A_571 = arith.addf %add3A_570, %get3A_114 : vector<16xf32>
    %mul3A_572 = arith.mulf %sub3A_158, %gather3A_535 : vector<16xf32>
    %add3A_573 = arith.addf %add3A_571, %mul3A_572 : vector<16xf32>
    %swap3A_574 = arith.constant 3 : i32
    %swap3A_575 = arith.index_cast %swap3A_574 : i32 to index
    %swap3A_576 = arith.constant 48 : index
    %swap3A_577 = tpu.vector_load %arg9[%swap3A_575, %swap3A_576] {strides = array<i32>} : memref<32x128xf32, #tpu.memory_space<vmem>>, vector<1x16xf32>,
    %swap3A_578 = vector.shape_cast %swap3A_577 : vector<1x16xf32> to vector<16xf32>
    %swap3A_579 = vector.shape_cast %add3A_573 : vector<16xf32> to vector<1x16xf32>
    tpu.vector_store %arg9[%swap3A_575, %swap3A_576], %swap3A_579 {strides = array<i32>} : memref<32x128xf32, #tpu.memory_space<vmem>>, vector<1x16xf32>,
    %mul3A_580 = arith.mulf %sub3A_76, %gather3A_525 : vector<16xf32>
    %add3A_581 = arith.addf %get3A_32, %mul3A_580 : vector<16xf32>
    %add3A_582 = arith.addf %add3A_581, %get3A_119 : vector<16xf32>
    %mul3A_583 = arith.mulf %sub3A_164, %gather3A_535 : vector<16xf32>
    %add3A_584 = arith.addf %add3A_582, %mul3A_583 : vector<16xf32>
    %swap3A_585 = arith.constant 3 : i32
    %swap3A_586 = arith.index_cast %swap3A_585 : i32 to index
    %swap3A_587 = arith.constant 64 : index
    %swap3A_588 = tpu.vector_load %arg9[%swap3A_586, %swap3A_587] {strides = array<i32>} : memref<32x128xf32, #tpu.memory_space<vmem>>, vector<1x16xf32>,
    %swap3A_589 = vector.shape_cast %swap3A_588 : vector<1x16xf32> to vector<16xf32>
    %swap3A_590 = vector.shape_cast %add3A_584 : vector<16xf32> to vector<1x16xf32>
    tpu.vector_store %arg9[%swap3A_586, %swap3A_587], %swap3A_590 {strides = array<i32>} : memref<32x128xf32, #tpu.memory_space<vmem>>, vector<1x16xf32>,
    %mul3A_591 = arith.mulf %sub3A_82, %gather3A_525 : vector<16xf32>
    %add3A_592 = arith.addf %get3A_37, %mul3A_591 : vector<16xf32>
    %add3A_593 = arith.addf %add3A_592, %get3A_124 : vector<16xf32>
    %mul3A_594 = arith.mulf %sub3A_170, %gather3A_535 : vector<16xf32>
    %add3A_595 = arith.addf %add3A_593, %mul3A_594 : vector<16xf32>
    %swap3A_596 = arith.constant 3 : i32
    %swap3A_597 = arith.index_cast %swap3A_596 : i32 to index
    %swap3A_598 = arith.constant 80 : index
    %swap3A_599 = tpu.vector_load %arg9[%swap3A_597, %swap3A_598] {strides = array<i32>} : memref<32x128xf32, #tpu.memory_space<vmem>>, vector<1x16xf32>,
    %swap3A_600 = vector.shape_cast %swap3A_599 : vector<1x16xf32> to vector<16xf32>
    %swap3A_601 = vector.shape_cast %add3A_595 : vector<16xf32> to vector<1x16xf32>
    tpu.vector_store %arg9[%swap3A_597, %swap3A_598], %swap3A_601 {strides = array<i32>} : memref<32x128xf32, #tpu.memory_space<vmem>>, vector<1x16xf32>,
    %mul3A_602 = arith.mulf %sub3A_88, %gather3A_525 : vector<16xf32>
    %add3A_603 = arith.addf %get3A_42, %mul3A_602 : vector<16xf32>
    %add3A_604 = arith.addf %add3A_603, %get3A_129 : vector<16xf32>
    %mul3A_605 = arith.mulf %sub3A_176, %gather3A_535 : vector<16xf32>
    %add3A_606 = arith.addf %add3A_604, %mul3A_605 : vector<16xf32>
    %swap3A_607 = arith.constant 3 : i32
    %swap3A_608 = arith.index_cast %swap3A_607 : i32 to index
    %swap3A_609 = arith.constant 96 : index
    %swap3A_610 = tpu.vector_load %arg9[%swap3A_608, %swap3A_609] {strides = array<i32>} : memref<32x128xf32, #tpu.memory_space<vmem>>, vector<1x16xf32>,
    %swap3A_611 = vector.shape_cast %swap3A_610 : vector<1x16xf32> to vector<16xf32>
    %swap3A_612 = vector.shape_cast %add3A_606 : vector<16xf32> to vector<1x16xf32>
    tpu.vector_store %arg9[%swap3A_608, %swap3A_609], %swap3A_612 {strides = array<i32>} : memref<32x128xf32, #tpu.memory_space<vmem>>, vector<1x16xf32>,
    %mul3A_613 = arith.mulf %sub3A_94, %gather3A_525 : vector<16xf32>
    %add3A_614 = arith.addf %get3A_47, %mul3A_613 : vector<16xf32>
    %add3A_615 = arith.addf %add3A_614, %get3A_134 : vector<16xf32>
    %mul3A_616 = arith.mulf %sub3A_182, %gather3A_535 : vector<16xf32>
    %add3A_617 = arith.addf %add3A_615, %mul3A_616 : vector<16xf32>
    %swap3A_618 = arith.constant 3 : i32
    %swap3A_619 = arith.index_cast %swap3A_618 : i32 to index
    %swap3A_620 = arith.constant 112 : index
    %swap3A_621 = tpu.vector_load %arg9[%swap3A_619, %swap3A_620] {strides = array<i32>} : memref<32x128xf32, #tpu.memory_space<vmem>>, vector<1x16xf32>,
    %swap3A_622 = vector.shape_cast %swap3A_621 : vector<1x16xf32> to vector<16xf32>
    %swap3A_623 = vector.shape_cast %add3A_617 : vector<16xf32> to vector<1x16xf32>
    tpu.vector_store %arg9[%swap3A_619, %swap3A_620], %swap3A_623 {strides = array<i32>} : memref<32x128xf32, #tpu.memory_space<vmem>>, vector<1x16xf32>,
    %broadcast_in_dim3A_624 = arith.constant 4 : i32
    %broadcast_in_dim3A_625 = vector.broadcast %broadcast_in_dim3A_624 : i32 to vector<16xi32>
    %lt3A_626 = arith.constant 0 : i32
    %lt3A_627 = vector.broadcast %lt3A_626 : i32 to vector<16xi32>
    %lt3A_628 = arith.cmpi slt, %broadcast_in_dim3A_625, %lt3A_627 : vector<16xi32>
    %add3A_629 = arith.constant 16 : i32
    %add3A_630 = vector.broadcast %add3A_629 : i32 to vector<16xi32>
    %add3A_631 = arith.addi %broadcast_in_dim3A_625, %add3A_630 : vector<16xi32>
    %select_n3A_632 = arith.select %lt3A_628, %add3A_631, %broadcast_in_dim3A_625 : vector<16xi1>, vector<16xi32>
    %reshape3A_633 = vector.shape_cast %select_n3A_632 : vector<16xi32> to vector<16x1xi32>
    %gather3A_634 = vector.shape_cast %reshape3A_633 : vector<16x1xi32> to vector<16xi32>
    %gather3A_635 = tpu.dynamic_gather %convert_element_type3A[%gather3A_634] in [0] : vector<16xf32>, vector<16xi32> -> vector<16xf32>
    %lt3A_636 = arith.constant 0 : i32
    %lt3A_637 = vector.broadcast %lt3A_636 : i32 to vector<16xi32>
    %lt3A_638 = arith.cmpi slt, %broadcast_in_dim3A_625, %lt3A_637 : vector<16xi32>
    %add3A_639 = arith.constant 16 : i32
    %add3A_640 = vector.broadcast %add3A_639 : i32 to vector<16xi32>
    %add3A_641 = arith.addi %broadcast_in_dim3A_625, %add3A_640 : vector<16xi32>
    %select_n3A_642 = arith.select %lt3A_638, %add3A_641, %broadcast_in_dim3A_625 : vector<16xi1>, vector<16xi32>
    %reshape3A_643 = vector.shape_cast %select_n3A_642 : vector<16xi32> to vector<16x1xi32>
    %gather3A_644 = vector.shape_cast %reshape3A_643 : vector<16x1xi32> to vector<16xi32>
    %gather3A_645 = tpu.dynamic_gather %convert_element_type3A_189[%gather3A_644] in [0] : vector<16xf32>, vector<16xi32> -> vector<16xf32>
    %mul3A_646 = arith.mulf %sub3A, %gather3A_635 : vector<16xf32>
    %add3A_647 = arith.addf %get3A_12, %mul3A_646 : vector<16xf32>
    %add3A_648 = arith.addf %add3A_647, %get3A_99 : vector<16xf32>
    %mul3A_649 = arith.mulf %sub3A_140, %gather3A_645 : vector<16xf32>
    %add3A_650 = arith.addf %add3A_648, %mul3A_649 : vector<16xf32>
    %swap3A_651 = arith.constant 4 : i32
    %swap3A_652 = arith.index_cast %swap3A_651 : i32 to index
    %swap3A_653 = arith.constant 0 : index
    %swap3A_654 = tpu.vector_load %arg9[%swap3A_652, %swap3A_653] {strides = array<i32>} : memref<32x128xf32, #tpu.memory_space<vmem>>, vector<1x16xf32>,
    %swap3A_655 = vector.shape_cast %swap3A_654 : vector<1x16xf32> to vector<16xf32>
    %swap3A_656 = vector.shape_cast %add3A_650 : vector<16xf32> to vector<1x16xf32>
    tpu.vector_store %arg9[%swap3A_652, %swap3A_653], %swap3A_656 {strides = array<i32>} : memref<32x128xf32, #tpu.memory_space<vmem>>, vector<1x16xf32>,
    %mul3A_657 = arith.mulf %sub3A_58, %gather3A_635 : vector<16xf32>
    %add3A_658 = arith.addf %get3A_17, %mul3A_657 : vector<16xf32>
    %add3A_659 = arith.addf %add3A_658, %get3A_104 : vector<16xf32>
    %mul3A_660 = arith.mulf %sub3A_146, %gather3A_645 : vector<16xf32>
    %add3A_661 = arith.addf %add3A_659, %mul3A_660 : vector<16xf32>
    %swap3A_662 = arith.constant 4 : i32
    %swap3A_663 = arith.index_cast %swap3A_662 : i32 to index
    %swap3A_664 = arith.constant 16 : index
    %swap3A_665 = tpu.vector_load %arg9[%swap3A_663, %swap3A_664] {strides = array<i32>} : memref<32x128xf32, #tpu.memory_space<vmem>>, vector<1x16xf32>,
    %swap3A_666 = vector.shape_cast %swap3A_665 : vector<1x16xf32> to vector<16xf32>
    %swap3A_667 = vector.shape_cast %add3A_661 : vector<16xf32> to vector<1x16xf32>
    tpu.vector_store %arg9[%swap3A_663, %swap3A_664], %swap3A_667 {strides = array<i32>} : memref<32x128xf32, #tpu.memory_space<vmem>>, vector<1x16xf32>,
    %mul3A_668 = arith.mulf %sub3A_64, %gather3A_635 : vector<16xf32>
    %add3A_669 = arith.addf %get3A_22, %mul3A_668 : vector<16xf32>
    %add3A_670 = arith.addf %add3A_669, %get3A_109 : vector<16xf32>
    %mul3A_671 = arith.mulf %sub3A_152, %gather3A_645 : vector<16xf32>
    %add3A_672 = arith.addf %add3A_670, %mul3A_671 : vector<16xf32>
    %swap3A_673 = arith.constant 4 : i32
    %swap3A_674 = arith.index_cast %swap3A_673 : i32 to index
    %swap3A_675 = arith.constant 32 : index
    %swap3A_676 = tpu.vector_load %arg9[%swap3A_674, %swap3A_675] {strides = array<i32>} : memref<32x128xf32, #tpu.memory_space<vmem>>, vector<1x16xf32>,
    %swap3A_677 = vector.shape_cast %swap3A_676 : vector<1x16xf32> to vector<16xf32>
    %swap3A_678 = vector.shape_cast %add3A_672 : vector<16xf32> to vector<1x16xf32>
    tpu.vector_store %arg9[%swap3A_674, %swap3A_675], %swap3A_678 {strides = array<i32>} : memref<32x128xf32, #tpu.memory_space<vmem>>, vector<1x16xf32>,
    %mul3A_679 = arith.mulf %sub3A_70, %gather3A_635 : vector<16xf32>
    %add3A_680 = arith.addf %get3A_27, %mul3A_679 : vector<16xf32>
    %add3A_681 = arith.addf %add3A_680, %get3A_114 : vector<16xf32>
    %mul3A_682 = arith.mulf %sub3A_158, %gather3A_645 : vector<16xf32>
    %add3A_683 = arith.addf %add3A_681, %mul3A_682 : vector<16xf32>
    %swap3A_684 = arith.constant 4 : i32
    %swap3A_685 = arith.index_cast %swap3A_684 : i32 to index
    %swap3A_686 = arith.constant 48 : index
    %swap3A_687 = tpu.vector_load %arg9[%swap3A_685, %swap3A_686] {strides = array<i32>} : memref<32x128xf32, #tpu.memory_space<vmem>>, vector<1x16xf32>,
    %swap3A_688 = vector.shape_cast %swap3A_687 : vector<1x16xf32> to vector<16xf32>
    %swap3A_689 = vector.shape_cast %add3A_683 : vector<16xf32> to vector<1x16xf32>
    tpu.vector_store %arg9[%swap3A_685, %swap3A_686], %swap3A_689 {strides = array<i32>} : memref<32x128xf32, #tpu.memory_space<vmem>>, vector<1x16xf32>,
    %mul3A_690 = arith.mulf %sub3A_76, %gather3A_635 : vector<16xf32>
    %add3A_691 = arith.addf %get3A_32, %mul3A_690 : vector<16xf32>
    %add3A_692 = arith.addf %add3A_691, %get3A_119 : vector<16xf32>
    %mul3A_693 = arith.mulf %sub3A_164, %gather3A_645 : vector<16xf32>
    %add3A_694 = arith.addf %add3A_692, %mul3A_693 : vector<16xf32>
    %swap3A_695 = arith.constant 4 : i32
    %swap3A_696 = arith.index_cast %swap3A_695 : i32 to index
    %swap3A_697 = arith.constant 64 : index
    %swap3A_698 = tpu.vector_load %arg9[%swap3A_696, %swap3A_697] {strides = array<i32>} : memref<32x128xf32, #tpu.memory_space<vmem>>, vector<1x16xf32>,
    %swap3A_699 = vector.shape_cast %swap3A_698 : vector<1x16xf32> to vector<16xf32>
    %swap3A_700 = vector.shape_cast %add3A_694 : vector<16xf32> to vector<1x16xf32>
    tpu.vector_store %arg9[%swap3A_696, %swap3A_697], %swap3A_700 {strides = array<i32>} : memref<32x128xf32, #tpu.memory_space<vmem>>, vector<1x16xf32>,
    %mul3A_701 = arith.mulf %sub3A_82, %gather3A_635 : vector<16xf32>
    %add3A_702 = arith.addf %get3A_37, %mul3A_701 : vector<16xf32>
    %add3A_703 = arith.addf %add3A_702, %get3A_124 : vector<16xf32>
    %mul3A_704 = arith.mulf %sub3A_170, %gather3A_645 : vector<16xf32>
    %add3A_705 = arith.addf %add3A_703, %mul3A_704 : vector<16xf32>
    %swap3A_706 = arith.constant 4 : i32
    %swap3A_707 = arith.index_cast %swap3A_706 : i32 to index
    %swap3A_708 = arith.constant 80 : index
    %swap3A_709 = tpu.vector_load %arg9[%swap3A_707, %swap3A_708] {strides = array<i32>} : memref<32x128xf32, #tpu.memory_space<vmem>>, vector<1x16xf32>,
    %swap3A_710 = vector.shape_cast %swap3A_709 : vector<1x16xf32> to vector<16xf32>
    %swap3A_711 = vector.shape_cast %add3A_705 : vector<16xf32> to vector<1x16xf32>
    tpu.vector_store %arg9[%swap3A_707, %swap3A_708], %swap3A_711 {strides = array<i32>} : memref<32x128xf32, #tpu.memory_space<vmem>>, vector<1x16xf32>,
    %mul3A_712 = arith.mulf %sub3A_88, %gather3A_635 : vector<16xf32>
    %add3A_713 = arith.addf %get3A_42, %mul3A_712 : vector<16xf32>
    %add3A_714 = arith.addf %add3A_713, %get3A_129 : vector<16xf32>
    %mul3A_715 = arith.mulf %sub3A_176, %gather3A_645 : vector<16xf32>
    %add3A_716 = arith.addf %add3A_714, %mul3A_715 : vector<16xf32>
    %swap3A_717 = arith.constant 4 : i32
    %swap3A_718 = arith.index_cast %swap3A_717 : i32 to index
    %swap3A_719 = arith.constant 96 : index
    %swap3A_720 = tpu.vector_load %arg9[%swap3A_718, %swap3A_719] {strides = array<i32>} : memref<32x128xf32, #tpu.memory_space<vmem>>, vector<1x16xf32>,
    %swap3A_721 = vector.shape_cast %swap3A_720 : vector<1x16xf32> to vector<16xf32>
    %swap3A_722 = vector.shape_cast %add3A_716 : vector<16xf32> to vector<1x16xf32>
    tpu.vector_store %arg9[%swap3A_718, %swap3A_719], %swap3A_722 {strides = array<i32>} : memref<32x128xf32, #tpu.memory_space<vmem>>, vector<1x16xf32>,
    %mul3A_723 = arith.mulf %sub3A_94, %gather3A_635 : vector<16xf32>
    %add3A_724 = arith.addf %get3A_47, %mul3A_723 : vector<16xf32>
    %add3A_725 = arith.addf %add3A_724, %get3A_134 : vector<16xf32>
    %mul3A_726 = arith.mulf %sub3A_182, %gather3A_645 : vector<16xf32>
    %add3A_727 = arith.addf %add3A_725, %mul3A_726 : vector<16xf32>
    %swap3A_728 = arith.constant 4 : i32
    %swap3A_729 = arith.index_cast %swap3A_728 : i32 to index
    %swap3A_730 = arith.constant 112 : index
    %swap3A_731 = tpu.vector_load %arg9[%swap3A_729, %swap3A_730] {strides = array<i32>} : memref<32x128xf32, #tpu.memory_space<vmem>>, vector<1x16xf32>,
    %swap3A_732 = vector.shape_cast %swap3A_731 : vector<1x16xf32> to vector<16xf32>
    %swap3A_733 = vector.shape_cast %add3A_727 : vector<16xf32> to vector<1x16xf32>
    tpu.vector_store %arg9[%swap3A_729, %swap3A_730], %swap3A_733 {strides = array<i32>} : memref<32x128xf32, #tpu.memory_space<vmem>>, vector<1x16xf32>,
    %broadcast_in_dim3A_734 = arith.constant 5 : i32
    %broadcast_in_dim3A_735 = vector.broadcast %broadcast_in_dim3A_734 : i32 to vector<16xi32>
    %lt3A_736 = arith.constant 0 : i32
    %lt3A_737 = vector.broadcast %lt3A_736 : i32 to vector<16xi32>
    %lt3A_738 = arith.cmpi slt, %broadcast_in_dim3A_735, %lt3A_737 : vector<16xi32>
    %add3A_739 = arith.constant 16 : i32
    %add3A_740 = vector.broadcast %add3A_739 : i32 to vector<16xi32>
    %add3A_741 = arith.addi %broadcast_in_dim3A_735, %add3A_740 : vector<16xi32>
    %select_n3A_742 = arith.select %lt3A_738, %add3A_741, %broadcast_in_dim3A_735 : vector<16xi1>, vector<16xi32>
    %reshape3A_743 = vector.shape_cast %select_n3A_742 : vector<16xi32> to vector<16x1xi32>
    %gather3A_744 = vector.shape_cast %reshape3A_743 : vector<16x1xi32> to vector<16xi32>
    %gather3A_745 = tpu.dynamic_gather %convert_element_type3A[%gather3A_744] in [0] : vector<16xf32>, vector<16xi32> -> vector<16xf32>
    %lt3A_746 = arith.constant 0 : i32
    %lt3A_747 = vector.broadcast %lt3A_746 : i32 to vector<16xi32>
    %lt3A_748 = arith.cmpi slt, %broadcast_in_dim3A_735, %lt3A_747 : vector<16xi32>
    %add3A_749 = arith.constant 16 : i32
    %add3A_750 = vector.broadcast %add3A_749 : i32 to vector<16xi32>
    %add3A_751 = arith.addi %broadcast_in_dim3A_735, %add3A_750 : vector<16xi32>
    %select_n3A_752 = arith.select %lt3A_748, %add3A_751, %broadcast_in_dim3A_735 : vector<16xi1>, vector<16xi32>
    %reshape3A_753 = vector.shape_cast %select_n3A_752 : vector<16xi32> to vector<16x1xi32>
    %gather3A_754 = vector.shape_cast %reshape3A_753 : vector<16x1xi32> to vector<16xi32>
    %gather3A_755 = tpu.dynamic_gather %convert_element_type3A_189[%gather3A_754] in [0] : vector<16xf32>, vector<16xi32> -> vector<16xf32>
    %mul3A_756 = arith.mulf %sub3A, %gather3A_745 : vector<16xf32>
    %add3A_757 = arith.addf %get3A_12, %mul3A_756 : vector<16xf32>
    %add3A_758 = arith.addf %add3A_757, %get3A_99 : vector<16xf32>
    %mul3A_759 = arith.mulf %sub3A_140, %gather3A_755 : vector<16xf32>
    %add3A_760 = arith.addf %add3A_758, %mul3A_759 : vector<16xf32>
    %swap3A_761 = arith.constant 5 : i32
    %swap3A_762 = arith.index_cast %swap3A_761 : i32 to index
    %swap3A_763 = arith.constant 0 : index
    %swap3A_764 = tpu.vector_load %arg9[%swap3A_762, %swap3A_763] {strides = array<i32>} : memref<32x128xf32, #tpu.memory_space<vmem>>, vector<1x16xf32>,
    %swap3A_765 = vector.shape_cast %swap3A_764 : vector<1x16xf32> to vector<16xf32>
    %swap3A_766 = vector.shape_cast %add3A_760 : vector<16xf32> to vector<1x16xf32>
    tpu.vector_store %arg9[%swap3A_762, %swap3A_763], %swap3A_766 {strides = array<i32>} : memref<32x128xf32, #tpu.memory_space<vmem>>, vector<1x16xf32>,
    %mul3A_767 = arith.mulf %sub3A_58, %gather3A_745 : vector<16xf32>
    %add3A_768 = arith.addf %get3A_17, %mul3A_767 : vector<16xf32>
    %add3A_769 = arith.addf %add3A_768, %get3A_104 : vector<16xf32>
    %mul3A_770 = arith.mulf %sub3A_146, %gather3A_755 : vector<16xf32>
    %add3A_771 = arith.addf %add3A_769, %mul3A_770 : vector<16xf32>
    %swap3A_772 = arith.constant 5 : i32
    %swap3A_773 = arith.index_cast %swap3A_772 : i32 to index
    %swap3A_774 = arith.constant 16 : index
    %swap3A_775 = tpu.vector_load %arg9[%swap3A_773, %swap3A_774] {strides = array<i32>} : memref<32x128xf32, #tpu.memory_space<vmem>>, vector<1x16xf32>,
    %swap3A_776 = vector.shape_cast %swap3A_775 : vector<1x16xf32> to vector<16xf32>
    %swap3A_777 = vector.shape_cast %add3A_771 : vector<16xf32> to vector<1x16xf32>
    tpu.vector_store %arg9[%swap3A_773, %swap3A_774], %swap3A_777 {strides = array<i32>} : memref<32x128xf32, #tpu.memory_space<vmem>>, vector<1x16xf32>,
    %mul3A_778 = arith.mulf %sub3A_64, %gather3A_745 : vector<16xf32>
    %add3A_779 = arith.addf %get3A_22, %mul3A_778 : vector<16xf32>
    %add3A_780 = arith.addf %add3A_779, %get3A_109 : vector<16xf32>
    %mul3A_781 = arith.mulf %sub3A_152, %gather3A_755 : vector<16xf32>
    %add3A_782 = arith.addf %add3A_780, %mul3A_781 : vector<16xf32>
    %swap3A_783 = arith.constant 5 : i32
    %swap3A_784 = arith.index_cast %swap3A_783 : i32 to index
    %swap3A_785 = arith.constant 32 : index
    %swap3A_786 = tpu.vector_load %arg9[%swap3A_784, %swap3A_785] {strides = array<i32>} : memref<32x128xf32, #tpu.memory_space<vmem>>, vector<1x16xf32>,
    %swap3A_787 = vector.shape_cast %swap3A_786 : vector<1x16xf32> to vector<16xf32>
    %swap3A_788 = vector.shape_cast %add3A_782 : vector<16xf32> to vector<1x16xf32>
    tpu.vector_store %arg9[%swap3A_784, %swap3A_785], %swap3A_788 {strides = array<i32>} : memref<32x128xf32, #tpu.memory_space<vmem>>, vector<1x16xf32>,
    %mul3A_789 = arith.mulf %sub3A_70, %gather3A_745 : vector<16xf32>
    %add3A_790 = arith.addf %get3A_27, %mul3A_789 : vector<16xf32>
    %add3A_791 = arith.addf %add3A_790, %get3A_114 : vector<16xf32>
    %mul3A_792 = arith.mulf %sub3A_158, %gather3A_755 : vector<16xf32>
    %add3A_793 = arith.addf %add3A_791, %mul3A_792 : vector<16xf32>
    %swap3A_794 = arith.constant 5 : i32
    %swap3A_795 = arith.index_cast %swap3A_794 : i32 to index
    %swap3A_796 = arith.constant 48 : index
    %swap3A_797 = tpu.vector_load %arg9[%swap3A_795, %swap3A_796] {strides = array<i32>} : memref<32x128xf32, #tpu.memory_space<vmem>>, vector<1x16xf32>,
    %swap3A_798 = vector.shape_cast %swap3A_797 : vector<1x16xf32> to vector<16xf32>
    %swap3A_799 = vector.shape_cast %add3A_793 : vector<16xf32> to vector<1x16xf32>
    tpu.vector_store %arg9[%swap3A_795, %swap3A_796], %swap3A_799 {strides = array<i32>} : memref<32x128xf32, #tpu.memory_space<vmem>>, vector<1x16xf32>,
    %mul3A_800 = arith.mulf %sub3A_76, %gather3A_745 : vector<16xf32>
    %add3A_801 = arith.addf %get3A_32, %mul3A_800 : vector<16xf32>
    %add3A_802 = arith.addf %add3A_801, %get3A_119 : vector<16xf32>
    %mul3A_803 = arith.mulf %sub3A_164, %gather3A_755 : vector<16xf32>
    %add3A_804 = arith.addf %add3A_802, %mul3A_803 : vector<16xf32>
    %swap3A_805 = arith.constant 5 : i32
    %swap3A_806 = arith.index_cast %swap3A_805 : i32 to index
    %swap3A_807 = arith.constant 64 : index
    %swap3A_808 = tpu.vector_load %arg9[%swap3A_806, %swap3A_807] {strides = array<i32>} : memref<32x128xf32, #tpu.memory_space<vmem>>, vector<1x16xf32>,
    %swap3A_809 = vector.shape_cast %swap3A_808 : vector<1x16xf32> to vector<16xf32>
    %swap3A_810 = vector.shape_cast %add3A_804 : vector<16xf32> to vector<1x16xf32>
    tpu.vector_store %arg9[%swap3A_806, %swap3A_807], %swap3A_810 {strides = array<i32>} : memref<32x128xf32, #tpu.memory_space<vmem>>, vector<1x16xf32>,
    %mul3A_811 = arith.mulf %sub3A_82, %gather3A_745 : vector<16xf32>
    %add3A_812 = arith.addf %get3A_37, %mul3A_811 : vector<16xf32>
    %add3A_813 = arith.addf %add3A_812, %get3A_124 : vector<16xf32>
    %mul3A_814 = arith.mulf %sub3A_170, %gather3A_755 : vector<16xf32>
    %add3A_815 = arith.addf %add3A_813, %mul3A_814 : vector<16xf32>
    %swap3A_816 = arith.constant 5 : i32
    %swap3A_817 = arith.index_cast %swap3A_816 : i32 to index
    %swap3A_818 = arith.constant 80 : index
    %swap3A_819 = tpu.vector_load %arg9[%swap3A_817, %swap3A_818] {strides = array<i32>} : memref<32x128xf32, #tpu.memory_space<vmem>>, vector<1x16xf32>,
    %swap3A_820 = vector.shape_cast %swap3A_819 : vector<1x16xf32> to vector<16xf32>
    %swap3A_821 = vector.shape_cast %add3A_815 : vector<16xf32> to vector<1x16xf32>
    tpu.vector_store %arg9[%swap3A_817, %swap3A_818], %swap3A_821 {strides = array<i32>} : memref<32x128xf32, #tpu.memory_space<vmem>>, vector<1x16xf32>,
    %mul3A_822 = arith.mulf %sub3A_88, %gather3A_745 : vector<16xf32>
    %add3A_823 = arith.addf %get3A_42, %mul3A_822 : vector<16xf32>
    %add3A_824 = arith.addf %add3A_823, %get3A_129 : vector<16xf32>
    %mul3A_825 = arith.mulf %sub3A_176, %gather3A_755 : vector<16xf32>
    %add3A_826 = arith.addf %add3A_824, %mul3A_825 : vector<16xf32>
    %swap3A_827 = arith.constant 5 : i32
    %swap3A_828 = arith.index_cast %swap3A_827 : i32 to index
    %swap3A_829 = arith.constant 96 : index
    %swap3A_830 = tpu.vector_load %arg9[%swap3A_828, %swap3A_829] {strides = array<i32>} : memref<32x128xf32, #tpu.memory_space<vmem>>, vector<1x16xf32>,
    %swap3A_831 = vector.shape_cast %swap3A_830 : vector<1x16xf32> to vector<16xf32>
    %swap3A_832 = vector.shape_cast %add3A_826 : vector<16xf32> to vector<1x16xf32>
    tpu.vector_store %arg9[%swap3A_828, %swap3A_829], %swap3A_832 {strides = array<i32>} : memref<32x128xf32, #tpu.memory_space<vmem>>, vector<1x16xf32>,
    %mul3A_833 = arith.mulf %sub3A_94, %gather3A_745 : vector<16xf32>
    %add3A_834 = arith.addf %get3A_47, %mul3A_833 : vector<16xf32>
    %add3A_835 = arith.addf %add3A_834, %get3A_134 : vector<16xf32>
    %mul3A_836 = arith.mulf %sub3A_182, %gather3A_755 : vector<16xf32>
    %add3A_837 = arith.addf %add3A_835, %mul3A_836 : vector<16xf32>
    %swap3A_838 = arith.constant 5 : i32
    %swap3A_839 = arith.index_cast %swap3A_838 : i32 to index
    %swap3A_840 = arith.constant 112 : index
    %swap3A_841 = tpu.vector_load %arg9[%swap3A_839, %swap3A_840] {strides = array<i32>} : memref<32x128xf32, #tpu.memory_space<vmem>>, vector<1x16xf32>,
    %swap3A_842 = vector.shape_cast %swap3A_841 : vector<1x16xf32> to vector<16xf32>
    %swap3A_843 = vector.shape_cast %add3A_837 : vector<16xf32> to vector<1x16xf32>
    tpu.vector_store %arg9[%swap3A_839, %swap3A_840], %swap3A_843 {strides = array<i32>} : memref<32x128xf32, #tpu.memory_space<vmem>>, vector<1x16xf32>,
    %broadcast_in_dim3A_844 = arith.constant 6 : i32
    %broadcast_in_dim3A_845 = vector.broadcast %broadcast_in_dim3A_844 : i32 to vector<16xi32>
    %lt3A_846 = arith.constant 0 : i32
    %lt3A_847 = vector.broadcast %lt3A_846 : i32 to vector<16xi32>
    %lt3A_848 = arith.cmpi slt, %broadcast_in_dim3A_845, %lt3A_847 : vector<16xi32>
    %add3A_849 = arith.constant 16 : i32
    %add3A_850 = vector.broadcast %add3A_849 : i32 to vector<16xi32>
    %add3A_851 = arith.addi %broadcast_in_dim3A_845, %add3A_850 : vector<16xi32>
    %select_n3A_852 = arith.select %lt3A_848, %add3A_851, %broadcast_in_dim3A_845 : vector<16xi1>, vector<16xi32>
    %reshape3A_853 = vector.shape_cast %select_n3A_852 : vector<16xi32> to vector<16x1xi32>
    %gather3A_854 = vector.shape_cast %reshape3A_853 : vector<16x1xi32> to vector<16xi32>
    %gather3A_855 = tpu.dynamic_gather %convert_element_type3A[%gather3A_854] in [0] : vector<16xf32>, vector<16xi32> -> vector<16xf32>
    %lt3A_856 = arith.constant 0 : i32
    %lt3A_857 = vector.broadcast %lt3A_856 : i32 to vector<16xi32>
    %lt3A_858 = arith.cmpi slt, %broadcast_in_dim3A_845, %lt3A_857 : vector<16xi32>
    %add3A_859 = arith.constant 16 : i32
    %add3A_860 = vector.broadcast %add3A_859 : i32 to vector<16xi32>
    %add3A_861 = arith.addi %broadcast_in_dim3A_845, %add3A_860 : vector<16xi32>
    %select_n3A_862 = arith.select %lt3A_858, %add3A_861, %broadcast_in_dim3A_845 : vector<16xi1>, vector<16xi32>
    %reshape3A_863 = vector.shape_cast %select_n3A_862 : vector<16xi32> to vector<16x1xi32>
    %gather3A_864 = vector.shape_cast %reshape3A_863 : vector<16x1xi32> to vector<16xi32>
    %gather3A_865 = tpu.dynamic_gather %convert_element_type3A_189[%gather3A_864] in [0] : vector<16xf32>, vector<16xi32> -> vector<16xf32>
    %mul3A_866 = arith.mulf %sub3A, %gather3A_855 : vector<16xf32>
    %add3A_867 = arith.addf %get3A_12, %mul3A_866 : vector<16xf32>
    %add3A_868 = arith.addf %add3A_867, %get3A_99 : vector<16xf32>
    %mul3A_869 = arith.mulf %sub3A_140, %gather3A_865 : vector<16xf32>
    %add3A_870 = arith.addf %add3A_868, %mul3A_869 : vector<16xf32>
    %swap3A_871 = arith.constant 6 : i32
    %swap3A_872 = arith.index_cast %swap3A_871 : i32 to index
    %swap3A_873 = arith.constant 0 : index
    %swap3A_874 = tpu.vector_load %arg9[%swap3A_872, %swap3A_873] {strides = array<i32>} : memref<32x128xf32, #tpu.memory_space<vmem>>, vector<1x16xf32>,
    %swap3A_875 = vector.shape_cast %swap3A_874 : vector<1x16xf32> to vector<16xf32>
    %swap3A_876 = vector.shape_cast %add3A_870 : vector<16xf32> to vector<1x16xf32>
    tpu.vector_store %arg9[%swap3A_872, %swap3A_873], %swap3A_876 {strides = array<i32>} : memref<32x128xf32, #tpu.memory_space<vmem>>, vector<1x16xf32>,
    %mul3A_877 = arith.mulf %sub3A_58, %gather3A_855 : vector<16xf32>
    %add3A_878 = arith.addf %get3A_17, %mul3A_877 : vector<16xf32>
    %add3A_879 = arith.addf %add3A_878, %get3A_104 : vector<16xf32>
    %mul3A_880 = arith.mulf %sub3A_146, %gather3A_865 : vector<16xf32>
    %add3A_881 = arith.addf %add3A_879, %mul3A_880 : vector<16xf32>
    %swap3A_882 = arith.constant 6 : i32
    %swap3A_883 = arith.index_cast %swap3A_882 : i32 to index
    %swap3A_884 = arith.constant 16 : index
    %swap3A_885 = tpu.vector_load %arg9[%swap3A_883, %swap3A_884] {strides = array<i32>} : memref<32x128xf32, #tpu.memory_space<vmem>>, vector<1x16xf32>,
    %swap3A_886 = vector.shape_cast %swap3A_885 : vector<1x16xf32> to vector<16xf32>
    %swap3A_887 = vector.shape_cast %add3A_881 : vector<16xf32> to vector<1x16xf32>
    tpu.vector_store %arg9[%swap3A_883, %swap3A_884], %swap3A_887 {strides = array<i32>} : memref<32x128xf32, #tpu.memory_space<vmem>>, vector<1x16xf32>,
    %mul3A_888 = arith.mulf %sub3A_64, %gather3A_855 : vector<16xf32>
    %add3A_889 = arith.addf %get3A_22, %mul3A_888 : vector<16xf32>
    %add3A_890 = arith.addf %add3A_889, %get3A_109 : vector<16xf32>
    %mul3A_891 = arith.mulf %sub3A_152, %gather3A_865 : vector<16xf32>
    %add3A_892 = arith.addf %add3A_890, %mul3A_891 : vector<16xf32>
    %swap3A_893 = arith.constant 6 : i32
    %swap3A_894 = arith.index_cast %swap3A_893 : i32 to index
    %swap3A_895 = arith.constant 32 : index
    %swap3A_896 = tpu.vector_load %arg9[%swap3A_894, %swap3A_895] {strides = array<i32>} : memref<32x128xf32, #tpu.memory_space<vmem>>, vector<1x16xf32>,
    %swap3A_897 = vector.shape_cast %swap3A_896 : vector<1x16xf32> to vector<16xf32>
    %swap3A_898 = vector.shape_cast %add3A_892 : vector<16xf32> to vector<1x16xf32>
    tpu.vector_store %arg9[%swap3A_894, %swap3A_895], %swap3A_898 {strides = array<i32>} : memref<32x128xf32, #tpu.memory_space<vmem>>, vector<1x16xf32>,
    %mul3A_899 = arith.mulf %sub3A_70, %gather3A_855 : vector<16xf32>
    %add3A_900 = arith.addf %get3A_27, %mul3A_899 : vector<16xf32>
    %add3A_901 = arith.addf %add3A_900, %get3A_114 : vector<16xf32>
    %mul3A_902 = arith.mulf %sub3A_158, %gather3A_865 : vector<16xf32>
    %add3A_903 = arith.addf %add3A_901, %mul3A_902 : vector<16xf32>
    %swap3A_904 = arith.constant 6 : i32
    %swap3A_905 = arith.index_cast %swap3A_904 : i32 to index
    %swap3A_906 = arith.constant 48 : index
    %swap3A_907 = tpu.vector_load %arg9[%swap3A_905, %swap3A_906] {strides = array<i32>} : memref<32x128xf32, #tpu.memory_space<vmem>>, vector<1x16xf32>,
    %swap3A_908 = vector.shape_cast %swap3A_907 : vector<1x16xf32> to vector<16xf32>
    %swap3A_909 = vector.shape_cast %add3A_903 : vector<16xf32> to vector<1x16xf32>
    tpu.vector_store %arg9[%swap3A_905, %swap3A_906], %swap3A_909 {strides = array<i32>} : memref<32x128xf32, #tpu.memory_space<vmem>>, vector<1x16xf32>,
    %mul3A_910 = arith.mulf %sub3A_76, %gather3A_855 : vector<16xf32>
    %add3A_911 = arith.addf %get3A_32, %mul3A_910 : vector<16xf32>
    %add3A_912 = arith.addf %add3A_911, %get3A_119 : vector<16xf32>
    %mul3A_913 = arith.mulf %sub3A_164, %gather3A_865 : vector<16xf32>
    %add3A_914 = arith.addf %add3A_912, %mul3A_913 : vector<16xf32>
    %swap3A_915 = arith.constant 6 : i32
    %swap3A_916 = arith.index_cast %swap3A_915 : i32 to index
    %swap3A_917 = arith.constant 64 : index
    %swap3A_918 = tpu.vector_load %arg9[%swap3A_916, %swap3A_917] {strides = array<i32>} : memref<32x128xf32, #tpu.memory_space<vmem>>, vector<1x16xf32>,
    %swap3A_919 = vector.shape_cast %swap3A_918 : vector<1x16xf32> to vector<16xf32>
    %swap3A_920 = vector.shape_cast %add3A_914 : vector<16xf32> to vector<1x16xf32>
    tpu.vector_store %arg9[%swap3A_916, %swap3A_917], %swap3A_920 {strides = array<i32>} : memref<32x128xf32, #tpu.memory_space<vmem>>, vector<1x16xf32>,
    %mul3A_921 = arith.mulf %sub3A_82, %gather3A_855 : vector<16xf32>
    %add3A_922 = arith.addf %get3A_37, %mul3A_921 : vector<16xf32>
    %add3A_923 = arith.addf %add3A_922, %get3A_124 : vector<16xf32>
    %mul3A_924 = arith.mulf %sub3A_170, %gather3A_865 : vector<16xf32>
    %add3A_925 = arith.addf %add3A_923, %mul3A_924 : vector<16xf32>
    %swap3A_926 = arith.constant 6 : i32
    %swap3A_927 = arith.index_cast %swap3A_926 : i32 to index
    %swap3A_928 = arith.constant 80 : index
    %swap3A_929 = tpu.vector_load %arg9[%swap3A_927, %swap3A_928] {strides = array<i32>} : memref<32x128xf32, #tpu.memory_space<vmem>>, vector<1x16xf32>,
    %swap3A_930 = vector.shape_cast %swap3A_929 : vector<1x16xf32> to vector<16xf32>
    %swap3A_931 = vector.shape_cast %add3A_925 : vector<16xf32> to vector<1x16xf32>
    tpu.vector_store %arg9[%swap3A_927, %swap3A_928], %swap3A_931 {strides = array<i32>} : memref<32x128xf32, #tpu.memory_space<vmem>>, vector<1x16xf32>,
    %mul3A_932 = arith.mulf %sub3A_88, %gather3A_855 : vector<16xf32>
    %add3A_933 = arith.addf %get3A_42, %mul3A_932 : vector<16xf32>
    %add3A_934 = arith.addf %add3A_933, %get3A_129 : vector<16xf32>
    %mul3A_935 = arith.mulf %sub3A_176, %gather3A_865 : vector<16xf32>
    %add3A_936 = arith.addf %add3A_934, %mul3A_935 : vector<16xf32>
    %swap3A_937 = arith.constant 6 : i32
    %swap3A_938 = arith.index_cast %swap3A_937 : i32 to index
    %swap3A_939 = arith.constant 96 : index
    %swap3A_940 = tpu.vector_load %arg9[%swap3A_938, %swap3A_939] {strides = array<i32>} : memref<32x128xf32, #tpu.memory_space<vmem>>, vector<1x16xf32>,
    %swap3A_941 = vector.shape_cast %swap3A_940 : vector<1x16xf32> to vector<16xf32>
    %swap3A_942 = vector.shape_cast %add3A_936 : vector<16xf32> to vector<1x16xf32>
    tpu.vector_store %arg9[%swap3A_938, %swap3A_939], %swap3A_942 {strides = array<i32>} : memref<32x128xf32, #tpu.memory_space<vmem>>, vector<1x16xf32>,
    %mul3A_943 = arith.mulf %sub3A_94, %gather3A_855 : vector<16xf32>
    %add3A_944 = arith.addf %get3A_47, %mul3A_943 : vector<16xf32>
    %add3A_945 = arith.addf %add3A_944, %get3A_134 : vector<16xf32>
    %mul3A_946 = arith.mulf %sub3A_182, %gather3A_865 : vector<16xf32>
    %add3A_947 = arith.addf %add3A_945, %mul3A_946 : vector<16xf32>
    %swap3A_948 = arith.constant 6 : i32
    %swap3A_949 = arith.index_cast %swap3A_948 : i32 to index
    %swap3A_950 = arith.constant 112 : index
    %swap3A_951 = tpu.vector_load %arg9[%swap3A_949, %swap3A_950] {strides = array<i32>} : memref<32x128xf32, #tpu.memory_space<vmem>>, vector<1x16xf32>,
    %swap3A_952 = vector.shape_cast %swap3A_951 : vector<1x16xf32> to vector<16xf32>
    %swap3A_953 = vector.shape_cast %add3A_947 : vector<16xf32> to vector<1x16xf32>
    tpu.vector_store %arg9[%swap3A_949, %swap3A_950], %swap3A_953 {strides = array<i32>} : memref<32x128xf32, #tpu.memory_space<vmem>>, vector<1x16xf32>,
    %broadcast_in_dim3A_954 = arith.constant 7 : i32
    %broadcast_in_dim3A_955 = vector.broadcast %broadcast_in_dim3A_954 : i32 to vector<16xi32>
    %lt3A_956 = arith.constant 0 : i32
    %lt3A_957 = vector.broadcast %lt3A_956 : i32 to vector<16xi32>
    %lt3A_958 = arith.cmpi slt, %broadcast_in_dim3A_955, %lt3A_957 : vector<16xi32>
    %add3A_959 = arith.constant 16 : i32
    %add3A_960 = vector.broadcast %add3A_959 : i32 to vector<16xi32>
    %add3A_961 = arith.addi %broadcast_in_dim3A_955, %add3A_960 : vector<16xi32>
    %select_n3A_962 = arith.select %lt3A_958, %add3A_961, %broadcast_in_dim3A_955 : vector<16xi1>, vector<16xi32>
    %reshape3A_963 = vector.shape_cast %select_n3A_962 : vector<16xi32> to vector<16x1xi32>
    %gather3A_964 = vector.shape_cast %reshape3A_963 : vector<16x1xi32> to vector<16xi32>
    %gather3A_965 = tpu.dynamic_gather %convert_element_type3A[%gather3A_964] in [0] : vector<16xf32>, vector<16xi32> -> vector<16xf32>
    %lt3A_966 = arith.constant 0 : i32
    %lt3A_967 = vector.broadcast %lt3A_966 : i32 to vector<16xi32>
    %lt3A_968 = arith.cmpi slt, %broadcast_in_dim3A_955, %lt3A_967 : vector<16xi32>
    %add3A_969 = arith.constant 16 : i32
    %add3A_970 = vector.broadcast %add3A_969 : i32 to vector<16xi32>
    %add3A_971 = arith.addi %broadcast_in_dim3A_955, %add3A_970 : vector<16xi32>
    %select_n3A_972 = arith.select %lt3A_968, %add3A_971, %broadcast_in_dim3A_955 : vector<16xi1>, vector<16xi32>
    %reshape3A_973 = vector.shape_cast %select_n3A_972 : vector<16xi32> to vector<16x1xi32>
    %gather3A_974 = vector.shape_cast %reshape3A_973 : vector<16x1xi32> to vector<16xi32>
    %gather3A_975 = tpu.dynamic_gather %convert_element_type3A_189[%gather3A_974] in [0] : vector<16xf32>, vector<16xi32> -> vector<16xf32>
    %mul3A_976 = arith.mulf %sub3A, %gather3A_965 : vector<16xf32>
    %add3A_977 = arith.addf %get3A_12, %mul3A_976 : vector<16xf32>
    %add3A_978 = arith.addf %add3A_977, %get3A_99 : vector<16xf32>
    %mul3A_979 = arith.mulf %sub3A_140, %gather3A_975 : vector<16xf32>
    %add3A_980 = arith.addf %add3A_978, %mul3A_979 : vector<16xf32>
    %swap3A_981 = arith.constant 7 : i32
    %swap3A_982 = arith.index_cast %swap3A_981 : i32 to index
    %swap3A_983 = arith.constant 0 : index
    %swap3A_984 = tpu.vector_load %arg9[%swap3A_982, %swap3A_983] {strides = array<i32>} : memref<32x128xf32, #tpu.memory_space<vmem>>, vector<1x16xf32>,
    %swap3A_985 = vector.shape_cast %swap3A_984 : vector<1x16xf32> to vector<16xf32>
    %swap3A_986 = vector.shape_cast %add3A_980 : vector<16xf32> to vector<1x16xf32>
    tpu.vector_store %arg9[%swap3A_982, %swap3A_983], %swap3A_986 {strides = array<i32>} : memref<32x128xf32, #tpu.memory_space<vmem>>, vector<1x16xf32>,
    %mul3A_987 = arith.mulf %sub3A_58, %gather3A_965 : vector<16xf32>
    %add3A_988 = arith.addf %get3A_17, %mul3A_987 : vector<16xf32>
    %add3A_989 = arith.addf %add3A_988, %get3A_104 : vector<16xf32>
    %mul3A_990 = arith.mulf %sub3A_146, %gather3A_975 : vector<16xf32>
    %add3A_991 = arith.addf %add3A_989, %mul3A_990 : vector<16xf32>
    %swap3A_992 = arith.constant 7 : i32
    %swap3A_993 = arith.index_cast %swap3A_992 : i32 to index
    %swap3A_994 = arith.constant 16 : index
    %swap3A_995 = tpu.vector_load %arg9[%swap3A_993, %swap3A_994] {strides = array<i32>} : memref<32x128xf32, #tpu.memory_space<vmem>>, vector<1x16xf32>,
    %swap3A_996 = vector.shape_cast %swap3A_995 : vector<1x16xf32> to vector<16xf32>
    %swap3A_997 = vector.shape_cast %add3A_991 : vector<16xf32> to vector<1x16xf32>
    tpu.vector_store %arg9[%swap3A_993, %swap3A_994], %swap3A_997 {strides = array<i32>} : memref<32x128xf32, #tpu.memory_space<vmem>>, vector<1x16xf32>,
    %mul3A_998 = arith.mulf %sub3A_64, %gather3A_965 : vector<16xf32>
    %add3A_999 = arith.addf %get3A_22, %mul3A_998 : vector<16xf32>
    %add3A_1000 = arith.addf %add3A_999, %get3A_109 : vector<16xf32>
    %mul3A_1001 = arith.mulf %sub3A_152, %gather3A_975 : vector<16xf32>
    %add3A_1002 = arith.addf %add3A_1000, %mul3A_1001 : vector<16xf32>
    %swap3A_1003 = arith.constant 7 : i32
    %swap3A_1004 = arith.index_cast %swap3A_1003 : i32 to index
    %swap3A_1005 = arith.constant 32 : index
    %swap3A_1006 = tpu.vector_load %arg9[%swap3A_1004, %swap3A_1005] {strides = array<i32>} : memref<32x128xf32, #tpu.memory_space<vmem>>, vector<1x16xf32>,
    %swap3A_1007 = vector.shape_cast %swap3A_1006 : vector<1x16xf32> to vector<16xf32>
    %swap3A_1008 = vector.shape_cast %add3A_1002 : vector<16xf32> to vector<1x16xf32>
    tpu.vector_store %arg9[%swap3A_1004, %swap3A_1005], %swap3A_1008 {strides = array<i32>} : memref<32x128xf32, #tpu.memory_space<vmem>>, vector<1x16xf32>,
    %mul3A_1009 = arith.mulf %sub3A_70, %gather3A_965 : vector<16xf32>
    %add3A_1010 = arith.addf %get3A_27, %mul3A_1009 : vector<16xf32>
    %add3A_1011 = arith.addf %add3A_1010, %get3A_114 : vector<16xf32>
    %mul3A_1012 = arith.mulf %sub3A_158, %gather3A_975 : vector<16xf32>
    %add3A_1013 = arith.addf %add3A_1011, %mul3A_1012 : vector<16xf32>
    %swap3A_1014 = arith.constant 7 : i32
    %swap3A_1015 = arith.index_cast %swap3A_1014 : i32 to index
    %swap3A_1016 = arith.constant 48 : index
    %swap3A_1017 = tpu.vector_load %arg9[%swap3A_1015, %swap3A_1016] {strides = array<i32>} : memref<32x128xf32, #tpu.memory_space<vmem>>, vector<1x16xf32>,
    %swap3A_1018 = vector.shape_cast %swap3A_1017 : vector<1x16xf32> to vector<16xf32>
    %swap3A_1019 = vector.shape_cast %add3A_1013 : vector<16xf32> to vector<1x16xf32>
    tpu.vector_store %arg9[%swap3A_1015, %swap3A_1016], %swap3A_1019 {strides = array<i32>} : memref<32x128xf32, #tpu.memory_space<vmem>>, vector<1x16xf32>,
    %mul3A_1020 = arith.mulf %sub3A_76, %gather3A_965 : vector<16xf32>
    %add3A_1021 = arith.addf %get3A_32, %mul3A_1020 : vector<16xf32>
    %add3A_1022 = arith.addf %add3A_1021, %get3A_119 : vector<16xf32>
    %mul3A_1023 = arith.mulf %sub3A_164, %gather3A_975 : vector<16xf32>
    %add3A_1024 = arith.addf %add3A_1022, %mul3A_1023 : vector<16xf32>
    %swap3A_1025 = arith.constant 7 : i32
    %swap3A_1026 = arith.index_cast %swap3A_1025 : i32 to index
    %swap3A_1027 = arith.constant 64 : index
    %swap3A_1028 = tpu.vector_load %arg9[%swap3A_1026, %swap3A_1027] {strides = array<i32>} : memref<32x128xf32, #tpu.memory_space<vmem>>, vector<1x16xf32>,
    %swap3A_1029 = vector.shape_cast %swap3A_1028 : vector<1x16xf32> to vector<16xf32>
    %swap3A_1030 = vector.shape_cast %add3A_1024 : vector<16xf32> to vector<1x16xf32>
    tpu.vector_store %arg9[%swap3A_1026, %swap3A_1027], %swap3A_1030 {strides = array<i32>} : memref<32x128xf32, #tpu.memory_space<vmem>>, vector<1x16xf32>,
    %mul3A_1031 = arith.mulf %sub3A_82, %gather3A_965 : vector<16xf32>
    %add3A_1032 = arith.addf %get3A_37, %mul3A_1031 : vector<16xf32>
    %add3A_1033 = arith.addf %add3A_1032, %get3A_124 : vector<16xf32>
    %mul3A_1034 = arith.mulf %sub3A_170, %gather3A_975 : vector<16xf32>
    %add3A_1035 = arith.addf %add3A_1033, %mul3A_1034 : vector<16xf32>
    %swap3A_1036 = arith.constant 7 : i32
    %swap3A_1037 = arith.index_cast %swap3A_1036 : i32 to index
    %swap3A_1038 = arith.constant 80 : index
    %swap3A_1039 = tpu.vector_load %arg9[%swap3A_1037, %swap3A_1038] {strides = array<i32>} : memref<32x128xf32, #tpu.memory_space<vmem>>, vector<1x16xf32>,
    %swap3A_1040 = vector.shape_cast %swap3A_1039 : vector<1x16xf32> to vector<16xf32>
    %swap3A_1041 = vector.shape_cast %add3A_1035 : vector<16xf32> to vector<1x16xf32>
    tpu.vector_store %arg9[%swap3A_1037, %swap3A_1038], %swap3A_1041 {strides = array<i32>} : memref<32x128xf32, #tpu.memory_space<vmem>>, vector<1x16xf32>,
    %mul3A_1042 = arith.mulf %sub3A_88, %gather3A_965 : vector<16xf32>
    %add3A_1043 = arith.addf %get3A_42, %mul3A_1042 : vector<16xf32>
    %add3A_1044 = arith.addf %add3A_1043, %get3A_129 : vector<16xf32>
    %mul3A_1045 = arith.mulf %sub3A_176, %gather3A_975 : vector<16xf32>
    %add3A_1046 = arith.addf %add3A_1044, %mul3A_1045 : vector<16xf32>
    %swap3A_1047 = arith.constant 7 : i32
    %swap3A_1048 = arith.index_cast %swap3A_1047 : i32 to index
    %swap3A_1049 = arith.constant 96 : index
    %swap3A_1050 = tpu.vector_load %arg9[%swap3A_1048, %swap3A_1049] {strides = array<i32>} : memref<32x128xf32, #tpu.memory_space<vmem>>, vector<1x16xf32>,
    %swap3A_1051 = vector.shape_cast %swap3A_1050 : vector<1x16xf32> to vector<16xf32>
    %swap3A_1052 = vector.shape_cast %add3A_1046 : vector<16xf32> to vector<1x16xf32>
    tpu.vector_store %arg9[%swap3A_1048, %swap3A_1049], %swap3A_1052 {strides = array<i32>} : memref<32x128xf32, #tpu.memory_space<vmem>>, vector<1x16xf32>,
    %mul3A_1053 = arith.mulf %sub3A_94, %gather3A_965 : vector<16xf32>
    %add3A_1054 = arith.addf %get3A_47, %mul3A_1053 : vector<16xf32>
    %add3A_1055 = arith.addf %add3A_1054, %get3A_134 : vector<16xf32>
    %mul3A_1056 = arith.mulf %sub3A_182, %gather3A_975 : vector<16xf32>
    %add3A_1057 = arith.addf %add3A_1055, %mul3A_1056 : vector<16xf32>
    %swap3A_1058 = arith.constant 7 : i32
    %swap3A_1059 = arith.index_cast %swap3A_1058 : i32 to index
    %swap3A_1060 = arith.constant 112 : index
    %swap3A_1061 = tpu.vector_load %arg9[%swap3A_1059, %swap3A_1060] {strides = array<i32>} : memref<32x128xf32, #tpu.memory_space<vmem>>, vector<1x16xf32>,
    %swap3A_1062 = vector.shape_cast %swap3A_1061 : vector<1x16xf32> to vector<16xf32>
    %swap3A_1063 = vector.shape_cast %add3A_1057 : vector<16xf32> to vector<1x16xf32>
    tpu.vector_store %arg9[%swap3A_1059, %swap3A_1060], %swap3A_1063 {strides = array<i32>} : memref<32x128xf32, #tpu.memory_space<vmem>>, vector<1x16xf32>,
    %broadcast_in_dim3A_1064 = arith.constant 8 : i32
    %broadcast_in_dim3A_1065 = vector.broadcast %broadcast_in_dim3A_1064 : i32 to vector<16xi32>
    %lt3A_1066 = arith.constant 0 : i32
    %lt3A_1067 = vector.broadcast %lt3A_1066 : i32 to vector<16xi32>
    %lt3A_1068 = arith.cmpi slt, %broadcast_in_dim3A_1065, %lt3A_1067 : vector<16xi32>
    %add3A_1069 = arith.constant 16 : i32
    %add3A_1070 = vector.broadcast %add3A_1069 : i32 to vector<16xi32>
    %add3A_1071 = arith.addi %broadcast_in_dim3A_1065, %add3A_1070 : vector<16xi32>
    %select_n3A_1072 = arith.select %lt3A_1068, %add3A_1071, %broadcast_in_dim3A_1065 : vector<16xi1>, vector<16xi32>
    %reshape3A_1073 = vector.shape_cast %select_n3A_1072 : vector<16xi32> to vector<16x1xi32>
    %gather3A_1074 = vector.shape_cast %reshape3A_1073 : vector<16x1xi32> to vector<16xi32>
    %gather3A_1075 = tpu.dynamic_gather %convert_element_type3A[%gather3A_1074] in [0] : vector<16xf32>, vector<16xi32> -> vector<16xf32>
    %lt3A_1076 = arith.constant 0 : i32
    %lt3A_1077 = vector.broadcast %lt3A_1076 : i32 to vector<16xi32>
    %lt3A_1078 = arith.cmpi slt, %broadcast_in_dim3A_1065, %lt3A_1077 : vector<16xi32>
    %add3A_1079 = arith.constant 16 : i32
    %add3A_1080 = vector.broadcast %add3A_1079 : i32 to vector<16xi32>
    %add3A_1081 = arith.addi %broadcast_in_dim3A_1065, %add3A_1080 : vector<16xi32>
    %select_n3A_1082 = arith.select %lt3A_1078, %add3A_1081, %broadcast_in_dim3A_1065 : vector<16xi1>, vector<16xi32>
    %reshape3A_1083 = vector.shape_cast %select_n3A_1082 : vector<16xi32> to vector<16x1xi32>
    %gather3A_1084 = vector.shape_cast %reshape3A_1083 : vector<16x1xi32> to vector<16xi32>
    %gather3A_1085 = tpu.dynamic_gather %convert_element_type3A_189[%gather3A_1084] in [0] : vector<16xf32>, vector<16xi32> -> vector<16xf32>
    %mul3A_1086 = arith.mulf %sub3A, %gather3A_1075 : vector<16xf32>
    %add3A_1087 = arith.addf %get3A_12, %mul3A_1086 : vector<16xf32>
    %add3A_1088 = arith.addf %add3A_1087, %get3A_99 : vector<16xf32>
    %mul3A_1089 = arith.mulf %sub3A_140, %gather3A_1085 : vector<16xf32>
    %add3A_1090 = arith.addf %add3A_1088, %mul3A_1089 : vector<16xf32>
    %swap3A_1091 = arith.constant 8 : i32
    %swap3A_1092 = arith.index_cast %swap3A_1091 : i32 to index
    %swap3A_1093 = arith.constant 0 : index
    %swap3A_1094 = tpu.vector_load %arg9[%swap3A_1092, %swap3A_1093] {strides = array<i32>} : memref<32x128xf32, #tpu.memory_space<vmem>>, vector<1x16xf32>,
    %swap3A_1095 = vector.shape_cast %swap3A_1094 : vector<1x16xf32> to vector<16xf32>
    %swap3A_1096 = vector.shape_cast %add3A_1090 : vector<16xf32> to vector<1x16xf32>
    tpu.vector_store %arg9[%swap3A_1092, %swap3A_1093], %swap3A_1096 {strides = array<i32>} : memref<32x128xf32, #tpu.memory_space<vmem>>, vector<1x16xf32>,
    %mul3A_1097 = arith.mulf %sub3A_58, %gather3A_1075 : vector<16xf32>
    %add3A_1098 = arith.addf %get3A_17, %mul3A_1097 : vector<16xf32>
    %add3A_1099 = arith.addf %add3A_1098, %get3A_104 : vector<16xf32>
    %mul3A_1100 = arith.mulf %sub3A_146, %gather3A_1085 : vector<16xf32>
    %add3A_1101 = arith.addf %add3A_1099, %mul3A_1100 : vector<16xf32>
    %swap3A_1102 = arith.constant 8 : i32
    %swap3A_1103 = arith.index_cast %swap3A_1102 : i32 to index
    %swap3A_1104 = arith.constant 16 : index
    %swap3A_1105 = tpu.vector_load %arg9[%swap3A_1103, %swap3A_1104] {strides = array<i32>} : memref<32x128xf32, #tpu.memory_space<vmem>>, vector<1x16xf32>,
    %swap3A_1106 = vector.shape_cast %swap3A_1105 : vector<1x16xf32> to vector<16xf32>
    %swap3A_1107 = vector.shape_cast %add3A_1101 : vector<16xf32> to vector<1x16xf32>
    tpu.vector_store %arg9[%swap3A_1103, %swap3A_1104], %swap3A_1107 {strides = array<i32>} : memref<32x128xf32, #tpu.memory_space<vmem>>, vector<1x16xf32>,
    %mul3A_1108 = arith.mulf %sub3A_64, %gather3A_1075 : vector<16xf32>
    %add3A_1109 = arith.addf %get3A_22, %mul3A_1108 : vector<16xf32>
    %add3A_1110 = arith.addf %add3A_1109, %get3A_109 : vector<16xf32>
    %mul3A_1111 = arith.mulf %sub3A_152, %gather3A_1085 : vector<16xf32>
    %add3A_1112 = arith.addf %add3A_1110, %mul3A_1111 : vector<16xf32>
    %swap3A_1113 = arith.constant 8 : i32
    %swap3A_1114 = arith.index_cast %swap3A_1113 : i32 to index
    %swap3A_1115 = arith.constant 32 : index
    %swap3A_1116 = tpu.vector_load %arg9[%swap3A_1114, %swap3A_1115] {strides = array<i32>} : memref<32x128xf32, #tpu.memory_space<vmem>>, vector<1x16xf32>,
    %swap3A_1117 = vector.shape_cast %swap3A_1116 : vector<1x16xf32> to vector<16xf32>
    %swap3A_1118 = vector.shape_cast %add3A_1112 : vector<16xf32> to vector<1x16xf32>
    tpu.vector_store %arg9[%swap3A_1114, %swap3A_1115], %swap3A_1118 {strides = array<i32>} : memref<32x128xf32, #tpu.memory_space<vmem>>, vector<1x16xf32>,
    %mul3A_1119 = arith.mulf %sub3A_70, %gather3A_1075 : vector<16xf32>
    %add3A_1120 = arith.addf %get3A_27, %mul3A_1119 : vector<16xf32>
    %add3A_1121 = arith.addf %add3A_1120, %get3A_114 : vector<16xf32>
    %mul3A_1122 = arith.mulf %sub3A_158, %gather3A_1085 : vector<16xf32>
    %add3A_1123 = arith.addf %add3A_1121, %mul3A_1122 : vector<16xf32>
    %swap3A_1124 = arith.constant 8 : i32
    %swap3A_1125 = arith.index_cast %swap3A_1124 : i32 to index
    %swap3A_1126 = arith.constant 48 : index
    %swap3A_1127 = tpu.vector_load %arg9[%swap3A_1125, %swap3A_1126] {strides = array<i32>} : memref<32x128xf32, #tpu.memory_space<vmem>>, vector<1x16xf32>,
    %swap3A_1128 = vector.shape_cast %swap3A_1127 : vector<1x16xf32> to vector<16xf32>
    %swap3A_1129 = vector.shape_cast %add3A_1123 : vector<16xf32> to vector<1x16xf32>
    tpu.vector_store %arg9[%swap3A_1125, %swap3A_1126], %swap3A_1129 {strides = array<i32>} : memref<32x128xf32, #tpu.memory_space<vmem>>, vector<1x16xf32>,
    %mul3A_1130 = arith.mulf %sub3A_76, %gather3A_1075 : vector<16xf32>
    %add3A_1131 = arith.addf %get3A_32, %mul3A_1130 : vector<16xf32>
    %add3A_1132 = arith.addf %add3A_1131, %get3A_119 : vector<16xf32>
    %mul3A_1133 = arith.mulf %sub3A_164, %gather3A_1085 : vector<16xf32>
    %add3A_1134 = arith.addf %add3A_1132, %mul3A_1133 : vector<16xf32>
    %swap3A_1135 = arith.constant 8 : i32
    %swap3A_1136 = arith.index_cast %swap3A_1135 : i32 to index
    %swap3A_1137 = arith.constant 64 : index
    %swap3A_1138 = tpu.vector_load %arg9[%swap3A_1136, %swap3A_1137] {strides = array<i32>} : memref<32x128xf32, #tpu.memory_space<vmem>>, vector<1x16xf32>,
    %swap3A_1139 = vector.shape_cast %swap3A_1138 : vector<1x16xf32> to vector<16xf32>
    %swap3A_1140 = vector.shape_cast %add3A_1134 : vector<16xf32> to vector<1x16xf32>
    tpu.vector_store %arg9[%swap3A_1136, %swap3A_1137], %swap3A_1140 {strides = array<i32>} : memref<32x128xf32, #tpu.memory_space<vmem>>, vector<1x16xf32>,
    %mul3A_1141 = arith.mulf %sub3A_82, %gather3A_1075 : vector<16xf32>
    %add3A_1142 = arith.addf %get3A_37, %mul3A_1141 : vector<16xf32>
    %add3A_1143 = arith.addf %add3A_1142, %get3A_124 : vector<16xf32>
    %mul3A_1144 = arith.mulf %sub3A_170, %gather3A_1085 : vector<16xf32>
    %add3A_1145 = arith.addf %add3A_1143, %mul3A_1144 : vector<16xf32>
    %swap3A_1146 = arith.constant 8 : i32
    %swap3A_1147 = arith.index_cast %swap3A_1146 : i32 to index
    %swap3A_1148 = arith.constant 80 : index
    %swap3A_1149 = tpu.vector_load %arg9[%swap3A_1147, %swap3A_1148] {strides = array<i32>} : memref<32x128xf32, #tpu.memory_space<vmem>>, vector<1x16xf32>,
    %swap3A_1150 = vector.shape_cast %swap3A_1149 : vector<1x16xf32> to vector<16xf32>
    %swap3A_1151 = vector.shape_cast %add3A_1145 : vector<16xf32> to vector<1x16xf32>
    tpu.vector_store %arg9[%swap3A_1147, %swap3A_1148], %swap3A_1151 {strides = array<i32>} : memref<32x128xf32, #tpu.memory_space<vmem>>, vector<1x16xf32>,
    %mul3A_1152 = arith.mulf %sub3A_88, %gather3A_1075 : vector<16xf32>
    %add3A_1153 = arith.addf %get3A_42, %mul3A_1152 : vector<16xf32>
    %add3A_1154 = arith.addf %add3A_1153, %get3A_129 : vector<16xf32>
    %mul3A_1155 = arith.mulf %sub3A_176, %gather3A_1085 : vector<16xf32>
    %add3A_1156 = arith.addf %add3A_1154, %mul3A_1155 : vector<16xf32>
    %swap3A_1157 = arith.constant 8 : i32
    %swap3A_1158 = arith.index_cast %swap3A_1157 : i32 to index
    %swap3A_1159 = arith.constant 96 : index
    %swap3A_1160 = tpu.vector_load %arg9[%swap3A_1158, %swap3A_1159] {strides = array<i32>} : memref<32x128xf32, #tpu.memory_space<vmem>>, vector<1x16xf32>,
    %swap3A_1161 = vector.shape_cast %swap3A_1160 : vector<1x16xf32> to vector<16xf32>
    %swap3A_1162 = vector.shape_cast %add3A_1156 : vector<16xf32> to vector<1x16xf32>
    tpu.vector_store %arg9[%swap3A_1158, %swap3A_1159], %swap3A_1162 {strides = array<i32>} : memref<32x128xf32, #tpu.memory_space<vmem>>, vector<1x16xf32>,
    %mul3A_1163 = arith.mulf %sub3A_94, %gather3A_1075 : vector<16xf32>
    %add3A_1164 = arith.addf %get3A_47, %mul3A_1163 : vector<16xf32>
    %add3A_1165 = arith.addf %add3A_1164, %get3A_134 : vector<16xf32>
    %mul3A_1166 = arith.mulf %sub3A_182, %gather3A_1085 : vector<16xf32>
    %add3A_1167 = arith.addf %add3A_1165, %mul3A_1166 : vector<16xf32>
    %swap3A_1168 = arith.constant 8 : i32
    %swap3A_1169 = arith.index_cast %swap3A_1168 : i32 to index
    %swap3A_1170 = arith.constant 112 : index
    %swap3A_1171 = tpu.vector_load %arg9[%swap3A_1169, %swap3A_1170] {strides = array<i32>} : memref<32x128xf32, #tpu.memory_space<vmem>>, vector<1x16xf32>,
    %swap3A_1172 = vector.shape_cast %swap3A_1171 : vector<1x16xf32> to vector<16xf32>
    %swap3A_1173 = vector.shape_cast %add3A_1167 : vector<16xf32> to vector<1x16xf32>
    tpu.vector_store %arg9[%swap3A_1169, %swap3A_1170], %swap3A_1173 {strides = array<i32>} : memref<32x128xf32, #tpu.memory_space<vmem>>, vector<1x16xf32>,
    %broadcast_in_dim3A_1174 = arith.constant 9 : i32
    %broadcast_in_dim3A_1175 = vector.broadcast %broadcast_in_dim3A_1174 : i32 to vector<16xi32>
    %lt3A_1176 = arith.constant 0 : i32
    %lt3A_1177 = vector.broadcast %lt3A_1176 : i32 to vector<16xi32>
    %lt3A_1178 = arith.cmpi slt, %broadcast_in_dim3A_1175, %lt3A_1177 : vector<16xi32>
    %add3A_1179 = arith.constant 16 : i32
    %add3A_1180 = vector.broadcast %add3A_1179 : i32 to vector<16xi32>
    %add3A_1181 = arith.addi %broadcast_in_dim3A_1175, %add3A_1180 : vector<16xi32>
    %select_n3A_1182 = arith.select %lt3A_1178, %add3A_1181, %broadcast_in_dim3A_1175 : vector<16xi1>, vector<16xi32>
    %reshape3A_1183 = vector.shape_cast %select_n3A_1182 : vector<16xi32> to vector<16x1xi32>
    %gather3A_1184 = vector.shape_cast %reshape3A_1183 : vector<16x1xi32> to vector<16xi32>
    %gather3A_1185 = tpu.dynamic_gather %convert_element_type3A[%gather3A_1184] in [0] : vector<16xf32>, vector<16xi32> -> vector<16xf32>
    %lt3A_1186 = arith.constant 0 : i32
    %lt3A_1187 = vector.broadcast %lt3A_1186 : i32 to vector<16xi32>
    %lt3A_1188 = arith.cmpi slt, %broadcast_in_dim3A_1175, %lt3A_1187 : vector<16xi32>
    %add3A_1189 = arith.constant 16 : i32
    %add3A_1190 = vector.broadcast %add3A_1189 : i32 to vector<16xi32>
    %add3A_1191 = arith.addi %broadcast_in_dim3A_1175, %add3A_1190 : vector<16xi32>
    %select_n3A_1192 = arith.select %lt3A_1188, %add3A_1191, %broadcast_in_dim3A_1175 : vector<16xi1>, vector<16xi32>
    %reshape3A_1193 = vector.shape_cast %select_n3A_1192 : vector<16xi32> to vector<16x1xi32>
    %gather3A_1194 = vector.shape_cast %reshape3A_1193 : vector<16x1xi32> to vector<16xi32>
    %gather3A_1195 = tpu.dynamic_gather %convert_element_type3A_189[%gather3A_1194] in [0] : vector<16xf32>, vector<16xi32> -> vector<16xf32>
    %mul3A_1196 = arith.mulf %sub3A, %gather3A_1185 : vector<16xf32>
    %add3A_1197 = arith.addf %get3A_12, %mul3A_1196 : vector<16xf32>
    %add3A_1198 = arith.addf %add3A_1197, %get3A_99 : vector<16xf32>
    %mul3A_1199 = arith.mulf %sub3A_140, %gather3A_1195 : vector<16xf32>
    %add3A_1200 = arith.addf %add3A_1198, %mul3A_1199 : vector<16xf32>
    %swap3A_1201 = arith.constant 9 : i32
    %swap3A_1202 = arith.index_cast %swap3A_1201 : i32 to index
    %swap3A_1203 = arith.constant 0 : index
    %swap3A_1204 = tpu.vector_load %arg9[%swap3A_1202, %swap3A_1203] {strides = array<i32>} : memref<32x128xf32, #tpu.memory_space<vmem>>, vector<1x16xf32>,
    %swap3A_1205 = vector.shape_cast %swap3A_1204 : vector<1x16xf32> to vector<16xf32>
    %swap3A_1206 = vector.shape_cast %add3A_1200 : vector<16xf32> to vector<1x16xf32>
    tpu.vector_store %arg9[%swap3A_1202, %swap3A_1203], %swap3A_1206 {strides = array<i32>} : memref<32x128xf32, #tpu.memory_space<vmem>>, vector<1x16xf32>,
    %mul3A_1207 = arith.mulf %sub3A_58, %gather3A_1185 : vector<16xf32>
    %add3A_1208 = arith.addf %get3A_17, %mul3A_1207 : vector<16xf32>
    %add3A_1209 = arith.addf %add3A_1208, %get3A_104 : vector<16xf32>
    %mul3A_1210 = arith.mulf %sub3A_146, %gather3A_1195 : vector<16xf32>
    %add3A_1211 = arith.addf %add3A_1209, %mul3A_1210 : vector<16xf32>
    %swap3A_1212 = arith.constant 9 : i32
    %swap3A_1213 = arith.index_cast %swap3A_1212 : i32 to index
    %swap3A_1214 = arith.constant 16 : index
    %swap3A_1215 = tpu.vector_load %arg9[%swap3A_1213, %swap3A_1214] {strides = array<i32>} : memref<32x128xf32, #tpu.memory_space<vmem>>, vector<1x16xf32>,
    %swap3A_1216 = vector.shape_cast %swap3A_1215 : vector<1x16xf32> to vector<16xf32>
    %swap3A_1217 = vector.shape_cast %add3A_1211 : vector<16xf32> to vector<1x16xf32>
    tpu.vector_store %arg9[%swap3A_1213, %swap3A_1214], %swap3A_1217 {strides = array<i32>} : memref<32x128xf32, #tpu.memory_space<vmem>>, vector<1x16xf32>,
    %mul3A_1218 = arith.mulf %sub3A_64, %gather3A_1185 : vector<16xf32>
    %add3A_1219 = arith.addf %get3A_22, %mul3A_1218 : vector<16xf32>
    %add3A_1220 = arith.addf %add3A_1219, %get3A_109 : vector<16xf32>
    %mul3A_1221 = arith.mulf %sub3A_152, %gather3A_1195 : vector<16xf32>
    %add3A_1222 = arith.addf %add3A_1220, %mul3A_1221 : vector<16xf32>
    %swap3A_1223 = arith.constant 9 : i32
    %swap3A_1224 = arith.index_cast %swap3A_1223 : i32 to index
    %swap3A_1225 = arith.constant 32 : index
    %swap3A_1226 = tpu.vector_load %arg9[%swap3A_1224, %swap3A_1225] {strides = array<i32>} : memref<32x128xf32, #tpu.memory_space<vmem>>, vector<1x16xf32>,
    %swap3A_1227 = vector.shape_cast %swap3A_1226 : vector<1x16xf32> to vector<16xf32>
    %swap3A_1228 = vector.shape_cast %add3A_1222 : vector<16xf32> to vector<1x16xf32>
    tpu.vector_store %arg9[%swap3A_1224, %swap3A_1225], %swap3A_1228 {strides = array<i32>} : memref<32x128xf32, #tpu.memory_space<vmem>>, vector<1x16xf32>,
    %mul3A_1229 = arith.mulf %sub3A_70, %gather3A_1185 : vector<16xf32>
    %add3A_1230 = arith.addf %get3A_27, %mul3A_1229 : vector<16xf32>
    %add3A_1231 = arith.addf %add3A_1230, %get3A_114 : vector<16xf32>
    %mul3A_1232 = arith.mulf %sub3A_158, %gather3A_1195 : vector<16xf32>
    %add3A_1233 = arith.addf %add3A_1231, %mul3A_1232 : vector<16xf32>
    %swap3A_1234 = arith.constant 9 : i32
    %swap3A_1235 = arith.index_cast %swap3A_1234 : i32 to index
    %swap3A_1236 = arith.constant 48 : index
    %swap3A_1237 = tpu.vector_load %arg9[%swap3A_1235, %swap3A_1236] {strides = array<i32>} : memref<32x128xf32, #tpu.memory_space<vmem>>, vector<1x16xf32>,
    %swap3A_1238 = vector.shape_cast %swap3A_1237 : vector<1x16xf32> to vector<16xf32>
    %swap3A_1239 = vector.shape_cast %add3A_1233 : vector<16xf32> to vector<1x16xf32>
    tpu.vector_store %arg9[%swap3A_1235, %swap3A_1236], %swap3A_1239 {strides = array<i32>} : memref<32x128xf32, #tpu.memory_space<vmem>>, vector<1x16xf32>,
    %mul3A_1240 = arith.mulf %sub3A_76, %gather3A_1185 : vector<16xf32>
    %add3A_1241 = arith.addf %get3A_32, %mul3A_1240 : vector<16xf32>
    %add3A_1242 = arith.addf %add3A_1241, %get3A_119 : vector<16xf32>
    %mul3A_1243 = arith.mulf %sub3A_164, %gather3A_1195 : vector<16xf32>
    %add3A_1244 = arith.addf %add3A_1242, %mul3A_1243 : vector<16xf32>
    %swap3A_1245 = arith.constant 9 : i32
    %swap3A_1246 = arith.index_cast %swap3A_1245 : i32 to index
    %swap3A_1247 = arith.constant 64 : index
    %swap3A_1248 = tpu.vector_load %arg9[%swap3A_1246, %swap3A_1247] {strides = array<i32>} : memref<32x128xf32, #tpu.memory_space<vmem>>, vector<1x16xf32>,
    %swap3A_1249 = vector.shape_cast %swap3A_1248 : vector<1x16xf32> to vector<16xf32>
    %swap3A_1250 = vector.shape_cast %add3A_1244 : vector<16xf32> to vector<1x16xf32>
    tpu.vector_store %arg9[%swap3A_1246, %swap3A_1247], %swap3A_1250 {strides = array<i32>} : memref<32x128xf32, #tpu.memory_space<vmem>>, vector<1x16xf32>,
    %mul3A_1251 = arith.mulf %sub3A_82, %gather3A_1185 : vector<16xf32>
    %add3A_1252 = arith.addf %get3A_37, %mul3A_1251 : vector<16xf32>
    %add3A_1253 = arith.addf %add3A_1252, %get3A_124 : vector<16xf32>
    %mul3A_1254 = arith.mulf %sub3A_170, %gather3A_1195 : vector<16xf32>
    %add3A_1255 = arith.addf %add3A_1253, %mul3A_1254 : vector<16xf32>
    %swap3A_1256 = arith.constant 9 : i32
    %swap3A_1257 = arith.index_cast %swap3A_1256 : i32 to index
    %swap3A_1258 = arith.constant 80 : index
    %swap3A_1259 = tpu.vector_load %arg9[%swap3A_1257, %swap3A_1258] {strides = array<i32>} : memref<32x128xf32, #tpu.memory_space<vmem>>, vector<1x16xf32>,
    %swap3A_1260 = vector.shape_cast %swap3A_1259 : vector<1x16xf32> to vector<16xf32>
    %swap3A_1261 = vector.shape_cast %add3A_1255 : vector<16xf32> to vector<1x16xf32>
    tpu.vector_store %arg9[%swap3A_1257, %swap3A_1258], %swap3A_1261 {strides = array<i32>} : memref<32x128xf32, #tpu.memory_space<vmem>>, vector<1x16xf32>,
    %mul3A_1262 = arith.mulf %sub3A_88, %gather3A_1185 : vector<16xf32>
    %add3A_1263 = arith.addf %get3A_42, %mul3A_1262 : vector<16xf32>
    %add3A_1264 = arith.addf %add3A_1263, %get3A_129 : vector<16xf32>
    %mul3A_1265 = arith.mulf %sub3A_176, %gather3A_1195 : vector<16xf32>
    %add3A_1266 = arith.addf %add3A_1264, %mul3A_1265 : vector<16xf32>
    %swap3A_1267 = arith.constant 9 : i32
    %swap3A_1268 = arith.index_cast %swap3A_1267 : i32 to index
    %swap3A_1269 = arith.constant 96 : index
    %swap3A_1270 = tpu.vector_load %arg9[%swap3A_1268, %swap3A_1269] {strides = array<i32>} : memref<32x128xf32, #tpu.memory_space<vmem>>, vector<1x16xf32>,
    %swap3A_1271 = vector.shape_cast %swap3A_1270 : vector<1x16xf32> to vector<16xf32>
    %swap3A_1272 = vector.shape_cast %add3A_1266 : vector<16xf32> to vector<1x16xf32>
    tpu.vector_store %arg9[%swap3A_1268, %swap3A_1269], %swap3A_1272 {strides = array<i32>} : memref<32x128xf32, #tpu.memory_space<vmem>>, vector<1x16xf32>,
    %mul3A_1273 = arith.mulf %sub3A_94, %gather3A_1185 : vector<16xf32>
    %add3A_1274 = arith.addf %get3A_47, %mul3A_1273 : vector<16xf32>
    %add3A_1275 = arith.addf %add3A_1274, %get3A_134 : vector<16xf32>
    %mul3A_1276 = arith.mulf %sub3A_182, %gather3A_1195 : vector<16xf32>
    %add3A_1277 = arith.addf %add3A_1275, %mul3A_1276 : vector<16xf32>
    %swap3A_1278 = arith.constant 9 : i32
    %swap3A_1279 = arith.index_cast %swap3A_1278 : i32 to index
    %swap3A_1280 = arith.constant 112 : index
    %swap3A_1281 = tpu.vector_load %arg9[%swap3A_1279, %swap3A_1280] {strides = array<i32>} : memref<32x128xf32, #tpu.memory_space<vmem>>, vector<1x16xf32>,
    %swap3A_1282 = vector.shape_cast %swap3A_1281 : vector<1x16xf32> to vector<16xf32>
    %swap3A_1283 = vector.shape_cast %add3A_1277 : vector<16xf32> to vector<1x16xf32>
    tpu.vector_store %arg9[%swap3A_1279, %swap3A_1280], %swap3A_1283 {strides = array<i32>} : memref<32x128xf32, #tpu.memory_space<vmem>>, vector<1x16xf32>,
    %broadcast_in_dim3A_1284 = arith.constant 10 : i32
    %broadcast_in_dim3A_1285 = vector.broadcast %broadcast_in_dim3A_1284 : i32 to vector<16xi32>
    %lt3A_1286 = arith.constant 0 : i32
    %lt3A_1287 = vector.broadcast %lt3A_1286 : i32 to vector<16xi32>
    %lt3A_1288 = arith.cmpi slt, %broadcast_in_dim3A_1285, %lt3A_1287 : vector<16xi32>
    %add3A_1289 = arith.constant 16 : i32
    %add3A_1290 = vector.broadcast %add3A_1289 : i32 to vector<16xi32>
    %add3A_1291 = arith.addi %broadcast_in_dim3A_1285, %add3A_1290 : vector<16xi32>
    %select_n3A_1292 = arith.select %lt3A_1288, %add3A_1291, %broadcast_in_dim3A_1285 : vector<16xi1>, vector<16xi32>
    %reshape3A_1293 = vector.shape_cast %select_n3A_1292 : vector<16xi32> to vector<16x1xi32>
    %gather3A_1294 = vector.shape_cast %reshape3A_1293 : vector<16x1xi32> to vector<16xi32>
    %gather3A_1295 = tpu.dynamic_gather %convert_element_type3A[%gather3A_1294] in [0] : vector<16xf32>, vector<16xi32> -> vector<16xf32>
    %lt3A_1296 = arith.constant 0 : i32
    %lt3A_1297 = vector.broadcast %lt3A_1296 : i32 to vector<16xi32>
    %lt3A_1298 = arith.cmpi slt, %broadcast_in_dim3A_1285, %lt3A_1297 : vector<16xi32>
    %add3A_1299 = arith.constant 16 : i32
    %add3A_1300 = vector.broadcast %add3A_1299 : i32 to vector<16xi32>
    %add3A_1301 = arith.addi %broadcast_in_dim3A_1285, %add3A_1300 : vector<16xi32>
    %select_n3A_1302 = arith.select %lt3A_1298, %add3A_1301, %broadcast_in_dim3A_1285 : vector<16xi1>, vector<16xi32>
    %reshape3A_1303 = vector.shape_cast %select_n3A_1302 : vector<16xi32> to vector<16x1xi32>
    %gather3A_1304 = vector.shape_cast %reshape3A_1303 : vector<16x1xi32> to vector<16xi32>
    %gather3A_1305 = tpu.dynamic_gather %convert_element_type3A_189[%gather3A_1304] in [0] : vector<16xf32>, vector<16xi32> -> vector<16xf32>
    %mul3A_1306 = arith.mulf %sub3A, %gather3A_1295 : vector<16xf32>
    %add3A_1307 = arith.addf %get3A_12, %mul3A_1306 : vector<16xf32>
    %add3A_1308 = arith.addf %add3A_1307, %get3A_99 : vector<16xf32>
    %mul3A_1309 = arith.mulf %sub3A_140, %gather3A_1305 : vector<16xf32>
    %add3A_1310 = arith.addf %add3A_1308, %mul3A_1309 : vector<16xf32>
    %swap3A_1311 = arith.constant 10 : i32
    %swap3A_1312 = arith.index_cast %swap3A_1311 : i32 to index
    %swap3A_1313 = arith.constant 0 : index
    %swap3A_1314 = tpu.vector_load %arg9[%swap3A_1312, %swap3A_1313] {strides = array<i32>} : memref<32x128xf32, #tpu.memory_space<vmem>>, vector<1x16xf32>,
    %swap3A_1315 = vector.shape_cast %swap3A_1314 : vector<1x16xf32> to vector<16xf32>
    %swap3A_1316 = vector.shape_cast %add3A_1310 : vector<16xf32> to vector<1x16xf32>
    tpu.vector_store %arg9[%swap3A_1312, %swap3A_1313], %swap3A_1316 {strides = array<i32>} : memref<32x128xf32, #tpu.memory_space<vmem>>, vector<1x16xf32>,
    %mul3A_1317 = arith.mulf %sub3A_58, %gather3A_1295 : vector<16xf32>
    %add3A_1318 = arith.addf %get3A_17, %mul3A_1317 : vector<16xf32>
    %add3A_1319 = arith.addf %add3A_1318, %get3A_104 : vector<16xf32>
    %mul3A_1320 = arith.mulf %sub3A_146, %gather3A_1305 : vector<16xf32>
    %add3A_1321 = arith.addf %add3A_1319, %mul3A_1320 : vector<16xf32>
    %swap3A_1322 = arith.constant 10 : i32
    %swap3A_1323 = arith.index_cast %swap3A_1322 : i32 to index
    %swap3A_1324 = arith.constant 16 : index
    %swap3A_1325 = tpu.vector_load %arg9[%swap3A_1323, %swap3A_1324] {strides = array<i32>} : memref<32x128xf32, #tpu.memory_space<vmem>>, vector<1x16xf32>,
    %swap3A_1326 = vector.shape_cast %swap3A_1325 : vector<1x16xf32> to vector<16xf32>
    %swap3A_1327 = vector.shape_cast %add3A_1321 : vector<16xf32> to vector<1x16xf32>
    tpu.vector_store %arg9[%swap3A_1323, %swap3A_1324], %swap3A_1327 {strides = array<i32>} : memref<32x128xf32, #tpu.memory_space<vmem>>, vector<1x16xf32>,
    %mul3A_1328 = arith.mulf %sub3A_64, %gather3A_1295 : vector<16xf32>
    %add3A_1329 = arith.addf %get3A_22, %mul3A_1328 : vector<16xf32>
    %add3A_1330 = arith.addf %add3A_1329, %get3A_109 : vector<16xf32>
    %mul3A_1331 = arith.mulf %sub3A_152, %gather3A_1305 : vector<16xf32>
    %add3A_1332 = arith.addf %add3A_1330, %mul3A_1331 : vector<16xf32>
    %swap3A_1333 = arith.constant 10 : i32
    %swap3A_1334 = arith.index_cast %swap3A_1333 : i32 to index
    %swap3A_1335 = arith.constant 32 : index
    %swap3A_1336 = tpu.vector_load %arg9[%swap3A_1334, %swap3A_1335] {strides = array<i32>} : memref<32x128xf32, #tpu.memory_space<vmem>>, vector<1x16xf32>,
    %swap3A_1337 = vector.shape_cast %swap3A_1336 : vector<1x16xf32> to vector<16xf32>
    %swap3A_1338 = vector.shape_cast %add3A_1332 : vector<16xf32> to vector<1x16xf32>
    tpu.vector_store %arg9[%swap3A_1334, %swap3A_1335], %swap3A_1338 {strides = array<i32>} : memref<32x128xf32, #tpu.memory_space<vmem>>, vector<1x16xf32>,
    %mul3A_1339 = arith.mulf %sub3A_70, %gather3A_1295 : vector<16xf32>
    %add3A_1340 = arith.addf %get3A_27, %mul3A_1339 : vector<16xf32>
    %add3A_1341 = arith.addf %add3A_1340, %get3A_114 : vector<16xf32>
    %mul3A_1342 = arith.mulf %sub3A_158, %gather3A_1305 : vector<16xf32>
    %add3A_1343 = arith.addf %add3A_1341, %mul3A_1342 : vector<16xf32>
    %swap3A_1344 = arith.constant 10 : i32
    %swap3A_1345 = arith.index_cast %swap3A_1344 : i32 to index
    %swap3A_1346 = arith.constant 48 : index
    %swap3A_1347 = tpu.vector_load %arg9[%swap3A_1345, %swap3A_1346] {strides = array<i32>} : memref<32x128xf32, #tpu.memory_space<vmem>>, vector<1x16xf32>,
    %swap3A_1348 = vector.shape_cast %swap3A_1347 : vector<1x16xf32> to vector<16xf32>
    %swap3A_1349 = vector.shape_cast %add3A_1343 : vector<16xf32> to vector<1x16xf32>
    tpu.vector_store %arg9[%swap3A_1345, %swap3A_1346], %swap3A_1349 {strides = array<i32>} : memref<32x128xf32, #tpu.memory_space<vmem>>, vector<1x16xf32>,
    %mul3A_1350 = arith.mulf %sub3A_76, %gather3A_1295 : vector<16xf32>
    %add3A_1351 = arith.addf %get3A_32, %mul3A_1350 : vector<16xf32>
    %add3A_1352 = arith.addf %add3A_1351, %get3A_119 : vector<16xf32>
    %mul3A_1353 = arith.mulf %sub3A_164, %gather3A_1305 : vector<16xf32>
    %add3A_1354 = arith.addf %add3A_1352, %mul3A_1353 : vector<16xf32>
    %swap3A_1355 = arith.constant 10 : i32
    %swap3A_1356 = arith.index_cast %swap3A_1355 : i32 to index
    %swap3A_1357 = arith.constant 64 : index
    %swap3A_1358 = tpu.vector_load %arg9[%swap3A_1356, %swap3A_1357] {strides = array<i32>} : memref<32x128xf32, #tpu.memory_space<vmem>>, vector<1x16xf32>,
    %swap3A_1359 = vector.shape_cast %swap3A_1358 : vector<1x16xf32> to vector<16xf32>
    %swap3A_1360 = vector.shape_cast %add3A_1354 : vector<16xf32> to vector<1x16xf32>
    tpu.vector_store %arg9[%swap3A_1356, %swap3A_1357], %swap3A_1360 {strides = array<i32>} : memref<32x128xf32, #tpu.memory_space<vmem>>, vector<1x16xf32>,
    %mul3A_1361 = arith.mulf %sub3A_82, %gather3A_1295 : vector<16xf32>
    %add3A_1362 = arith.addf %get3A_37, %mul3A_1361 : vector<16xf32>
    %add3A_1363 = arith.addf %add3A_1362, %get3A_124 : vector<16xf32>
    %mul3A_1364 = arith.mulf %sub3A_170, %gather3A_1305 : vector<16xf32>
    %add3A_1365 = arith.addf %add3A_1363, %mul3A_1364 : vector<16xf32>
    %swap3A_1366 = arith.constant 10 : i32
    %swap3A_1367 = arith.index_cast %swap3A_1366 : i32 to index
    %swap3A_1368 = arith.constant 80 : index
    %swap3A_1369 = tpu.vector_load %arg9[%swap3A_1367, %swap3A_1368] {strides = array<i32>} : memref<32x128xf32, #tpu.memory_space<vmem>>, vector<1x16xf32>,
    %swap3A_1370 = vector.shape_cast %swap3A_1369 : vector<1x16xf32> to vector<16xf32>
    %swap3A_1371 = vector.shape_cast %add3A_1365 : vector<16xf32> to vector<1x16xf32>
    tpu.vector_store %arg9[%swap3A_1367, %swap3A_1368], %swap3A_1371 {strides = array<i32>} : memref<32x128xf32, #tpu.memory_space<vmem>>, vector<1x16xf32>,
    %mul3A_1372 = arith.mulf %sub3A_88, %gather3A_1295 : vector<16xf32>
    %add3A_1373 = arith.addf %get3A_42, %mul3A_1372 : vector<16xf32>
    %add3A_1374 = arith.addf %add3A_1373, %get3A_129 : vector<16xf32>
    %mul3A_1375 = arith.mulf %sub3A_176, %gather3A_1305 : vector<16xf32>
    %add3A_1376 = arith.addf %add3A_1374, %mul3A_1375 : vector<16xf32>
    %swap3A_1377 = arith.constant 10 : i32
    %swap3A_1378 = arith.index_cast %swap3A_1377 : i32 to index
    %swap3A_1379 = arith.constant 96 : index
    %swap3A_1380 = tpu.vector_load %arg9[%swap3A_1378, %swap3A_1379] {strides = array<i32>} : memref<32x128xf32, #tpu.memory_space<vmem>>, vector<1x16xf32>,
    %swap3A_1381 = vector.shape_cast %swap3A_1380 : vector<1x16xf32> to vector<16xf32>
    %swap3A_1382 = vector.shape_cast %add3A_1376 : vector<16xf32> to vector<1x16xf32>
    tpu.vector_store %arg9[%swap3A_1378, %swap3A_1379], %swap3A_1382 {strides = array<i32>} : memref<32x128xf32, #tpu.memory_space<vmem>>, vector<1x16xf32>,
    %mul3A_1383 = arith.mulf %sub3A_94, %gather3A_1295 : vector<16xf32>
    %add3A_1384 = arith.addf %get3A_47, %mul3A_1383 : vector<16xf32>
    %add3A_1385 = arith.addf %add3A_1384, %get3A_134 : vector<16xf32>
    %mul3A_1386 = arith.mulf %sub3A_182, %gather3A_1305 : vector<16xf32>
    %add3A_1387 = arith.addf %add3A_1385, %mul3A_1386 : vector<16xf32>
    %swap3A_1388 = arith.constant 10 : i32
    %swap3A_1389 = arith.index_cast %swap3A_1388 : i32 to index
    %swap3A_1390 = arith.constant 112 : index
    %swap3A_1391 = tpu.vector_load %arg9[%swap3A_1389, %swap3A_1390] {strides = array<i32>} : memref<32x128xf32, #tpu.memory_space<vmem>>, vector<1x16xf32>,
    %swap3A_1392 = vector.shape_cast %swap3A_1391 : vector<1x16xf32> to vector<16xf32>
    %swap3A_1393 = vector.shape_cast %add3A_1387 : vector<16xf32> to vector<1x16xf32>
    tpu.vector_store %arg9[%swap3A_1389, %swap3A_1390], %swap3A_1393 {strides = array<i32>} : memref<32x128xf32, #tpu.memory_space<vmem>>, vector<1x16xf32>,
    %broadcast_in_dim3A_1394 = arith.constant 11 : i32
    %broadcast_in_dim3A_1395 = vector.broadcast %broadcast_in_dim3A_1394 : i32 to vector<16xi32>
    %lt3A_1396 = arith.constant 0 : i32
    %lt3A_1397 = vector.broadcast %lt3A_1396 : i32 to vector<16xi32>
    %lt3A_1398 = arith.cmpi slt, %broadcast_in_dim3A_1395, %lt3A_1397 : vector<16xi32>
    %add3A_1399 = arith.constant 16 : i32
    %add3A_1400 = vector.broadcast %add3A_1399 : i32 to vector<16xi32>
    %add3A_1401 = arith.addi %broadcast_in_dim3A_1395, %add3A_1400 : vector<16xi32>
    %select_n3A_1402 = arith.select %lt3A_1398, %add3A_1401, %broadcast_in_dim3A_1395 : vector<16xi1>, vector<16xi32>
    %reshape3A_1403 = vector.shape_cast %select_n3A_1402 : vector<16xi32> to vector<16x1xi32>
    %gather3A_1404 = vector.shape_cast %reshape3A_1403 : vector<16x1xi32> to vector<16xi32>
    %gather3A_1405 = tpu.dynamic_gather %convert_element_type3A[%gather3A_1404] in [0] : vector<16xf32>, vector<16xi32> -> vector<16xf32>
    %lt3A_1406 = arith.constant 0 : i32
    %lt3A_1407 = vector.broadcast %lt3A_1406 : i32 to vector<16xi32>
    %lt3A_1408 = arith.cmpi slt, %broadcast_in_dim3A_1395, %lt3A_1407 : vector<16xi32>
    %add3A_1409 = arith.constant 16 : i32
    %add3A_1410 = vector.broadcast %add3A_1409 : i32 to vector<16xi32>
    %add3A_1411 = arith.addi %broadcast_in_dim3A_1395, %add3A_1410 : vector<16xi32>
    %select_n3A_1412 = arith.select %lt3A_1408, %add3A_1411, %broadcast_in_dim3A_1395 : vector<16xi1>, vector<16xi32>
    %reshape3A_1413 = vector.shape_cast %select_n3A_1412 : vector<16xi32> to vector<16x1xi32>
    %gather3A_1414 = vector.shape_cast %reshape3A_1413 : vector<16x1xi32> to vector<16xi32>
    %gather3A_1415 = tpu.dynamic_gather %convert_element_type3A_189[%gather3A_1414] in [0] : vector<16xf32>, vector<16xi32> -> vector<16xf32>
    %mul3A_1416 = arith.mulf %sub3A, %gather3A_1405 : vector<16xf32>
    %add3A_1417 = arith.addf %get3A_12, %mul3A_1416 : vector<16xf32>
    %add3A_1418 = arith.addf %add3A_1417, %get3A_99 : vector<16xf32>
    %mul3A_1419 = arith.mulf %sub3A_140, %gather3A_1415 : vector<16xf32>
    %add3A_1420 = arith.addf %add3A_1418, %mul3A_1419 : vector<16xf32>
    %swap3A_1421 = arith.constant 11 : i32
    %swap3A_1422 = arith.index_cast %swap3A_1421 : i32 to index
    %swap3A_1423 = arith.constant 0 : index
    %swap3A_1424 = tpu.vector_load %arg9[%swap3A_1422, %swap3A_1423] {strides = array<i32>} : memref<32x128xf32, #tpu.memory_space<vmem>>, vector<1x16xf32>,
    %swap3A_1425 = vector.shape_cast %swap3A_1424 : vector<1x16xf32> to vector<16xf32>
    %swap3A_1426 = vector.shape_cast %add3A_1420 : vector<16xf32> to vector<1x16xf32>
    tpu.vector_store %arg9[%swap3A_1422, %swap3A_1423], %swap3A_1426 {strides = array<i32>} : memref<32x128xf32, #tpu.memory_space<vmem>>, vector<1x16xf32>,
    %mul3A_1427 = arith.mulf %sub3A_58, %gather3A_1405 : vector<16xf32>
    %add3A_1428 = arith.addf %get3A_17, %mul3A_1427 : vector<16xf32>
    %add3A_1429 = arith.addf %add3A_1428, %get3A_104 : vector<16xf32>
    %mul3A_1430 = arith.mulf %sub3A_146, %gather3A_1415 : vector<16xf32>
    %add3A_1431 = arith.addf %add3A_1429, %mul3A_1430 : vector<16xf32>
    %swap3A_1432 = arith.constant 11 : i32
    %swap3A_1433 = arith.index_cast %swap3A_1432 : i32 to index
    %swap3A_1434 = arith.constant 16 : index
    %swap3A_1435 = tpu.vector_load %arg9[%swap3A_1433, %swap3A_1434] {strides = array<i32>} : memref<32x128xf32, #tpu.memory_space<vmem>>, vector<1x16xf32>,
    %swap3A_1436 = vector.shape_cast %swap3A_1435 : vector<1x16xf32> to vector<16xf32>
    %swap3A_1437 = vector.shape_cast %add3A_1431 : vector<16xf32> to vector<1x16xf32>
    tpu.vector_store %arg9[%swap3A_1433, %swap3A_1434], %swap3A_1437 {strides = array<i32>} : memref<32x128xf32, #tpu.memory_space<vmem>>, vector<1x16xf32>,
    %mul3A_1438 = arith.mulf %sub3A_64, %gather3A_1405 : vector<16xf32>
    %add3A_1439 = arith.addf %get3A_22, %mul3A_1438 : vector<16xf32>
    %add3A_1440 = arith.addf %add3A_1439, %get3A_109 : vector<16xf32>
    %mul3A_1441 = arith.mulf %sub3A_152, %gather3A_1415 : vector<16xf32>
    %add3A_1442 = arith.addf %add3A_1440, %mul3A_1441 : vector<16xf32>
    %swap3A_1443 = arith.constant 11 : i32
    %swap3A_1444 = arith.index_cast %swap3A_1443 : i32 to index
    %swap3A_1445 = arith.constant 32 : index
    %swap3A_1446 = tpu.vector_load %arg9[%swap3A_1444, %swap3A_1445] {strides = array<i32>} : memref<32x128xf32, #tpu.memory_space<vmem>>, vector<1x16xf32>,
    %swap3A_1447 = vector.shape_cast %swap3A_1446 : vector<1x16xf32> to vector<16xf32>
    %swap3A_1448 = vector.shape_cast %add3A_1442 : vector<16xf32> to vector<1x16xf32>
    tpu.vector_store %arg9[%swap3A_1444, %swap3A_1445], %swap3A_1448 {strides = array<i32>} : memref<32x128xf32, #tpu.memory_space<vmem>>, vector<1x16xf32>,
    %mul3A_1449 = arith.mulf %sub3A_70, %gather3A_1405 : vector<16xf32>
    %add3A_1450 = arith.addf %get3A_27, %mul3A_1449 : vector<16xf32>
    %add3A_1451 = arith.addf %add3A_1450, %get3A_114 : vector<16xf32>
    %mul3A_1452 = arith.mulf %sub3A_158, %gather3A_1415 : vector<16xf32>
    %add3A_1453 = arith.addf %add3A_1451, %mul3A_1452 : vector<16xf32>
    %swap3A_1454 = arith.constant 11 : i32
    %swap3A_1455 = arith.index_cast %swap3A_1454 : i32 to index
    %swap3A_1456 = arith.constant 48 : index
    %swap3A_1457 = tpu.vector_load %arg9[%swap3A_1455, %swap3A_1456] {strides = array<i32>} : memref<32x128xf32, #tpu.memory_space<vmem>>, vector<1x16xf32>,
    %swap3A_1458 = vector.shape_cast %swap3A_1457 : vector<1x16xf32> to vector<16xf32>
    %swap3A_1459 = vector.shape_cast %add3A_1453 : vector<16xf32> to vector<1x16xf32>
    tpu.vector_store %arg9[%swap3A_1455, %swap3A_1456], %swap3A_1459 {strides = array<i32>} : memref<32x128xf32, #tpu.memory_space<vmem>>, vector<1x16xf32>,
    %mul3A_1460 = arith.mulf %sub3A_76, %gather3A_1405 : vector<16xf32>
    %add3A_1461 = arith.addf %get3A_32, %mul3A_1460 : vector<16xf32>
    %add3A_1462 = arith.addf %add3A_1461, %get3A_119 : vector<16xf32>
    %mul3A_1463 = arith.mulf %sub3A_164, %gather3A_1415 : vector<16xf32>
    %add3A_1464 = arith.addf %add3A_1462, %mul3A_1463 : vector<16xf32>
    %swap3A_1465 = arith.constant 11 : i32
    %swap3A_1466 = arith.index_cast %swap3A_1465 : i32 to index
    %swap3A_1467 = arith.constant 64 : index
    %swap3A_1468 = tpu.vector_load %arg9[%swap3A_1466, %swap3A_1467] {strides = array<i32>} : memref<32x128xf32, #tpu.memory_space<vmem>>, vector<1x16xf32>,
    %swap3A_1469 = vector.shape_cast %swap3A_1468 : vector<1x16xf32> to vector<16xf32>
    %swap3A_1470 = vector.shape_cast %add3A_1464 : vector<16xf32> to vector<1x16xf32>
    tpu.vector_store %arg9[%swap3A_1466, %swap3A_1467], %swap3A_1470 {strides = array<i32>} : memref<32x128xf32, #tpu.memory_space<vmem>>, vector<1x16xf32>,
    %mul3A_1471 = arith.mulf %sub3A_82, %gather3A_1405 : vector<16xf32>
    %add3A_1472 = arith.addf %get3A_37, %mul3A_1471 : vector<16xf32>
    %add3A_1473 = arith.addf %add3A_1472, %get3A_124 : vector<16xf32>
    %mul3A_1474 = arith.mulf %sub3A_170, %gather3A_1415 : vector<16xf32>
    %add3A_1475 = arith.addf %add3A_1473, %mul3A_1474 : vector<16xf32>
    %swap3A_1476 = arith.constant 11 : i32
    %swap3A_1477 = arith.index_cast %swap3A_1476 : i32 to index
    %swap3A_1478 = arith.constant 80 : index
    %swap3A_1479 = tpu.vector_load %arg9[%swap3A_1477, %swap3A_1478] {strides = array<i32>} : memref<32x128xf32, #tpu.memory_space<vmem>>, vector<1x16xf32>,
    %swap3A_1480 = vector.shape_cast %swap3A_1479 : vector<1x16xf32> to vector<16xf32>
    %swap3A_1481 = vector.shape_cast %add3A_1475 : vector<16xf32> to vector<1x16xf32>
    tpu.vector_store %arg9[%swap3A_1477, %swap3A_1478], %swap3A_1481 {strides = array<i32>} : memref<32x128xf32, #tpu.memory_space<vmem>>, vector<1x16xf32>,
    %mul3A_1482 = arith.mulf %sub3A_88, %gather3A_1405 : vector<16xf32>
    %add3A_1483 = arith.addf %get3A_42, %mul3A_1482 : vector<16xf32>
    %add3A_1484 = arith.addf %add3A_1483, %get3A_129 : vector<16xf32>
    %mul3A_1485 = arith.mulf %sub3A_176, %gather3A_1415 : vector<16xf32>
    %add3A_1486 = arith.addf %add3A_1484, %mul3A_1485 : vector<16xf32>
    %swap3A_1487 = arith.constant 11 : i32
    %swap3A_1488 = arith.index_cast %swap3A_1487 : i32 to index
    %swap3A_1489 = arith.constant 96 : index
    %swap3A_1490 = tpu.vector_load %arg9[%swap3A_1488, %swap3A_1489] {strides = array<i32>} : memref<32x128xf32, #tpu.memory_space<vmem>>, vector<1x16xf32>,
    %swap3A_1491 = vector.shape_cast %swap3A_1490 : vector<1x16xf32> to vector<16xf32>
    %swap3A_1492 = vector.shape_cast %add3A_1486 : vector<16xf32> to vector<1x16xf32>
    tpu.vector_store %arg9[%swap3A_1488, %swap3A_1489], %swap3A_1492 {strides = array<i32>} : memref<32x128xf32, #tpu.memory_space<vmem>>, vector<1x16xf32>,
    %mul3A_1493 = arith.mulf %sub3A_94, %gather3A_1405 : vector<16xf32>
    %add3A_1494 = arith.addf %get3A_47, %mul3A_1493 : vector<16xf32>
    %add3A_1495 = arith.addf %add3A_1494, %get3A_134 : vector<16xf32>
    %mul3A_1496 = arith.mulf %sub3A_182, %gather3A_1415 : vector<16xf32>
    %add3A_1497 = arith.addf %add3A_1495, %mul3A_1496 : vector<16xf32>
    %swap3A_1498 = arith.constant 11 : i32
    %swap3A_1499 = arith.index_cast %swap3A_1498 : i32 to index
    %swap3A_1500 = arith.constant 112 : index
    %swap3A_1501 = tpu.vector_load %arg9[%swap3A_1499, %swap3A_1500] {strides = array<i32>} : memref<32x128xf32, #tpu.memory_space<vmem>>, vector<1x16xf32>,
    %swap3A_1502 = vector.shape_cast %swap3A_1501 : vector<1x16xf32> to vector<16xf32>
    %swap3A_1503 = vector.shape_cast %add3A_1497 : vector<16xf32> to vector<1x16xf32>
    tpu.vector_store %arg9[%swap3A_1499, %swap3A_1500], %swap3A_1503 {strides = array<i32>} : memref<32x128xf32, #tpu.memory_space<vmem>>, vector<1x16xf32>,
    %broadcast_in_dim3A_1504 = arith.constant 12 : i32
    %broadcast_in_dim3A_1505 = vector.broadcast %broadcast_in_dim3A_1504 : i32 to vector<16xi32>
    %lt3A_1506 = arith.constant 0 : i32
    %lt3A_1507 = vector.broadcast %lt3A_1506 : i32 to vector<16xi32>
    %lt3A_1508 = arith.cmpi slt, %broadcast_in_dim3A_1505, %lt3A_1507 : vector<16xi32>
    %add3A_1509 = arith.constant 16 : i32
    %add3A_1510 = vector.broadcast %add3A_1509 : i32 to vector<16xi32>
    %add3A_1511 = arith.addi %broadcast_in_dim3A_1505, %add3A_1510 : vector<16xi32>
    %select_n3A_1512 = arith.select %lt3A_1508, %add3A_1511, %broadcast_in_dim3A_1505 : vector<16xi1>, vector<16xi32>
    %reshape3A_1513 = vector.shape_cast %select_n3A_1512 : vector<16xi32> to vector<16x1xi32>
    %gather3A_1514 = vector.shape_cast %reshape3A_1513 : vector<16x1xi32> to vector<16xi32>
    %gather3A_1515 = tpu.dynamic_gather %convert_element_type3A[%gather3A_1514] in [0] : vector<16xf32>, vector<16xi32> -> vector<16xf32>
    %lt3A_1516 = arith.constant 0 : i32
    %lt3A_1517 = vector.broadcast %lt3A_1516 : i32 to vector<16xi32>
    %lt3A_1518 = arith.cmpi slt, %broadcast_in_dim3A_1505, %lt3A_1517 : vector<16xi32>
    %add3A_1519 = arith.constant 16 : i32
    %add3A_1520 = vector.broadcast %add3A_1519 : i32 to vector<16xi32>
    %add3A_1521 = arith.addi %broadcast_in_dim3A_1505, %add3A_1520 : vector<16xi32>
    %select_n3A_1522 = arith.select %lt3A_1518, %add3A_1521, %broadcast_in_dim3A_1505 : vector<16xi1>, vector<16xi32>
    %reshape3A_1523 = vector.shape_cast %select_n3A_1522 : vector<16xi32> to vector<16x1xi32>
    %gather3A_1524 = vector.shape_cast %reshape3A_1523 : vector<16x1xi32> to vector<16xi32>
    %gather3A_1525 = tpu.dynamic_gather %convert_element_type3A_189[%gather3A_1524] in [0] : vector<16xf32>, vector<16xi32> -> vector<16xf32>
    %mul3A_1526 = arith.mulf %sub3A, %gather3A_1515 : vector<16xf32>
    %add3A_1527 = arith.addf %get3A_12, %mul3A_1526 : vector<16xf32>
    %add3A_1528 = arith.addf %add3A_1527, %get3A_99 : vector<16xf32>
    %mul3A_1529 = arith.mulf %sub3A_140, %gather3A_1525 : vector<16xf32>
    %add3A_1530 = arith.addf %add3A_1528, %mul3A_1529 : vector<16xf32>
    %swap3A_1531 = arith.constant 12 : i32
    %swap3A_1532 = arith.index_cast %swap3A_1531 : i32 to index
    %swap3A_1533 = arith.constant 0 : index
    %swap3A_1534 = tpu.vector_load %arg9[%swap3A_1532, %swap3A_1533] {strides = array<i32>} : memref<32x128xf32, #tpu.memory_space<vmem>>, vector<1x16xf32>,
    %swap3A_1535 = vector.shape_cast %swap3A_1534 : vector<1x16xf32> to vector<16xf32>
    %swap3A_1536 = vector.shape_cast %add3A_1530 : vector<16xf32> to vector<1x16xf32>
    tpu.vector_store %arg9[%swap3A_1532, %swap3A_1533], %swap3A_1536 {strides = array<i32>} : memref<32x128xf32, #tpu.memory_space<vmem>>, vector<1x16xf32>,
    %mul3A_1537 = arith.mulf %sub3A_58, %gather3A_1515 : vector<16xf32>
    %add3A_1538 = arith.addf %get3A_17, %mul3A_1537 : vector<16xf32>
    %add3A_1539 = arith.addf %add3A_1538, %get3A_104 : vector<16xf32>
    %mul3A_1540 = arith.mulf %sub3A_146, %gather3A_1525 : vector<16xf32>
    %add3A_1541 = arith.addf %add3A_1539, %mul3A_1540 : vector<16xf32>
    %swap3A_1542 = arith.constant 12 : i32
    %swap3A_1543 = arith.index_cast %swap3A_1542 : i32 to index
    %swap3A_1544 = arith.constant 16 : index
    %swap3A_1545 = tpu.vector_load %arg9[%swap3A_1543, %swap3A_1544] {strides = array<i32>} : memref<32x128xf32, #tpu.memory_space<vmem>>, vector<1x16xf32>,
    %swap3A_1546 = vector.shape_cast %swap3A_1545 : vector<1x16xf32> to vector<16xf32>
    %swap3A_1547 = vector.shape_cast %add3A_1541 : vector<16xf32> to vector<1x16xf32>
    tpu.vector_store %arg9[%swap3A_1543, %swap3A_1544], %swap3A_1547 {strides = array<i32>} : memref<32x128xf32, #tpu.memory_space<vmem>>, vector<1x16xf32>,
    %mul3A_1548 = arith.mulf %sub3A_64, %gather3A_1515 : vector<16xf32>
    %add3A_1549 = arith.addf %get3A_22, %mul3A_1548 : vector<16xf32>
    %add3A_1550 = arith.addf %add3A_1549, %get3A_109 : vector<16xf32>
    %mul3A_1551 = arith.mulf %sub3A_152, %gather3A_1525 : vector<16xf32>
    %add3A_1552 = arith.addf %add3A_1550, %mul3A_1551 : vector<16xf32>
    %swap3A_1553 = arith.constant 12 : i32
    %swap3A_1554 = arith.index_cast %swap3A_1553 : i32 to index
    %swap3A_1555 = arith.constant 32 : index
    %swap3A_1556 = tpu.vector_load %arg9[%swap3A_1554, %swap3A_1555] {strides = array<i32>} : memref<32x128xf32, #tpu.memory_space<vmem>>, vector<1x16xf32>,
    %swap3A_1557 = vector.shape_cast %swap3A_1556 : vector<1x16xf32> to vector<16xf32>
    %swap3A_1558 = vector.shape_cast %add3A_1552 : vector<16xf32> to vector<1x16xf32>
    tpu.vector_store %arg9[%swap3A_1554, %swap3A_1555], %swap3A_1558 {strides = array<i32>} : memref<32x128xf32, #tpu.memory_space<vmem>>, vector<1x16xf32>,
    %mul3A_1559 = arith.mulf %sub3A_70, %gather3A_1515 : vector<16xf32>
    %add3A_1560 = arith.addf %get3A_27, %mul3A_1559 : vector<16xf32>
    %add3A_1561 = arith.addf %add3A_1560, %get3A_114 : vector<16xf32>
    %mul3A_1562 = arith.mulf %sub3A_158, %gather3A_1525 : vector<16xf32>
    %add3A_1563 = arith.addf %add3A_1561, %mul3A_1562 : vector<16xf32>
    %swap3A_1564 = arith.constant 12 : i32
    %swap3A_1565 = arith.index_cast %swap3A_1564 : i32 to index
    %swap3A_1566 = arith.constant 48 : index
    %swap3A_1567 = tpu.vector_load %arg9[%swap3A_1565, %swap3A_1566] {strides = array<i32>} : memref<32x128xf32, #tpu.memory_space<vmem>>, vector<1x16xf32>,
    %swap3A_1568 = vector.shape_cast %swap3A_1567 : vector<1x16xf32> to vector<16xf32>
    %swap3A_1569 = vector.shape_cast %add3A_1563 : vector<16xf32> to vector<1x16xf32>
    tpu.vector_store %arg9[%swap3A_1565, %swap3A_1566], %swap3A_1569 {strides = array<i32>} : memref<32x128xf32, #tpu.memory_space<vmem>>, vector<1x16xf32>,
    %mul3A_1570 = arith.mulf %sub3A_76, %gather3A_1515 : vector<16xf32>
    %add3A_1571 = arith.addf %get3A_32, %mul3A_1570 : vector<16xf32>
    %add3A_1572 = arith.addf %add3A_1571, %get3A_119 : vector<16xf32>
    %mul3A_1573 = arith.mulf %sub3A_164, %gather3A_1525 : vector<16xf32>
    %add3A_1574 = arith.addf %add3A_1572, %mul3A_1573 : vector<16xf32>
    %swap3A_1575 = arith.constant 12 : i32
    %swap3A_1576 = arith.index_cast %swap3A_1575 : i32 to index
    %swap3A_1577 = arith.constant 64 : index
    %swap3A_1578 = tpu.vector_load %arg9[%swap3A_1576, %swap3A_1577] {strides = array<i32>} : memref<32x128xf32, #tpu.memory_space<vmem>>, vector<1x16xf32>,
    %swap3A_1579 = vector.shape_cast %swap3A_1578 : vector<1x16xf32> to vector<16xf32>
    %swap3A_1580 = vector.shape_cast %add3A_1574 : vector<16xf32> to vector<1x16xf32>
    tpu.vector_store %arg9[%swap3A_1576, %swap3A_1577], %swap3A_1580 {strides = array<i32>} : memref<32x128xf32, #tpu.memory_space<vmem>>, vector<1x16xf32>,
    %mul3A_1581 = arith.mulf %sub3A_82, %gather3A_1515 : vector<16xf32>
    %add3A_1582 = arith.addf %get3A_37, %mul3A_1581 : vector<16xf32>
    %add3A_1583 = arith.addf %add3A_1582, %get3A_124 : vector<16xf32>
    %mul3A_1584 = arith.mulf %sub3A_170, %gather3A_1525 : vector<16xf32>
    %add3A_1585 = arith.addf %add3A_1583, %mul3A_1584 : vector<16xf32>
    %swap3A_1586 = arith.constant 12 : i32
    %swap3A_1587 = arith.index_cast %swap3A_1586 : i32 to index
    %swap3A_1588 = arith.constant 80 : index
    %swap3A_1589 = tpu.vector_load %arg9[%swap3A_1587, %swap3A_1588] {strides = array<i32>} : memref<32x128xf32, #tpu.memory_space<vmem>>, vector<1x16xf32>,
    %swap3A_1590 = vector.shape_cast %swap3A_1589 : vector<1x16xf32> to vector<16xf32>
    %swap3A_1591 = vector.shape_cast %add3A_1585 : vector<16xf32> to vector<1x16xf32>
    tpu.vector_store %arg9[%swap3A_1587, %swap3A_1588], %swap3A_1591 {strides = array<i32>} : memref<32x128xf32, #tpu.memory_space<vmem>>, vector<1x16xf32>,
    %mul3A_1592 = arith.mulf %sub3A_88, %gather3A_1515 : vector<16xf32>
    %add3A_1593 = arith.addf %get3A_42, %mul3A_1592 : vector<16xf32>
    %add3A_1594 = arith.addf %add3A_1593, %get3A_129 : vector<16xf32>
    %mul3A_1595 = arith.mulf %sub3A_176, %gather3A_1525 : vector<16xf32>
    %add3A_1596 = arith.addf %add3A_1594, %mul3A_1595 : vector<16xf32>
    %swap3A_1597 = arith.constant 12 : i32
    %swap3A_1598 = arith.index_cast %swap3A_1597 : i32 to index
    %swap3A_1599 = arith.constant 96 : index
    %swap3A_1600 = tpu.vector_load %arg9[%swap3A_1598, %swap3A_1599] {strides = array<i32>} : memref<32x128xf32, #tpu.memory_space<vmem>>, vector<1x16xf32>,
    %swap3A_1601 = vector.shape_cast %swap3A_1600 : vector<1x16xf32> to vector<16xf32>
    %swap3A_1602 = vector.shape_cast %add3A_1596 : vector<16xf32> to vector<1x16xf32>
    tpu.vector_store %arg9[%swap3A_1598, %swap3A_1599], %swap3A_1602 {strides = array<i32>} : memref<32x128xf32, #tpu.memory_space<vmem>>, vector<1x16xf32>,
    %mul3A_1603 = arith.mulf %sub3A_94, %gather3A_1515 : vector<16xf32>
    %add3A_1604 = arith.addf %get3A_47, %mul3A_1603 : vector<16xf32>
    %add3A_1605 = arith.addf %add3A_1604, %get3A_134 : vector<16xf32>
    %mul3A_1606 = arith.mulf %sub3A_182, %gather3A_1525 : vector<16xf32>
    %add3A_1607 = arith.addf %add3A_1605, %mul3A_1606 : vector<16xf32>
    %swap3A_1608 = arith.constant 12 : i32
    %swap3A_1609 = arith.index_cast %swap3A_1608 : i32 to index
    %swap3A_1610 = arith.constant 112 : index
    %swap3A_1611 = tpu.vector_load %arg9[%swap3A_1609, %swap3A_1610] {strides = array<i32>} : memref<32x128xf32, #tpu.memory_space<vmem>>, vector<1x16xf32>,
    %swap3A_1612 = vector.shape_cast %swap3A_1611 : vector<1x16xf32> to vector<16xf32>
    %swap3A_1613 = vector.shape_cast %add3A_1607 : vector<16xf32> to vector<1x16xf32>
    tpu.vector_store %arg9[%swap3A_1609, %swap3A_1610], %swap3A_1613 {strides = array<i32>} : memref<32x128xf32, #tpu.memory_space<vmem>>, vector<1x16xf32>,
    %broadcast_in_dim3A_1614 = arith.constant 13 : i32
    %broadcast_in_dim3A_1615 = vector.broadcast %broadcast_in_dim3A_1614 : i32 to vector<16xi32>
    %lt3A_1616 = arith.constant 0 : i32
    %lt3A_1617 = vector.broadcast %lt3A_1616 : i32 to vector<16xi32>
    %lt3A_1618 = arith.cmpi slt, %broadcast_in_dim3A_1615, %lt3A_1617 : vector<16xi32>
    %add3A_1619 = arith.constant 16 : i32
    %add3A_1620 = vector.broadcast %add3A_1619 : i32 to vector<16xi32>
    %add3A_1621 = arith.addi %broadcast_in_dim3A_1615, %add3A_1620 : vector<16xi32>
    %select_n3A_1622 = arith.select %lt3A_1618, %add3A_1621, %broadcast_in_dim3A_1615 : vector<16xi1>, vector<16xi32>
    %reshape3A_1623 = vector.shape_cast %select_n3A_1622 : vector<16xi32> to vector<16x1xi32>
    %gather3A_1624 = vector.shape_cast %reshape3A_1623 : vector<16x1xi32> to vector<16xi32>
    %gather3A_1625 = tpu.dynamic_gather %convert_element_type3A[%gather3A_1624] in [0] : vector<16xf32>, vector<16xi32> -> vector<16xf32>
    %lt3A_1626 = arith.constant 0 : i32
    %lt3A_1627 = vector.broadcast %lt3A_1626 : i32 to vector<16xi32>
    %lt3A_1628 = arith.cmpi slt, %broadcast_in_dim3A_1615, %lt3A_1627 : vector<16xi32>
    %add3A_1629 = arith.constant 16 : i32
    %add3A_1630 = vector.broadcast %add3A_1629 : i32 to vector<16xi32>
    %add3A_1631 = arith.addi %broadcast_in_dim3A_1615, %add3A_1630 : vector<16xi32>
    %select_n3A_1632 = arith.select %lt3A_1628, %add3A_1631, %broadcast_in_dim3A_1615 : vector<16xi1>, vector<16xi32>
    %reshape3A_1633 = vector.shape_cast %select_n3A_1632 : vector<16xi32> to vector<16x1xi32>
    %gather3A_1634 = vector.shape_cast %reshape3A_1633 : vector<16x1xi32> to vector<16xi32>
    %gather3A_1635 = tpu.dynamic_gather %convert_element_type3A_189[%gather3A_1634] in [0] : vector<16xf32>, vector<16xi32> -> vector<16xf32>
    %mul3A_1636 = arith.mulf %sub3A, %gather3A_1625 : vector<16xf32>
    %add3A_1637 = arith.addf %get3A_12, %mul3A_1636 : vector<16xf32>
    %add3A_1638 = arith.addf %add3A_1637, %get3A_99 : vector<16xf32>
    %mul3A_1639 = arith.mulf %sub3A_140, %gather3A_1635 : vector<16xf32>
    %add3A_1640 = arith.addf %add3A_1638, %mul3A_1639 : vector<16xf32>
    %swap3A_1641 = arith.constant 13 : i32
    %swap3A_1642 = arith.index_cast %swap3A_1641 : i32 to index
    %swap3A_1643 = arith.constant 0 : index
    %swap3A_1644 = tpu.vector_load %arg9[%swap3A_1642, %swap3A_1643] {strides = array<i32>} : memref<32x128xf32, #tpu.memory_space<vmem>>, vector<1x16xf32>,
    %swap3A_1645 = vector.shape_cast %swap3A_1644 : vector<1x16xf32> to vector<16xf32>
    %swap3A_1646 = vector.shape_cast %add3A_1640 : vector<16xf32> to vector<1x16xf32>
    tpu.vector_store %arg9[%swap3A_1642, %swap3A_1643], %swap3A_1646 {strides = array<i32>} : memref<32x128xf32, #tpu.memory_space<vmem>>, vector<1x16xf32>,
    %mul3A_1647 = arith.mulf %sub3A_58, %gather3A_1625 : vector<16xf32>
    %add3A_1648 = arith.addf %get3A_17, %mul3A_1647 : vector<16xf32>
    %add3A_1649 = arith.addf %add3A_1648, %get3A_104 : vector<16xf32>
    %mul3A_1650 = arith.mulf %sub3A_146, %gather3A_1635 : vector<16xf32>
    %add3A_1651 = arith.addf %add3A_1649, %mul3A_1650 : vector<16xf32>
    %swap3A_1652 = arith.constant 13 : i32
    %swap3A_1653 = arith.index_cast %swap3A_1652 : i32 to index
    %swap3A_1654 = arith.constant 16 : index
    %swap3A_1655 = tpu.vector_load %arg9[%swap3A_1653, %swap3A_1654] {strides = array<i32>} : memref<32x128xf32, #tpu.memory_space<vmem>>, vector<1x16xf32>,
    %swap3A_1656 = vector.shape_cast %swap3A_1655 : vector<1x16xf32> to vector<16xf32>
    %swap3A_1657 = vector.shape_cast %add3A_1651 : vector<16xf32> to vector<1x16xf32>
    tpu.vector_store %arg9[%swap3A_1653, %swap3A_1654], %swap3A_1657 {strides = array<i32>} : memref<32x128xf32, #tpu.memory_space<vmem>>, vector<1x16xf32>,
    %mul3A_1658 = arith.mulf %sub3A_64, %gather3A_1625 : vector<16xf32>
    %add3A_1659 = arith.addf %get3A_22, %mul3A_1658 : vector<16xf32>
    %add3A_1660 = arith.addf %add3A_1659, %get3A_109 : vector<16xf32>
    %mul3A_1661 = arith.mulf %sub3A_152, %gather3A_1635 : vector<16xf32>
    %add3A_1662 = arith.addf %add3A_1660, %mul3A_1661 : vector<16xf32>
    %swap3A_1663 = arith.constant 13 : i32
    %swap3A_1664 = arith.index_cast %swap3A_1663 : i32 to index
    %swap3A_1665 = arith.constant 32 : index
    %swap3A_1666 = tpu.vector_load %arg9[%swap3A_1664, %swap3A_1665] {strides = array<i32>} : memref<32x128xf32, #tpu.memory_space<vmem>>, vector<1x16xf32>,
    %swap3A_1667 = vector.shape_cast %swap3A_1666 : vector<1x16xf32> to vector<16xf32>
    %swap3A_1668 = vector.shape_cast %add3A_1662 : vector<16xf32> to vector<1x16xf32>
    tpu.vector_store %arg9[%swap3A_1664, %swap3A_1665], %swap3A_1668 {strides = array<i32>} : memref<32x128xf32, #tpu.memory_space<vmem>>, vector<1x16xf32>,
    %mul3A_1669 = arith.mulf %sub3A_70, %gather3A_1625 : vector<16xf32>
    %add3A_1670 = arith.addf %get3A_27, %mul3A_1669 : vector<16xf32>
    %add3A_1671 = arith.addf %add3A_1670, %get3A_114 : vector<16xf32>
    %mul3A_1672 = arith.mulf %sub3A_158, %gather3A_1635 : vector<16xf32>
    %add3A_1673 = arith.addf %add3A_1671, %mul3A_1672 : vector<16xf32>
    %swap3A_1674 = arith.constant 13 : i32
    %swap3A_1675 = arith.index_cast %swap3A_1674 : i32 to index
    %swap3A_1676 = arith.constant 48 : index
    %swap3A_1677 = tpu.vector_load %arg9[%swap3A_1675, %swap3A_1676] {strides = array<i32>} : memref<32x128xf32, #tpu.memory_space<vmem>>, vector<1x16xf32>,
    %swap3A_1678 = vector.shape_cast %swap3A_1677 : vector<1x16xf32> to vector<16xf32>
    %swap3A_1679 = vector.shape_cast %add3A_1673 : vector<16xf32> to vector<1x16xf32>
    tpu.vector_store %arg9[%swap3A_1675, %swap3A_1676], %swap3A_1679 {strides = array<i32>} : memref<32x128xf32, #tpu.memory_space<vmem>>, vector<1x16xf32>,
    %mul3A_1680 = arith.mulf %sub3A_76, %gather3A_1625 : vector<16xf32>
    %add3A_1681 = arith.addf %get3A_32, %mul3A_1680 : vector<16xf32>
    %add3A_1682 = arith.addf %add3A_1681, %get3A_119 : vector<16xf32>
    %mul3A_1683 = arith.mulf %sub3A_164, %gather3A_1635 : vector<16xf32>
    %add3A_1684 = arith.addf %add3A_1682, %mul3A_1683 : vector<16xf32>
    %swap3A_1685 = arith.constant 13 : i32
    %swap3A_1686 = arith.index_cast %swap3A_1685 : i32 to index
    %swap3A_1687 = arith.constant 64 : index
    %swap3A_1688 = tpu.vector_load %arg9[%swap3A_1686, %swap3A_1687] {strides = array<i32>} : memref<32x128xf32, #tpu.memory_space<vmem>>, vector<1x16xf32>,
    %swap3A_1689 = vector.shape_cast %swap3A_1688 : vector<1x16xf32> to vector<16xf32>
    %swap3A_1690 = vector.shape_cast %add3A_1684 : vector<16xf32> to vector<1x16xf32>
    tpu.vector_store %arg9[%swap3A_1686, %swap3A_1687], %swap3A_1690 {strides = array<i32>} : memref<32x128xf32, #tpu.memory_space<vmem>>, vector<1x16xf32>,
    %mul3A_1691 = arith.mulf %sub3A_82, %gather3A_1625 : vector<16xf32>
    %add3A_1692 = arith.addf %get3A_37, %mul3A_1691 : vector<16xf32>
    %add3A_1693 = arith.addf %add3A_1692, %get3A_124 : vector<16xf32>
    %mul3A_1694 = arith.mulf %sub3A_170, %gather3A_1635 : vector<16xf32>
    %add3A_1695 = arith.addf %add3A_1693, %mul3A_1694 : vector<16xf32>
    %swap3A_1696 = arith.constant 13 : i32
    %swap3A_1697 = arith.index_cast %swap3A_1696 : i32 to index
    %swap3A_1698 = arith.constant 80 : index
    %swap3A_1699 = tpu.vector_load %arg9[%swap3A_1697, %swap3A_1698] {strides = array<i32>} : memref<32x128xf32, #tpu.memory_space<vmem>>, vector<1x16xf32>,
    %swap3A_1700 = vector.shape_cast %swap3A_1699 : vector<1x16xf32> to vector<16xf32>
    %swap3A_1701 = vector.shape_cast %add3A_1695 : vector<16xf32> to vector<1x16xf32>
    tpu.vector_store %arg9[%swap3A_1697, %swap3A_1698], %swap3A_1701 {strides = array<i32>} : memref<32x128xf32, #tpu.memory_space<vmem>>, vector<1x16xf32>,
    %mul3A_1702 = arith.mulf %sub3A_88, %gather3A_1625 : vector<16xf32>
    %add3A_1703 = arith.addf %get3A_42, %mul3A_1702 : vector<16xf32>
    %add3A_1704 = arith.addf %add3A_1703, %get3A_129 : vector<16xf32>
    %mul3A_1705 = arith.mulf %sub3A_176, %gather3A_1635 : vector<16xf32>
    %add3A_1706 = arith.addf %add3A_1704, %mul3A_1705 : vector<16xf32>
    %swap3A_1707 = arith.constant 13 : i32
    %swap3A_1708 = arith.index_cast %swap3A_1707 : i32 to index
    %swap3A_1709 = arith.constant 96 : index
    %swap3A_1710 = tpu.vector_load %arg9[%swap3A_1708, %swap3A_1709] {strides = array<i32>} : memref<32x128xf32, #tpu.memory_space<vmem>>, vector<1x16xf32>,
    %swap3A_1711 = vector.shape_cast %swap3A_1710 : vector<1x16xf32> to vector<16xf32>
    %swap3A_1712 = vector.shape_cast %add3A_1706 : vector<16xf32> to vector<1x16xf32>
    tpu.vector_store %arg9[%swap3A_1708, %swap3A_1709], %swap3A_1712 {strides = array<i32>} : memref<32x128xf32, #tpu.memory_space<vmem>>, vector<1x16xf32>,
    %mul3A_1713 = arith.mulf %sub3A_94, %gather3A_1625 : vector<16xf32>
    %add3A_1714 = arith.addf %get3A_47, %mul3A_1713 : vector<16xf32>
    %add3A_1715 = arith.addf %add3A_1714, %get3A_134 : vector<16xf32>
    %mul3A_1716 = arith.mulf %sub3A_182, %gather3A_1635 : vector<16xf32>
    %add3A_1717 = arith.addf %add3A_1715, %mul3A_1716 : vector<16xf32>
    %swap3A_1718 = arith.constant 13 : i32
    %swap3A_1719 = arith.index_cast %swap3A_1718 : i32 to index
    %swap3A_1720 = arith.constant 112 : index
    %swap3A_1721 = tpu.vector_load %arg9[%swap3A_1719, %swap3A_1720] {strides = array<i32>} : memref<32x128xf32, #tpu.memory_space<vmem>>, vector<1x16xf32>,
    %swap3A_1722 = vector.shape_cast %swap3A_1721 : vector<1x16xf32> to vector<16xf32>
    %swap3A_1723 = vector.shape_cast %add3A_1717 : vector<16xf32> to vector<1x16xf32>
    tpu.vector_store %arg9[%swap3A_1719, %swap3A_1720], %swap3A_1723 {strides = array<i32>} : memref<32x128xf32, #tpu.memory_space<vmem>>, vector<1x16xf32>,
    %broadcast_in_dim3A_1724 = arith.constant 14 : i32
    %broadcast_in_dim3A_1725 = vector.broadcast %broadcast_in_dim3A_1724 : i32 to vector<16xi32>
    %lt3A_1726 = arith.constant 0 : i32
    %lt3A_1727 = vector.broadcast %lt3A_1726 : i32 to vector<16xi32>
    %lt3A_1728 = arith.cmpi slt, %broadcast_in_dim3A_1725, %lt3A_1727 : vector<16xi32>
    %add3A_1729 = arith.constant 16 : i32
    %add3A_1730 = vector.broadcast %add3A_1729 : i32 to vector<16xi32>
    %add3A_1731 = arith.addi %broadcast_in_dim3A_1725, %add3A_1730 : vector<16xi32>
    %select_n3A_1732 = arith.select %lt3A_1728, %add3A_1731, %broadcast_in_dim3A_1725 : vector<16xi1>, vector<16xi32>
    %reshape3A_1733 = vector.shape_cast %select_n3A_1732 : vector<16xi32> to vector<16x1xi32>
    %gather3A_1734 = vector.shape_cast %reshape3A_1733 : vector<16x1xi32> to vector<16xi32>
    %gather3A_1735 = tpu.dynamic_gather %convert_element_type3A[%gather3A_1734] in [0] : vector<16xf32>, vector<16xi32> -> vector<16xf32>
    %lt3A_1736 = arith.constant 0 : i32
    %lt3A_1737 = vector.broadcast %lt3A_1736 : i32 to vector<16xi32>
    %lt3A_1738 = arith.cmpi slt, %broadcast_in_dim3A_1725, %lt3A_1737 : vector<16xi32>
    %add3A_1739 = arith.constant 16 : i32
    %add3A_1740 = vector.broadcast %add3A_1739 : i32 to vector<16xi32>
    %add3A_1741 = arith.addi %broadcast_in_dim3A_1725, %add3A_1740 : vector<16xi32>
    %select_n3A_1742 = arith.select %lt3A_1738, %add3A_1741, %broadcast_in_dim3A_1725 : vector<16xi1>, vector<16xi32>
    %reshape3A_1743 = vector.shape_cast %select_n3A_1742 : vector<16xi32> to vector<16x1xi32>
    %gather3A_1744 = vector.shape_cast %reshape3A_1743 : vector<16x1xi32> to vector<16xi32>
    %gather3A_1745 = tpu.dynamic_gather %convert_element_type3A_189[%gather3A_1744] in [0] : vector<16xf32>, vector<16xi32> -> vector<16xf32>
    %mul3A_1746 = arith.mulf %sub3A, %gather3A_1735 : vector<16xf32>
    %add3A_1747 = arith.addf %get3A_12, %mul3A_1746 : vector<16xf32>
    %add3A_1748 = arith.addf %add3A_1747, %get3A_99 : vector<16xf32>
    %mul3A_1749 = arith.mulf %sub3A_140, %gather3A_1745 : vector<16xf32>
    %add3A_1750 = arith.addf %add3A_1748, %mul3A_1749 : vector<16xf32>
    %swap3A_1751 = arith.constant 14 : i32
    %swap3A_1752 = arith.index_cast %swap3A_1751 : i32 to index
    %swap3A_1753 = arith.constant 0 : index
    %swap3A_1754 = tpu.vector_load %arg9[%swap3A_1752, %swap3A_1753] {strides = array<i32>} : memref<32x128xf32, #tpu.memory_space<vmem>>, vector<1x16xf32>,
    %swap3A_1755 = vector.shape_cast %swap3A_1754 : vector<1x16xf32> to vector<16xf32>
    %swap3A_1756 = vector.shape_cast %add3A_1750 : vector<16xf32> to vector<1x16xf32>
    tpu.vector_store %arg9[%swap3A_1752, %swap3A_1753], %swap3A_1756 {strides = array<i32>} : memref<32x128xf32, #tpu.memory_space<vmem>>, vector<1x16xf32>,
    %mul3A_1757 = arith.mulf %sub3A_58, %gather3A_1735 : vector<16xf32>
    %add3A_1758 = arith.addf %get3A_17, %mul3A_1757 : vector<16xf32>
    %add3A_1759 = arith.addf %add3A_1758, %get3A_104 : vector<16xf32>
    %mul3A_1760 = arith.mulf %sub3A_146, %gather3A_1745 : vector<16xf32>
    %add3A_1761 = arith.addf %add3A_1759, %mul3A_1760 : vector<16xf32>
    %swap3A_1762 = arith.constant 14 : i32
    %swap3A_1763 = arith.index_cast %swap3A_1762 : i32 to index
    %swap3A_1764 = arith.constant 16 : index
    %swap3A_1765 = tpu.vector_load %arg9[%swap3A_1763, %swap3A_1764] {strides = array<i32>} : memref<32x128xf32, #tpu.memory_space<vmem>>, vector<1x16xf32>,
    %swap3A_1766 = vector.shape_cast %swap3A_1765 : vector<1x16xf32> to vector<16xf32>
    %swap3A_1767 = vector.shape_cast %add3A_1761 : vector<16xf32> to vector<1x16xf32>
    tpu.vector_store %arg9[%swap3A_1763, %swap3A_1764], %swap3A_1767 {strides = array<i32>} : memref<32x128xf32, #tpu.memory_space<vmem>>, vector<1x16xf32>,
    %mul3A_1768 = arith.mulf %sub3A_64, %gather3A_1735 : vector<16xf32>
    %add3A_1769 = arith.addf %get3A_22, %mul3A_1768 : vector<16xf32>
    %add3A_1770 = arith.addf %add3A_1769, %get3A_109 : vector<16xf32>
    %mul3A_1771 = arith.mulf %sub3A_152, %gather3A_1745 : vector<16xf32>
    %add3A_1772 = arith.addf %add3A_1770, %mul3A_1771 : vector<16xf32>
    %swap3A_1773 = arith.constant 14 : i32
    %swap3A_1774 = arith.index_cast %swap3A_1773 : i32 to index
    %swap3A_1775 = arith.constant 32 : index
    %swap3A_1776 = tpu.vector_load %arg9[%swap3A_1774, %swap3A_1775] {strides = array<i32>} : memref<32x128xf32, #tpu.memory_space<vmem>>, vector<1x16xf32>,
    %swap3A_1777 = vector.shape_cast %swap3A_1776 : vector<1x16xf32> to vector<16xf32>
    %swap3A_1778 = vector.shape_cast %add3A_1772 : vector<16xf32> to vector<1x16xf32>
    tpu.vector_store %arg9[%swap3A_1774, %swap3A_1775], %swap3A_1778 {strides = array<i32>} : memref<32x128xf32, #tpu.memory_space<vmem>>, vector<1x16xf32>,
    %mul3A_1779 = arith.mulf %sub3A_70, %gather3A_1735 : vector<16xf32>
    %add3A_1780 = arith.addf %get3A_27, %mul3A_1779 : vector<16xf32>
    %add3A_1781 = arith.addf %add3A_1780, %get3A_114 : vector<16xf32>
    %mul3A_1782 = arith.mulf %sub3A_158, %gather3A_1745 : vector<16xf32>
    %add3A_1783 = arith.addf %add3A_1781, %mul3A_1782 : vector<16xf32>
    %swap3A_1784 = arith.constant 14 : i32
    %swap3A_1785 = arith.index_cast %swap3A_1784 : i32 to index
    %swap3A_1786 = arith.constant 48 : index
    %swap3A_1787 = tpu.vector_load %arg9[%swap3A_1785, %swap3A_1786] {strides = array<i32>} : memref<32x128xf32, #tpu.memory_space<vmem>>, vector<1x16xf32>,
    %swap3A_1788 = vector.shape_cast %swap3A_1787 : vector<1x16xf32> to vector<16xf32>
    %swap3A_1789 = vector.shape_cast %add3A_1783 : vector<16xf32> to vector<1x16xf32>
    tpu.vector_store %arg9[%swap3A_1785, %swap3A_1786], %swap3A_1789 {strides = array<i32>} : memref<32x128xf32, #tpu.memory_space<vmem>>, vector<1x16xf32>,
    %mul3A_1790 = arith.mulf %sub3A_76, %gather3A_1735 : vector<16xf32>
    %add3A_1791 = arith.addf %get3A_32, %mul3A_1790 : vector<16xf32>
    %add3A_1792 = arith.addf %add3A_1791, %get3A_119 : vector<16xf32>
    %mul3A_1793 = arith.mulf %sub3A_164, %gather3A_1745 : vector<16xf32>
    %add3A_1794 = arith.addf %add3A_1792, %mul3A_1793 : vector<16xf32>
    %swap3A_1795 = arith.constant 14 : i32
    %swap3A_1796 = arith.index_cast %swap3A_1795 : i32 to index
    %swap3A_1797 = arith.constant 64 : index
    %swap3A_1798 = tpu.vector_load %arg9[%swap3A_1796, %swap3A_1797] {strides = array<i32>} : memref<32x128xf32, #tpu.memory_space<vmem>>, vector<1x16xf32>,
    %swap3A_1799 = vector.shape_cast %swap3A_1798 : vector<1x16xf32> to vector<16xf32>
    %swap3A_1800 = vector.shape_cast %add3A_1794 : vector<16xf32> to vector<1x16xf32>
    tpu.vector_store %arg9[%swap3A_1796, %swap3A_1797], %swap3A_1800 {strides = array<i32>} : memref<32x128xf32, #tpu.memory_space<vmem>>, vector<1x16xf32>,
    %mul3A_1801 = arith.mulf %sub3A_82, %gather3A_1735 : vector<16xf32>
    %add3A_1802 = arith.addf %get3A_37, %mul3A_1801 : vector<16xf32>
    %add3A_1803 = arith.addf %add3A_1802, %get3A_124 : vector<16xf32>
    %mul3A_1804 = arith.mulf %sub3A_170, %gather3A_1745 : vector<16xf32>
    %add3A_1805 = arith.addf %add3A_1803, %mul3A_1804 : vector<16xf32>
    %swap3A_1806 = arith.constant 14 : i32
    %swap3A_1807 = arith.index_cast %swap3A_1806 : i32 to index
    %swap3A_1808 = arith.constant 80 : index
    %swap3A_1809 = tpu.vector_load %arg9[%swap3A_1807, %swap3A_1808] {strides = array<i32>} : memref<32x128xf32, #tpu.memory_space<vmem>>, vector<1x16xf32>,
    %swap3A_1810 = vector.shape_cast %swap3A_1809 : vector<1x16xf32> to vector<16xf32>
    %swap3A_1811 = vector.shape_cast %add3A_1805 : vector<16xf32> to vector<1x16xf32>
    tpu.vector_store %arg9[%swap3A_1807, %swap3A_1808], %swap3A_1811 {strides = array<i32>} : memref<32x128xf32, #tpu.memory_space<vmem>>, vector<1x16xf32>,
    %mul3A_1812 = arith.mulf %sub3A_88, %gather3A_1735 : vector<16xf32>
    %add3A_1813 = arith.addf %get3A_42, %mul3A_1812 : vector<16xf32>
    %add3A_1814 = arith.addf %add3A_1813, %get3A_129 : vector<16xf32>
    %mul3A_1815 = arith.mulf %sub3A_176, %gather3A_1745 : vector<16xf32>
    %add3A_1816 = arith.addf %add3A_1814, %mul3A_1815 : vector<16xf32>
    %swap3A_1817 = arith.constant 14 : i32
    %swap3A_1818 = arith.index_cast %swap3A_1817 : i32 to index
    %swap3A_1819 = arith.constant 96 : index
    %swap3A_1820 = tpu.vector_load %arg9[%swap3A_1818, %swap3A_1819] {strides = array<i32>} : memref<32x128xf32, #tpu.memory_space<vmem>>, vector<1x16xf32>,
    %swap3A_1821 = vector.shape_cast %swap3A_1820 : vector<1x16xf32> to vector<16xf32>
    %swap3A_1822 = vector.shape_cast %add3A_1816 : vector<16xf32> to vector<1x16xf32>
    tpu.vector_store %arg9[%swap3A_1818, %swap3A_1819], %swap3A_1822 {strides = array<i32>} : memref<32x128xf32, #tpu.memory_space<vmem>>, vector<1x16xf32>,
    %mul3A_1823 = arith.mulf %sub3A_94, %gather3A_1735 : vector<16xf32>
    %add3A_1824 = arith.addf %get3A_47, %mul3A_1823 : vector<16xf32>
    %add3A_1825 = arith.addf %add3A_1824, %get3A_134 : vector<16xf32>
    %mul3A_1826 = arith.mulf %sub3A_182, %gather3A_1745 : vector<16xf32>
    %add3A_1827 = arith.addf %add3A_1825, %mul3A_1826 : vector<16xf32>
    %swap3A_1828 = arith.constant 14 : i32
    %swap3A_1829 = arith.index_cast %swap3A_1828 : i32 to index
    %swap3A_1830 = arith.constant 112 : index
    %swap3A_1831 = tpu.vector_load %arg9[%swap3A_1829, %swap3A_1830] {strides = array<i32>} : memref<32x128xf32, #tpu.memory_space<vmem>>, vector<1x16xf32>,
    %swap3A_1832 = vector.shape_cast %swap3A_1831 : vector<1x16xf32> to vector<16xf32>
    %swap3A_1833 = vector.shape_cast %add3A_1827 : vector<16xf32> to vector<1x16xf32>
    tpu.vector_store %arg9[%swap3A_1829, %swap3A_1830], %swap3A_1833 {strides = array<i32>} : memref<32x128xf32, #tpu.memory_space<vmem>>, vector<1x16xf32>,
    %broadcast_in_dim3A_1834 = arith.constant 15 : i32
    %broadcast_in_dim3A_1835 = vector.broadcast %broadcast_in_dim3A_1834 : i32 to vector<16xi32>
    %lt3A_1836 = arith.constant 0 : i32
    %lt3A_1837 = vector.broadcast %lt3A_1836 : i32 to vector<16xi32>
    %lt3A_1838 = arith.cmpi slt, %broadcast_in_dim3A_1835, %lt3A_1837 : vector<16xi32>
    %add3A_1839 = arith.constant 16 : i32
    %add3A_1840 = vector.broadcast %add3A_1839 : i32 to vector<16xi32>
    %add3A_1841 = arith.addi %broadcast_in_dim3A_1835, %add3A_1840 : vector<16xi32>
    %select_n3A_1842 = arith.select %lt3A_1838, %add3A_1841, %broadcast_in_dim3A_1835 : vector<16xi1>, vector<16xi32>
    %reshape3A_1843 = vector.shape_cast %select_n3A_1842 : vector<16xi32> to vector<16x1xi32>
    %gather3A_1844 = vector.shape_cast %reshape3A_1843 : vector<16x1xi32> to vector<16xi32>
    %gather3A_1845 = tpu.dynamic_gather %convert_element_type3A[%gather3A_1844] in [0] : vector<16xf32>, vector<16xi32> -> vector<16xf32>
    %lt3A_1846 = arith.constant 0 : i32
    %lt3A_1847 = vector.broadcast %lt3A_1846 : i32 to vector<16xi32>
    %lt3A_1848 = arith.cmpi slt, %broadcast_in_dim3A_1835, %lt3A_1847 : vector<16xi32>
    %add3A_1849 = arith.constant 16 : i32
    %add3A_1850 = vector.broadcast %add3A_1849 : i32 to vector<16xi32>
    %add3A_1851 = arith.addi %broadcast_in_dim3A_1835, %add3A_1850 : vector<16xi32>
    %select_n3A_1852 = arith.select %lt3A_1848, %add3A_1851, %broadcast_in_dim3A_1835 : vector<16xi1>, vector<16xi32>
    %reshape3A_1853 = vector.shape_cast %select_n3A_1852 : vector<16xi32> to vector<16x1xi32>
    %gather3A_1854 = vector.shape_cast %reshape3A_1853 : vector<16x1xi32> to vector<16xi32>
    %gather3A_1855 = tpu.dynamic_gather %convert_element_type3A_189[%gather3A_1854] in [0] : vector<16xf32>, vector<16xi32> -> vector<16xf32>
    %mul3A_1856 = arith.mulf %sub3A, %gather3A_1845 : vector<16xf32>
    %add3A_1857 = arith.addf %get3A_12, %mul3A_1856 : vector<16xf32>
    %add3A_1858 = arith.addf %add3A_1857, %get3A_99 : vector<16xf32>
    %mul3A_1859 = arith.mulf %sub3A_140, %gather3A_1855 : vector<16xf32>
    %add3A_1860 = arith.addf %add3A_1858, %mul3A_1859 : vector<16xf32>
    %swap3A_1861 = arith.constant 15 : i32
    %swap3A_1862 = arith.index_cast %swap3A_1861 : i32 to index
    %swap3A_1863 = arith.constant 0 : index
    %swap3A_1864 = tpu.vector_load %arg9[%swap3A_1862, %swap3A_1863] {strides = array<i32>} : memref<32x128xf32, #tpu.memory_space<vmem>>, vector<1x16xf32>,
    %swap3A_1865 = vector.shape_cast %swap3A_1864 : vector<1x16xf32> to vector<16xf32>
    %swap3A_1866 = vector.shape_cast %add3A_1860 : vector<16xf32> to vector<1x16xf32>
    tpu.vector_store %arg9[%swap3A_1862, %swap3A_1863], %swap3A_1866 {strides = array<i32>} : memref<32x128xf32, #tpu.memory_space<vmem>>, vector<1x16xf32>,
    %mul3A_1867 = arith.mulf %sub3A_58, %gather3A_1845 : vector<16xf32>
    %add3A_1868 = arith.addf %get3A_17, %mul3A_1867 : vector<16xf32>
    %add3A_1869 = arith.addf %add3A_1868, %get3A_104 : vector<16xf32>
    %mul3A_1870 = arith.mulf %sub3A_146, %gather3A_1855 : vector<16xf32>
    %add3A_1871 = arith.addf %add3A_1869, %mul3A_1870 : vector<16xf32>
    %swap3A_1872 = arith.constant 15 : i32
    %swap3A_1873 = arith.index_cast %swap3A_1872 : i32 to index
    %swap3A_1874 = arith.constant 16 : index
    %swap3A_1875 = tpu.vector_load %arg9[%swap3A_1873, %swap3A_1874] {strides = array<i32>} : memref<32x128xf32, #tpu.memory_space<vmem>>, vector<1x16xf32>,
    %swap3A_1876 = vector.shape_cast %swap3A_1875 : vector<1x16xf32> to vector<16xf32>
    %swap3A_1877 = vector.shape_cast %add3A_1871 : vector<16xf32> to vector<1x16xf32>
    tpu.vector_store %arg9[%swap3A_1873, %swap3A_1874], %swap3A_1877 {strides = array<i32>} : memref<32x128xf32, #tpu.memory_space<vmem>>, vector<1x16xf32>,
    %mul3A_1878 = arith.mulf %sub3A_64, %gather3A_1845 : vector<16xf32>
    %add3A_1879 = arith.addf %get3A_22, %mul3A_1878 : vector<16xf32>
    %add3A_1880 = arith.addf %add3A_1879, %get3A_109 : vector<16xf32>
    %mul3A_1881 = arith.mulf %sub3A_152, %gather3A_1855 : vector<16xf32>
    %add3A_1882 = arith.addf %add3A_1880, %mul3A_1881 : vector<16xf32>
    %swap3A_1883 = arith.constant 15 : i32
    %swap3A_1884 = arith.index_cast %swap3A_1883 : i32 to index
    %swap3A_1885 = arith.constant 32 : index
    %swap3A_1886 = tpu.vector_load %arg9[%swap3A_1884, %swap3A_1885] {strides = array<i32>} : memref<32x128xf32, #tpu.memory_space<vmem>>, vector<1x16xf32>,
    %swap3A_1887 = vector.shape_cast %swap3A_1886 : vector<1x16xf32> to vector<16xf32>
    %swap3A_1888 = vector.shape_cast %add3A_1882 : vector<16xf32> to vector<1x16xf32>
    tpu.vector_store %arg9[%swap3A_1884, %swap3A_1885], %swap3A_1888 {strides = array<i32>} : memref<32x128xf32, #tpu.memory_space<vmem>>, vector<1x16xf32>,
    %mul3A_1889 = arith.mulf %sub3A_70, %gather3A_1845 : vector<16xf32>
    %add3A_1890 = arith.addf %get3A_27, %mul3A_1889 : vector<16xf32>
    %add3A_1891 = arith.addf %add3A_1890, %get3A_114 : vector<16xf32>
    %mul3A_1892 = arith.mulf %sub3A_158, %gather3A_1855 : vector<16xf32>
    %add3A_1893 = arith.addf %add3A_1891, %mul3A_1892 : vector<16xf32>
    %swap3A_1894 = arith.constant 15 : i32
    %swap3A_1895 = arith.index_cast %swap3A_1894 : i32 to index
    %swap3A_1896 = arith.constant 48 : index
    %swap3A_1897 = tpu.vector_load %arg9[%swap3A_1895, %swap3A_1896] {strides = array<i32>} : memref<32x128xf32, #tpu.memory_space<vmem>>, vector<1x16xf32>,
    %swap3A_1898 = vector.shape_cast %swap3A_1897 : vector<1x16xf32> to vector<16xf32>
    %swap3A_1899 = vector.shape_cast %add3A_1893 : vector<16xf32> to vector<1x16xf32>
    tpu.vector_store %arg9[%swap3A_1895, %swap3A_1896], %swap3A_1899 {strides = array<i32>} : memref<32x128xf32, #tpu.memory_space<vmem>>, vector<1x16xf32>,
    %mul3A_1900 = arith.mulf %sub3A_76, %gather3A_1845 : vector<16xf32>
    %add3A_1901 = arith.addf %get3A_32, %mul3A_1900 : vector<16xf32>
    %add3A_1902 = arith.addf %add3A_1901, %get3A_119 : vector<16xf32>
    %mul3A_1903 = arith.mulf %sub3A_164, %gather3A_1855 : vector<16xf32>
    %add3A_1904 = arith.addf %add3A_1902, %mul3A_1903 : vector<16xf32>
    %swap3A_1905 = arith.constant 15 : i32
    %swap3A_1906 = arith.index_cast %swap3A_1905 : i32 to index
    %swap3A_1907 = arith.constant 64 : index
    %swap3A_1908 = tpu.vector_load %arg9[%swap3A_1906, %swap3A_1907] {strides = array<i32>} : memref<32x128xf32, #tpu.memory_space<vmem>>, vector<1x16xf32>,
    %swap3A_1909 = vector.shape_cast %swap3A_1908 : vector<1x16xf32> to vector<16xf32>
    %swap3A_1910 = vector.shape_cast %add3A_1904 : vector<16xf32> to vector<1x16xf32>
    tpu.vector_store %arg9[%swap3A_1906, %swap3A_1907], %swap3A_1910 {strides = array<i32>} : memref<32x128xf32, #tpu.memory_space<vmem>>, vector<1x16xf32>,
    %mul3A_1911 = arith.mulf %sub3A_82, %gather3A_1845 : vector<16xf32>
    %add3A_1912 = arith.addf %get3A_37, %mul3A_1911 : vector<16xf32>
    %add3A_1913 = arith.addf %add3A_1912, %get3A_124 : vector<16xf32>
    %mul3A_1914 = arith.mulf %sub3A_170, %gather3A_1855 : vector<16xf32>
    %add3A_1915 = arith.addf %add3A_1913, %mul3A_1914 : vector<16xf32>
    %swap3A_1916 = arith.constant 15 : i32
    %swap3A_1917 = arith.index_cast %swap3A_1916 : i32 to index
    %swap3A_1918 = arith.constant 80 : index
    %swap3A_1919 = tpu.vector_load %arg9[%swap3A_1917, %swap3A_1918] {strides = array<i32>} : memref<32x128xf32, #tpu.memory_space<vmem>>, vector<1x16xf32>,
    %swap3A_1920 = vector.shape_cast %swap3A_1919 : vector<1x16xf32> to vector<16xf32>
    %swap3A_1921 = vector.shape_cast %add3A_1915 : vector<16xf32> to vector<1x16xf32>
    tpu.vector_store %arg9[%swap3A_1917, %swap3A_1918], %swap3A_1921 {strides = array<i32>} : memref<32x128xf32, #tpu.memory_space<vmem>>, vector<1x16xf32>,
    %mul3A_1922 = arith.mulf %sub3A_88, %gather3A_1845 : vector<16xf32>
    %add3A_1923 = arith.addf %get3A_42, %mul3A_1922 : vector<16xf32>
    %add3A_1924 = arith.addf %add3A_1923, %get3A_129 : vector<16xf32>
    %mul3A_1925 = arith.mulf %sub3A_176, %gather3A_1855 : vector<16xf32>
    %add3A_1926 = arith.addf %add3A_1924, %mul3A_1925 : vector<16xf32>
    %swap3A_1927 = arith.constant 15 : i32
    %swap3A_1928 = arith.index_cast %swap3A_1927 : i32 to index
    %swap3A_1929 = arith.constant 96 : index
    %swap3A_1930 = tpu.vector_load %arg9[%swap3A_1928, %swap3A_1929] {strides = array<i32>} : memref<32x128xf32, #tpu.memory_space<vmem>>, vector<1x16xf32>,
    %swap3A_1931 = vector.shape_cast %swap3A_1930 : vector<1x16xf32> to vector<16xf32>
    %swap3A_1932 = vector.shape_cast %add3A_1926 : vector<16xf32> to vector<1x16xf32>
    tpu.vector_store %arg9[%swap3A_1928, %swap3A_1929], %swap3A_1932 {strides = array<i32>} : memref<32x128xf32, #tpu.memory_space<vmem>>, vector<1x16xf32>,
    %mul3A_1933 = arith.mulf %sub3A_94, %gather3A_1845 : vector<16xf32>
    %add3A_1934 = arith.addf %get3A_47, %mul3A_1933 : vector<16xf32>
    %add3A_1935 = arith.addf %add3A_1934, %get3A_134 : vector<16xf32>
    %mul3A_1936 = arith.mulf %sub3A_182, %gather3A_1855 : vector<16xf32>
    %add3A_1937 = arith.addf %add3A_1935, %mul3A_1936 : vector<16xf32>
    %swap3A_1938 = arith.constant 15 : i32
    %swap3A_1939 = arith.index_cast %swap3A_1938 : i32 to index
    %swap3A_1940 = arith.constant 112 : index
    %swap3A_1941 = tpu.vector_load %arg9[%swap3A_1939, %swap3A_1940] {strides = array<i32>} : memref<32x128xf32, #tpu.memory_space<vmem>>, vector<1x16xf32>,
    %swap3A_1942 = vector.shape_cast %swap3A_1941 : vector<1x16xf32> to vector<16xf32>
    %swap3A_1943 = vector.shape_cast %add3A_1937 : vector<16xf32> to vector<1x16xf32>
    tpu.vector_store %arg9[%swap3A_1939, %swap3A_1940], %swap3A_1943 {strides = array<i32>} : memref<32x128xf32, #tpu.memory_space<vmem>>, vector<1x16xf32>,
    %get3A_1944 = arith.constant 16 : index
    %get3A_1945 = tpu.vector_load %arg6[%get3A_1944] {strides = array<i32>} : memref<32xi32, #tpu.memory_space<vmem>>, vector<16xi32>,
    %get3A_1946 = vector.shape_cast %get3A_1945 : vector<16xi32> to vector<16xi32>
    %convert_element_type3A_1947 = arith.sitofp %get3A_1946 : vector<16xi32> to vector<16xf32>
    %get3A_1948 = arith.constant 16 : index
    %get3A_1949 = tpu.vector_load %arg7[%get3A_1948] {strides = array<i32>} : memref<32xi32, #tpu.memory_space<vmem>>, vector<16xi32>,
    %get3A_1950 = vector.shape_cast %get3A_1949 : vector<16xi32> to vector<16xi32>
    %convert_element_type3A_1951 = arith.sitofp %get3A_1950 : vector<16xi32> to vector<16xf32>
    %broadcast_in_dim3A_1952 = arith.constant 0 : i32
    %broadcast_in_dim3A_1953 = vector.broadcast %broadcast_in_dim3A_1952 : i32 to vector<16xi32>
    %lt3A_1954 = arith.constant 0 : i32
    %lt3A_1955 = vector.broadcast %lt3A_1954 : i32 to vector<16xi32>
    %lt3A_1956 = arith.cmpi slt, %broadcast_in_dim3A_1953, %lt3A_1955 : vector<16xi32>
    %add3A_1957 = arith.constant 16 : i32
    %add3A_1958 = vector.broadcast %add3A_1957 : i32 to vector<16xi32>
    %add3A_1959 = arith.addi %broadcast_in_dim3A_1953, %add3A_1958 : vector<16xi32>
    %select_n3A_1960 = arith.select %lt3A_1956, %add3A_1959, %broadcast_in_dim3A_1953 : vector<16xi1>, vector<16xi32>
    %reshape3A_1961 = vector.shape_cast %select_n3A_1960 : vector<16xi32> to vector<16x1xi32>
    %gather3A_1962 = vector.shape_cast %reshape3A_1961 : vector<16x1xi32> to vector<16xi32>
    %gather3A_1963 = tpu.dynamic_gather %convert_element_type3A_1947[%gather3A_1962] in [0] : vector<16xf32>, vector<16xi32> -> vector<16xf32>
    %lt3A_1964 = arith.constant 0 : i32
    %lt3A_1965 = vector.broadcast %lt3A_1964 : i32 to vector<16xi32>
    %lt3A_1966 = arith.cmpi slt, %broadcast_in_dim3A_1953, %lt3A_1965 : vector<16xi32>
    %add3A_1967 = arith.constant 16 : i32
    %add3A_1968 = vector.broadcast %add3A_1967 : i32 to vector<16xi32>
    %add3A_1969 = arith.addi %broadcast_in_dim3A_1953, %add3A_1968 : vector<16xi32>
    %select_n3A_1970 = arith.select %lt3A_1966, %add3A_1969, %broadcast_in_dim3A_1953 : vector<16xi1>, vector<16xi32>
    %reshape3A_1971 = vector.shape_cast %select_n3A_1970 : vector<16xi32> to vector<16x1xi32>
    %gather3A_1972 = vector.shape_cast %reshape3A_1971 : vector<16x1xi32> to vector<16xi32>
    %gather3A_1973 = tpu.dynamic_gather %convert_element_type3A_1951[%gather3A_1972] in [0] : vector<16xf32>, vector<16xi32> -> vector<16xf32>
    %mul3A_1974 = arith.mulf %sub3A, %gather3A_1963 : vector<16xf32>
    %add3A_1975 = arith.addf %get3A_12, %mul3A_1974 : vector<16xf32>
    %add3A_1976 = arith.addf %add3A_1975, %get3A_99 : vector<16xf32>
    %mul3A_1977 = arith.mulf %sub3A_140, %gather3A_1973 : vector<16xf32>
    %add3A_1978 = arith.addf %add3A_1976, %mul3A_1977 : vector<16xf32>
    %swap3A_1979 = arith.constant 16 : i32
    %swap3A_1980 = arith.index_cast %swap3A_1979 : i32 to index
    %swap3A_1981 = arith.constant 0 : index
    %swap3A_1982 = tpu.vector_load %arg9[%swap3A_1980, %swap3A_1981] {strides = array<i32>} : memref<32x128xf32, #tpu.memory_space<vmem>>, vector<1x16xf32>,
    %swap3A_1983 = vector.shape_cast %swap3A_1982 : vector<1x16xf32> to vector<16xf32>
    %swap3A_1984 = vector.shape_cast %add3A_1978 : vector<16xf32> to vector<1x16xf32>
    tpu.vector_store %arg9[%swap3A_1980, %swap3A_1981], %swap3A_1984 {strides = array<i32>} : memref<32x128xf32, #tpu.memory_space<vmem>>, vector<1x16xf32>,
    %mul3A_1985 = arith.mulf %sub3A_58, %gather3A_1963 : vector<16xf32>
    %add3A_1986 = arith.addf %get3A_17, %mul3A_1985 : vector<16xf32>
    %add3A_1987 = arith.addf %add3A_1986, %get3A_104 : vector<16xf32>
    %mul3A_1988 = arith.mulf %sub3A_146, %gather3A_1973 : vector<16xf32>
    %add3A_1989 = arith.addf %add3A_1987, %mul3A_1988 : vector<16xf32>
    %swap3A_1990 = arith.constant 16 : i32
    %swap3A_1991 = arith.index_cast %swap3A_1990 : i32 to index
    %swap3A_1992 = arith.constant 16 : index
    %swap3A_1993 = tpu.vector_load %arg9[%swap3A_1991, %swap3A_1992] {strides = array<i32>} : memref<32x128xf32, #tpu.memory_space<vmem>>, vector<1x16xf32>,
    %swap3A_1994 = vector.shape_cast %swap3A_1993 : vector<1x16xf32> to vector<16xf32>
    %swap3A_1995 = vector.shape_cast %add3A_1989 : vector<16xf32> to vector<1x16xf32>
    tpu.vector_store %arg9[%swap3A_1991, %swap3A_1992], %swap3A_1995 {strides = array<i32>} : memref<32x128xf32, #tpu.memory_space<vmem>>, vector<1x16xf32>,
    %mul3A_1996 = arith.mulf %sub3A_64, %gather3A_1963 : vector<16xf32>
    %add3A_1997 = arith.addf %get3A_22, %mul3A_1996 : vector<16xf32>
    %add3A_1998 = arith.addf %add3A_1997, %get3A_109 : vector<16xf32>
    %mul3A_1999 = arith.mulf %sub3A_152, %gather3A_1973 : vector<16xf32>
    %add3A_2000 = arith.addf %add3A_1998, %mul3A_1999 : vector<16xf32>
    %swap3A_2001 = arith.constant 16 : i32
    %swap3A_2002 = arith.index_cast %swap3A_2001 : i32 to index
    %swap3A_2003 = arith.constant 32 : index
    %swap3A_2004 = tpu.vector_load %arg9[%swap3A_2002, %swap3A_2003] {strides = array<i32>} : memref<32x128xf32, #tpu.memory_space<vmem>>, vector<1x16xf32>,
    %swap3A_2005 = vector.shape_cast %swap3A_2004 : vector<1x16xf32> to vector<16xf32>
    %swap3A_2006 = vector.shape_cast %add3A_2000 : vector<16xf32> to vector<1x16xf32>
    tpu.vector_store %arg9[%swap3A_2002, %swap3A_2003], %swap3A_2006 {strides = array<i32>} : memref<32x128xf32, #tpu.memory_space<vmem>>, vector<1x16xf32>,
    %mul3A_2007 = arith.mulf %sub3A_70, %gather3A_1963 : vector<16xf32>
    %add3A_2008 = arith.addf %get3A_27, %mul3A_2007 : vector<16xf32>
    %add3A_2009 = arith.addf %add3A_2008, %get3A_114 : vector<16xf32>
    %mul3A_2010 = arith.mulf %sub3A_158, %gather3A_1973 : vector<16xf32>
    %add3A_2011 = arith.addf %add3A_2009, %mul3A_2010 : vector<16xf32>
    %swap3A_2012 = arith.constant 16 : i32
    %swap3A_2013 = arith.index_cast %swap3A_2012 : i32 to index
    %swap3A_2014 = arith.constant 48 : index
    %swap3A_2015 = tpu.vector_load %arg9[%swap3A_2013, %swap3A_2014] {strides = array<i32>} : memref<32x128xf32, #tpu.memory_space<vmem>>, vector<1x16xf32>,
    %swap3A_2016 = vector.shape_cast %swap3A_2015 : vector<1x16xf32> to vector<16xf32>
    %swap3A_2017 = vector.shape_cast %add3A_2011 : vector<16xf32> to vector<1x16xf32>
    tpu.vector_store %arg9[%swap3A_2013, %swap3A_2014], %swap3A_2017 {strides = array<i32>} : memref<32x128xf32, #tpu.memory_space<vmem>>, vector<1x16xf32>,
    %mul3A_2018 = arith.mulf %sub3A_76, %gather3A_1963 : vector<16xf32>
    %add3A_2019 = arith.addf %get3A_32, %mul3A_2018 : vector<16xf32>
    %add3A_2020 = arith.addf %add3A_2019, %get3A_119 : vector<16xf32>
    %mul3A_2021 = arith.mulf %sub3A_164, %gather3A_1973 : vector<16xf32>
    %add3A_2022 = arith.addf %add3A_2020, %mul3A_2021 : vector<16xf32>
    %swap3A_2023 = arith.constant 16 : i32
    %swap3A_2024 = arith.index_cast %swap3A_2023 : i32 to index
    %swap3A_2025 = arith.constant 64 : index
    %swap3A_2026 = tpu.vector_load %arg9[%swap3A_2024, %swap3A_2025] {strides = array<i32>} : memref<32x128xf32, #tpu.memory_space<vmem>>, vector<1x16xf32>,
    %swap3A_2027 = vector.shape_cast %swap3A_2026 : vector<1x16xf32> to vector<16xf32>
    %swap3A_2028 = vector.shape_cast %add3A_2022 : vector<16xf32> to vector<1x16xf32>
    tpu.vector_store %arg9[%swap3A_2024, %swap3A_2025], %swap3A_2028 {strides = array<i32>} : memref<32x128xf32, #tpu.memory_space<vmem>>, vector<1x16xf32>,
    %mul3A_2029 = arith.mulf %sub3A_82, %gather3A_1963 : vector<16xf32>
    %add3A_2030 = arith.addf %get3A_37, %mul3A_2029 : vector<16xf32>
    %add3A_2031 = arith.addf %add3A_2030, %get3A_124 : vector<16xf32>
    %mul3A_2032 = arith.mulf %sub3A_170, %gather3A_1973 : vector<16xf32>
    %add3A_2033 = arith.addf %add3A_2031, %mul3A_2032 : vector<16xf32>
    %swap3A_2034 = arith.constant 16 : i32
    %swap3A_2035 = arith.index_cast %swap3A_2034 : i32 to index
    %swap3A_2036 = arith.constant 80 : index
    %swap3A_2037 = tpu.vector_load %arg9[%swap3A_2035, %swap3A_2036] {strides = array<i32>} : memref<32x128xf32, #tpu.memory_space<vmem>>, vector<1x16xf32>,
    %swap3A_2038 = vector.shape_cast %swap3A_2037 : vector<1x16xf32> to vector<16xf32>
    %swap3A_2039 = vector.shape_cast %add3A_2033 : vector<16xf32> to vector<1x16xf32>
    tpu.vector_store %arg9[%swap3A_2035, %swap3A_2036], %swap3A_2039 {strides = array<i32>} : memref<32x128xf32, #tpu.memory_space<vmem>>, vector<1x16xf32>,
    %mul3A_2040 = arith.mulf %sub3A_88, %gather3A_1963 : vector<16xf32>
    %add3A_2041 = arith.addf %get3A_42, %mul3A_2040 : vector<16xf32>
    %add3A_2042 = arith.addf %add3A_2041, %get3A_129 : vector<16xf32>
    %mul3A_2043 = arith.mulf %sub3A_176, %gather3A_1973 : vector<16xf32>
    %add3A_2044 = arith.addf %add3A_2042, %mul3A_2043 : vector<16xf32>
    %swap3A_2045 = arith.constant 16 : i32
    %swap3A_2046 = arith.index_cast %swap3A_2045 : i32 to index
    %swap3A_2047 = arith.constant 96 : index
    %swap3A_2048 = tpu.vector_load %arg9[%swap3A_2046, %swap3A_2047] {strides = array<i32>} : memref<32x128xf32, #tpu.memory_space<vmem>>, vector<1x16xf32>,
    %swap3A_2049 = vector.shape_cast %swap3A_2048 : vector<1x16xf32> to vector<16xf32>
    %swap3A_2050 = vector.shape_cast %add3A_2044 : vector<16xf32> to vector<1x16xf32>
    tpu.vector_store %arg9[%swap3A_2046, %swap3A_2047], %swap3A_2050 {strides = array<i32>} : memref<32x128xf32, #tpu.memory_space<vmem>>, vector<1x16xf32>,
    %mul3A_2051 = arith.mulf %sub3A_94, %gather3A_1963 : vector<16xf32>
    %add3A_2052 = arith.addf %get3A_47, %mul3A_2051 : vector<16xf32>
    %add3A_2053 = arith.addf %add3A_2052, %get3A_134 : vector<16xf32>
    %mul3A_2054 = arith.mulf %sub3A_182, %gather3A_1973 : vector<16xf32>
    %add3A_2055 = arith.addf %add3A_2053, %mul3A_2054 : vector<16xf32>
    %swap3A_2056 = arith.constant 16 : i32
    %swap3A_2057 = arith.index_cast %swap3A_2056 : i32 to index
    %swap3A_2058 = arith.constant 112 : index
    %swap3A_2059 = tpu.vector_load %arg9[%swap3A_2057, %swap3A_2058] {strides = array<i32>} : memref<32x128xf32, #tpu.memory_space<vmem>>, vector<1x16xf32>,
    %swap3A_2060 = vector.shape_cast %swap3A_2059 : vector<1x16xf32> to vector<16xf32>
    %swap3A_2061 = vector.shape_cast %add3A_2055 : vector<16xf32> to vector<1x16xf32>
    tpu.vector_store %arg9[%swap3A_2057, %swap3A_2058], %swap3A_2061 {strides = array<i32>} : memref<32x128xf32, #tpu.memory_space<vmem>>, vector<1x16xf32>,
    %broadcast_in_dim3A_2062 = arith.constant 1 : i32
    %broadcast_in_dim3A_2063 = vector.broadcast %broadcast_in_dim3A_2062 : i32 to vector<16xi32>
    %lt3A_2064 = arith.constant 0 : i32
    %lt3A_2065 = vector.broadcast %lt3A_2064 : i32 to vector<16xi32>
    %lt3A_2066 = arith.cmpi slt, %broadcast_in_dim3A_2063, %lt3A_2065 : vector<16xi32>
    %add3A_2067 = arith.constant 16 : i32
    %add3A_2068 = vector.broadcast %add3A_2067 : i32 to vector<16xi32>
    %add3A_2069 = arith.addi %broadcast_in_dim3A_2063, %add3A_2068 : vector<16xi32>
    %select_n3A_2070 = arith.select %lt3A_2066, %add3A_2069, %broadcast_in_dim3A_2063 : vector<16xi1>, vector<16xi32>
    %reshape3A_2071 = vector.shape_cast %select_n3A_2070 : vector<16xi32> to vector<16x1xi32>
    %gather3A_2072 = vector.shape_cast %reshape3A_2071 : vector<16x1xi32> to vector<16xi32>
    %gather3A_2073 = tpu.dynamic_gather %convert_element_type3A_1947[%gather3A_2072] in [0] : vector<16xf32>, vector<16xi32> -> vector<16xf32>
    %lt3A_2074 = arith.constant 0 : i32
    %lt3A_2075 = vector.broadcast %lt3A_2074 : i32 to vector<16xi32>
    %lt3A_2076 = arith.cmpi slt, %broadcast_in_dim3A_2063, %lt3A_2075 : vector<16xi32>
    %add3A_2077 = arith.constant 16 : i32
    %add3A_2078 = vector.broadcast %add3A_2077 : i32 to vector<16xi32>
    %add3A_2079 = arith.addi %broadcast_in_dim3A_2063, %add3A_2078 : vector<16xi32>
    %select_n3A_2080 = arith.select %lt3A_2076, %add3A_2079, %broadcast_in_dim3A_2063 : vector<16xi1>, vector<16xi32>
    %reshape3A_2081 = vector.shape_cast %select_n3A_2080 : vector<16xi32> to vector<16x1xi32>
    %gather3A_2082 = vector.shape_cast %reshape3A_2081 : vector<16x1xi32> to vector<16xi32>
    %gather3A_2083 = tpu.dynamic_gather %convert_element_type3A_1951[%gather3A_2082] in [0] : vector<16xf32>, vector<16xi32> -> vector<16xf32>
    %mul3A_2084 = arith.mulf %sub3A, %gather3A_2073 : vector<16xf32>
    %add3A_2085 = arith.addf %get3A_12, %mul3A_2084 : vector<16xf32>
    %add3A_2086 = arith.addf %add3A_2085, %get3A_99 : vector<16xf32>
    %mul3A_2087 = arith.mulf %sub3A_140, %gather3A_2083 : vector<16xf32>
    %add3A_2088 = arith.addf %add3A_2086, %mul3A_2087 : vector<16xf32>
    %swap3A_2089 = arith.constant 17 : i32
    %swap3A_2090 = arith.index_cast %swap3A_2089 : i32 to index
    %swap3A_2091 = arith.constant 0 : index
    %swap3A_2092 = tpu.vector_load %arg9[%swap3A_2090, %swap3A_2091] {strides = array<i32>} : memref<32x128xf32, #tpu.memory_space<vmem>>, vector<1x16xf32>,
    %swap3A_2093 = vector.shape_cast %swap3A_2092 : vector<1x16xf32> to vector<16xf32>
    %swap3A_2094 = vector.shape_cast %add3A_2088 : vector<16xf32> to vector<1x16xf32>
    tpu.vector_store %arg9[%swap3A_2090, %swap3A_2091], %swap3A_2094 {strides = array<i32>} : memref<32x128xf32, #tpu.memory_space<vmem>>, vector<1x16xf32>,
    %mul3A_2095 = arith.mulf %sub3A_58, %gather3A_2073 : vector<16xf32>
    %add3A_2096 = arith.addf %get3A_17, %mul3A_2095 : vector<16xf32>
    %add3A_2097 = arith.addf %add3A_2096, %get3A_104 : vector<16xf32>
    %mul3A_2098 = arith.mulf %sub3A_146, %gather3A_2083 : vector<16xf32>
    %add3A_2099 = arith.addf %add3A_2097, %mul3A_2098 : vector<16xf32>
    %swap3A_2100 = arith.constant 17 : i32
    %swap3A_2101 = arith.index_cast %swap3A_2100 : i32 to index
    %swap3A_2102 = arith.constant 16 : index
    %swap3A_2103 = tpu.vector_load %arg9[%swap3A_2101, %swap3A_2102] {strides = array<i32>} : memref<32x128xf32, #tpu.memory_space<vmem>>, vector<1x16xf32>,
    %swap3A_2104 = vector.shape_cast %swap3A_2103 : vector<1x16xf32> to vector<16xf32>
    %swap3A_2105 = vector.shape_cast %add3A_2099 : vector<16xf32> to vector<1x16xf32>
    tpu.vector_store %arg9[%swap3A_2101, %swap3A_2102], %swap3A_2105 {strides = array<i32>} : memref<32x128xf32, #tpu.memory_space<vmem>>, vector<1x16xf32>,
    %mul3A_2106 = arith.mulf %sub3A_64, %gather3A_2073 : vector<16xf32>
    %add3A_2107 = arith.addf %get3A_22, %mul3A_2106 : vector<16xf32>
    %add3A_2108 = arith.addf %add3A_2107, %get3A_109 : vector<16xf32>
    %mul3A_2109 = arith.mulf %sub3A_152, %gather3A_2083 : vector<16xf32>
    %add3A_2110 = arith.addf %add3A_2108, %mul3A_2109 : vector<16xf32>
    %swap3A_2111 = arith.constant 17 : i32
    %swap3A_2112 = arith.index_cast %swap3A_2111 : i32 to index
    %swap3A_2113 = arith.constant 32 : index
    %swap3A_2114 = tpu.vector_load %arg9[%swap3A_2112, %swap3A_2113] {strides = array<i32>} : memref<32x128xf32, #tpu.memory_space<vmem>>, vector<1x16xf32>,
    %swap3A_2115 = vector.shape_cast %swap3A_2114 : vector<1x16xf32> to vector<16xf32>
    %swap3A_2116 = vector.shape_cast %add3A_2110 : vector<16xf32> to vector<1x16xf32>
    tpu.vector_store %arg9[%swap3A_2112, %swap3A_2113], %swap3A_2116 {strides = array<i32>} : memref<32x128xf32, #tpu.memory_space<vmem>>, vector<1x16xf32>,
    %mul3A_2117 = arith.mulf %sub3A_70, %gather3A_2073 : vector<16xf32>
    %add3A_2118 = arith.addf %get3A_27, %mul3A_2117 : vector<16xf32>
    %add3A_2119 = arith.addf %add3A_2118, %get3A_114 : vector<16xf32>
    %mul3A_2120 = arith.mulf %sub3A_158, %gather3A_2083 : vector<16xf32>
    %add3A_2121 = arith.addf %add3A_2119, %mul3A_2120 : vector<16xf32>
    %swap3A_2122 = arith.constant 17 : i32
    %swap3A_2123 = arith.index_cast %swap3A_2122 : i32 to index
    %swap3A_2124 = arith.constant 48 : index
    %swap3A_2125 = tpu.vector_load %arg9[%swap3A_2123, %swap3A_2124] {strides = array<i32>} : memref<32x128xf32, #tpu.memory_space<vmem>>, vector<1x16xf32>,
    %swap3A_2126 = vector.shape_cast %swap3A_2125 : vector<1x16xf32> to vector<16xf32>
    %swap3A_2127 = vector.shape_cast %add3A_2121 : vector<16xf32> to vector<1x16xf32>
    tpu.vector_store %arg9[%swap3A_2123, %swap3A_2124], %swap3A_2127 {strides = array<i32>} : memref<32x128xf32, #tpu.memory_space<vmem>>, vector<1x16xf32>,
    %mul3A_2128 = arith.mulf %sub3A_76, %gather3A_2073 : vector<16xf32>
    %add3A_2129 = arith.addf %get3A_32, %mul3A_2128 : vector<16xf32>
    %add3A_2130 = arith.addf %add3A_2129, %get3A_119 : vector<16xf32>
    %mul3A_2131 = arith.mulf %sub3A_164, %gather3A_2083 : vector<16xf32>
    %add3A_2132 = arith.addf %add3A_2130, %mul3A_2131 : vector<16xf32>
    %swap3A_2133 = arith.constant 17 : i32
    %swap3A_2134 = arith.index_cast %swap3A_2133 : i32 to index
    %swap3A_2135 = arith.constant 64 : index
    %swap3A_2136 = tpu.vector_load %arg9[%swap3A_2134, %swap3A_2135] {strides = array<i32>} : memref<32x128xf32, #tpu.memory_space<vmem>>, vector<1x16xf32>,
    %swap3A_2137 = vector.shape_cast %swap3A_2136 : vector<1x16xf32> to vector<16xf32>
    %swap3A_2138 = vector.shape_cast %add3A_2132 : vector<16xf32> to vector<1x16xf32>
    tpu.vector_store %arg9[%swap3A_2134, %swap3A_2135], %swap3A_2138 {strides = array<i32>} : memref<32x128xf32, #tpu.memory_space<vmem>>, vector<1x16xf32>,
    %mul3A_2139 = arith.mulf %sub3A_82, %gather3A_2073 : vector<16xf32>
    %add3A_2140 = arith.addf %get3A_37, %mul3A_2139 : vector<16xf32>
    %add3A_2141 = arith.addf %add3A_2140, %get3A_124 : vector<16xf32>
    %mul3A_2142 = arith.mulf %sub3A_170, %gather3A_2083 : vector<16xf32>
    %add3A_2143 = arith.addf %add3A_2141, %mul3A_2142 : vector<16xf32>
    %swap3A_2144 = arith.constant 17 : i32
    %swap3A_2145 = arith.index_cast %swap3A_2144 : i32 to index
    %swap3A_2146 = arith.constant 80 : index
    %swap3A_2147 = tpu.vector_load %arg9[%swap3A_2145, %swap3A_2146] {strides = array<i32>} : memref<32x128xf32, #tpu.memory_space<vmem>>, vector<1x16xf32>,
    %swap3A_2148 = vector.shape_cast %swap3A_2147 : vector<1x16xf32> to vector<16xf32>
    %swap3A_2149 = vector.shape_cast %add3A_2143 : vector<16xf32> to vector<1x16xf32>
    tpu.vector_store %arg9[%swap3A_2145, %swap3A_2146], %swap3A_2149 {strides = array<i32>} : memref<32x128xf32, #tpu.memory_space<vmem>>, vector<1x16xf32>,
    %mul3A_2150 = arith.mulf %sub3A_88, %gather3A_2073 : vector<16xf32>
    %add3A_2151 = arith.addf %get3A_42, %mul3A_2150 : vector<16xf32>
    %add3A_2152 = arith.addf %add3A_2151, %get3A_129 : vector<16xf32>
    %mul3A_2153 = arith.mulf %sub3A_176, %gather3A_2083 : vector<16xf32>
    %add3A_2154 = arith.addf %add3A_2152, %mul3A_2153 : vector<16xf32>
    %swap3A_2155 = arith.constant 17 : i32
    %swap3A_2156 = arith.index_cast %swap3A_2155 : i32 to index
    %swap3A_2157 = arith.constant 96 : index
    %swap3A_2158 = tpu.vector_load %arg9[%swap3A_2156, %swap3A_2157] {strides = array<i32>} : memref<32x128xf32, #tpu.memory_space<vmem>>, vector<1x16xf32>,
    %swap3A_2159 = vector.shape_cast %swap3A_2158 : vector<1x16xf32> to vector<16xf32>
    %swap3A_2160 = vector.shape_cast %add3A_2154 : vector<16xf32> to vector<1x16xf32>
    tpu.vector_store %arg9[%swap3A_2156, %swap3A_2157], %swap3A_2160 {strides = array<i32>} : memref<32x128xf32, #tpu.memory_space<vmem>>, vector<1x16xf32>,
    %mul3A_2161 = arith.mulf %sub3A_94, %gather3A_2073 : vector<16xf32>
    %add3A_2162 = arith.addf %get3A_47, %mul3A_2161 : vector<16xf32>
    %add3A_2163 = arith.addf %add3A_2162, %get3A_134 : vector<16xf32>
    %mul3A_2164 = arith.mulf %sub3A_182, %gather3A_2083 : vector<16xf32>
    %add3A_2165 = arith.addf %add3A_2163, %mul3A_2164 : vector<16xf32>
    %swap3A_2166 = arith.constant 17 : i32
    %swap3A_2167 = arith.index_cast %swap3A_2166 : i32 to index
    %swap3A_2168 = arith.constant 112 : index
    %swap3A_2169 = tpu.vector_load %arg9[%swap3A_2167, %swap3A_2168] {strides = array<i32>} : memref<32x128xf32, #tpu.memory_space<vmem>>, vector<1x16xf32>,
    %swap3A_2170 = vector.shape_cast %swap3A_2169 : vector<1x16xf32> to vector<16xf32>
    %swap3A_2171 = vector.shape_cast %add3A_2165 : vector<16xf32> to vector<1x16xf32>
    tpu.vector_store %arg9[%swap3A_2167, %swap3A_2168], %swap3A_2171 {strides = array<i32>} : memref<32x128xf32, #tpu.memory_space<vmem>>, vector<1x16xf32>,
    %broadcast_in_dim3A_2172 = arith.constant 2 : i32
    %broadcast_in_dim3A_2173 = vector.broadcast %broadcast_in_dim3A_2172 : i32 to vector<16xi32>
    %lt3A_2174 = arith.constant 0 : i32
    %lt3A_2175 = vector.broadcast %lt3A_2174 : i32 to vector<16xi32>
    %lt3A_2176 = arith.cmpi slt, %broadcast_in_dim3A_2173, %lt3A_2175 : vector<16xi32>
    %add3A_2177 = arith.constant 16 : i32
    %add3A_2178 = vector.broadcast %add3A_2177 : i32 to vector<16xi32>
    %add3A_2179 = arith.addi %broadcast_in_dim3A_2173, %add3A_2178 : vector<16xi32>
    %select_n3A_2180 = arith.select %lt3A_2176, %add3A_2179, %broadcast_in_dim3A_2173 : vector<16xi1>, vector<16xi32>
    %reshape3A_2181 = vector.shape_cast %select_n3A_2180 : vector<16xi32> to vector<16x1xi32>
    %gather3A_2182 = vector.shape_cast %reshape3A_2181 : vector<16x1xi32> to vector<16xi32>
    %gather3A_2183 = tpu.dynamic_gather %convert_element_type3A_1947[%gather3A_2182] in [0] : vector<16xf32>, vector<16xi32> -> vector<16xf32>
    %lt3A_2184 = arith.constant 0 : i32
    %lt3A_2185 = vector.broadcast %lt3A_2184 : i32 to vector<16xi32>
    %lt3A_2186 = arith.cmpi slt, %broadcast_in_dim3A_2173, %lt3A_2185 : vector<16xi32>
    %add3A_2187 = arith.constant 16 : i32
    %add3A_2188 = vector.broadcast %add3A_2187 : i32 to vector<16xi32>
    %add3A_2189 = arith.addi %broadcast_in_dim3A_2173, %add3A_2188 : vector<16xi32>
    %select_n3A_2190 = arith.select %lt3A_2186, %add3A_2189, %broadcast_in_dim3A_2173 : vector<16xi1>, vector<16xi32>
    %reshape3A_2191 = vector.shape_cast %select_n3A_2190 : vector<16xi32> to vector<16x1xi32>
    %gather3A_2192 = vector.shape_cast %reshape3A_2191 : vector<16x1xi32> to vector<16xi32>
    %gather3A_2193 = tpu.dynamic_gather %convert_element_type3A_1951[%gather3A_2192] in [0] : vector<16xf32>, vector<16xi32> -> vector<16xf32>
    %mul3A_2194 = arith.mulf %sub3A, %gather3A_2183 : vector<16xf32>
    %add3A_2195 = arith.addf %get3A_12, %mul3A_2194 : vector<16xf32>
    %add3A_2196 = arith.addf %add3A_2195, %get3A_99 : vector<16xf32>
    %mul3A_2197 = arith.mulf %sub3A_140, %gather3A_2193 : vector<16xf32>
    %add3A_2198 = arith.addf %add3A_2196, %mul3A_2197 : vector<16xf32>
    %swap3A_2199 = arith.constant 18 : i32
    %swap3A_2200 = arith.index_cast %swap3A_2199 : i32 to index
    %swap3A_2201 = arith.constant 0 : index
    %swap3A_2202 = tpu.vector_load %arg9[%swap3A_2200, %swap3A_2201] {strides = array<i32>} : memref<32x128xf32, #tpu.memory_space<vmem>>, vector<1x16xf32>,
    %swap3A_2203 = vector.shape_cast %swap3A_2202 : vector<1x16xf32> to vector<16xf32>
    %swap3A_2204 = vector.shape_cast %add3A_2198 : vector<16xf32> to vector<1x16xf32>
    tpu.vector_store %arg9[%swap3A_2200, %swap3A_2201], %swap3A_2204 {strides = array<i32>} : memref<32x128xf32, #tpu.memory_space<vmem>>, vector<1x16xf32>,
    %mul3A_2205 = arith.mulf %sub3A_58, %gather3A_2183 : vector<16xf32>
    %add3A_2206 = arith.addf %get3A_17, %mul3A_2205 : vector<16xf32>
    %add3A_2207 = arith.addf %add3A_2206, %get3A_104 : vector<16xf32>
    %mul3A_2208 = arith.mulf %sub3A_146, %gather3A_2193 : vector<16xf32>
    %add3A_2209 = arith.addf %add3A_2207, %mul3A_2208 : vector<16xf32>
    %swap3A_2210 = arith.constant 18 : i32
    %swap3A_2211 = arith.index_cast %swap3A_2210 : i32 to index
    %swap3A_2212 = arith.constant 16 : index
    %swap3A_2213 = tpu.vector_load %arg9[%swap3A_2211, %swap3A_2212] {strides = array<i32>} : memref<32x128xf32, #tpu.memory_space<vmem>>, vector<1x16xf32>,
    %swap3A_2214 = vector.shape_cast %swap3A_2213 : vector<1x16xf32> to vector<16xf32>
    %swap3A_2215 = vector.shape_cast %add3A_2209 : vector<16xf32> to vector<1x16xf32>
    tpu.vector_store %arg9[%swap3A_2211, %swap3A_2212], %swap3A_2215 {strides = array<i32>} : memref<32x128xf32, #tpu.memory_space<vmem>>, vector<1x16xf32>,
    %mul3A_2216 = arith.mulf %sub3A_64, %gather3A_2183 : vector<16xf32>
    %add3A_2217 = arith.addf %get3A_22, %mul3A_2216 : vector<16xf32>
    %add3A_2218 = arith.addf %add3A_2217, %get3A_109 : vector<16xf32>
    %mul3A_2219 = arith.mulf %sub3A_152, %gather3A_2193 : vector<16xf32>
    %add3A_2220 = arith.addf %add3A_2218, %mul3A_2219 : vector<16xf32>
    %swap3A_2221 = arith.constant 18 : i32
    %swap3A_2222 = arith.index_cast %swap3A_2221 : i32 to index
    %swap3A_2223 = arith.constant 32 : index
    %swap3A_2224 = tpu.vector_load %arg9[%swap3A_2222, %swap3A_2223] {strides = array<i32>} : memref<32x128xf32, #tpu.memory_space<vmem>>, vector<1x16xf32>,
    %swap3A_2225 = vector.shape_cast %swap3A_2224 : vector<1x16xf32> to vector<16xf32>
    %swap3A_2226 = vector.shape_cast %add3A_2220 : vector<16xf32> to vector<1x16xf32>
    tpu.vector_store %arg9[%swap3A_2222, %swap3A_2223], %swap3A_2226 {strides = array<i32>} : memref<32x128xf32, #tpu.memory_space<vmem>>, vector<1x16xf32>,
    %mul3A_2227 = arith.mulf %sub3A_70, %gather3A_2183 : vector<16xf32>
    %add3A_2228 = arith.addf %get3A_27, %mul3A_2227 : vector<16xf32>
    %add3A_2229 = arith.addf %add3A_2228, %get3A_114 : vector<16xf32>
    %mul3A_2230 = arith.mulf %sub3A_158, %gather3A_2193 : vector<16xf32>
    %add3A_2231 = arith.addf %add3A_2229, %mul3A_2230 : vector<16xf32>
    %swap3A_2232 = arith.constant 18 : i32
    %swap3A_2233 = arith.index_cast %swap3A_2232 : i32 to index
    %swap3A_2234 = arith.constant 48 : index
    %swap3A_2235 = tpu.vector_load %arg9[%swap3A_2233, %swap3A_2234] {strides = array<i32>} : memref<32x128xf32, #tpu.memory_space<vmem>>, vector<1x16xf32>,
    %swap3A_2236 = vector.shape_cast %swap3A_2235 : vector<1x16xf32> to vector<16xf32>
    %swap3A_2237 = vector.shape_cast %add3A_2231 : vector<16xf32> to vector<1x16xf32>
    tpu.vector_store %arg9[%swap3A_2233, %swap3A_2234], %swap3A_2237 {strides = array<i32>} : memref<32x128xf32, #tpu.memory_space<vmem>>, vector<1x16xf32>,
    %mul3A_2238 = arith.mulf %sub3A_76, %gather3A_2183 : vector<16xf32>
    %add3A_2239 = arith.addf %get3A_32, %mul3A_2238 : vector<16xf32>
    %add3A_2240 = arith.addf %add3A_2239, %get3A_119 : vector<16xf32>
    %mul3A_2241 = arith.mulf %sub3A_164, %gather3A_2193 : vector<16xf32>
    %add3A_2242 = arith.addf %add3A_2240, %mul3A_2241 : vector<16xf32>
    %swap3A_2243 = arith.constant 18 : i32
    %swap3A_2244 = arith.index_cast %swap3A_2243 : i32 to index
    %swap3A_2245 = arith.constant 64 : index
    %swap3A_2246 = tpu.vector_load %arg9[%swap3A_2244, %swap3A_2245] {strides = array<i32>} : memref<32x128xf32, #tpu.memory_space<vmem>>, vector<1x16xf32>,
    %swap3A_2247 = vector.shape_cast %swap3A_2246 : vector<1x16xf32> to vector<16xf32>
    %swap3A_2248 = vector.shape_cast %add3A_2242 : vector<16xf32> to vector<1x16xf32>
    tpu.vector_store %arg9[%swap3A_2244, %swap3A_2245], %swap3A_2248 {strides = array<i32>} : memref<32x128xf32, #tpu.memory_space<vmem>>, vector<1x16xf32>,
    %mul3A_2249 = arith.mulf %sub3A_82, %gather3A_2183 : vector<16xf32>
    %add3A_2250 = arith.addf %get3A_37, %mul3A_2249 : vector<16xf32>
    %add3A_2251 = arith.addf %add3A_2250, %get3A_124 : vector<16xf32>
    %mul3A_2252 = arith.mulf %sub3A_170, %gather3A_2193 : vector<16xf32>
    %add3A_2253 = arith.addf %add3A_2251, %mul3A_2252 : vector<16xf32>
    %swap3A_2254 = arith.constant 18 : i32
    %swap3A_2255 = arith.index_cast %swap3A_2254 : i32 to index
    %swap3A_2256 = arith.constant 80 : index
    %swap3A_2257 = tpu.vector_load %arg9[%swap3A_2255, %swap3A_2256] {strides = array<i32>} : memref<32x128xf32, #tpu.memory_space<vmem>>, vector<1x16xf32>,
    %swap3A_2258 = vector.shape_cast %swap3A_2257 : vector<1x16xf32> to vector<16xf32>
    %swap3A_2259 = vector.shape_cast %add3A_2253 : vector<16xf32> to vector<1x16xf32>
    tpu.vector_store %arg9[%swap3A_2255, %swap3A_2256], %swap3A_2259 {strides = array<i32>} : memref<32x128xf32, #tpu.memory_space<vmem>>, vector<1x16xf32>,
    %mul3A_2260 = arith.mulf %sub3A_88, %gather3A_2183 : vector<16xf32>
    %add3A_2261 = arith.addf %get3A_42, %mul3A_2260 : vector<16xf32>
    %add3A_2262 = arith.addf %add3A_2261, %get3A_129 : vector<16xf32>
    %mul3A_2263 = arith.mulf %sub3A_176, %gather3A_2193 : vector<16xf32>
    %add3A_2264 = arith.addf %add3A_2262, %mul3A_2263 : vector<16xf32>
    %swap3A_2265 = arith.constant 18 : i32
    %swap3A_2266 = arith.index_cast %swap3A_2265 : i32 to index
    %swap3A_2267 = arith.constant 96 : index
    %swap3A_2268 = tpu.vector_load %arg9[%swap3A_2266, %swap3A_2267] {strides = array<i32>} : memref<32x128xf32, #tpu.memory_space<vmem>>, vector<1x16xf32>,
    %swap3A_2269 = vector.shape_cast %swap3A_2268 : vector<1x16xf32> to vector<16xf32>
    %swap3A_2270 = vector.shape_cast %add3A_2264 : vector<16xf32> to vector<1x16xf32>
    tpu.vector_store %arg9[%swap3A_2266, %swap3A_2267], %swap3A_2270 {strides = array<i32>} : memref<32x128xf32, #tpu.memory_space<vmem>>, vector<1x16xf32>,
    %mul3A_2271 = arith.mulf %sub3A_94, %gather3A_2183 : vector<16xf32>
    %add3A_2272 = arith.addf %get3A_47, %mul3A_2271 : vector<16xf32>
    %add3A_2273 = arith.addf %add3A_2272, %get3A_134 : vector<16xf32>
    %mul3A_2274 = arith.mulf %sub3A_182, %gather3A_2193 : vector<16xf32>
    %add3A_2275 = arith.addf %add3A_2273, %mul3A_2274 : vector<16xf32>
    %swap3A_2276 = arith.constant 18 : i32
    %swap3A_2277 = arith.index_cast %swap3A_2276 : i32 to index
    %swap3A_2278 = arith.constant 112 : index
    %swap3A_2279 = tpu.vector_load %arg9[%swap3A_2277, %swap3A_2278] {strides = array<i32>} : memref<32x128xf32, #tpu.memory_space<vmem>>, vector<1x16xf32>,
    %swap3A_2280 = vector.shape_cast %swap3A_2279 : vector<1x16xf32> to vector<16xf32>
    %swap3A_2281 = vector.shape_cast %add3A_2275 : vector<16xf32> to vector<1x16xf32>
    tpu.vector_store %arg9[%swap3A_2277, %swap3A_2278], %swap3A_2281 {strides = array<i32>} : memref<32x128xf32, #tpu.memory_space<vmem>>, vector<1x16xf32>,
    %broadcast_in_dim3A_2282 = arith.constant 3 : i32
    %broadcast_in_dim3A_2283 = vector.broadcast %broadcast_in_dim3A_2282 : i32 to vector<16xi32>
    %lt3A_2284 = arith.constant 0 : i32
    %lt3A_2285 = vector.broadcast %lt3A_2284 : i32 to vector<16xi32>
    %lt3A_2286 = arith.cmpi slt, %broadcast_in_dim3A_2283, %lt3A_2285 : vector<16xi32>
    %add3A_2287 = arith.constant 16 : i32
    %add3A_2288 = vector.broadcast %add3A_2287 : i32 to vector<16xi32>
    %add3A_2289 = arith.addi %broadcast_in_dim3A_2283, %add3A_2288 : vector<16xi32>
    %select_n3A_2290 = arith.select %lt3A_2286, %add3A_2289, %broadcast_in_dim3A_2283 : vector<16xi1>, vector<16xi32>
    %reshape3A_2291 = vector.shape_cast %select_n3A_2290 : vector<16xi32> to vector<16x1xi32>
    %gather3A_2292 = vector.shape_cast %reshape3A_2291 : vector<16x1xi32> to vector<16xi32>
    %gather3A_2293 = tpu.dynamic_gather %convert_element_type3A_1947[%gather3A_2292] in [0] : vector<16xf32>, vector<16xi32> -> vector<16xf32>
    %lt3A_2294 = arith.constant 0 : i32
    %lt3A_2295 = vector.broadcast %lt3A_2294 : i32 to vector<16xi32>
    %lt3A_2296 = arith.cmpi slt, %broadcast_in_dim3A_2283, %lt3A_2295 : vector<16xi32>
    %add3A_2297 = arith.constant 16 : i32
    %add3A_2298 = vector.broadcast %add3A_2297 : i32 to vector<16xi32>
    %add3A_2299 = arith.addi %broadcast_in_dim3A_2283, %add3A_2298 : vector<16xi32>
    %select_n3A_2300 = arith.select %lt3A_2296, %add3A_2299, %broadcast_in_dim3A_2283 : vector<16xi1>, vector<16xi32>
    %reshape3A_2301 = vector.shape_cast %select_n3A_2300 : vector<16xi32> to vector<16x1xi32>
    %gather3A_2302 = vector.shape_cast %reshape3A_2301 : vector<16x1xi32> to vector<16xi32>
    %gather3A_2303 = tpu.dynamic_gather %convert_element_type3A_1951[%gather3A_2302] in [0] : vector<16xf32>, vector<16xi32> -> vector<16xf32>
    %mul3A_2304 = arith.mulf %sub3A, %gather3A_2293 : vector<16xf32>
    %add3A_2305 = arith.addf %get3A_12, %mul3A_2304 : vector<16xf32>
    %add3A_2306 = arith.addf %add3A_2305, %get3A_99 : vector<16xf32>
    %mul3A_2307 = arith.mulf %sub3A_140, %gather3A_2303 : vector<16xf32>
    %add3A_2308 = arith.addf %add3A_2306, %mul3A_2307 : vector<16xf32>
    %swap3A_2309 = arith.constant 19 : i32
    %swap3A_2310 = arith.index_cast %swap3A_2309 : i32 to index
    %swap3A_2311 = arith.constant 0 : index
    %swap3A_2312 = tpu.vector_load %arg9[%swap3A_2310, %swap3A_2311] {strides = array<i32>} : memref<32x128xf32, #tpu.memory_space<vmem>>, vector<1x16xf32>,
    %swap3A_2313 = vector.shape_cast %swap3A_2312 : vector<1x16xf32> to vector<16xf32>
    %swap3A_2314 = vector.shape_cast %add3A_2308 : vector<16xf32> to vector<1x16xf32>
    tpu.vector_store %arg9[%swap3A_2310, %swap3A_2311], %swap3A_2314 {strides = array<i32>} : memref<32x128xf32, #tpu.memory_space<vmem>>, vector<1x16xf32>,
    %mul3A_2315 = arith.mulf %sub3A_58, %gather3A_2293 : vector<16xf32>
    %add3A_2316 = arith.addf %get3A_17, %mul3A_2315 : vector<16xf32>
    %add3A_2317 = arith.addf %add3A_2316, %get3A_104 : vector<16xf32>
    %mul3A_2318 = arith.mulf %sub3A_146, %gather3A_2303 : vector<16xf32>
    %add3A_2319 = arith.addf %add3A_2317, %mul3A_2318 : vector<16xf32>
    %swap3A_2320 = arith.constant 19 : i32
    %swap3A_2321 = arith.index_cast %swap3A_2320 : i32 to index
    %swap3A_2322 = arith.constant 16 : index
    %swap3A_2323 = tpu.vector_load %arg9[%swap3A_2321, %swap3A_2322] {strides = array<i32>} : memref<32x128xf32, #tpu.memory_space<vmem>>, vector<1x16xf32>,
    %swap3A_2324 = vector.shape_cast %swap3A_2323 : vector<1x16xf32> to vector<16xf32>
    %swap3A_2325 = vector.shape_cast %add3A_2319 : vector<16xf32> to vector<1x16xf32>
    tpu.vector_store %arg9[%swap3A_2321, %swap3A_2322], %swap3A_2325 {strides = array<i32>} : memref<32x128xf32, #tpu.memory_space<vmem>>, vector<1x16xf32>,
    %mul3A_2326 = arith.mulf %sub3A_64, %gather3A_2293 : vector<16xf32>
    %add3A_2327 = arith.addf %get3A_22, %mul3A_2326 : vector<16xf32>
    %add3A_2328 = arith.addf %add3A_2327, %get3A_109 : vector<16xf32>
    %mul3A_2329 = arith.mulf %sub3A_152, %gather3A_2303 : vector<16xf32>
    %add3A_2330 = arith.addf %add3A_2328, %mul3A_2329 : vector<16xf32>
    %swap3A_2331 = arith.constant 19 : i32
    %swap3A_2332 = arith.index_cast %swap3A_2331 : i32 to index
    %swap3A_2333 = arith.constant 32 : index
    %swap3A_2334 = tpu.vector_load %arg9[%swap3A_2332, %swap3A_2333] {strides = array<i32>} : memref<32x128xf32, #tpu.memory_space<vmem>>, vector<1x16xf32>,
    %swap3A_2335 = vector.shape_cast %swap3A_2334 : vector<1x16xf32> to vector<16xf32>
    %swap3A_2336 = vector.shape_cast %add3A_2330 : vector<16xf32> to vector<1x16xf32>
    tpu.vector_store %arg9[%swap3A_2332, %swap3A_2333], %swap3A_2336 {strides = array<i32>} : memref<32x128xf32, #tpu.memory_space<vmem>>, vector<1x16xf32>,
    %mul3A_2337 = arith.mulf %sub3A_70, %gather3A_2293 : vector<16xf32>
    %add3A_2338 = arith.addf %get3A_27, %mul3A_2337 : vector<16xf32>
    %add3A_2339 = arith.addf %add3A_2338, %get3A_114 : vector<16xf32>
    %mul3A_2340 = arith.mulf %sub3A_158, %gather3A_2303 : vector<16xf32>
    %add3A_2341 = arith.addf %add3A_2339, %mul3A_2340 : vector<16xf32>
    %swap3A_2342 = arith.constant 19 : i32
    %swap3A_2343 = arith.index_cast %swap3A_2342 : i32 to index
    %swap3A_2344 = arith.constant 48 : index
    %swap3A_2345 = tpu.vector_load %arg9[%swap3A_2343, %swap3A_2344] {strides = array<i32>} : memref<32x128xf32, #tpu.memory_space<vmem>>, vector<1x16xf32>,
    %swap3A_2346 = vector.shape_cast %swap3A_2345 : vector<1x16xf32> to vector<16xf32>
    %swap3A_2347 = vector.shape_cast %add3A_2341 : vector<16xf32> to vector<1x16xf32>
    tpu.vector_store %arg9[%swap3A_2343, %swap3A_2344], %swap3A_2347 {strides = array<i32>} : memref<32x128xf32, #tpu.memory_space<vmem>>, vector<1x16xf32>,
    %mul3A_2348 = arith.mulf %sub3A_76, %gather3A_2293 : vector<16xf32>
    %add3A_2349 = arith.addf %get3A_32, %mul3A_2348 : vector<16xf32>
    %add3A_2350 = arith.addf %add3A_2349, %get3A_119 : vector<16xf32>
    %mul3A_2351 = arith.mulf %sub3A_164, %gather3A_2303 : vector<16xf32>
    %add3A_2352 = arith.addf %add3A_2350, %mul3A_2351 : vector<16xf32>
    %swap3A_2353 = arith.constant 19 : i32
    %swap3A_2354 = arith.index_cast %swap3A_2353 : i32 to index
    %swap3A_2355 = arith.constant 64 : index
    %swap3A_2356 = tpu.vector_load %arg9[%swap3A_2354, %swap3A_2355] {strides = array<i32>} : memref<32x128xf32, #tpu.memory_space<vmem>>, vector<1x16xf32>,
    %swap3A_2357 = vector.shape_cast %swap3A_2356 : vector<1x16xf32> to vector<16xf32>
    %swap3A_2358 = vector.shape_cast %add3A_2352 : vector<16xf32> to vector<1x16xf32>
    tpu.vector_store %arg9[%swap3A_2354, %swap3A_2355], %swap3A_2358 {strides = array<i32>} : memref<32x128xf32, #tpu.memory_space<vmem>>, vector<1x16xf32>,
    %mul3A_2359 = arith.mulf %sub3A_82, %gather3A_2293 : vector<16xf32>
    %add3A_2360 = arith.addf %get3A_37, %mul3A_2359 : vector<16xf32>
    %add3A_2361 = arith.addf %add3A_2360, %get3A_124 : vector<16xf32>
    %mul3A_2362 = arith.mulf %sub3A_170, %gather3A_2303 : vector<16xf32>
    %add3A_2363 = arith.addf %add3A_2361, %mul3A_2362 : vector<16xf32>
    %swap3A_2364 = arith.constant 19 : i32
    %swap3A_2365 = arith.index_cast %swap3A_2364 : i32 to index
    %swap3A_2366 = arith.constant 80 : index
    %swap3A_2367 = tpu.vector_load %arg9[%swap3A_2365, %swap3A_2366] {strides = array<i32>} : memref<32x128xf32, #tpu.memory_space<vmem>>, vector<1x16xf32>,
    %swap3A_2368 = vector.shape_cast %swap3A_2367 : vector<1x16xf32> to vector<16xf32>
    %swap3A_2369 = vector.shape_cast %add3A_2363 : vector<16xf32> to vector<1x16xf32>
    tpu.vector_store %arg9[%swap3A_2365, %swap3A_2366], %swap3A_2369 {strides = array<i32>} : memref<32x128xf32, #tpu.memory_space<vmem>>, vector<1x16xf32>,
    %mul3A_2370 = arith.mulf %sub3A_88, %gather3A_2293 : vector<16xf32>
    %add3A_2371 = arith.addf %get3A_42, %mul3A_2370 : vector<16xf32>
    %add3A_2372 = arith.addf %add3A_2371, %get3A_129 : vector<16xf32>
    %mul3A_2373 = arith.mulf %sub3A_176, %gather3A_2303 : vector<16xf32>
    %add3A_2374 = arith.addf %add3A_2372, %mul3A_2373 : vector<16xf32>
    %swap3A_2375 = arith.constant 19 : i32
    %swap3A_2376 = arith.index_cast %swap3A_2375 : i32 to index
    %swap3A_2377 = arith.constant 96 : index
    %swap3A_2378 = tpu.vector_load %arg9[%swap3A_2376, %swap3A_2377] {strides = array<i32>} : memref<32x128xf32, #tpu.memory_space<vmem>>, vector<1x16xf32>,
    %swap3A_2379 = vector.shape_cast %swap3A_2378 : vector<1x16xf32> to vector<16xf32>
    %swap3A_2380 = vector.shape_cast %add3A_2374 : vector<16xf32> to vector<1x16xf32>
    tpu.vector_store %arg9[%swap3A_2376, %swap3A_2377], %swap3A_2380 {strides = array<i32>} : memref<32x128xf32, #tpu.memory_space<vmem>>, vector<1x16xf32>,
    %mul3A_2381 = arith.mulf %sub3A_94, %gather3A_2293 : vector<16xf32>
    %add3A_2382 = arith.addf %get3A_47, %mul3A_2381 : vector<16xf32>
    %add3A_2383 = arith.addf %add3A_2382, %get3A_134 : vector<16xf32>
    %mul3A_2384 = arith.mulf %sub3A_182, %gather3A_2303 : vector<16xf32>
    %add3A_2385 = arith.addf %add3A_2383, %mul3A_2384 : vector<16xf32>
    %swap3A_2386 = arith.constant 19 : i32
    %swap3A_2387 = arith.index_cast %swap3A_2386 : i32 to index
    %swap3A_2388 = arith.constant 112 : index
    %swap3A_2389 = tpu.vector_load %arg9[%swap3A_2387, %swap3A_2388] {strides = array<i32>} : memref<32x128xf32, #tpu.memory_space<vmem>>, vector<1x16xf32>,
    %swap3A_2390 = vector.shape_cast %swap3A_2389 : vector<1x16xf32> to vector<16xf32>
    %swap3A_2391 = vector.shape_cast %add3A_2385 : vector<16xf32> to vector<1x16xf32>
    tpu.vector_store %arg9[%swap3A_2387, %swap3A_2388], %swap3A_2391 {strides = array<i32>} : memref<32x128xf32, #tpu.memory_space<vmem>>, vector<1x16xf32>,
    %broadcast_in_dim3A_2392 = arith.constant 4 : i32
    %broadcast_in_dim3A_2393 = vector.broadcast %broadcast_in_dim3A_2392 : i32 to vector<16xi32>
    %lt3A_2394 = arith.constant 0 : i32
    %lt3A_2395 = vector.broadcast %lt3A_2394 : i32 to vector<16xi32>
    %lt3A_2396 = arith.cmpi slt, %broadcast_in_dim3A_2393, %lt3A_2395 : vector<16xi32>
    %add3A_2397 = arith.constant 16 : i32
    %add3A_2398 = vector.broadcast %add3A_2397 : i32 to vector<16xi32>
    %add3A_2399 = arith.addi %broadcast_in_dim3A_2393, %add3A_2398 : vector<16xi32>
    %select_n3A_2400 = arith.select %lt3A_2396, %add3A_2399, %broadcast_in_dim3A_2393 : vector<16xi1>, vector<16xi32>
    %reshape3A_2401 = vector.shape_cast %select_n3A_2400 : vector<16xi32> to vector<16x1xi32>
    %gather3A_2402 = vector.shape_cast %reshape3A_2401 : vector<16x1xi32> to vector<16xi32>
    %gather3A_2403 = tpu.dynamic_gather %convert_element_type3A_1947[%gather3A_2402] in [0] : vector<16xf32>, vector<16xi32> -> vector<16xf32>
    %lt3A_2404 = arith.constant 0 : i32
    %lt3A_2405 = vector.broadcast %lt3A_2404 : i32 to vector<16xi32>
    %lt3A_2406 = arith.cmpi slt, %broadcast_in_dim3A_2393, %lt3A_2405 : vector<16xi32>
    %add3A_2407 = arith.constant 16 : i32
    %add3A_2408 = vector.broadcast %add3A_2407 : i32 to vector<16xi32>
    %add3A_2409 = arith.addi %broadcast_in_dim3A_2393, %add3A_2408 : vector<16xi32>
    %select_n3A_2410 = arith.select %lt3A_2406, %add3A_2409, %broadcast_in_dim3A_2393 : vector<16xi1>, vector<16xi32>
    %reshape3A_2411 = vector.shape_cast %select_n3A_2410 : vector<16xi32> to vector<16x1xi32>
    %gather3A_2412 = vector.shape_cast %reshape3A_2411 : vector<16x1xi32> to vector<16xi32>
    %gather3A_2413 = tpu.dynamic_gather %convert_element_type3A_1951[%gather3A_2412] in [0] : vector<16xf32>, vector<16xi32> -> vector<16xf32>
    %mul3A_2414 = arith.mulf %sub3A, %gather3A_2403 : vector<16xf32>
    %add3A_2415 = arith.addf %get3A_12, %mul3A_2414 : vector<16xf32>
    %add3A_2416 = arith.addf %add3A_2415, %get3A_99 : vector<16xf32>
    %mul3A_2417 = arith.mulf %sub3A_140, %gather3A_2413 : vector<16xf32>
    %add3A_2418 = arith.addf %add3A_2416, %mul3A_2417 : vector<16xf32>
    %swap3A_2419 = arith.constant 20 : i32
    %swap3A_2420 = arith.index_cast %swap3A_2419 : i32 to index
    %swap3A_2421 = arith.constant 0 : index
    %swap3A_2422 = tpu.vector_load %arg9[%swap3A_2420, %swap3A_2421] {strides = array<i32>} : memref<32x128xf32, #tpu.memory_space<vmem>>, vector<1x16xf32>,
    %swap3A_2423 = vector.shape_cast %swap3A_2422 : vector<1x16xf32> to vector<16xf32>
    %swap3A_2424 = vector.shape_cast %add3A_2418 : vector<16xf32> to vector<1x16xf32>
    tpu.vector_store %arg9[%swap3A_2420, %swap3A_2421], %swap3A_2424 {strides = array<i32>} : memref<32x128xf32, #tpu.memory_space<vmem>>, vector<1x16xf32>,
    %mul3A_2425 = arith.mulf %sub3A_58, %gather3A_2403 : vector<16xf32>
    %add3A_2426 = arith.addf %get3A_17, %mul3A_2425 : vector<16xf32>
    %add3A_2427 = arith.addf %add3A_2426, %get3A_104 : vector<16xf32>
    %mul3A_2428 = arith.mulf %sub3A_146, %gather3A_2413 : vector<16xf32>
    %add3A_2429 = arith.addf %add3A_2427, %mul3A_2428 : vector<16xf32>
    %swap3A_2430 = arith.constant 20 : i32
    %swap3A_2431 = arith.index_cast %swap3A_2430 : i32 to index
    %swap3A_2432 = arith.constant 16 : index
    %swap3A_2433 = tpu.vector_load %arg9[%swap3A_2431, %swap3A_2432] {strides = array<i32>} : memref<32x128xf32, #tpu.memory_space<vmem>>, vector<1x16xf32>,
    %swap3A_2434 = vector.shape_cast %swap3A_2433 : vector<1x16xf32> to vector<16xf32>
    %swap3A_2435 = vector.shape_cast %add3A_2429 : vector<16xf32> to vector<1x16xf32>
    tpu.vector_store %arg9[%swap3A_2431, %swap3A_2432], %swap3A_2435 {strides = array<i32>} : memref<32x128xf32, #tpu.memory_space<vmem>>, vector<1x16xf32>,
    %mul3A_2436 = arith.mulf %sub3A_64, %gather3A_2403 : vector<16xf32>
    %add3A_2437 = arith.addf %get3A_22, %mul3A_2436 : vector<16xf32>
    %add3A_2438 = arith.addf %add3A_2437, %get3A_109 : vector<16xf32>
    %mul3A_2439 = arith.mulf %sub3A_152, %gather3A_2413 : vector<16xf32>
    %add3A_2440 = arith.addf %add3A_2438, %mul3A_2439 : vector<16xf32>
    %swap3A_2441 = arith.constant 20 : i32
    %swap3A_2442 = arith.index_cast %swap3A_2441 : i32 to index
    %swap3A_2443 = arith.constant 32 : index
    %swap3A_2444 = tpu.vector_load %arg9[%swap3A_2442, %swap3A_2443] {strides = array<i32>} : memref<32x128xf32, #tpu.memory_space<vmem>>, vector<1x16xf32>,
    %swap3A_2445 = vector.shape_cast %swap3A_2444 : vector<1x16xf32> to vector<16xf32>
    %swap3A_2446 = vector.shape_cast %add3A_2440 : vector<16xf32> to vector<1x16xf32>
    tpu.vector_store %arg9[%swap3A_2442, %swap3A_2443], %swap3A_2446 {strides = array<i32>} : memref<32x128xf32, #tpu.memory_space<vmem>>, vector<1x16xf32>,
    %mul3A_2447 = arith.mulf %sub3A_70, %gather3A_2403 : vector<16xf32>
    %add3A_2448 = arith.addf %get3A_27, %mul3A_2447 : vector<16xf32>
    %add3A_2449 = arith.addf %add3A_2448, %get3A_114 : vector<16xf32>
    %mul3A_2450 = arith.mulf %sub3A_158, %gather3A_2413 : vector<16xf32>
    %add3A_2451 = arith.addf %add3A_2449, %mul3A_2450 : vector<16xf32>
    %swap3A_2452 = arith.constant 20 : i32
    %swap3A_2453 = arith.index_cast %swap3A_2452 : i32 to index
    %swap3A_2454 = arith.constant 48 : index
    %swap3A_2455 = tpu.vector_load %arg9[%swap3A_2453, %swap3A_2454] {strides = array<i32>} : memref<32x128xf32, #tpu.memory_space<vmem>>, vector<1x16xf32>,
    %swap3A_2456 = vector.shape_cast %swap3A_2455 : vector<1x16xf32> to vector<16xf32>
    %swap3A_2457 = vector.shape_cast %add3A_2451 : vector<16xf32> to vector<1x16xf32>
    tpu.vector_store %arg9[%swap3A_2453, %swap3A_2454], %swap3A_2457 {strides = array<i32>} : memref<32x128xf32, #tpu.memory_space<vmem>>, vector<1x16xf32>,
    %mul3A_2458 = arith.mulf %sub3A_76, %gather3A_2403 : vector<16xf32>
    %add3A_2459 = arith.addf %get3A_32, %mul3A_2458 : vector<16xf32>
    %add3A_2460 = arith.addf %add3A_2459, %get3A_119 : vector<16xf32>
    %mul3A_2461 = arith.mulf %sub3A_164, %gather3A_2413 : vector<16xf32>
    %add3A_2462 = arith.addf %add3A_2460, %mul3A_2461 : vector<16xf32>
    %swap3A_2463 = arith.constant 20 : i32
    %swap3A_2464 = arith.index_cast %swap3A_2463 : i32 to index
    %swap3A_2465 = arith.constant 64 : index
    %swap3A_2466 = tpu.vector_load %arg9[%swap3A_2464, %swap3A_2465] {strides = array<i32>} : memref<32x128xf32, #tpu.memory_space<vmem>>, vector<1x16xf32>,
    %swap3A_2467 = vector.shape_cast %swap3A_2466 : vector<1x16xf32> to vector<16xf32>
    %swap3A_2468 = vector.shape_cast %add3A_2462 : vector<16xf32> to vector<1x16xf32>
    tpu.vector_store %arg9[%swap3A_2464, %swap3A_2465], %swap3A_2468 {strides = array<i32>} : memref<32x128xf32, #tpu.memory_space<vmem>>, vector<1x16xf32>,
    %mul3A_2469 = arith.mulf %sub3A_82, %gather3A_2403 : vector<16xf32>
    %add3A_2470 = arith.addf %get3A_37, %mul3A_2469 : vector<16xf32>
    %add3A_2471 = arith.addf %add3A_2470, %get3A_124 : vector<16xf32>
    %mul3A_2472 = arith.mulf %sub3A_170, %gather3A_2413 : vector<16xf32>
    %add3A_2473 = arith.addf %add3A_2471, %mul3A_2472 : vector<16xf32>
    %swap3A_2474 = arith.constant 20 : i32
    %swap3A_2475 = arith.index_cast %swap3A_2474 : i32 to index
    %swap3A_2476 = arith.constant 80 : index
    %swap3A_2477 = tpu.vector_load %arg9[%swap3A_2475, %swap3A_2476] {strides = array<i32>} : memref<32x128xf32, #tpu.memory_space<vmem>>, vector<1x16xf32>,
    %swap3A_2478 = vector.shape_cast %swap3A_2477 : vector<1x16xf32> to vector<16xf32>
    %swap3A_2479 = vector.shape_cast %add3A_2473 : vector<16xf32> to vector<1x16xf32>
    tpu.vector_store %arg9[%swap3A_2475, %swap3A_2476], %swap3A_2479 {strides = array<i32>} : memref<32x128xf32, #tpu.memory_space<vmem>>, vector<1x16xf32>,
    %mul3A_2480 = arith.mulf %sub3A_88, %gather3A_2403 : vector<16xf32>
    %add3A_2481 = arith.addf %get3A_42, %mul3A_2480 : vector<16xf32>
    %add3A_2482 = arith.addf %add3A_2481, %get3A_129 : vector<16xf32>
    %mul3A_2483 = arith.mulf %sub3A_176, %gather3A_2413 : vector<16xf32>
    %add3A_2484 = arith.addf %add3A_2482, %mul3A_2483 : vector<16xf32>
    %swap3A_2485 = arith.constant 20 : i32
    %swap3A_2486 = arith.index_cast %swap3A_2485 : i32 to index
    %swap3A_2487 = arith.constant 96 : index
    %swap3A_2488 = tpu.vector_load %arg9[%swap3A_2486, %swap3A_2487] {strides = array<i32>} : memref<32x128xf32, #tpu.memory_space<vmem>>, vector<1x16xf32>,
    %swap3A_2489 = vector.shape_cast %swap3A_2488 : vector<1x16xf32> to vector<16xf32>
    %swap3A_2490 = vector.shape_cast %add3A_2484 : vector<16xf32> to vector<1x16xf32>
    tpu.vector_store %arg9[%swap3A_2486, %swap3A_2487], %swap3A_2490 {strides = array<i32>} : memref<32x128xf32, #tpu.memory_space<vmem>>, vector<1x16xf32>,
    %mul3A_2491 = arith.mulf %sub3A_94, %gather3A_2403 : vector<16xf32>
    %add3A_2492 = arith.addf %get3A_47, %mul3A_2491 : vector<16xf32>
    %add3A_2493 = arith.addf %add3A_2492, %get3A_134 : vector<16xf32>
    %mul3A_2494 = arith.mulf %sub3A_182, %gather3A_2413 : vector<16xf32>
    %add3A_2495 = arith.addf %add3A_2493, %mul3A_2494 : vector<16xf32>
    %swap3A_2496 = arith.constant 20 : i32
    %swap3A_2497 = arith.index_cast %swap3A_2496 : i32 to index
    %swap3A_2498 = arith.constant 112 : index
    %swap3A_2499 = tpu.vector_load %arg9[%swap3A_2497, %swap3A_2498] {strides = array<i32>} : memref<32x128xf32, #tpu.memory_space<vmem>>, vector<1x16xf32>,
    %swap3A_2500 = vector.shape_cast %swap3A_2499 : vector<1x16xf32> to vector<16xf32>
    %swap3A_2501 = vector.shape_cast %add3A_2495 : vector<16xf32> to vector<1x16xf32>
    tpu.vector_store %arg9[%swap3A_2497, %swap3A_2498], %swap3A_2501 {strides = array<i32>} : memref<32x128xf32, #tpu.memory_space<vmem>>, vector<1x16xf32>,
    %broadcast_in_dim3A_2502 = arith.constant 5 : i32
    %broadcast_in_dim3A_2503 = vector.broadcast %broadcast_in_dim3A_2502 : i32 to vector<16xi32>
    %lt3A_2504 = arith.constant 0 : i32
    %lt3A_2505 = vector.broadcast %lt3A_2504 : i32 to vector<16xi32>
    %lt3A_2506 = arith.cmpi slt, %broadcast_in_dim3A_2503, %lt3A_2505 : vector<16xi32>
    %add3A_2507 = arith.constant 16 : i32
    %add3A_2508 = vector.broadcast %add3A_2507 : i32 to vector<16xi32>
    %add3A_2509 = arith.addi %broadcast_in_dim3A_2503, %add3A_2508 : vector<16xi32>
    %select_n3A_2510 = arith.select %lt3A_2506, %add3A_2509, %broadcast_in_dim3A_2503 : vector<16xi1>, vector<16xi32>
    %reshape3A_2511 = vector.shape_cast %select_n3A_2510 : vector<16xi32> to vector<16x1xi32>
    %gather3A_2512 = vector.shape_cast %reshape3A_2511 : vector<16x1xi32> to vector<16xi32>
    %gather3A_2513 = tpu.dynamic_gather %convert_element_type3A_1947[%gather3A_2512] in [0] : vector<16xf32>, vector<16xi32> -> vector<16xf32>
    %lt3A_2514 = arith.constant 0 : i32
    %lt3A_2515 = vector.broadcast %lt3A_2514 : i32 to vector<16xi32>
    %lt3A_2516 = arith.cmpi slt, %broadcast_in_dim3A_2503, %lt3A_2515 : vector<16xi32>
    %add3A_2517 = arith.constant 16 : i32
    %add3A_2518 = vector.broadcast %add3A_2517 : i32 to vector<16xi32>
    %add3A_2519 = arith.addi %broadcast_in_dim3A_2503, %add3A_2518 : vector<16xi32>
    %select_n3A_2520 = arith.select %lt3A_2516, %add3A_2519, %broadcast_in_dim3A_2503 : vector<16xi1>, vector<16xi32>
    %reshape3A_2521 = vector.shape_cast %select_n3A_2520 : vector<16xi32> to vector<16x1xi32>
    %gather3A_2522 = vector.shape_cast %reshape3A_2521 : vector<16x1xi32> to vector<16xi32>
    %gather3A_2523 = tpu.dynamic_gather %convert_element_type3A_1951[%gather3A_2522] in [0] : vector<16xf32>, vector<16xi32> -> vector<16xf32>
    %mul3A_2524 = arith.mulf %sub3A, %gather3A_2513 : vector<16xf32>
    %add3A_2525 = arith.addf %get3A_12, %mul3A_2524 : vector<16xf32>
    %add3A_2526 = arith.addf %add3A_2525, %get3A_99 : vector<16xf32>
    %mul3A_2527 = arith.mulf %sub3A_140, %gather3A_2523 : vector<16xf32>
    %add3A_2528 = arith.addf %add3A_2526, %mul3A_2527 : vector<16xf32>
    %swap3A_2529 = arith.constant 21 : i32
    %swap3A_2530 = arith.index_cast %swap3A_2529 : i32 to index
    %swap3A_2531 = arith.constant 0 : index
    %swap3A_2532 = tpu.vector_load %arg9[%swap3A_2530, %swap3A_2531] {strides = array<i32>} : memref<32x128xf32, #tpu.memory_space<vmem>>, vector<1x16xf32>,
    %swap3A_2533 = vector.shape_cast %swap3A_2532 : vector<1x16xf32> to vector<16xf32>
    %swap3A_2534 = vector.shape_cast %add3A_2528 : vector<16xf32> to vector<1x16xf32>
    tpu.vector_store %arg9[%swap3A_2530, %swap3A_2531], %swap3A_2534 {strides = array<i32>} : memref<32x128xf32, #tpu.memory_space<vmem>>, vector<1x16xf32>,
    %mul3A_2535 = arith.mulf %sub3A_58, %gather3A_2513 : vector<16xf32>
    %add3A_2536 = arith.addf %get3A_17, %mul3A_2535 : vector<16xf32>
    %add3A_2537 = arith.addf %add3A_2536, %get3A_104 : vector<16xf32>
    %mul3A_2538 = arith.mulf %sub3A_146, %gather3A_2523 : vector<16xf32>
    %add3A_2539 = arith.addf %add3A_2537, %mul3A_2538 : vector<16xf32>
    %swap3A_2540 = arith.constant 21 : i32
    %swap3A_2541 = arith.index_cast %swap3A_2540 : i32 to index
    %swap3A_2542 = arith.constant 16 : index
    %swap3A_2543 = tpu.vector_load %arg9[%swap3A_2541, %swap3A_2542] {strides = array<i32>} : memref<32x128xf32, #tpu.memory_space<vmem>>, vector<1x16xf32>,
    %swap3A_2544 = vector.shape_cast %swap3A_2543 : vector<1x16xf32> to vector<16xf32>
    %swap3A_2545 = vector.shape_cast %add3A_2539 : vector<16xf32> to vector<1x16xf32>
    tpu.vector_store %arg9[%swap3A_2541, %swap3A_2542], %swap3A_2545 {strides = array<i32>} : memref<32x128xf32, #tpu.memory_space<vmem>>, vector<1x16xf32>,
    %mul3A_2546 = arith.mulf %sub3A_64, %gather3A_2513 : vector<16xf32>
    %add3A_2547 = arith.addf %get3A_22, %mul3A_2546 : vector<16xf32>
    %add3A_2548 = arith.addf %add3A_2547, %get3A_109 : vector<16xf32>
    %mul3A_2549 = arith.mulf %sub3A_152, %gather3A_2523 : vector<16xf32>
    %add3A_2550 = arith.addf %add3A_2548, %mul3A_2549 : vector<16xf32>
    %swap3A_2551 = arith.constant 21 : i32
    %swap3A_2552 = arith.index_cast %swap3A_2551 : i32 to index
    %swap3A_2553 = arith.constant 32 : index
    %swap3A_2554 = tpu.vector_load %arg9[%swap3A_2552, %swap3A_2553] {strides = array<i32>} : memref<32x128xf32, #tpu.memory_space<vmem>>, vector<1x16xf32>,
    %swap3A_2555 = vector.shape_cast %swap3A_2554 : vector<1x16xf32> to vector<16xf32>
    %swap3A_2556 = vector.shape_cast %add3A_2550 : vector<16xf32> to vector<1x16xf32>
    tpu.vector_store %arg9[%swap3A_2552, %swap3A_2553], %swap3A_2556 {strides = array<i32>} : memref<32x128xf32, #tpu.memory_space<vmem>>, vector<1x16xf32>,
    %mul3A_2557 = arith.mulf %sub3A_70, %gather3A_2513 : vector<16xf32>
    %add3A_2558 = arith.addf %get3A_27, %mul3A_2557 : vector<16xf32>
    %add3A_2559 = arith.addf %add3A_2558, %get3A_114 : vector<16xf32>
    %mul3A_2560 = arith.mulf %sub3A_158, %gather3A_2523 : vector<16xf32>
    %add3A_2561 = arith.addf %add3A_2559, %mul3A_2560 : vector<16xf32>
    %swap3A_2562 = arith.constant 21 : i32
    %swap3A_2563 = arith.index_cast %swap3A_2562 : i32 to index
    %swap3A_2564 = arith.constant 48 : index
    %swap3A_2565 = tpu.vector_load %arg9[%swap3A_2563, %swap3A_2564] {strides = array<i32>} : memref<32x128xf32, #tpu.memory_space<vmem>>, vector<1x16xf32>,
    %swap3A_2566 = vector.shape_cast %swap3A_2565 : vector<1x16xf32> to vector<16xf32>
    %swap3A_2567 = vector.shape_cast %add3A_2561 : vector<16xf32> to vector<1x16xf32>
    tpu.vector_store %arg9[%swap3A_2563, %swap3A_2564], %swap3A_2567 {strides = array<i32>} : memref<32x128xf32, #tpu.memory_space<vmem>>, vector<1x16xf32>,
    %mul3A_2568 = arith.mulf %sub3A_76, %gather3A_2513 : vector<16xf32>
    %add3A_2569 = arith.addf %get3A_32, %mul3A_2568 : vector<16xf32>
    %add3A_2570 = arith.addf %add3A_2569, %get3A_119 : vector<16xf32>
    %mul3A_2571 = arith.mulf %sub3A_164, %gather3A_2523 : vector<16xf32>
    %add3A_2572 = arith.addf %add3A_2570, %mul3A_2571 : vector<16xf32>
    %swap3A_2573 = arith.constant 21 : i32
    %swap3A_2574 = arith.index_cast %swap3A_2573 : i32 to index
    %swap3A_2575 = arith.constant 64 : index
    %swap3A_2576 = tpu.vector_load %arg9[%swap3A_2574, %swap3A_2575] {strides = array<i32>} : memref<32x128xf32, #tpu.memory_space<vmem>>, vector<1x16xf32>,
    %swap3A_2577 = vector.shape_cast %swap3A_2576 : vector<1x16xf32> to vector<16xf32>
    %swap3A_2578 = vector.shape_cast %add3A_2572 : vector<16xf32> to vector<1x16xf32>
    tpu.vector_store %arg9[%swap3A_2574, %swap3A_2575], %swap3A_2578 {strides = array<i32>} : memref<32x128xf32, #tpu.memory_space<vmem>>, vector<1x16xf32>,
    %mul3A_2579 = arith.mulf %sub3A_82, %gather3A_2513 : vector<16xf32>
    %add3A_2580 = arith.addf %get3A_37, %mul3A_2579 : vector<16xf32>
    %add3A_2581 = arith.addf %add3A_2580, %get3A_124 : vector<16xf32>
    %mul3A_2582 = arith.mulf %sub3A_170, %gather3A_2523 : vector<16xf32>
    %add3A_2583 = arith.addf %add3A_2581, %mul3A_2582 : vector<16xf32>
    %swap3A_2584 = arith.constant 21 : i32
    %swap3A_2585 = arith.index_cast %swap3A_2584 : i32 to index
    %swap3A_2586 = arith.constant 80 : index
    %swap3A_2587 = tpu.vector_load %arg9[%swap3A_2585, %swap3A_2586] {strides = array<i32>} : memref<32x128xf32, #tpu.memory_space<vmem>>, vector<1x16xf32>,
    %swap3A_2588 = vector.shape_cast %swap3A_2587 : vector<1x16xf32> to vector<16xf32>
    %swap3A_2589 = vector.shape_cast %add3A_2583 : vector<16xf32> to vector<1x16xf32>
    tpu.vector_store %arg9[%swap3A_2585, %swap3A_2586], %swap3A_2589 {strides = array<i32>} : memref<32x128xf32, #tpu.memory_space<vmem>>, vector<1x16xf32>,
    %mul3A_2590 = arith.mulf %sub3A_88, %gather3A_2513 : vector<16xf32>
    %add3A_2591 = arith.addf %get3A_42, %mul3A_2590 : vector<16xf32>
    %add3A_2592 = arith.addf %add3A_2591, %get3A_129 : vector<16xf32>
    %mul3A_2593 = arith.mulf %sub3A_176, %gather3A_2523 : vector<16xf32>
    %add3A_2594 = arith.addf %add3A_2592, %mul3A_2593 : vector<16xf32>
    %swap3A_2595 = arith.constant 21 : i32
    %swap3A_2596 = arith.index_cast %swap3A_2595 : i32 to index
    %swap3A_2597 = arith.constant 96 : index
    %swap3A_2598 = tpu.vector_load %arg9[%swap3A_2596, %swap3A_2597] {strides = array<i32>} : memref<32x128xf32, #tpu.memory_space<vmem>>, vector<1x16xf32>,
    %swap3A_2599 = vector.shape_cast %swap3A_2598 : vector<1x16xf32> to vector<16xf32>
    %swap3A_2600 = vector.shape_cast %add3A_2594 : vector<16xf32> to vector<1x16xf32>
    tpu.vector_store %arg9[%swap3A_2596, %swap3A_2597], %swap3A_2600 {strides = array<i32>} : memref<32x128xf32, #tpu.memory_space<vmem>>, vector<1x16xf32>,
    %mul3A_2601 = arith.mulf %sub3A_94, %gather3A_2513 : vector<16xf32>
    %add3A_2602 = arith.addf %get3A_47, %mul3A_2601 : vector<16xf32>
    %add3A_2603 = arith.addf %add3A_2602, %get3A_134 : vector<16xf32>
    %mul3A_2604 = arith.mulf %sub3A_182, %gather3A_2523 : vector<16xf32>
    %add3A_2605 = arith.addf %add3A_2603, %mul3A_2604 : vector<16xf32>
    %swap3A_2606 = arith.constant 21 : i32
    %swap3A_2607 = arith.index_cast %swap3A_2606 : i32 to index
    %swap3A_2608 = arith.constant 112 : index
    %swap3A_2609 = tpu.vector_load %arg9[%swap3A_2607, %swap3A_2608] {strides = array<i32>} : memref<32x128xf32, #tpu.memory_space<vmem>>, vector<1x16xf32>,
    %swap3A_2610 = vector.shape_cast %swap3A_2609 : vector<1x16xf32> to vector<16xf32>
    %swap3A_2611 = vector.shape_cast %add3A_2605 : vector<16xf32> to vector<1x16xf32>
    tpu.vector_store %arg9[%swap3A_2607, %swap3A_2608], %swap3A_2611 {strides = array<i32>} : memref<32x128xf32, #tpu.memory_space<vmem>>, vector<1x16xf32>,
    %broadcast_in_dim3A_2612 = arith.constant 6 : i32
    %broadcast_in_dim3A_2613 = vector.broadcast %broadcast_in_dim3A_2612 : i32 to vector<16xi32>
    %lt3A_2614 = arith.constant 0 : i32
    %lt3A_2615 = vector.broadcast %lt3A_2614 : i32 to vector<16xi32>
    %lt3A_2616 = arith.cmpi slt, %broadcast_in_dim3A_2613, %lt3A_2615 : vector<16xi32>
    %add3A_2617 = arith.constant 16 : i32
    %add3A_2618 = vector.broadcast %add3A_2617 : i32 to vector<16xi32>
    %add3A_2619 = arith.addi %broadcast_in_dim3A_2613, %add3A_2618 : vector<16xi32>
    %select_n3A_2620 = arith.select %lt3A_2616, %add3A_2619, %broadcast_in_dim3A_2613 : vector<16xi1>, vector<16xi32>
    %reshape3A_2621 = vector.shape_cast %select_n3A_2620 : vector<16xi32> to vector<16x1xi32>
    %gather3A_2622 = vector.shape_cast %reshape3A_2621 : vector<16x1xi32> to vector<16xi32>
    %gather3A_2623 = tpu.dynamic_gather %convert_element_type3A_1947[%gather3A_2622] in [0] : vector<16xf32>, vector<16xi32> -> vector<16xf32>
    %lt3A_2624 = arith.constant 0 : i32
    %lt3A_2625 = vector.broadcast %lt3A_2624 : i32 to vector<16xi32>
    %lt3A_2626 = arith.cmpi slt, %broadcast_in_dim3A_2613, %lt3A_2625 : vector<16xi32>
    %add3A_2627 = arith.constant 16 : i32
    %add3A_2628 = vector.broadcast %add3A_2627 : i32 to vector<16xi32>
    %add3A_2629 = arith.addi %broadcast_in_dim3A_2613, %add3A_2628 : vector<16xi32>
    %select_n3A_2630 = arith.select %lt3A_2626, %add3A_2629, %broadcast_in_dim3A_2613 : vector<16xi1>, vector<16xi32>
    %reshape3A_2631 = vector.shape_cast %select_n3A_2630 : vector<16xi32> to vector<16x1xi32>
    %gather3A_2632 = vector.shape_cast %reshape3A_2631 : vector<16x1xi32> to vector<16xi32>
    %gather3A_2633 = tpu.dynamic_gather %convert_element_type3A_1951[%gather3A_2632] in [0] : vector<16xf32>, vector<16xi32> -> vector<16xf32>
    %mul3A_2634 = arith.mulf %sub3A, %gather3A_2623 : vector<16xf32>
    %add3A_2635 = arith.addf %get3A_12, %mul3A_2634 : vector<16xf32>
    %add3A_2636 = arith.addf %add3A_2635, %get3A_99 : vector<16xf32>
    %mul3A_2637 = arith.mulf %sub3A_140, %gather3A_2633 : vector<16xf32>
    %add3A_2638 = arith.addf %add3A_2636, %mul3A_2637 : vector<16xf32>
    %swap3A_2639 = arith.constant 22 : i32
    %swap3A_2640 = arith.index_cast %swap3A_2639 : i32 to index
    %swap3A_2641 = arith.constant 0 : index
    %swap3A_2642 = tpu.vector_load %arg9[%swap3A_2640, %swap3A_2641] {strides = array<i32>} : memref<32x128xf32, #tpu.memory_space<vmem>>, vector<1x16xf32>,
    %swap3A_2643 = vector.shape_cast %swap3A_2642 : vector<1x16xf32> to vector<16xf32>
    %swap3A_2644 = vector.shape_cast %add3A_2638 : vector<16xf32> to vector<1x16xf32>
    tpu.vector_store %arg9[%swap3A_2640, %swap3A_2641], %swap3A_2644 {strides = array<i32>} : memref<32x128xf32, #tpu.memory_space<vmem>>, vector<1x16xf32>,
    %mul3A_2645 = arith.mulf %sub3A_58, %gather3A_2623 : vector<16xf32>
    %add3A_2646 = arith.addf %get3A_17, %mul3A_2645 : vector<16xf32>
    %add3A_2647 = arith.addf %add3A_2646, %get3A_104 : vector<16xf32>
    %mul3A_2648 = arith.mulf %sub3A_146, %gather3A_2633 : vector<16xf32>
    %add3A_2649 = arith.addf %add3A_2647, %mul3A_2648 : vector<16xf32>
    %swap3A_2650 = arith.constant 22 : i32
    %swap3A_2651 = arith.index_cast %swap3A_2650 : i32 to index
    %swap3A_2652 = arith.constant 16 : index
    %swap3A_2653 = tpu.vector_load %arg9[%swap3A_2651, %swap3A_2652] {strides = array<i32>} : memref<32x128xf32, #tpu.memory_space<vmem>>, vector<1x16xf32>,
    %swap3A_2654 = vector.shape_cast %swap3A_2653 : vector<1x16xf32> to vector<16xf32>
    %swap3A_2655 = vector.shape_cast %add3A_2649 : vector<16xf32> to vector<1x16xf32>
    tpu.vector_store %arg9[%swap3A_2651, %swap3A_2652], %swap3A_2655 {strides = array<i32>} : memref<32x128xf32, #tpu.memory_space<vmem>>, vector<1x16xf32>,
    %mul3A_2656 = arith.mulf %sub3A_64, %gather3A_2623 : vector<16xf32>
    %add3A_2657 = arith.addf %get3A_22, %mul3A_2656 : vector<16xf32>
    %add3A_2658 = arith.addf %add3A_2657, %get3A_109 : vector<16xf32>
    %mul3A_2659 = arith.mulf %sub3A_152, %gather3A_2633 : vector<16xf32>
    %add3A_2660 = arith.addf %add3A_2658, %mul3A_2659 : vector<16xf32>
    %swap3A_2661 = arith.constant 22 : i32
    %swap3A_2662 = arith.index_cast %swap3A_2661 : i32 to index
    %swap3A_2663 = arith.constant 32 : index
    %swap3A_2664 = tpu.vector_load %arg9[%swap3A_2662, %swap3A_2663] {strides = array<i32>} : memref<32x128xf32, #tpu.memory_space<vmem>>, vector<1x16xf32>,
    %swap3A_2665 = vector.shape_cast %swap3A_2664 : vector<1x16xf32> to vector<16xf32>
    %swap3A_2666 = vector.shape_cast %add3A_2660 : vector<16xf32> to vector<1x16xf32>
    tpu.vector_store %arg9[%swap3A_2662, %swap3A_2663], %swap3A_2666 {strides = array<i32>} : memref<32x128xf32, #tpu.memory_space<vmem>>, vector<1x16xf32>,
    %mul3A_2667 = arith.mulf %sub3A_70, %gather3A_2623 : vector<16xf32>
    %add3A_2668 = arith.addf %get3A_27, %mul3A_2667 : vector<16xf32>
    %add3A_2669 = arith.addf %add3A_2668, %get3A_114 : vector<16xf32>
    %mul3A_2670 = arith.mulf %sub3A_158, %gather3A_2633 : vector<16xf32>
    %add3A_2671 = arith.addf %add3A_2669, %mul3A_2670 : vector<16xf32>
    %swap3A_2672 = arith.constant 22 : i32
    %swap3A_2673 = arith.index_cast %swap3A_2672 : i32 to index
    %swap3A_2674 = arith.constant 48 : index
    %swap3A_2675 = tpu.vector_load %arg9[%swap3A_2673, %swap3A_2674] {strides = array<i32>} : memref<32x128xf32, #tpu.memory_space<vmem>>, vector<1x16xf32>,
    %swap3A_2676 = vector.shape_cast %swap3A_2675 : vector<1x16xf32> to vector<16xf32>
    %swap3A_2677 = vector.shape_cast %add3A_2671 : vector<16xf32> to vector<1x16xf32>
    tpu.vector_store %arg9[%swap3A_2673, %swap3A_2674], %swap3A_2677 {strides = array<i32>} : memref<32x128xf32, #tpu.memory_space<vmem>>, vector<1x16xf32>,
    %mul3A_2678 = arith.mulf %sub3A_76, %gather3A_2623 : vector<16xf32>
    %add3A_2679 = arith.addf %get3A_32, %mul3A_2678 : vector<16xf32>
    %add3A_2680 = arith.addf %add3A_2679, %get3A_119 : vector<16xf32>
    %mul3A_2681 = arith.mulf %sub3A_164, %gather3A_2633 : vector<16xf32>
    %add3A_2682 = arith.addf %add3A_2680, %mul3A_2681 : vector<16xf32>
    %swap3A_2683 = arith.constant 22 : i32
    %swap3A_2684 = arith.index_cast %swap3A_2683 : i32 to index
    %swap3A_2685 = arith.constant 64 : index
    %swap3A_2686 = tpu.vector_load %arg9[%swap3A_2684, %swap3A_2685] {strides = array<i32>} : memref<32x128xf32, #tpu.memory_space<vmem>>, vector<1x16xf32>,
    %swap3A_2687 = vector.shape_cast %swap3A_2686 : vector<1x16xf32> to vector<16xf32>
    %swap3A_2688 = vector.shape_cast %add3A_2682 : vector<16xf32> to vector<1x16xf32>
    tpu.vector_store %arg9[%swap3A_2684, %swap3A_2685], %swap3A_2688 {strides = array<i32>} : memref<32x128xf32, #tpu.memory_space<vmem>>, vector<1x16xf32>,
    %mul3A_2689 = arith.mulf %sub3A_82, %gather3A_2623 : vector<16xf32>
    %add3A_2690 = arith.addf %get3A_37, %mul3A_2689 : vector<16xf32>
    %add3A_2691 = arith.addf %add3A_2690, %get3A_124 : vector<16xf32>
    %mul3A_2692 = arith.mulf %sub3A_170, %gather3A_2633 : vector<16xf32>
    %add3A_2693 = arith.addf %add3A_2691, %mul3A_2692 : vector<16xf32>
    %swap3A_2694 = arith.constant 22 : i32
    %swap3A_2695 = arith.index_cast %swap3A_2694 : i32 to index
    %swap3A_2696 = arith.constant 80 : index
    %swap3A_2697 = tpu.vector_load %arg9[%swap3A_2695, %swap3A_2696] {strides = array<i32>} : memref<32x128xf32, #tpu.memory_space<vmem>>, vector<1x16xf32>,
    %swap3A_2698 = vector.shape_cast %swap3A_2697 : vector<1x16xf32> to vector<16xf32>
    %swap3A_2699 = vector.shape_cast %add3A_2693 : vector<16xf32> to vector<1x16xf32>
    tpu.vector_store %arg9[%swap3A_2695, %swap3A_2696], %swap3A_2699 {strides = array<i32>} : memref<32x128xf32, #tpu.memory_space<vmem>>, vector<1x16xf32>,
    %mul3A_2700 = arith.mulf %sub3A_88, %gather3A_2623 : vector<16xf32>
    %add3A_2701 = arith.addf %get3A_42, %mul3A_2700 : vector<16xf32>
    %add3A_2702 = arith.addf %add3A_2701, %get3A_129 : vector<16xf32>
    %mul3A_2703 = arith.mulf %sub3A_176, %gather3A_2633 : vector<16xf32>
    %add3A_2704 = arith.addf %add3A_2702, %mul3A_2703 : vector<16xf32>
    %swap3A_2705 = arith.constant 22 : i32
    %swap3A_2706 = arith.index_cast %swap3A_2705 : i32 to index
    %swap3A_2707 = arith.constant 96 : index
    %swap3A_2708 = tpu.vector_load %arg9[%swap3A_2706, %swap3A_2707] {strides = array<i32>} : memref<32x128xf32, #tpu.memory_space<vmem>>, vector<1x16xf32>,
    %swap3A_2709 = vector.shape_cast %swap3A_2708 : vector<1x16xf32> to vector<16xf32>
    %swap3A_2710 = vector.shape_cast %add3A_2704 : vector<16xf32> to vector<1x16xf32>
    tpu.vector_store %arg9[%swap3A_2706, %swap3A_2707], %swap3A_2710 {strides = array<i32>} : memref<32x128xf32, #tpu.memory_space<vmem>>, vector<1x16xf32>,
    %mul3A_2711 = arith.mulf %sub3A_94, %gather3A_2623 : vector<16xf32>
    %add3A_2712 = arith.addf %get3A_47, %mul3A_2711 : vector<16xf32>
    %add3A_2713 = arith.addf %add3A_2712, %get3A_134 : vector<16xf32>
    %mul3A_2714 = arith.mulf %sub3A_182, %gather3A_2633 : vector<16xf32>
    %add3A_2715 = arith.addf %add3A_2713, %mul3A_2714 : vector<16xf32>
    %swap3A_2716 = arith.constant 22 : i32
    %swap3A_2717 = arith.index_cast %swap3A_2716 : i32 to index
    %swap3A_2718 = arith.constant 112 : index
    %swap3A_2719 = tpu.vector_load %arg9[%swap3A_2717, %swap3A_2718] {strides = array<i32>} : memref<32x128xf32, #tpu.memory_space<vmem>>, vector<1x16xf32>,
    %swap3A_2720 = vector.shape_cast %swap3A_2719 : vector<1x16xf32> to vector<16xf32>
    %swap3A_2721 = vector.shape_cast %add3A_2715 : vector<16xf32> to vector<1x16xf32>
    tpu.vector_store %arg9[%swap3A_2717, %swap3A_2718], %swap3A_2721 {strides = array<i32>} : memref<32x128xf32, #tpu.memory_space<vmem>>, vector<1x16xf32>,
    %broadcast_in_dim3A_2722 = arith.constant 7 : i32
    %broadcast_in_dim3A_2723 = vector.broadcast %broadcast_in_dim3A_2722 : i32 to vector<16xi32>
    %lt3A_2724 = arith.constant 0 : i32
    %lt3A_2725 = vector.broadcast %lt3A_2724 : i32 to vector<16xi32>
    %lt3A_2726 = arith.cmpi slt, %broadcast_in_dim3A_2723, %lt3A_2725 : vector<16xi32>
    %add3A_2727 = arith.constant 16 : i32
    %add3A_2728 = vector.broadcast %add3A_2727 : i32 to vector<16xi32>
    %add3A_2729 = arith.addi %broadcast_in_dim3A_2723, %add3A_2728 : vector<16xi32>
    %select_n3A_2730 = arith.select %lt3A_2726, %add3A_2729, %broadcast_in_dim3A_2723 : vector<16xi1>, vector<16xi32>
    %reshape3A_2731 = vector.shape_cast %select_n3A_2730 : vector<16xi32> to vector<16x1xi32>
    %gather3A_2732 = vector.shape_cast %reshape3A_2731 : vector<16x1xi32> to vector<16xi32>
    %gather3A_2733 = tpu.dynamic_gather %convert_element_type3A_1947[%gather3A_2732] in [0] : vector<16xf32>, vector<16xi32> -> vector<16xf32>
    %lt3A_2734 = arith.constant 0 : i32
    %lt3A_2735 = vector.broadcast %lt3A_2734 : i32 to vector<16xi32>
    %lt3A_2736 = arith.cmpi slt, %broadcast_in_dim3A_2723, %lt3A_2735 : vector<16xi32>
    %add3A_2737 = arith.constant 16 : i32
    %add3A_2738 = vector.broadcast %add3A_2737 : i32 to vector<16xi32>
    %add3A_2739 = arith.addi %broadcast_in_dim3A_2723, %add3A_2738 : vector<16xi32>
    %select_n3A_2740 = arith.select %lt3A_2736, %add3A_2739, %broadcast_in_dim3A_2723 : vector<16xi1>, vector<16xi32>
    %reshape3A_2741 = vector.shape_cast %select_n3A_2740 : vector<16xi32> to vector<16x1xi32>
    %gather3A_2742 = vector.shape_cast %reshape3A_2741 : vector<16x1xi32> to vector<16xi32>
    %gather3A_2743 = tpu.dynamic_gather %convert_element_type3A_1951[%gather3A_2742] in [0] : vector<16xf32>, vector<16xi32> -> vector<16xf32>
    %mul3A_2744 = arith.mulf %sub3A, %gather3A_2733 : vector<16xf32>
    %add3A_2745 = arith.addf %get3A_12, %mul3A_2744 : vector<16xf32>
    %add3A_2746 = arith.addf %add3A_2745, %get3A_99 : vector<16xf32>
    %mul3A_2747 = arith.mulf %sub3A_140, %gather3A_2743 : vector<16xf32>
    %add3A_2748 = arith.addf %add3A_2746, %mul3A_2747 : vector<16xf32>
    %swap3A_2749 = arith.constant 23 : i32
    %swap3A_2750 = arith.index_cast %swap3A_2749 : i32 to index
    %swap3A_2751 = arith.constant 0 : index
    %swap3A_2752 = tpu.vector_load %arg9[%swap3A_2750, %swap3A_2751] {strides = array<i32>} : memref<32x128xf32, #tpu.memory_space<vmem>>, vector<1x16xf32>,
    %swap3A_2753 = vector.shape_cast %swap3A_2752 : vector<1x16xf32> to vector<16xf32>
    %swap3A_2754 = vector.shape_cast %add3A_2748 : vector<16xf32> to vector<1x16xf32>
    tpu.vector_store %arg9[%swap3A_2750, %swap3A_2751], %swap3A_2754 {strides = array<i32>} : memref<32x128xf32, #tpu.memory_space<vmem>>, vector<1x16xf32>,
    %mul3A_2755 = arith.mulf %sub3A_58, %gather3A_2733 : vector<16xf32>
    %add3A_2756 = arith.addf %get3A_17, %mul3A_2755 : vector<16xf32>
    %add3A_2757 = arith.addf %add3A_2756, %get3A_104 : vector<16xf32>
    %mul3A_2758 = arith.mulf %sub3A_146, %gather3A_2743 : vector<16xf32>
    %add3A_2759 = arith.addf %add3A_2757, %mul3A_2758 : vector<16xf32>
    %swap3A_2760 = arith.constant 23 : i32
    %swap3A_2761 = arith.index_cast %swap3A_2760 : i32 to index
    %swap3A_2762 = arith.constant 16 : index
    %swap3A_2763 = tpu.vector_load %arg9[%swap3A_2761, %swap3A_2762] {strides = array<i32>} : memref<32x128xf32, #tpu.memory_space<vmem>>, vector<1x16xf32>,
    %swap3A_2764 = vector.shape_cast %swap3A_2763 : vector<1x16xf32> to vector<16xf32>
    %swap3A_2765 = vector.shape_cast %add3A_2759 : vector<16xf32> to vector<1x16xf32>
    tpu.vector_store %arg9[%swap3A_2761, %swap3A_2762], %swap3A_2765 {strides = array<i32>} : memref<32x128xf32, #tpu.memory_space<vmem>>, vector<1x16xf32>,
    %mul3A_2766 = arith.mulf %sub3A_64, %gather3A_2733 : vector<16xf32>
    %add3A_2767 = arith.addf %get3A_22, %mul3A_2766 : vector<16xf32>
    %add3A_2768 = arith.addf %add3A_2767, %get3A_109 : vector<16xf32>
    %mul3A_2769 = arith.mulf %sub3A_152, %gather3A_2743 : vector<16xf32>
    %add3A_2770 = arith.addf %add3A_2768, %mul3A_2769 : vector<16xf32>
    %swap3A_2771 = arith.constant 23 : i32
    %swap3A_2772 = arith.index_cast %swap3A_2771 : i32 to index
    %swap3A_2773 = arith.constant 32 : index
    %swap3A_2774 = tpu.vector_load %arg9[%swap3A_2772, %swap3A_2773] {strides = array<i32>} : memref<32x128xf32, #tpu.memory_space<vmem>>, vector<1x16xf32>,
    %swap3A_2775 = vector.shape_cast %swap3A_2774 : vector<1x16xf32> to vector<16xf32>
    %swap3A_2776 = vector.shape_cast %add3A_2770 : vector<16xf32> to vector<1x16xf32>
    tpu.vector_store %arg9[%swap3A_2772, %swap3A_2773], %swap3A_2776 {strides = array<i32>} : memref<32x128xf32, #tpu.memory_space<vmem>>, vector<1x16xf32>,
    %mul3A_2777 = arith.mulf %sub3A_70, %gather3A_2733 : vector<16xf32>
    %add3A_2778 = arith.addf %get3A_27, %mul3A_2777 : vector<16xf32>
    %add3A_2779 = arith.addf %add3A_2778, %get3A_114 : vector<16xf32>
    %mul3A_2780 = arith.mulf %sub3A_158, %gather3A_2743 : vector<16xf32>
    %add3A_2781 = arith.addf %add3A_2779, %mul3A_2780 : vector<16xf32>
    %swap3A_2782 = arith.constant 23 : i32
    %swap3A_2783 = arith.index_cast %swap3A_2782 : i32 to index
    %swap3A_2784 = arith.constant 48 : index
    %swap3A_2785 = tpu.vector_load %arg9[%swap3A_2783, %swap3A_2784] {strides = array<i32>} : memref<32x128xf32, #tpu.memory_space<vmem>>, vector<1x16xf32>,
    %swap3A_2786 = vector.shape_cast %swap3A_2785 : vector<1x16xf32> to vector<16xf32>
    %swap3A_2787 = vector.shape_cast %add3A_2781 : vector<16xf32> to vector<1x16xf32>
    tpu.vector_store %arg9[%swap3A_2783, %swap3A_2784], %swap3A_2787 {strides = array<i32>} : memref<32x128xf32, #tpu.memory_space<vmem>>, vector<1x16xf32>,
    %mul3A_2788 = arith.mulf %sub3A_76, %gather3A_2733 : vector<16xf32>
    %add3A_2789 = arith.addf %get3A_32, %mul3A_2788 : vector<16xf32>
    %add3A_2790 = arith.addf %add3A_2789, %get3A_119 : vector<16xf32>
    %mul3A_2791 = arith.mulf %sub3A_164, %gather3A_2743 : vector<16xf32>
    %add3A_2792 = arith.addf %add3A_2790, %mul3A_2791 : vector<16xf32>
    %swap3A_2793 = arith.constant 23 : i32
    %swap3A_2794 = arith.index_cast %swap3A_2793 : i32 to index
    %swap3A_2795 = arith.constant 64 : index
    %swap3A_2796 = tpu.vector_load %arg9[%swap3A_2794, %swap3A_2795] {strides = array<i32>} : memref<32x128xf32, #tpu.memory_space<vmem>>, vector<1x16xf32>,
    %swap3A_2797 = vector.shape_cast %swap3A_2796 : vector<1x16xf32> to vector<16xf32>
    %swap3A_2798 = vector.shape_cast %add3A_2792 : vector<16xf32> to vector<1x16xf32>
    tpu.vector_store %arg9[%swap3A_2794, %swap3A_2795], %swap3A_2798 {strides = array<i32>} : memref<32x128xf32, #tpu.memory_space<vmem>>, vector<1x16xf32>,
    %mul3A_2799 = arith.mulf %sub3A_82, %gather3A_2733 : vector<16xf32>
    %add3A_2800 = arith.addf %get3A_37, %mul3A_2799 : vector<16xf32>
    %add3A_2801 = arith.addf %add3A_2800, %get3A_124 : vector<16xf32>
    %mul3A_2802 = arith.mulf %sub3A_170, %gather3A_2743 : vector<16xf32>
    %add3A_2803 = arith.addf %add3A_2801, %mul3A_2802 : vector<16xf32>
    %swap3A_2804 = arith.constant 23 : i32
    %swap3A_2805 = arith.index_cast %swap3A_2804 : i32 to index
    %swap3A_2806 = arith.constant 80 : index
    %swap3A_2807 = tpu.vector_load %arg9[%swap3A_2805, %swap3A_2806] {strides = array<i32>} : memref<32x128xf32, #tpu.memory_space<vmem>>, vector<1x16xf32>,
    %swap3A_2808 = vector.shape_cast %swap3A_2807 : vector<1x16xf32> to vector<16xf32>
    %swap3A_2809 = vector.shape_cast %add3A_2803 : vector<16xf32> to vector<1x16xf32>
    tpu.vector_store %arg9[%swap3A_2805, %swap3A_2806], %swap3A_2809 {strides = array<i32>} : memref<32x128xf32, #tpu.memory_space<vmem>>, vector<1x16xf32>,
    %mul3A_2810 = arith.mulf %sub3A_88, %gather3A_2733 : vector<16xf32>
    %add3A_2811 = arith.addf %get3A_42, %mul3A_2810 : vector<16xf32>
    %add3A_2812 = arith.addf %add3A_2811, %get3A_129 : vector<16xf32>
    %mul3A_2813 = arith.mulf %sub3A_176, %gather3A_2743 : vector<16xf32>
    %add3A_2814 = arith.addf %add3A_2812, %mul3A_2813 : vector<16xf32>
    %swap3A_2815 = arith.constant 23 : i32
    %swap3A_2816 = arith.index_cast %swap3A_2815 : i32 to index
    %swap3A_2817 = arith.constant 96 : index
    %swap3A_2818 = tpu.vector_load %arg9[%swap3A_2816, %swap3A_2817] {strides = array<i32>} : memref<32x128xf32, #tpu.memory_space<vmem>>, vector<1x16xf32>,
    %swap3A_2819 = vector.shape_cast %swap3A_2818 : vector<1x16xf32> to vector<16xf32>
    %swap3A_2820 = vector.shape_cast %add3A_2814 : vector<16xf32> to vector<1x16xf32>
    tpu.vector_store %arg9[%swap3A_2816, %swap3A_2817], %swap3A_2820 {strides = array<i32>} : memref<32x128xf32, #tpu.memory_space<vmem>>, vector<1x16xf32>,
    %mul3A_2821 = arith.mulf %sub3A_94, %gather3A_2733 : vector<16xf32>
    %add3A_2822 = arith.addf %get3A_47, %mul3A_2821 : vector<16xf32>
    %add3A_2823 = arith.addf %add3A_2822, %get3A_134 : vector<16xf32>
    %mul3A_2824 = arith.mulf %sub3A_182, %gather3A_2743 : vector<16xf32>
    %add3A_2825 = arith.addf %add3A_2823, %mul3A_2824 : vector<16xf32>
    %swap3A_2826 = arith.constant 23 : i32
    %swap3A_2827 = arith.index_cast %swap3A_2826 : i32 to index
    %swap3A_2828 = arith.constant 112 : index
    %swap3A_2829 = tpu.vector_load %arg9[%swap3A_2827, %swap3A_2828] {strides = array<i32>} : memref<32x128xf32, #tpu.memory_space<vmem>>, vector<1x16xf32>,
    %swap3A_2830 = vector.shape_cast %swap3A_2829 : vector<1x16xf32> to vector<16xf32>
    %swap3A_2831 = vector.shape_cast %add3A_2825 : vector<16xf32> to vector<1x16xf32>
    tpu.vector_store %arg9[%swap3A_2827, %swap3A_2828], %swap3A_2831 {strides = array<i32>} : memref<32x128xf32, #tpu.memory_space<vmem>>, vector<1x16xf32>,
    %broadcast_in_dim3A_2832 = arith.constant 8 : i32
    %broadcast_in_dim3A_2833 = vector.broadcast %broadcast_in_dim3A_2832 : i32 to vector<16xi32>
    %lt3A_2834 = arith.constant 0 : i32
    %lt3A_2835 = vector.broadcast %lt3A_2834 : i32 to vector<16xi32>
    %lt3A_2836 = arith.cmpi slt, %broadcast_in_dim3A_2833, %lt3A_2835 : vector<16xi32>
    %add3A_2837 = arith.constant 16 : i32
    %add3A_2838 = vector.broadcast %add3A_2837 : i32 to vector<16xi32>
    %add3A_2839 = arith.addi %broadcast_in_dim3A_2833, %add3A_2838 : vector<16xi32>
    %select_n3A_2840 = arith.select %lt3A_2836, %add3A_2839, %broadcast_in_dim3A_2833 : vector<16xi1>, vector<16xi32>
    %reshape3A_2841 = vector.shape_cast %select_n3A_2840 : vector<16xi32> to vector<16x1xi32>
    %gather3A_2842 = vector.shape_cast %reshape3A_2841 : vector<16x1xi32> to vector<16xi32>
    %gather3A_2843 = tpu.dynamic_gather %convert_element_type3A_1947[%gather3A_2842] in [0] : vector<16xf32>, vector<16xi32> -> vector<16xf32>
    %lt3A_2844 = arith.constant 0 : i32
    %lt3A_2845 = vector.broadcast %lt3A_2844 : i32 to vector<16xi32>
    %lt3A_2846 = arith.cmpi slt, %broadcast_in_dim3A_2833, %lt3A_2845 : vector<16xi32>
    %add3A_2847 = arith.constant 16 : i32
    %add3A_2848 = vector.broadcast %add3A_2847 : i32 to vector<16xi32>
    %add3A_2849 = arith.addi %broadcast_in_dim3A_2833, %add3A_2848 : vector<16xi32>
    %select_n3A_2850 = arith.select %lt3A_2846, %add3A_2849, %broadcast_in_dim3A_2833 : vector<16xi1>, vector<16xi32>
    %reshape3A_2851 = vector.shape_cast %select_n3A_2850 : vector<16xi32> to vector<16x1xi32>
    %gather3A_2852 = vector.shape_cast %reshape3A_2851 : vector<16x1xi32> to vector<16xi32>
    %gather3A_2853 = tpu.dynamic_gather %convert_element_type3A_1951[%gather3A_2852] in [0] : vector<16xf32>, vector<16xi32> -> vector<16xf32>
    %mul3A_2854 = arith.mulf %sub3A, %gather3A_2843 : vector<16xf32>
    %add3A_2855 = arith.addf %get3A_12, %mul3A_2854 : vector<16xf32>
    %add3A_2856 = arith.addf %add3A_2855, %get3A_99 : vector<16xf32>
    %mul3A_2857 = arith.mulf %sub3A_140, %gather3A_2853 : vector<16xf32>
    %add3A_2858 = arith.addf %add3A_2856, %mul3A_2857 : vector<16xf32>
    %swap3A_2859 = arith.constant 24 : i32
    %swap3A_2860 = arith.index_cast %swap3A_2859 : i32 to index
    %swap3A_2861 = arith.constant 0 : index
    %swap3A_2862 = tpu.vector_load %arg9[%swap3A_2860, %swap3A_2861] {strides = array<i32>} : memref<32x128xf32, #tpu.memory_space<vmem>>, vector<1x16xf32>,
    %swap3A_2863 = vector.shape_cast %swap3A_2862 : vector<1x16xf32> to vector<16xf32>
    %swap3A_2864 = vector.shape_cast %add3A_2858 : vector<16xf32> to vector<1x16xf32>
    tpu.vector_store %arg9[%swap3A_2860, %swap3A_2861], %swap3A_2864 {strides = array<i32>} : memref<32x128xf32, #tpu.memory_space<vmem>>, vector<1x16xf32>,
    %mul3A_2865 = arith.mulf %sub3A_58, %gather3A_2843 : vector<16xf32>
    %add3A_2866 = arith.addf %get3A_17, %mul3A_2865 : vector<16xf32>
    %add3A_2867 = arith.addf %add3A_2866, %get3A_104 : vector<16xf32>
    %mul3A_2868 = arith.mulf %sub3A_146, %gather3A_2853 : vector<16xf32>
    %add3A_2869 = arith.addf %add3A_2867, %mul3A_2868 : vector<16xf32>
    %swap3A_2870 = arith.constant 24 : i32
    %swap3A_2871 = arith.index_cast %swap3A_2870 : i32 to index
    %swap3A_2872 = arith.constant 16 : index
    %swap3A_2873 = tpu.vector_load %arg9[%swap3A_2871, %swap3A_2872] {strides = array<i32>} : memref<32x128xf32, #tpu.memory_space<vmem>>, vector<1x16xf32>,
    %swap3A_2874 = vector.shape_cast %swap3A_2873 : vector<1x16xf32> to vector<16xf32>
    %swap3A_2875 = vector.shape_cast %add3A_2869 : vector<16xf32> to vector<1x16xf32>
    tpu.vector_store %arg9[%swap3A_2871, %swap3A_2872], %swap3A_2875 {strides = array<i32>} : memref<32x128xf32, #tpu.memory_space<vmem>>, vector<1x16xf32>,
    %mul3A_2876 = arith.mulf %sub3A_64, %gather3A_2843 : vector<16xf32>
    %add3A_2877 = arith.addf %get3A_22, %mul3A_2876 : vector<16xf32>
    %add3A_2878 = arith.addf %add3A_2877, %get3A_109 : vector<16xf32>
    %mul3A_2879 = arith.mulf %sub3A_152, %gather3A_2853 : vector<16xf32>
    %add3A_2880 = arith.addf %add3A_2878, %mul3A_2879 : vector<16xf32>
    %swap3A_2881 = arith.constant 24 : i32
    %swap3A_2882 = arith.index_cast %swap3A_2881 : i32 to index
    %swap3A_2883 = arith.constant 32 : index
    %swap3A_2884 = tpu.vector_load %arg9[%swap3A_2882, %swap3A_2883] {strides = array<i32>} : memref<32x128xf32, #tpu.memory_space<vmem>>, vector<1x16xf32>,
    %swap3A_2885 = vector.shape_cast %swap3A_2884 : vector<1x16xf32> to vector<16xf32>
    %swap3A_2886 = vector.shape_cast %add3A_2880 : vector<16xf32> to vector<1x16xf32>
    tpu.vector_store %arg9[%swap3A_2882, %swap3A_2883], %swap3A_2886 {strides = array<i32>} : memref<32x128xf32, #tpu.memory_space<vmem>>, vector<1x16xf32>,
    %mul3A_2887 = arith.mulf %sub3A_70, %gather3A_2843 : vector<16xf32>
    %add3A_2888 = arith.addf %get3A_27, %mul3A_2887 : vector<16xf32>
    %add3A_2889 = arith.addf %add3A_2888, %get3A_114 : vector<16xf32>
    %mul3A_2890 = arith.mulf %sub3A_158, %gather3A_2853 : vector<16xf32>
    %add3A_2891 = arith.addf %add3A_2889, %mul3A_2890 : vector<16xf32>
    %swap3A_2892 = arith.constant 24 : i32
    %swap3A_2893 = arith.index_cast %swap3A_2892 : i32 to index
    %swap3A_2894 = arith.constant 48 : index
    %swap3A_2895 = tpu.vector_load %arg9[%swap3A_2893, %swap3A_2894] {strides = array<i32>} : memref<32x128xf32, #tpu.memory_space<vmem>>, vector<1x16xf32>,
    %swap3A_2896 = vector.shape_cast %swap3A_2895 : vector<1x16xf32> to vector<16xf32>
    %swap3A_2897 = vector.shape_cast %add3A_2891 : vector<16xf32> to vector<1x16xf32>
    tpu.vector_store %arg9[%swap3A_2893, %swap3A_2894], %swap3A_2897 {strides = array<i32>} : memref<32x128xf32, #tpu.memory_space<vmem>>, vector<1x16xf32>,
    %mul3A_2898 = arith.mulf %sub3A_76, %gather3A_2843 : vector<16xf32>
    %add3A_2899 = arith.addf %get3A_32, %mul3A_2898 : vector<16xf32>
    %add3A_2900 = arith.addf %add3A_2899, %get3A_119 : vector<16xf32>
    %mul3A_2901 = arith.mulf %sub3A_164, %gather3A_2853 : vector<16xf32>
    %add3A_2902 = arith.addf %add3A_2900, %mul3A_2901 : vector<16xf32>
    %swap3A_2903 = arith.constant 24 : i32
    %swap3A_2904 = arith.index_cast %swap3A_2903 : i32 to index
    %swap3A_2905 = arith.constant 64 : index
    %swap3A_2906 = tpu.vector_load %arg9[%swap3A_2904, %swap3A_2905] {strides = array<i32>} : memref<32x128xf32, #tpu.memory_space<vmem>>, vector<1x16xf32>,
    %swap3A_2907 = vector.shape_cast %swap3A_2906 : vector<1x16xf32> to vector<16xf32>
    %swap3A_2908 = vector.shape_cast %add3A_2902 : vector<16xf32> to vector<1x16xf32>
    tpu.vector_store %arg9[%swap3A_2904, %swap3A_2905], %swap3A_2908 {strides = array<i32>} : memref<32x128xf32, #tpu.memory_space<vmem>>, vector<1x16xf32>,
    %mul3A_2909 = arith.mulf %sub3A_82, %gather3A_2843 : vector<16xf32>
    %add3A_2910 = arith.addf %get3A_37, %mul3A_2909 : vector<16xf32>
    %add3A_2911 = arith.addf %add3A_2910, %get3A_124 : vector<16xf32>
    %mul3A_2912 = arith.mulf %sub3A_170, %gather3A_2853 : vector<16xf32>
    %add3A_2913 = arith.addf %add3A_2911, %mul3A_2912 : vector<16xf32>
    %swap3A_2914 = arith.constant 24 : i32
    %swap3A_2915 = arith.index_cast %swap3A_2914 : i32 to index
    %swap3A_2916 = arith.constant 80 : index
    %swap3A_2917 = tpu.vector_load %arg9[%swap3A_2915, %swap3A_2916] {strides = array<i32>} : memref<32x128xf32, #tpu.memory_space<vmem>>, vector<1x16xf32>,
    %swap3A_2918 = vector.shape_cast %swap3A_2917 : vector<1x16xf32> to vector<16xf32>
    %swap3A_2919 = vector.shape_cast %add3A_2913 : vector<16xf32> to vector<1x16xf32>
    tpu.vector_store %arg9[%swap3A_2915, %swap3A_2916], %swap3A_2919 {strides = array<i32>} : memref<32x128xf32, #tpu.memory_space<vmem>>, vector<1x16xf32>,
    %mul3A_2920 = arith.mulf %sub3A_88, %gather3A_2843 : vector<16xf32>
    %add3A_2921 = arith.addf %get3A_42, %mul3A_2920 : vector<16xf32>
    %add3A_2922 = arith.addf %add3A_2921, %get3A_129 : vector<16xf32>
    %mul3A_2923 = arith.mulf %sub3A_176, %gather3A_2853 : vector<16xf32>
    %add3A_2924 = arith.addf %add3A_2922, %mul3A_2923 : vector<16xf32>
    %swap3A_2925 = arith.constant 24 : i32
    %swap3A_2926 = arith.index_cast %swap3A_2925 : i32 to index
    %swap3A_2927 = arith.constant 96 : index
    %swap3A_2928 = tpu.vector_load %arg9[%swap3A_2926, %swap3A_2927] {strides = array<i32>} : memref<32x128xf32, #tpu.memory_space<vmem>>, vector<1x16xf32>,
    %swap3A_2929 = vector.shape_cast %swap3A_2928 : vector<1x16xf32> to vector<16xf32>
    %swap3A_2930 = vector.shape_cast %add3A_2924 : vector<16xf32> to vector<1x16xf32>
    tpu.vector_store %arg9[%swap3A_2926, %swap3A_2927], %swap3A_2930 {strides = array<i32>} : memref<32x128xf32, #tpu.memory_space<vmem>>, vector<1x16xf32>,
    %mul3A_2931 = arith.mulf %sub3A_94, %gather3A_2843 : vector<16xf32>
    %add3A_2932 = arith.addf %get3A_47, %mul3A_2931 : vector<16xf32>
    %add3A_2933 = arith.addf %add3A_2932, %get3A_134 : vector<16xf32>
    %mul3A_2934 = arith.mulf %sub3A_182, %gather3A_2853 : vector<16xf32>
    %add3A_2935 = arith.addf %add3A_2933, %mul3A_2934 : vector<16xf32>
    %swap3A_2936 = arith.constant 24 : i32
    %swap3A_2937 = arith.index_cast %swap3A_2936 : i32 to index
    %swap3A_2938 = arith.constant 112 : index
    %swap3A_2939 = tpu.vector_load %arg9[%swap3A_2937, %swap3A_2938] {strides = array<i32>} : memref<32x128xf32, #tpu.memory_space<vmem>>, vector<1x16xf32>,
    %swap3A_2940 = vector.shape_cast %swap3A_2939 : vector<1x16xf32> to vector<16xf32>
    %swap3A_2941 = vector.shape_cast %add3A_2935 : vector<16xf32> to vector<1x16xf32>
    tpu.vector_store %arg9[%swap3A_2937, %swap3A_2938], %swap3A_2941 {strides = array<i32>} : memref<32x128xf32, #tpu.memory_space<vmem>>, vector<1x16xf32>,
    %broadcast_in_dim3A_2942 = arith.constant 9 : i32
    %broadcast_in_dim3A_2943 = vector.broadcast %broadcast_in_dim3A_2942 : i32 to vector<16xi32>
    %lt3A_2944 = arith.constant 0 : i32
    %lt3A_2945 = vector.broadcast %lt3A_2944 : i32 to vector<16xi32>
    %lt3A_2946 = arith.cmpi slt, %broadcast_in_dim3A_2943, %lt3A_2945 : vector<16xi32>
    %add3A_2947 = arith.constant 16 : i32
    %add3A_2948 = vector.broadcast %add3A_2947 : i32 to vector<16xi32>
    %add3A_2949 = arith.addi %broadcast_in_dim3A_2943, %add3A_2948 : vector<16xi32>
    %select_n3A_2950 = arith.select %lt3A_2946, %add3A_2949, %broadcast_in_dim3A_2943 : vector<16xi1>, vector<16xi32>
    %reshape3A_2951 = vector.shape_cast %select_n3A_2950 : vector<16xi32> to vector<16x1xi32>
    %gather3A_2952 = vector.shape_cast %reshape3A_2951 : vector<16x1xi32> to vector<16xi32>
    %gather3A_2953 = tpu.dynamic_gather %convert_element_type3A_1947[%gather3A_2952] in [0] : vector<16xf32>, vector<16xi32> -> vector<16xf32>
    %lt3A_2954 = arith.constant 0 : i32
    %lt3A_2955 = vector.broadcast %lt3A_2954 : i32 to vector<16xi32>
    %lt3A_2956 = arith.cmpi slt, %broadcast_in_dim3A_2943, %lt3A_2955 : vector<16xi32>
    %add3A_2957 = arith.constant 16 : i32
    %add3A_2958 = vector.broadcast %add3A_2957 : i32 to vector<16xi32>
    %add3A_2959 = arith.addi %broadcast_in_dim3A_2943, %add3A_2958 : vector<16xi32>
    %select_n3A_2960 = arith.select %lt3A_2956, %add3A_2959, %broadcast_in_dim3A_2943 : vector<16xi1>, vector<16xi32>
    %reshape3A_2961 = vector.shape_cast %select_n3A_2960 : vector<16xi32> to vector<16x1xi32>
    %gather3A_2962 = vector.shape_cast %reshape3A_2961 : vector<16x1xi32> to vector<16xi32>
    %gather3A_2963 = tpu.dynamic_gather %convert_element_type3A_1951[%gather3A_2962] in [0] : vector<16xf32>, vector<16xi32> -> vector<16xf32>
    %mul3A_2964 = arith.mulf %sub3A, %gather3A_2953 : vector<16xf32>
    %add3A_2965 = arith.addf %get3A_12, %mul3A_2964 : vector<16xf32>
    %add3A_2966 = arith.addf %add3A_2965, %get3A_99 : vector<16xf32>
    %mul3A_2967 = arith.mulf %sub3A_140, %gather3A_2963 : vector<16xf32>
    %add3A_2968 = arith.addf %add3A_2966, %mul3A_2967 : vector<16xf32>
    %swap3A_2969 = arith.constant 25 : i32
    %swap3A_2970 = arith.index_cast %swap3A_2969 : i32 to index
    %swap3A_2971 = arith.constant 0 : index
    %swap3A_2972 = tpu.vector_load %arg9[%swap3A_2970, %swap3A_2971] {strides = array<i32>} : memref<32x128xf32, #tpu.memory_space<vmem>>, vector<1x16xf32>,
    %swap3A_2973 = vector.shape_cast %swap3A_2972 : vector<1x16xf32> to vector<16xf32>
    %swap3A_2974 = vector.shape_cast %add3A_2968 : vector<16xf32> to vector<1x16xf32>
    tpu.vector_store %arg9[%swap3A_2970, %swap3A_2971], %swap3A_2974 {strides = array<i32>} : memref<32x128xf32, #tpu.memory_space<vmem>>, vector<1x16xf32>,
    %mul3A_2975 = arith.mulf %sub3A_58, %gather3A_2953 : vector<16xf32>
    %add3A_2976 = arith.addf %get3A_17, %mul3A_2975 : vector<16xf32>
    %add3A_2977 = arith.addf %add3A_2976, %get3A_104 : vector<16xf32>
    %mul3A_2978 = arith.mulf %sub3A_146, %gather3A_2963 : vector<16xf32>
    %add3A_2979 = arith.addf %add3A_2977, %mul3A_2978 : vector<16xf32>
    %swap3A_2980 = arith.constant 25 : i32
    %swap3A_2981 = arith.index_cast %swap3A_2980 : i32 to index
    %swap3A_2982 = arith.constant 16 : index
    %swap3A_2983 = tpu.vector_load %arg9[%swap3A_2981, %swap3A_2982] {strides = array<i32>} : memref<32x128xf32, #tpu.memory_space<vmem>>, vector<1x16xf32>,
    %swap3A_2984 = vector.shape_cast %swap3A_2983 : vector<1x16xf32> to vector<16xf32>
    %swap3A_2985 = vector.shape_cast %add3A_2979 : vector<16xf32> to vector<1x16xf32>
    tpu.vector_store %arg9[%swap3A_2981, %swap3A_2982], %swap3A_2985 {strides = array<i32>} : memref<32x128xf32, #tpu.memory_space<vmem>>, vector<1x16xf32>,
    %mul3A_2986 = arith.mulf %sub3A_64, %gather3A_2953 : vector<16xf32>
    %add3A_2987 = arith.addf %get3A_22, %mul3A_2986 : vector<16xf32>
    %add3A_2988 = arith.addf %add3A_2987, %get3A_109 : vector<16xf32>
    %mul3A_2989 = arith.mulf %sub3A_152, %gather3A_2963 : vector<16xf32>
    %add3A_2990 = arith.addf %add3A_2988, %mul3A_2989 : vector<16xf32>
    %swap3A_2991 = arith.constant 25 : i32
    %swap3A_2992 = arith.index_cast %swap3A_2991 : i32 to index
    %swap3A_2993 = arith.constant 32 : index
    %swap3A_2994 = tpu.vector_load %arg9[%swap3A_2992, %swap3A_2993] {strides = array<i32>} : memref<32x128xf32, #tpu.memory_space<vmem>>, vector<1x16xf32>,
    %swap3A_2995 = vector.shape_cast %swap3A_2994 : vector<1x16xf32> to vector<16xf32>
    %swap3A_2996 = vector.shape_cast %add3A_2990 : vector<16xf32> to vector<1x16xf32>
    tpu.vector_store %arg9[%swap3A_2992, %swap3A_2993], %swap3A_2996 {strides = array<i32>} : memref<32x128xf32, #tpu.memory_space<vmem>>, vector<1x16xf32>,
    %mul3A_2997 = arith.mulf %sub3A_70, %gather3A_2953 : vector<16xf32>
    %add3A_2998 = arith.addf %get3A_27, %mul3A_2997 : vector<16xf32>
    %add3A_2999 = arith.addf %add3A_2998, %get3A_114 : vector<16xf32>
    %mul3A_3000 = arith.mulf %sub3A_158, %gather3A_2963 : vector<16xf32>
    %add3A_3001 = arith.addf %add3A_2999, %mul3A_3000 : vector<16xf32>
    %swap3A_3002 = arith.constant 25 : i32
    %swap3A_3003 = arith.index_cast %swap3A_3002 : i32 to index
    %swap3A_3004 = arith.constant 48 : index
    %swap3A_3005 = tpu.vector_load %arg9[%swap3A_3003, %swap3A_3004] {strides = array<i32>} : memref<32x128xf32, #tpu.memory_space<vmem>>, vector<1x16xf32>,
    %swap3A_3006 = vector.shape_cast %swap3A_3005 : vector<1x16xf32> to vector<16xf32>
    %swap3A_3007 = vector.shape_cast %add3A_3001 : vector<16xf32> to vector<1x16xf32>
    tpu.vector_store %arg9[%swap3A_3003, %swap3A_3004], %swap3A_3007 {strides = array<i32>} : memref<32x128xf32, #tpu.memory_space<vmem>>, vector<1x16xf32>,
    %mul3A_3008 = arith.mulf %sub3A_76, %gather3A_2953 : vector<16xf32>
    %add3A_3009 = arith.addf %get3A_32, %mul3A_3008 : vector<16xf32>
    %add3A_3010 = arith.addf %add3A_3009, %get3A_119 : vector<16xf32>
    %mul3A_3011 = arith.mulf %sub3A_164, %gather3A_2963 : vector<16xf32>
    %add3A_3012 = arith.addf %add3A_3010, %mul3A_3011 : vector<16xf32>
    %swap3A_3013 = arith.constant 25 : i32
    %swap3A_3014 = arith.index_cast %swap3A_3013 : i32 to index
    %swap3A_3015 = arith.constant 64 : index
    %swap3A_3016 = tpu.vector_load %arg9[%swap3A_3014, %swap3A_3015] {strides = array<i32>} : memref<32x128xf32, #tpu.memory_space<vmem>>, vector<1x16xf32>,
    %swap3A_3017 = vector.shape_cast %swap3A_3016 : vector<1x16xf32> to vector<16xf32>
    %swap3A_3018 = vector.shape_cast %add3A_3012 : vector<16xf32> to vector<1x16xf32>
    tpu.vector_store %arg9[%swap3A_3014, %swap3A_3015], %swap3A_3018 {strides = array<i32>} : memref<32x128xf32, #tpu.memory_space<vmem>>, vector<1x16xf32>,
    %mul3A_3019 = arith.mulf %sub3A_82, %gather3A_2953 : vector<16xf32>
    %add3A_3020 = arith.addf %get3A_37, %mul3A_3019 : vector<16xf32>
    %add3A_3021 = arith.addf %add3A_3020, %get3A_124 : vector<16xf32>
    %mul3A_3022 = arith.mulf %sub3A_170, %gather3A_2963 : vector<16xf32>
    %add3A_3023 = arith.addf %add3A_3021, %mul3A_3022 : vector<16xf32>
    %swap3A_3024 = arith.constant 25 : i32
    %swap3A_3025 = arith.index_cast %swap3A_3024 : i32 to index
    %swap3A_3026 = arith.constant 80 : index
    %swap3A_3027 = tpu.vector_load %arg9[%swap3A_3025, %swap3A_3026] {strides = array<i32>} : memref<32x128xf32, #tpu.memory_space<vmem>>, vector<1x16xf32>,
    %swap3A_3028 = vector.shape_cast %swap3A_3027 : vector<1x16xf32> to vector<16xf32>
    %swap3A_3029 = vector.shape_cast %add3A_3023 : vector<16xf32> to vector<1x16xf32>
    tpu.vector_store %arg9[%swap3A_3025, %swap3A_3026], %swap3A_3029 {strides = array<i32>} : memref<32x128xf32, #tpu.memory_space<vmem>>, vector<1x16xf32>,
    %mul3A_3030 = arith.mulf %sub3A_88, %gather3A_2953 : vector<16xf32>
    %add3A_3031 = arith.addf %get3A_42, %mul3A_3030 : vector<16xf32>
    %add3A_3032 = arith.addf %add3A_3031, %get3A_129 : vector<16xf32>
    %mul3A_3033 = arith.mulf %sub3A_176, %gather3A_2963 : vector<16xf32>
    %add3A_3034 = arith.addf %add3A_3032, %mul3A_3033 : vector<16xf32>
    %swap3A_3035 = arith.constant 25 : i32
    %swap3A_3036 = arith.index_cast %swap3A_3035 : i32 to index
    %swap3A_3037 = arith.constant 96 : index
    %swap3A_3038 = tpu.vector_load %arg9[%swap3A_3036, %swap3A_3037] {strides = array<i32>} : memref<32x128xf32, #tpu.memory_space<vmem>>, vector<1x16xf32>,
    %swap3A_3039 = vector.shape_cast %swap3A_3038 : vector<1x16xf32> to vector<16xf32>
    %swap3A_3040 = vector.shape_cast %add3A_3034 : vector<16xf32> to vector<1x16xf32>
    tpu.vector_store %arg9[%swap3A_3036, %swap3A_3037], %swap3A_3040 {strides = array<i32>} : memref<32x128xf32, #tpu.memory_space<vmem>>, vector<1x16xf32>,
    %mul3A_3041 = arith.mulf %sub3A_94, %gather3A_2953 : vector<16xf32>
    %add3A_3042 = arith.addf %get3A_47, %mul3A_3041 : vector<16xf32>
    %add3A_3043 = arith.addf %add3A_3042, %get3A_134 : vector<16xf32>
    %mul3A_3044 = arith.mulf %sub3A_182, %gather3A_2963 : vector<16xf32>
    %add3A_3045 = arith.addf %add3A_3043, %mul3A_3044 : vector<16xf32>
    %swap3A_3046 = arith.constant 25 : i32
    %swap3A_3047 = arith.index_cast %swap3A_3046 : i32 to index
    %swap3A_3048 = arith.constant 112 : index
    %swap3A_3049 = tpu.vector_load %arg9[%swap3A_3047, %swap3A_3048] {strides = array<i32>} : memref<32x128xf32, #tpu.memory_space<vmem>>, vector<1x16xf32>,
    %swap3A_3050 = vector.shape_cast %swap3A_3049 : vector<1x16xf32> to vector<16xf32>
    %swap3A_3051 = vector.shape_cast %add3A_3045 : vector<16xf32> to vector<1x16xf32>
    tpu.vector_store %arg9[%swap3A_3047, %swap3A_3048], %swap3A_3051 {strides = array<i32>} : memref<32x128xf32, #tpu.memory_space<vmem>>, vector<1x16xf32>,
    %broadcast_in_dim3A_3052 = arith.constant 10 : i32
    %broadcast_in_dim3A_3053 = vector.broadcast %broadcast_in_dim3A_3052 : i32 to vector<16xi32>
    %lt3A_3054 = arith.constant 0 : i32
    %lt3A_3055 = vector.broadcast %lt3A_3054 : i32 to vector<16xi32>
    %lt3A_3056 = arith.cmpi slt, %broadcast_in_dim3A_3053, %lt3A_3055 : vector<16xi32>
    %add3A_3057 = arith.constant 16 : i32
    %add3A_3058 = vector.broadcast %add3A_3057 : i32 to vector<16xi32>
    %add3A_3059 = arith.addi %broadcast_in_dim3A_3053, %add3A_3058 : vector<16xi32>
    %select_n3A_3060 = arith.select %lt3A_3056, %add3A_3059, %broadcast_in_dim3A_3053 : vector<16xi1>, vector<16xi32>
    %reshape3A_3061 = vector.shape_cast %select_n3A_3060 : vector<16xi32> to vector<16x1xi32>
    %gather3A_3062 = vector.shape_cast %reshape3A_3061 : vector<16x1xi32> to vector<16xi32>
    %gather3A_3063 = tpu.dynamic_gather %convert_element_type3A_1947[%gather3A_3062] in [0] : vector<16xf32>, vector<16xi32> -> vector<16xf32>
    %lt3A_3064 = arith.constant 0 : i32
    %lt3A_3065 = vector.broadcast %lt3A_3064 : i32 to vector<16xi32>
    %lt3A_3066 = arith.cmpi slt, %broadcast_in_dim3A_3053, %lt3A_3065 : vector<16xi32>
    %add3A_3067 = arith.constant 16 : i32
    %add3A_3068 = vector.broadcast %add3A_3067 : i32 to vector<16xi32>
    %add3A_3069 = arith.addi %broadcast_in_dim3A_3053, %add3A_3068 : vector<16xi32>
    %select_n3A_3070 = arith.select %lt3A_3066, %add3A_3069, %broadcast_in_dim3A_3053 : vector<16xi1>, vector<16xi32>
    %reshape3A_3071 = vector.shape_cast %select_n3A_3070 : vector<16xi32> to vector<16x1xi32>
    %gather3A_3072 = vector.shape_cast %reshape3A_3071 : vector<16x1xi32> to vector<16xi32>
    %gather3A_3073 = tpu.dynamic_gather %convert_element_type3A_1951[%gather3A_3072] in [0] : vector<16xf32>, vector<16xi32> -> vector<16xf32>
    %mul3A_3074 = arith.mulf %sub3A, %gather3A_3063 : vector<16xf32>
    %add3A_3075 = arith.addf %get3A_12, %mul3A_3074 : vector<16xf32>
    %add3A_3076 = arith.addf %add3A_3075, %get3A_99 : vector<16xf32>
    %mul3A_3077 = arith.mulf %sub3A_140, %gather3A_3073 : vector<16xf32>
    %add3A_3078 = arith.addf %add3A_3076, %mul3A_3077 : vector<16xf32>
    %swap3A_3079 = arith.constant 26 : i32
    %swap3A_3080 = arith.index_cast %swap3A_3079 : i32 to index
    %swap3A_3081 = arith.constant 0 : index
    %swap3A_3082 = tpu.vector_load %arg9[%swap3A_3080, %swap3A_3081] {strides = array<i32>} : memref<32x128xf32, #tpu.memory_space<vmem>>, vector<1x16xf32>,
    %swap3A_3083 = vector.shape_cast %swap3A_3082 : vector<1x16xf32> to vector<16xf32>
    %swap3A_3084 = vector.shape_cast %add3A_3078 : vector<16xf32> to vector<1x16xf32>
    tpu.vector_store %arg9[%swap3A_3080, %swap3A_3081], %swap3A_3084 {strides = array<i32>} : memref<32x128xf32, #tpu.memory_space<vmem>>, vector<1x16xf32>,
    %mul3A_3085 = arith.mulf %sub3A_58, %gather3A_3063 : vector<16xf32>
    %add3A_3086 = arith.addf %get3A_17, %mul3A_3085 : vector<16xf32>
    %add3A_3087 = arith.addf %add3A_3086, %get3A_104 : vector<16xf32>
    %mul3A_3088 = arith.mulf %sub3A_146, %gather3A_3073 : vector<16xf32>
    %add3A_3089 = arith.addf %add3A_3087, %mul3A_3088 : vector<16xf32>
    %swap3A_3090 = arith.constant 26 : i32
    %swap3A_3091 = arith.index_cast %swap3A_3090 : i32 to index
    %swap3A_3092 = arith.constant 16 : index
    %swap3A_3093 = tpu.vector_load %arg9[%swap3A_3091, %swap3A_3092] {strides = array<i32>} : memref<32x128xf32, #tpu.memory_space<vmem>>, vector<1x16xf32>,
    %swap3A_3094 = vector.shape_cast %swap3A_3093 : vector<1x16xf32> to vector<16xf32>
    %swap3A_3095 = vector.shape_cast %add3A_3089 : vector<16xf32> to vector<1x16xf32>
    tpu.vector_store %arg9[%swap3A_3091, %swap3A_3092], %swap3A_3095 {strides = array<i32>} : memref<32x128xf32, #tpu.memory_space<vmem>>, vector<1x16xf32>,
    %mul3A_3096 = arith.mulf %sub3A_64, %gather3A_3063 : vector<16xf32>
    %add3A_3097 = arith.addf %get3A_22, %mul3A_3096 : vector<16xf32>
    %add3A_3098 = arith.addf %add3A_3097, %get3A_109 : vector<16xf32>
    %mul3A_3099 = arith.mulf %sub3A_152, %gather3A_3073 : vector<16xf32>
    %add3A_3100 = arith.addf %add3A_3098, %mul3A_3099 : vector<16xf32>
    %swap3A_3101 = arith.constant 26 : i32
    %swap3A_3102 = arith.index_cast %swap3A_3101 : i32 to index
    %swap3A_3103 = arith.constant 32 : index
    %swap3A_3104 = tpu.vector_load %arg9[%swap3A_3102, %swap3A_3103] {strides = array<i32>} : memref<32x128xf32, #tpu.memory_space<vmem>>, vector<1x16xf32>,
    %swap3A_3105 = vector.shape_cast %swap3A_3104 : vector<1x16xf32> to vector<16xf32>
    %swap3A_3106 = vector.shape_cast %add3A_3100 : vector<16xf32> to vector<1x16xf32>
    tpu.vector_store %arg9[%swap3A_3102, %swap3A_3103], %swap3A_3106 {strides = array<i32>} : memref<32x128xf32, #tpu.memory_space<vmem>>, vector<1x16xf32>,
    %mul3A_3107 = arith.mulf %sub3A_70, %gather3A_3063 : vector<16xf32>
    %add3A_3108 = arith.addf %get3A_27, %mul3A_3107 : vector<16xf32>
    %add3A_3109 = arith.addf %add3A_3108, %get3A_114 : vector<16xf32>
    %mul3A_3110 = arith.mulf %sub3A_158, %gather3A_3073 : vector<16xf32>
    %add3A_3111 = arith.addf %add3A_3109, %mul3A_3110 : vector<16xf32>
    %swap3A_3112 = arith.constant 26 : i32
    %swap3A_3113 = arith.index_cast %swap3A_3112 : i32 to index
    %swap3A_3114 = arith.constant 48 : index
    %swap3A_3115 = tpu.vector_load %arg9[%swap3A_3113, %swap3A_3114] {strides = array<i32>} : memref<32x128xf32, #tpu.memory_space<vmem>>, vector<1x16xf32>,
    %swap3A_3116 = vector.shape_cast %swap3A_3115 : vector<1x16xf32> to vector<16xf32>
    %swap3A_3117 = vector.shape_cast %add3A_3111 : vector<16xf32> to vector<1x16xf32>
    tpu.vector_store %arg9[%swap3A_3113, %swap3A_3114], %swap3A_3117 {strides = array<i32>} : memref<32x128xf32, #tpu.memory_space<vmem>>, vector<1x16xf32>,
    %mul3A_3118 = arith.mulf %sub3A_76, %gather3A_3063 : vector<16xf32>
    %add3A_3119 = arith.addf %get3A_32, %mul3A_3118 : vector<16xf32>
    %add3A_3120 = arith.addf %add3A_3119, %get3A_119 : vector<16xf32>
    %mul3A_3121 = arith.mulf %sub3A_164, %gather3A_3073 : vector<16xf32>
    %add3A_3122 = arith.addf %add3A_3120, %mul3A_3121 : vector<16xf32>
    %swap3A_3123 = arith.constant 26 : i32
    %swap3A_3124 = arith.index_cast %swap3A_3123 : i32 to index
    %swap3A_3125 = arith.constant 64 : index
    %swap3A_3126 = tpu.vector_load %arg9[%swap3A_3124, %swap3A_3125] {strides = array<i32>} : memref<32x128xf32, #tpu.memory_space<vmem>>, vector<1x16xf32>,
    %swap3A_3127 = vector.shape_cast %swap3A_3126 : vector<1x16xf32> to vector<16xf32>
    %swap3A_3128 = vector.shape_cast %add3A_3122 : vector<16xf32> to vector<1x16xf32>
    tpu.vector_store %arg9[%swap3A_3124, %swap3A_3125], %swap3A_3128 {strides = array<i32>} : memref<32x128xf32, #tpu.memory_space<vmem>>, vector<1x16xf32>,
    %mul3A_3129 = arith.mulf %sub3A_82, %gather3A_3063 : vector<16xf32>
    %add3A_3130 = arith.addf %get3A_37, %mul3A_3129 : vector<16xf32>
    %add3A_3131 = arith.addf %add3A_3130, %get3A_124 : vector<16xf32>
    %mul3A_3132 = arith.mulf %sub3A_170, %gather3A_3073 : vector<16xf32>
    %add3A_3133 = arith.addf %add3A_3131, %mul3A_3132 : vector<16xf32>
    %swap3A_3134 = arith.constant 26 : i32
    %swap3A_3135 = arith.index_cast %swap3A_3134 : i32 to index
    %swap3A_3136 = arith.constant 80 : index
    %swap3A_3137 = tpu.vector_load %arg9[%swap3A_3135, %swap3A_3136] {strides = array<i32>} : memref<32x128xf32, #tpu.memory_space<vmem>>, vector<1x16xf32>,
    %swap3A_3138 = vector.shape_cast %swap3A_3137 : vector<1x16xf32> to vector<16xf32>
    %swap3A_3139 = vector.shape_cast %add3A_3133 : vector<16xf32> to vector<1x16xf32>
    tpu.vector_store %arg9[%swap3A_3135, %swap3A_3136], %swap3A_3139 {strides = array<i32>} : memref<32x128xf32, #tpu.memory_space<vmem>>, vector<1x16xf32>,
    %mul3A_3140 = arith.mulf %sub3A_88, %gather3A_3063 : vector<16xf32>
    %add3A_3141 = arith.addf %get3A_42, %mul3A_3140 : vector<16xf32>
    %add3A_3142 = arith.addf %add3A_3141, %get3A_129 : vector<16xf32>
    %mul3A_3143 = arith.mulf %sub3A_176, %gather3A_3073 : vector<16xf32>
    %add3A_3144 = arith.addf %add3A_3142, %mul3A_3143 : vector<16xf32>
    %swap3A_3145 = arith.constant 26 : i32
    %swap3A_3146 = arith.index_cast %swap3A_3145 : i32 to index
    %swap3A_3147 = arith.constant 96 : index
    %swap3A_3148 = tpu.vector_load %arg9[%swap3A_3146, %swap3A_3147] {strides = array<i32>} : memref<32x128xf32, #tpu.memory_space<vmem>>, vector<1x16xf32>,
    %swap3A_3149 = vector.shape_cast %swap3A_3148 : vector<1x16xf32> to vector<16xf32>
    %swap3A_3150 = vector.shape_cast %add3A_3144 : vector<16xf32> to vector<1x16xf32>
    tpu.vector_store %arg9[%swap3A_3146, %swap3A_3147], %swap3A_3150 {strides = array<i32>} : memref<32x128xf32, #tpu.memory_space<vmem>>, vector<1x16xf32>,
    %mul3A_3151 = arith.mulf %sub3A_94, %gather3A_3063 : vector<16xf32>
    %add3A_3152 = arith.addf %get3A_47, %mul3A_3151 : vector<16xf32>
    %add3A_3153 = arith.addf %add3A_3152, %get3A_134 : vector<16xf32>
    %mul3A_3154 = arith.mulf %sub3A_182, %gather3A_3073 : vector<16xf32>
    %add3A_3155 = arith.addf %add3A_3153, %mul3A_3154 : vector<16xf32>
    %swap3A_3156 = arith.constant 26 : i32
    %swap3A_3157 = arith.index_cast %swap3A_3156 : i32 to index
    %swap3A_3158 = arith.constant 112 : index
    %swap3A_3159 = tpu.vector_load %arg9[%swap3A_3157, %swap3A_3158] {strides = array<i32>} : memref<32x128xf32, #tpu.memory_space<vmem>>, vector<1x16xf32>,
    %swap3A_3160 = vector.shape_cast %swap3A_3159 : vector<1x16xf32> to vector<16xf32>
    %swap3A_3161 = vector.shape_cast %add3A_3155 : vector<16xf32> to vector<1x16xf32>
    tpu.vector_store %arg9[%swap3A_3157, %swap3A_3158], %swap3A_3161 {strides = array<i32>} : memref<32x128xf32, #tpu.memory_space<vmem>>, vector<1x16xf32>,
    %broadcast_in_dim3A_3162 = arith.constant 11 : i32
    %broadcast_in_dim3A_3163 = vector.broadcast %broadcast_in_dim3A_3162 : i32 to vector<16xi32>
    %lt3A_3164 = arith.constant 0 : i32
    %lt3A_3165 = vector.broadcast %lt3A_3164 : i32 to vector<16xi32>
    %lt3A_3166 = arith.cmpi slt, %broadcast_in_dim3A_3163, %lt3A_3165 : vector<16xi32>
    %add3A_3167 = arith.constant 16 : i32
    %add3A_3168 = vector.broadcast %add3A_3167 : i32 to vector<16xi32>
    %add3A_3169 = arith.addi %broadcast_in_dim3A_3163, %add3A_3168 : vector<16xi32>
    %select_n3A_3170 = arith.select %lt3A_3166, %add3A_3169, %broadcast_in_dim3A_3163 : vector<16xi1>, vector<16xi32>
    %reshape3A_3171 = vector.shape_cast %select_n3A_3170 : vector<16xi32> to vector<16x1xi32>
    %gather3A_3172 = vector.shape_cast %reshape3A_3171 : vector<16x1xi32> to vector<16xi32>
    %gather3A_3173 = tpu.dynamic_gather %convert_element_type3A_1947[%gather3A_3172] in [0] : vector<16xf32>, vector<16xi32> -> vector<16xf32>
    %lt3A_3174 = arith.constant 0 : i32
    %lt3A_3175 = vector.broadcast %lt3A_3174 : i32 to vector<16xi32>
    %lt3A_3176 = arith.cmpi slt, %broadcast_in_dim3A_3163, %lt3A_3175 : vector<16xi32>
    %add3A_3177 = arith.constant 16 : i32
    %add3A_3178 = vector.broadcast %add3A_3177 : i32 to vector<16xi32>
    %add3A_3179 = arith.addi %broadcast_in_dim3A_3163, %add3A_3178 : vector<16xi32>
    %select_n3A_3180 = arith.select %lt3A_3176, %add3A_3179, %broadcast_in_dim3A_3163 : vector<16xi1>, vector<16xi32>
    %reshape3A_3181 = vector.shape_cast %select_n3A_3180 : vector<16xi32> to vector<16x1xi32>
    %gather3A_3182 = vector.shape_cast %reshape3A_3181 : vector<16x1xi32> to vector<16xi32>
    %gather3A_3183 = tpu.dynamic_gather %convert_element_type3A_1951[%gather3A_3182] in [0] : vector<16xf32>, vector<16xi32> -> vector<16xf32>
    %mul3A_3184 = arith.mulf %sub3A, %gather3A_3173 : vector<16xf32>
    %add3A_3185 = arith.addf %get3A_12, %mul3A_3184 : vector<16xf32>
    %add3A_3186 = arith.addf %add3A_3185, %get3A_99 : vector<16xf32>
    %mul3A_3187 = arith.mulf %sub3A_140, %gather3A_3183 : vector<16xf32>
    %add3A_3188 = arith.addf %add3A_3186, %mul3A_3187 : vector<16xf32>
    %swap3A_3189 = arith.constant 27 : i32
    %swap3A_3190 = arith.index_cast %swap3A_3189 : i32 to index
    %swap3A_3191 = arith.constant 0 : index
    %swap3A_3192 = tpu.vector_load %arg9[%swap3A_3190, %swap3A_3191] {strides = array<i32>} : memref<32x128xf32, #tpu.memory_space<vmem>>, vector<1x16xf32>,
    %swap3A_3193 = vector.shape_cast %swap3A_3192 : vector<1x16xf32> to vector<16xf32>
    %swap3A_3194 = vector.shape_cast %add3A_3188 : vector<16xf32> to vector<1x16xf32>
    tpu.vector_store %arg9[%swap3A_3190, %swap3A_3191], %swap3A_3194 {strides = array<i32>} : memref<32x128xf32, #tpu.memory_space<vmem>>, vector<1x16xf32>,
    %mul3A_3195 = arith.mulf %sub3A_58, %gather3A_3173 : vector<16xf32>
    %add3A_3196 = arith.addf %get3A_17, %mul3A_3195 : vector<16xf32>
    %add3A_3197 = arith.addf %add3A_3196, %get3A_104 : vector<16xf32>
    %mul3A_3198 = arith.mulf %sub3A_146, %gather3A_3183 : vector<16xf32>
    %add3A_3199 = arith.addf %add3A_3197, %mul3A_3198 : vector<16xf32>
    %swap3A_3200 = arith.constant 27 : i32
    %swap3A_3201 = arith.index_cast %swap3A_3200 : i32 to index
    %swap3A_3202 = arith.constant 16 : index
    %swap3A_3203 = tpu.vector_load %arg9[%swap3A_3201, %swap3A_3202] {strides = array<i32>} : memref<32x128xf32, #tpu.memory_space<vmem>>, vector<1x16xf32>,
    %swap3A_3204 = vector.shape_cast %swap3A_3203 : vector<1x16xf32> to vector<16xf32>
    %swap3A_3205 = vector.shape_cast %add3A_3199 : vector<16xf32> to vector<1x16xf32>
    tpu.vector_store %arg9[%swap3A_3201, %swap3A_3202], %swap3A_3205 {strides = array<i32>} : memref<32x128xf32, #tpu.memory_space<vmem>>, vector<1x16xf32>,
    %mul3A_3206 = arith.mulf %sub3A_64, %gather3A_3173 : vector<16xf32>
    %add3A_3207 = arith.addf %get3A_22, %mul3A_3206 : vector<16xf32>
    %add3A_3208 = arith.addf %add3A_3207, %get3A_109 : vector<16xf32>
    %mul3A_3209 = arith.mulf %sub3A_152, %gather3A_3183 : vector<16xf32>
    %add3A_3210 = arith.addf %add3A_3208, %mul3A_3209 : vector<16xf32>
    %swap3A_3211 = arith.constant 27 : i32
    %swap3A_3212 = arith.index_cast %swap3A_3211 : i32 to index
    %swap3A_3213 = arith.constant 32 : index
    %swap3A_3214 = tpu.vector_load %arg9[%swap3A_3212, %swap3A_3213] {strides = array<i32>} : memref<32x128xf32, #tpu.memory_space<vmem>>, vector<1x16xf32>,
    %swap3A_3215 = vector.shape_cast %swap3A_3214 : vector<1x16xf32> to vector<16xf32>
    %swap3A_3216 = vector.shape_cast %add3A_3210 : vector<16xf32> to vector<1x16xf32>
    tpu.vector_store %arg9[%swap3A_3212, %swap3A_3213], %swap3A_3216 {strides = array<i32>} : memref<32x128xf32, #tpu.memory_space<vmem>>, vector<1x16xf32>,
    %mul3A_3217 = arith.mulf %sub3A_70, %gather3A_3173 : vector<16xf32>
    %add3A_3218 = arith.addf %get3A_27, %mul3A_3217 : vector<16xf32>
    %add3A_3219 = arith.addf %add3A_3218, %get3A_114 : vector<16xf32>
    %mul3A_3220 = arith.mulf %sub3A_158, %gather3A_3183 : vector<16xf32>
    %add3A_3221 = arith.addf %add3A_3219, %mul3A_3220 : vector<16xf32>
    %swap3A_3222 = arith.constant 27 : i32
    %swap3A_3223 = arith.index_cast %swap3A_3222 : i32 to index
    %swap3A_3224 = arith.constant 48 : index
    %swap3A_3225 = tpu.vector_load %arg9[%swap3A_3223, %swap3A_3224] {strides = array<i32>} : memref<32x128xf32, #tpu.memory_space<vmem>>, vector<1x16xf32>,
    %swap3A_3226 = vector.shape_cast %swap3A_3225 : vector<1x16xf32> to vector<16xf32>
    %swap3A_3227 = vector.shape_cast %add3A_3221 : vector<16xf32> to vector<1x16xf32>
    tpu.vector_store %arg9[%swap3A_3223, %swap3A_3224], %swap3A_3227 {strides = array<i32>} : memref<32x128xf32, #tpu.memory_space<vmem>>, vector<1x16xf32>,
    %mul3A_3228 = arith.mulf %sub3A_76, %gather3A_3173 : vector<16xf32>
    %add3A_3229 = arith.addf %get3A_32, %mul3A_3228 : vector<16xf32>
    %add3A_3230 = arith.addf %add3A_3229, %get3A_119 : vector<16xf32>
    %mul3A_3231 = arith.mulf %sub3A_164, %gather3A_3183 : vector<16xf32>
    %add3A_3232 = arith.addf %add3A_3230, %mul3A_3231 : vector<16xf32>
    %swap3A_3233 = arith.constant 27 : i32
    %swap3A_3234 = arith.index_cast %swap3A_3233 : i32 to index
    %swap3A_3235 = arith.constant 64 : index
    %swap3A_3236 = tpu.vector_load %arg9[%swap3A_3234, %swap3A_3235] {strides = array<i32>} : memref<32x128xf32, #tpu.memory_space<vmem>>, vector<1x16xf32>,
    %swap3A_3237 = vector.shape_cast %swap3A_3236 : vector<1x16xf32> to vector<16xf32>
    %swap3A_3238 = vector.shape_cast %add3A_3232 : vector<16xf32> to vector<1x16xf32>
    tpu.vector_store %arg9[%swap3A_3234, %swap3A_3235], %swap3A_3238 {strides = array<i32>} : memref<32x128xf32, #tpu.memory_space<vmem>>, vector<1x16xf32>,
    %mul3A_3239 = arith.mulf %sub3A_82, %gather3A_3173 : vector<16xf32>
    %add3A_3240 = arith.addf %get3A_37, %mul3A_3239 : vector<16xf32>
    %add3A_3241 = arith.addf %add3A_3240, %get3A_124 : vector<16xf32>
    %mul3A_3242 = arith.mulf %sub3A_170, %gather3A_3183 : vector<16xf32>
    %add3A_3243 = arith.addf %add3A_3241, %mul3A_3242 : vector<16xf32>
    %swap3A_3244 = arith.constant 27 : i32
    %swap3A_3245 = arith.index_cast %swap3A_3244 : i32 to index
    %swap3A_3246 = arith.constant 80 : index
    %swap3A_3247 = tpu.vector_load %arg9[%swap3A_3245, %swap3A_3246] {strides = array<i32>} : memref<32x128xf32, #tpu.memory_space<vmem>>, vector<1x16xf32>,
    %swap3A_3248 = vector.shape_cast %swap3A_3247 : vector<1x16xf32> to vector<16xf32>
    %swap3A_3249 = vector.shape_cast %add3A_3243 : vector<16xf32> to vector<1x16xf32>
    tpu.vector_store %arg9[%swap3A_3245, %swap3A_3246], %swap3A_3249 {strides = array<i32>} : memref<32x128xf32, #tpu.memory_space<vmem>>, vector<1x16xf32>,
    %mul3A_3250 = arith.mulf %sub3A_88, %gather3A_3173 : vector<16xf32>
    %add3A_3251 = arith.addf %get3A_42, %mul3A_3250 : vector<16xf32>
    %add3A_3252 = arith.addf %add3A_3251, %get3A_129 : vector<16xf32>
    %mul3A_3253 = arith.mulf %sub3A_176, %gather3A_3183 : vector<16xf32>
    %add3A_3254 = arith.addf %add3A_3252, %mul3A_3253 : vector<16xf32>
    %swap3A_3255 = arith.constant 27 : i32
    %swap3A_3256 = arith.index_cast %swap3A_3255 : i32 to index
    %swap3A_3257 = arith.constant 96 : index
    %swap3A_3258 = tpu.vector_load %arg9[%swap3A_3256, %swap3A_3257] {strides = array<i32>} : memref<32x128xf32, #tpu.memory_space<vmem>>, vector<1x16xf32>,
    %swap3A_3259 = vector.shape_cast %swap3A_3258 : vector<1x16xf32> to vector<16xf32>
    %swap3A_3260 = vector.shape_cast %add3A_3254 : vector<16xf32> to vector<1x16xf32>
    tpu.vector_store %arg9[%swap3A_3256, %swap3A_3257], %swap3A_3260 {strides = array<i32>} : memref<32x128xf32, #tpu.memory_space<vmem>>, vector<1x16xf32>,
    %mul3A_3261 = arith.mulf %sub3A_94, %gather3A_3173 : vector<16xf32>
    %add3A_3262 = arith.addf %get3A_47, %mul3A_3261 : vector<16xf32>
    %add3A_3263 = arith.addf %add3A_3262, %get3A_134 : vector<16xf32>
    %mul3A_3264 = arith.mulf %sub3A_182, %gather3A_3183 : vector<16xf32>
    %add3A_3265 = arith.addf %add3A_3263, %mul3A_3264 : vector<16xf32>
    %swap3A_3266 = arith.constant 27 : i32
    %swap3A_3267 = arith.index_cast %swap3A_3266 : i32 to index
    %swap3A_3268 = arith.constant 112 : index
    %swap3A_3269 = tpu.vector_load %arg9[%swap3A_3267, %swap3A_3268] {strides = array<i32>} : memref<32x128xf32, #tpu.memory_space<vmem>>, vector<1x16xf32>,
    %swap3A_3270 = vector.shape_cast %swap3A_3269 : vector<1x16xf32> to vector<16xf32>
    %swap3A_3271 = vector.shape_cast %add3A_3265 : vector<16xf32> to vector<1x16xf32>
    tpu.vector_store %arg9[%swap3A_3267, %swap3A_3268], %swap3A_3271 {strides = array<i32>} : memref<32x128xf32, #tpu.memory_space<vmem>>, vector<1x16xf32>,
    %broadcast_in_dim3A_3272 = arith.constant 12 : i32
    %broadcast_in_dim3A_3273 = vector.broadcast %broadcast_in_dim3A_3272 : i32 to vector<16xi32>
    %lt3A_3274 = arith.constant 0 : i32
    %lt3A_3275 = vector.broadcast %lt3A_3274 : i32 to vector<16xi32>
    %lt3A_3276 = arith.cmpi slt, %broadcast_in_dim3A_3273, %lt3A_3275 : vector<16xi32>
    %add3A_3277 = arith.constant 16 : i32
    %add3A_3278 = vector.broadcast %add3A_3277 : i32 to vector<16xi32>
    %add3A_3279 = arith.addi %broadcast_in_dim3A_3273, %add3A_3278 : vector<16xi32>
    %select_n3A_3280 = arith.select %lt3A_3276, %add3A_3279, %broadcast_in_dim3A_3273 : vector<16xi1>, vector<16xi32>
    %reshape3A_3281 = vector.shape_cast %select_n3A_3280 : vector<16xi32> to vector<16x1xi32>
    %gather3A_3282 = vector.shape_cast %reshape3A_3281 : vector<16x1xi32> to vector<16xi32>
    %gather3A_3283 = tpu.dynamic_gather %convert_element_type3A_1947[%gather3A_3282] in [0] : vector<16xf32>, vector<16xi32> -> vector<16xf32>
    %lt3A_3284 = arith.constant 0 : i32
    %lt3A_3285 = vector.broadcast %lt3A_3284 : i32 to vector<16xi32>
    %lt3A_3286 = arith.cmpi slt, %broadcast_in_dim3A_3273, %lt3A_3285 : vector<16xi32>
    %add3A_3287 = arith.constant 16 : i32
    %add3A_3288 = vector.broadcast %add3A_3287 : i32 to vector<16xi32>
    %add3A_3289 = arith.addi %broadcast_in_dim3A_3273, %add3A_3288 : vector<16xi32>
    %select_n3A_3290 = arith.select %lt3A_3286, %add3A_3289, %broadcast_in_dim3A_3273 : vector<16xi1>, vector<16xi32>
    %reshape3A_3291 = vector.shape_cast %select_n3A_3290 : vector<16xi32> to vector<16x1xi32>
    %gather3A_3292 = vector.shape_cast %reshape3A_3291 : vector<16x1xi32> to vector<16xi32>
    %gather3A_3293 = tpu.dynamic_gather %convert_element_type3A_1951[%gather3A_3292] in [0] : vector<16xf32>, vector<16xi32> -> vector<16xf32>
    %mul3A_3294 = arith.mulf %sub3A, %gather3A_3283 : vector<16xf32>
    %add3A_3295 = arith.addf %get3A_12, %mul3A_3294 : vector<16xf32>
    %add3A_3296 = arith.addf %add3A_3295, %get3A_99 : vector<16xf32>
    %mul3A_3297 = arith.mulf %sub3A_140, %gather3A_3293 : vector<16xf32>
    %add3A_3298 = arith.addf %add3A_3296, %mul3A_3297 : vector<16xf32>
    %swap3A_3299 = arith.constant 28 : i32
    %swap3A_3300 = arith.index_cast %swap3A_3299 : i32 to index
    %swap3A_3301 = arith.constant 0 : index
    %swap3A_3302 = tpu.vector_load %arg9[%swap3A_3300, %swap3A_3301] {strides = array<i32>} : memref<32x128xf32, #tpu.memory_space<vmem>>, vector<1x16xf32>,
    %swap3A_3303 = vector.shape_cast %swap3A_3302 : vector<1x16xf32> to vector<16xf32>
    %swap3A_3304 = vector.shape_cast %add3A_3298 : vector<16xf32> to vector<1x16xf32>
    tpu.vector_store %arg9[%swap3A_3300, %swap3A_3301], %swap3A_3304 {strides = array<i32>} : memref<32x128xf32, #tpu.memory_space<vmem>>, vector<1x16xf32>,
    %mul3A_3305 = arith.mulf %sub3A_58, %gather3A_3283 : vector<16xf32>
    %add3A_3306 = arith.addf %get3A_17, %mul3A_3305 : vector<16xf32>
    %add3A_3307 = arith.addf %add3A_3306, %get3A_104 : vector<16xf32>
    %mul3A_3308 = arith.mulf %sub3A_146, %gather3A_3293 : vector<16xf32>
    %add3A_3309 = arith.addf %add3A_3307, %mul3A_3308 : vector<16xf32>
    %swap3A_3310 = arith.constant 28 : i32
    %swap3A_3311 = arith.index_cast %swap3A_3310 : i32 to index
    %swap3A_3312 = arith.constant 16 : index
    %swap3A_3313 = tpu.vector_load %arg9[%swap3A_3311, %swap3A_3312] {strides = array<i32>} : memref<32x128xf32, #tpu.memory_space<vmem>>, vector<1x16xf32>,
    %swap3A_3314 = vector.shape_cast %swap3A_3313 : vector<1x16xf32> to vector<16xf32>
    %swap3A_3315 = vector.shape_cast %add3A_3309 : vector<16xf32> to vector<1x16xf32>
    tpu.vector_store %arg9[%swap3A_3311, %swap3A_3312], %swap3A_3315 {strides = array<i32>} : memref<32x128xf32, #tpu.memory_space<vmem>>, vector<1x16xf32>,
    %mul3A_3316 = arith.mulf %sub3A_64, %gather3A_3283 : vector<16xf32>
    %add3A_3317 = arith.addf %get3A_22, %mul3A_3316 : vector<16xf32>
    %add3A_3318 = arith.addf %add3A_3317, %get3A_109 : vector<16xf32>
    %mul3A_3319 = arith.mulf %sub3A_152, %gather3A_3293 : vector<16xf32>
    %add3A_3320 = arith.addf %add3A_3318, %mul3A_3319 : vector<16xf32>
    %swap3A_3321 = arith.constant 28 : i32
    %swap3A_3322 = arith.index_cast %swap3A_3321 : i32 to index
    %swap3A_3323 = arith.constant 32 : index
    %swap3A_3324 = tpu.vector_load %arg9[%swap3A_3322, %swap3A_3323] {strides = array<i32>} : memref<32x128xf32, #tpu.memory_space<vmem>>, vector<1x16xf32>,
    %swap3A_3325 = vector.shape_cast %swap3A_3324 : vector<1x16xf32> to vector<16xf32>
    %swap3A_3326 = vector.shape_cast %add3A_3320 : vector<16xf32> to vector<1x16xf32>
    tpu.vector_store %arg9[%swap3A_3322, %swap3A_3323], %swap3A_3326 {strides = array<i32>} : memref<32x128xf32, #tpu.memory_space<vmem>>, vector<1x16xf32>,
    %mul3A_3327 = arith.mulf %sub3A_70, %gather3A_3283 : vector<16xf32>
    %add3A_3328 = arith.addf %get3A_27, %mul3A_3327 : vector<16xf32>
    %add3A_3329 = arith.addf %add3A_3328, %get3A_114 : vector<16xf32>
    %mul3A_3330 = arith.mulf %sub3A_158, %gather3A_3293 : vector<16xf32>
    %add3A_3331 = arith.addf %add3A_3329, %mul3A_3330 : vector<16xf32>
    %swap3A_3332 = arith.constant 28 : i32
    %swap3A_3333 = arith.index_cast %swap3A_3332 : i32 to index
    %swap3A_3334 = arith.constant 48 : index
    %swap3A_3335 = tpu.vector_load %arg9[%swap3A_3333, %swap3A_3334] {strides = array<i32>} : memref<32x128xf32, #tpu.memory_space<vmem>>, vector<1x16xf32>,
    %swap3A_3336 = vector.shape_cast %swap3A_3335 : vector<1x16xf32> to vector<16xf32>
    %swap3A_3337 = vector.shape_cast %add3A_3331 : vector<16xf32> to vector<1x16xf32>
    tpu.vector_store %arg9[%swap3A_3333, %swap3A_3334], %swap3A_3337 {strides = array<i32>} : memref<32x128xf32, #tpu.memory_space<vmem>>, vector<1x16xf32>,
    %mul3A_3338 = arith.mulf %sub3A_76, %gather3A_3283 : vector<16xf32>
    %add3A_3339 = arith.addf %get3A_32, %mul3A_3338 : vector<16xf32>
    %add3A_3340 = arith.addf %add3A_3339, %get3A_119 : vector<16xf32>
    %mul3A_3341 = arith.mulf %sub3A_164, %gather3A_3293 : vector<16xf32>
    %add3A_3342 = arith.addf %add3A_3340, %mul3A_3341 : vector<16xf32>
    %swap3A_3343 = arith.constant 28 : i32
    %swap3A_3344 = arith.index_cast %swap3A_3343 : i32 to index
    %swap3A_3345 = arith.constant 64 : index
    %swap3A_3346 = tpu.vector_load %arg9[%swap3A_3344, %swap3A_3345] {strides = array<i32>} : memref<32x128xf32, #tpu.memory_space<vmem>>, vector<1x16xf32>,
    %swap3A_3347 = vector.shape_cast %swap3A_3346 : vector<1x16xf32> to vector<16xf32>
    %swap3A_3348 = vector.shape_cast %add3A_3342 : vector<16xf32> to vector<1x16xf32>
    tpu.vector_store %arg9[%swap3A_3344, %swap3A_3345], %swap3A_3348 {strides = array<i32>} : memref<32x128xf32, #tpu.memory_space<vmem>>, vector<1x16xf32>,
    %mul3A_3349 = arith.mulf %sub3A_82, %gather3A_3283 : vector<16xf32>
    %add3A_3350 = arith.addf %get3A_37, %mul3A_3349 : vector<16xf32>
    %add3A_3351 = arith.addf %add3A_3350, %get3A_124 : vector<16xf32>
    %mul3A_3352 = arith.mulf %sub3A_170, %gather3A_3293 : vector<16xf32>
    %add3A_3353 = arith.addf %add3A_3351, %mul3A_3352 : vector<16xf32>
    %swap3A_3354 = arith.constant 28 : i32
    %swap3A_3355 = arith.index_cast %swap3A_3354 : i32 to index
    %swap3A_3356 = arith.constant 80 : index
    %swap3A_3357 = tpu.vector_load %arg9[%swap3A_3355, %swap3A_3356] {strides = array<i32>} : memref<32x128xf32, #tpu.memory_space<vmem>>, vector<1x16xf32>,
    %swap3A_3358 = vector.shape_cast %swap3A_3357 : vector<1x16xf32> to vector<16xf32>
    %swap3A_3359 = vector.shape_cast %add3A_3353 : vector<16xf32> to vector<1x16xf32>
    tpu.vector_store %arg9[%swap3A_3355, %swap3A_3356], %swap3A_3359 {strides = array<i32>} : memref<32x128xf32, #tpu.memory_space<vmem>>, vector<1x16xf32>,
    %mul3A_3360 = arith.mulf %sub3A_88, %gather3A_3283 : vector<16xf32>
    %add3A_3361 = arith.addf %get3A_42, %mul3A_3360 : vector<16xf32>
    %add3A_3362 = arith.addf %add3A_3361, %get3A_129 : vector<16xf32>
    %mul3A_3363 = arith.mulf %sub3A_176, %gather3A_3293 : vector<16xf32>
    %add3A_3364 = arith.addf %add3A_3362, %mul3A_3363 : vector<16xf32>
    %swap3A_3365 = arith.constant 28 : i32
    %swap3A_3366 = arith.index_cast %swap3A_3365 : i32 to index
    %swap3A_3367 = arith.constant 96 : index
    %swap3A_3368 = tpu.vector_load %arg9[%swap3A_3366, %swap3A_3367] {strides = array<i32>} : memref<32x128xf32, #tpu.memory_space<vmem>>, vector<1x16xf32>,
    %swap3A_3369 = vector.shape_cast %swap3A_3368 : vector<1x16xf32> to vector<16xf32>
    %swap3A_3370 = vector.shape_cast %add3A_3364 : vector<16xf32> to vector<1x16xf32>
    tpu.vector_store %arg9[%swap3A_3366, %swap3A_3367], %swap3A_3370 {strides = array<i32>} : memref<32x128xf32, #tpu.memory_space<vmem>>, vector<1x16xf32>,
    %mul3A_3371 = arith.mulf %sub3A_94, %gather3A_3283 : vector<16xf32>
    %add3A_3372 = arith.addf %get3A_47, %mul3A_3371 : vector<16xf32>
    %add3A_3373 = arith.addf %add3A_3372, %get3A_134 : vector<16xf32>
    %mul3A_3374 = arith.mulf %sub3A_182, %gather3A_3293 : vector<16xf32>
    %add3A_3375 = arith.addf %add3A_3373, %mul3A_3374 : vector<16xf32>
    %swap3A_3376 = arith.constant 28 : i32
    %swap3A_3377 = arith.index_cast %swap3A_3376 : i32 to index
    %swap3A_3378 = arith.constant 112 : index
    %swap3A_3379 = tpu.vector_load %arg9[%swap3A_3377, %swap3A_3378] {strides = array<i32>} : memref<32x128xf32, #tpu.memory_space<vmem>>, vector<1x16xf32>,
    %swap3A_3380 = vector.shape_cast %swap3A_3379 : vector<1x16xf32> to vector<16xf32>
    %swap3A_3381 = vector.shape_cast %add3A_3375 : vector<16xf32> to vector<1x16xf32>
    tpu.vector_store %arg9[%swap3A_3377, %swap3A_3378], %swap3A_3381 {strides = array<i32>} : memref<32x128xf32, #tpu.memory_space<vmem>>, vector<1x16xf32>,
    %broadcast_in_dim3A_3382 = arith.constant 13 : i32
    %broadcast_in_dim3A_3383 = vector.broadcast %broadcast_in_dim3A_3382 : i32 to vector<16xi32>
    %lt3A_3384 = arith.constant 0 : i32
    %lt3A_3385 = vector.broadcast %lt3A_3384 : i32 to vector<16xi32>
    %lt3A_3386 = arith.cmpi slt, %broadcast_in_dim3A_3383, %lt3A_3385 : vector<16xi32>
    %add3A_3387 = arith.constant 16 : i32
    %add3A_3388 = vector.broadcast %add3A_3387 : i32 to vector<16xi32>
    %add3A_3389 = arith.addi %broadcast_in_dim3A_3383, %add3A_3388 : vector<16xi32>
    %select_n3A_3390 = arith.select %lt3A_3386, %add3A_3389, %broadcast_in_dim3A_3383 : vector<16xi1>, vector<16xi32>
    %reshape3A_3391 = vector.shape_cast %select_n3A_3390 : vector<16xi32> to vector<16x1xi32>
    %gather3A_3392 = vector.shape_cast %reshape3A_3391 : vector<16x1xi32> to vector<16xi32>
    %gather3A_3393 = tpu.dynamic_gather %convert_element_type3A_1947[%gather3A_3392] in [0] : vector<16xf32>, vector<16xi32> -> vector<16xf32>
    %lt3A_3394 = arith.constant 0 : i32
    %lt3A_3395 = vector.broadcast %lt3A_3394 : i32 to vector<16xi32>
    %lt3A_3396 = arith.cmpi slt, %broadcast_in_dim3A_3383, %lt3A_3395 : vector<16xi32>
    %add3A_3397 = arith.constant 16 : i32
    %add3A_3398 = vector.broadcast %add3A_3397 : i32 to vector<16xi32>
    %add3A_3399 = arith.addi %broadcast_in_dim3A_3383, %add3A_3398 : vector<16xi32>
    %select_n3A_3400 = arith.select %lt3A_3396, %add3A_3399, %broadcast_in_dim3A_3383 : vector<16xi1>, vector<16xi32>
    %reshape3A_3401 = vector.shape_cast %select_n3A_3400 : vector<16xi32> to vector<16x1xi32>
    %gather3A_3402 = vector.shape_cast %reshape3A_3401 : vector<16x1xi32> to vector<16xi32>
    %gather3A_3403 = tpu.dynamic_gather %convert_element_type3A_1951[%gather3A_3402] in [0] : vector<16xf32>, vector<16xi32> -> vector<16xf32>
    %mul3A_3404 = arith.mulf %sub3A, %gather3A_3393 : vector<16xf32>
    %add3A_3405 = arith.addf %get3A_12, %mul3A_3404 : vector<16xf32>
    %add3A_3406 = arith.addf %add3A_3405, %get3A_99 : vector<16xf32>
    %mul3A_3407 = arith.mulf %sub3A_140, %gather3A_3403 : vector<16xf32>
    %add3A_3408 = arith.addf %add3A_3406, %mul3A_3407 : vector<16xf32>
    %swap3A_3409 = arith.constant 29 : i32
    %swap3A_3410 = arith.index_cast %swap3A_3409 : i32 to index
    %swap3A_3411 = arith.constant 0 : index
    %swap3A_3412 = tpu.vector_load %arg9[%swap3A_3410, %swap3A_3411] {strides = array<i32>} : memref<32x128xf32, #tpu.memory_space<vmem>>, vector<1x16xf32>,
    %swap3A_3413 = vector.shape_cast %swap3A_3412 : vector<1x16xf32> to vector<16xf32>
    %swap3A_3414 = vector.shape_cast %add3A_3408 : vector<16xf32> to vector<1x16xf32>
    tpu.vector_store %arg9[%swap3A_3410, %swap3A_3411], %swap3A_3414 {strides = array<i32>} : memref<32x128xf32, #tpu.memory_space<vmem>>, vector<1x16xf32>,
    %mul3A_3415 = arith.mulf %sub3A_58, %gather3A_3393 : vector<16xf32>
    %add3A_3416 = arith.addf %get3A_17, %mul3A_3415 : vector<16xf32>
    %add3A_3417 = arith.addf %add3A_3416, %get3A_104 : vector<16xf32>
    %mul3A_3418 = arith.mulf %sub3A_146, %gather3A_3403 : vector<16xf32>
    %add3A_3419 = arith.addf %add3A_3417, %mul3A_3418 : vector<16xf32>
    %swap3A_3420 = arith.constant 29 : i32
    %swap3A_3421 = arith.index_cast %swap3A_3420 : i32 to index
    %swap3A_3422 = arith.constant 16 : index
    %swap3A_3423 = tpu.vector_load %arg9[%swap3A_3421, %swap3A_3422] {strides = array<i32>} : memref<32x128xf32, #tpu.memory_space<vmem>>, vector<1x16xf32>,
    %swap3A_3424 = vector.shape_cast %swap3A_3423 : vector<1x16xf32> to vector<16xf32>
    %swap3A_3425 = vector.shape_cast %add3A_3419 : vector<16xf32> to vector<1x16xf32>
    tpu.vector_store %arg9[%swap3A_3421, %swap3A_3422], %swap3A_3425 {strides = array<i32>} : memref<32x128xf32, #tpu.memory_space<vmem>>, vector<1x16xf32>,
    %mul3A_3426 = arith.mulf %sub3A_64, %gather3A_3393 : vector<16xf32>
    %add3A_3427 = arith.addf %get3A_22, %mul3A_3426 : vector<16xf32>
    %add3A_3428 = arith.addf %add3A_3427, %get3A_109 : vector<16xf32>
    %mul3A_3429 = arith.mulf %sub3A_152, %gather3A_3403 : vector<16xf32>
    %add3A_3430 = arith.addf %add3A_3428, %mul3A_3429 : vector<16xf32>
    %swap3A_3431 = arith.constant 29 : i32
    %swap3A_3432 = arith.index_cast %swap3A_3431 : i32 to index
    %swap3A_3433 = arith.constant 32 : index
    %swap3A_3434 = tpu.vector_load %arg9[%swap3A_3432, %swap3A_3433] {strides = array<i32>} : memref<32x128xf32, #tpu.memory_space<vmem>>, vector<1x16xf32>,
    %swap3A_3435 = vector.shape_cast %swap3A_3434 : vector<1x16xf32> to vector<16xf32>
    %swap3A_3436 = vector.shape_cast %add3A_3430 : vector<16xf32> to vector<1x16xf32>
    tpu.vector_store %arg9[%swap3A_3432, %swap3A_3433], %swap3A_3436 {strides = array<i32>} : memref<32x128xf32, #tpu.memory_space<vmem>>, vector<1x16xf32>,
    %mul3A_3437 = arith.mulf %sub3A_70, %gather3A_3393 : vector<16xf32>
    %add3A_3438 = arith.addf %get3A_27, %mul3A_3437 : vector<16xf32>
    %add3A_3439 = arith.addf %add3A_3438, %get3A_114 : vector<16xf32>
    %mul3A_3440 = arith.mulf %sub3A_158, %gather3A_3403 : vector<16xf32>
    %add3A_3441 = arith.addf %add3A_3439, %mul3A_3440 : vector<16xf32>
    %swap3A_3442 = arith.constant 29 : i32
    %swap3A_3443 = arith.index_cast %swap3A_3442 : i32 to index
    %swap3A_3444 = arith.constant 48 : index
    %swap3A_3445 = tpu.vector_load %arg9[%swap3A_3443, %swap3A_3444] {strides = array<i32>} : memref<32x128xf32, #tpu.memory_space<vmem>>, vector<1x16xf32>,
    %swap3A_3446 = vector.shape_cast %swap3A_3445 : vector<1x16xf32> to vector<16xf32>
    %swap3A_3447 = vector.shape_cast %add3A_3441 : vector<16xf32> to vector<1x16xf32>
    tpu.vector_store %arg9[%swap3A_3443, %swap3A_3444], %swap3A_3447 {strides = array<i32>} : memref<32x128xf32, #tpu.memory_space<vmem>>, vector<1x16xf32>,
    %mul3A_3448 = arith.mulf %sub3A_76, %gather3A_3393 : vector<16xf32>
    %add3A_3449 = arith.addf %get3A_32, %mul3A_3448 : vector<16xf32>
    %add3A_3450 = arith.addf %add3A_3449, %get3A_119 : vector<16xf32>
    %mul3A_3451 = arith.mulf %sub3A_164, %gather3A_3403 : vector<16xf32>
    %add3A_3452 = arith.addf %add3A_3450, %mul3A_3451 : vector<16xf32>
    %swap3A_3453 = arith.constant 29 : i32
    %swap3A_3454 = arith.index_cast %swap3A_3453 : i32 to index
    %swap3A_3455 = arith.constant 64 : index
    %swap3A_3456 = tpu.vector_load %arg9[%swap3A_3454, %swap3A_3455] {strides = array<i32>} : memref<32x128xf32, #tpu.memory_space<vmem>>, vector<1x16xf32>,
    %swap3A_3457 = vector.shape_cast %swap3A_3456 : vector<1x16xf32> to vector<16xf32>
    %swap3A_3458 = vector.shape_cast %add3A_3452 : vector<16xf32> to vector<1x16xf32>
    tpu.vector_store %arg9[%swap3A_3454, %swap3A_3455], %swap3A_3458 {strides = array<i32>} : memref<32x128xf32, #tpu.memory_space<vmem>>, vector<1x16xf32>,
    %mul3A_3459 = arith.mulf %sub3A_82, %gather3A_3393 : vector<16xf32>
    %add3A_3460 = arith.addf %get3A_37, %mul3A_3459 : vector<16xf32>
    %add3A_3461 = arith.addf %add3A_3460, %get3A_124 : vector<16xf32>
    %mul3A_3462 = arith.mulf %sub3A_170, %gather3A_3403 : vector<16xf32>
    %add3A_3463 = arith.addf %add3A_3461, %mul3A_3462 : vector<16xf32>
    %swap3A_3464 = arith.constant 29 : i32
    %swap3A_3465 = arith.index_cast %swap3A_3464 : i32 to index
    %swap3A_3466 = arith.constant 80 : index
    %swap3A_3467 = tpu.vector_load %arg9[%swap3A_3465, %swap3A_3466] {strides = array<i32>} : memref<32x128xf32, #tpu.memory_space<vmem>>, vector<1x16xf32>,
    %swap3A_3468 = vector.shape_cast %swap3A_3467 : vector<1x16xf32> to vector<16xf32>
    %swap3A_3469 = vector.shape_cast %add3A_3463 : vector<16xf32> to vector<1x16xf32>
    tpu.vector_store %arg9[%swap3A_3465, %swap3A_3466], %swap3A_3469 {strides = array<i32>} : memref<32x128xf32, #tpu.memory_space<vmem>>, vector<1x16xf32>,
    %mul3A_3470 = arith.mulf %sub3A_88, %gather3A_3393 : vector<16xf32>
    %add3A_3471 = arith.addf %get3A_42, %mul3A_3470 : vector<16xf32>
    %add3A_3472 = arith.addf %add3A_3471, %get3A_129 : vector<16xf32>
    %mul3A_3473 = arith.mulf %sub3A_176, %gather3A_3403 : vector<16xf32>
    %add3A_3474 = arith.addf %add3A_3472, %mul3A_3473 : vector<16xf32>
    %swap3A_3475 = arith.constant 29 : i32
    %swap3A_3476 = arith.index_cast %swap3A_3475 : i32 to index
    %swap3A_3477 = arith.constant 96 : index
    %swap3A_3478 = tpu.vector_load %arg9[%swap3A_3476, %swap3A_3477] {strides = array<i32>} : memref<32x128xf32, #tpu.memory_space<vmem>>, vector<1x16xf32>,
    %swap3A_3479 = vector.shape_cast %swap3A_3478 : vector<1x16xf32> to vector<16xf32>
    %swap3A_3480 = vector.shape_cast %add3A_3474 : vector<16xf32> to vector<1x16xf32>
    tpu.vector_store %arg9[%swap3A_3476, %swap3A_3477], %swap3A_3480 {strides = array<i32>} : memref<32x128xf32, #tpu.memory_space<vmem>>, vector<1x16xf32>,
    %mul3A_3481 = arith.mulf %sub3A_94, %gather3A_3393 : vector<16xf32>
    %add3A_3482 = arith.addf %get3A_47, %mul3A_3481 : vector<16xf32>
    %add3A_3483 = arith.addf %add3A_3482, %get3A_134 : vector<16xf32>
    %mul3A_3484 = arith.mulf %sub3A_182, %gather3A_3403 : vector<16xf32>
    %add3A_3485 = arith.addf %add3A_3483, %mul3A_3484 : vector<16xf32>
    %swap3A_3486 = arith.constant 29 : i32
    %swap3A_3487 = arith.index_cast %swap3A_3486 : i32 to index
    %swap3A_3488 = arith.constant 112 : index
    %swap3A_3489 = tpu.vector_load %arg9[%swap3A_3487, %swap3A_3488] {strides = array<i32>} : memref<32x128xf32, #tpu.memory_space<vmem>>, vector<1x16xf32>,
    %swap3A_3490 = vector.shape_cast %swap3A_3489 : vector<1x16xf32> to vector<16xf32>
    %swap3A_3491 = vector.shape_cast %add3A_3485 : vector<16xf32> to vector<1x16xf32>
    tpu.vector_store %arg9[%swap3A_3487, %swap3A_3488], %swap3A_3491 {strides = array<i32>} : memref<32x128xf32, #tpu.memory_space<vmem>>, vector<1x16xf32>,
    %broadcast_in_dim3A_3492 = arith.constant 14 : i32
    %broadcast_in_dim3A_3493 = vector.broadcast %broadcast_in_dim3A_3492 : i32 to vector<16xi32>
    %lt3A_3494 = arith.constant 0 : i32
    %lt3A_3495 = vector.broadcast %lt3A_3494 : i32 to vector<16xi32>
    %lt3A_3496 = arith.cmpi slt, %broadcast_in_dim3A_3493, %lt3A_3495 : vector<16xi32>
    %add3A_3497 = arith.constant 16 : i32
    %add3A_3498 = vector.broadcast %add3A_3497 : i32 to vector<16xi32>
    %add3A_3499 = arith.addi %broadcast_in_dim3A_3493, %add3A_3498 : vector<16xi32>
    %select_n3A_3500 = arith.select %lt3A_3496, %add3A_3499, %broadcast_in_dim3A_3493 : vector<16xi1>, vector<16xi32>
    %reshape3A_3501 = vector.shape_cast %select_n3A_3500 : vector<16xi32> to vector<16x1xi32>
    %gather3A_3502 = vector.shape_cast %reshape3A_3501 : vector<16x1xi32> to vector<16xi32>
    %gather3A_3503 = tpu.dynamic_gather %convert_element_type3A_1947[%gather3A_3502] in [0] : vector<16xf32>, vector<16xi32> -> vector<16xf32>
    %lt3A_3504 = arith.constant 0 : i32
    %lt3A_3505 = vector.broadcast %lt3A_3504 : i32 to vector<16xi32>
    %lt3A_3506 = arith.cmpi slt, %broadcast_in_dim3A_3493, %lt3A_3505 : vector<16xi32>
    %add3A_3507 = arith.constant 16 : i32
    %add3A_3508 = vector.broadcast %add3A_3507 : i32 to vector<16xi32>
    %add3A_3509 = arith.addi %broadcast_in_dim3A_3493, %add3A_3508 : vector<16xi32>
    %select_n3A_3510 = arith.select %lt3A_3506, %add3A_3509, %broadcast_in_dim3A_3493 : vector<16xi1>, vector<16xi32>
    %reshape3A_3511 = vector.shape_cast %select_n3A_3510 : vector<16xi32> to vector<16x1xi32>
    %gather3A_3512 = vector.shape_cast %reshape3A_3511 : vector<16x1xi32> to vector<16xi32>
    %gather3A_3513 = tpu.dynamic_gather %convert_element_type3A_1951[%gather3A_3512] in [0] : vector<16xf32>, vector<16xi32> -> vector<16xf32>
    %mul3A_3514 = arith.mulf %sub3A, %gather3A_3503 : vector<16xf32>
    %add3A_3515 = arith.addf %get3A_12, %mul3A_3514 : vector<16xf32>
    %add3A_3516 = arith.addf %add3A_3515, %get3A_99 : vector<16xf32>
    %mul3A_3517 = arith.mulf %sub3A_140, %gather3A_3513 : vector<16xf32>
    %add3A_3518 = arith.addf %add3A_3516, %mul3A_3517 : vector<16xf32>
    %swap3A_3519 = arith.constant 30 : i32
    %swap3A_3520 = arith.index_cast %swap3A_3519 : i32 to index
    %swap3A_3521 = arith.constant 0 : index
    %swap3A_3522 = tpu.vector_load %arg9[%swap3A_3520, %swap3A_3521] {strides = array<i32>} : memref<32x128xf32, #tpu.memory_space<vmem>>, vector<1x16xf32>,
    %swap3A_3523 = vector.shape_cast %swap3A_3522 : vector<1x16xf32> to vector<16xf32>
    %swap3A_3524 = vector.shape_cast %add3A_3518 : vector<16xf32> to vector<1x16xf32>
    tpu.vector_store %arg9[%swap3A_3520, %swap3A_3521], %swap3A_3524 {strides = array<i32>} : memref<32x128xf32, #tpu.memory_space<vmem>>, vector<1x16xf32>,
    %mul3A_3525 = arith.mulf %sub3A_58, %gather3A_3503 : vector<16xf32>
    %add3A_3526 = arith.addf %get3A_17, %mul3A_3525 : vector<16xf32>
    %add3A_3527 = arith.addf %add3A_3526, %get3A_104 : vector<16xf32>
    %mul3A_3528 = arith.mulf %sub3A_146, %gather3A_3513 : vector<16xf32>
    %add3A_3529 = arith.addf %add3A_3527, %mul3A_3528 : vector<16xf32>
    %swap3A_3530 = arith.constant 30 : i32
    %swap3A_3531 = arith.index_cast %swap3A_3530 : i32 to index
    %swap3A_3532 = arith.constant 16 : index
    %swap3A_3533 = tpu.vector_load %arg9[%swap3A_3531, %swap3A_3532] {strides = array<i32>} : memref<32x128xf32, #tpu.memory_space<vmem>>, vector<1x16xf32>,
    %swap3A_3534 = vector.shape_cast %swap3A_3533 : vector<1x16xf32> to vector<16xf32>
    %swap3A_3535 = vector.shape_cast %add3A_3529 : vector<16xf32> to vector<1x16xf32>
    tpu.vector_store %arg9[%swap3A_3531, %swap3A_3532], %swap3A_3535 {strides = array<i32>} : memref<32x128xf32, #tpu.memory_space<vmem>>, vector<1x16xf32>,
    %mul3A_3536 = arith.mulf %sub3A_64, %gather3A_3503 : vector<16xf32>
    %add3A_3537 = arith.addf %get3A_22, %mul3A_3536 : vector<16xf32>
    %add3A_3538 = arith.addf %add3A_3537, %get3A_109 : vector<16xf32>
    %mul3A_3539 = arith.mulf %sub3A_152, %gather3A_3513 : vector<16xf32>
    %add3A_3540 = arith.addf %add3A_3538, %mul3A_3539 : vector<16xf32>
    %swap3A_3541 = arith.constant 30 : i32
    %swap3A_3542 = arith.index_cast %swap3A_3541 : i32 to index
    %swap3A_3543 = arith.constant 32 : index
    %swap3A_3544 = tpu.vector_load %arg9[%swap3A_3542, %swap3A_3543] {strides = array<i32>} : memref<32x128xf32, #tpu.memory_space<vmem>>, vector<1x16xf32>,
    %swap3A_3545 = vector.shape_cast %swap3A_3544 : vector<1x16xf32> to vector<16xf32>
    %swap3A_3546 = vector.shape_cast %add3A_3540 : vector<16xf32> to vector<1x16xf32>
    tpu.vector_store %arg9[%swap3A_3542, %swap3A_3543], %swap3A_3546 {strides = array<i32>} : memref<32x128xf32, #tpu.memory_space<vmem>>, vector<1x16xf32>,
    %mul3A_3547 = arith.mulf %sub3A_70, %gather3A_3503 : vector<16xf32>
    %add3A_3548 = arith.addf %get3A_27, %mul3A_3547 : vector<16xf32>
    %add3A_3549 = arith.addf %add3A_3548, %get3A_114 : vector<16xf32>
    %mul3A_3550 = arith.mulf %sub3A_158, %gather3A_3513 : vector<16xf32>
    %add3A_3551 = arith.addf %add3A_3549, %mul3A_3550 : vector<16xf32>
    %swap3A_3552 = arith.constant 30 : i32
    %swap3A_3553 = arith.index_cast %swap3A_3552 : i32 to index
    %swap3A_3554 = arith.constant 48 : index
    %swap3A_3555 = tpu.vector_load %arg9[%swap3A_3553, %swap3A_3554] {strides = array<i32>} : memref<32x128xf32, #tpu.memory_space<vmem>>, vector<1x16xf32>,
    %swap3A_3556 = vector.shape_cast %swap3A_3555 : vector<1x16xf32> to vector<16xf32>
    %swap3A_3557 = vector.shape_cast %add3A_3551 : vector<16xf32> to vector<1x16xf32>
    tpu.vector_store %arg9[%swap3A_3553, %swap3A_3554], %swap3A_3557 {strides = array<i32>} : memref<32x128xf32, #tpu.memory_space<vmem>>, vector<1x16xf32>,
    %mul3A_3558 = arith.mulf %sub3A_76, %gather3A_3503 : vector<16xf32>
    %add3A_3559 = arith.addf %get3A_32, %mul3A_3558 : vector<16xf32>
    %add3A_3560 = arith.addf %add3A_3559, %get3A_119 : vector<16xf32>
    %mul3A_3561 = arith.mulf %sub3A_164, %gather3A_3513 : vector<16xf32>
    %add3A_3562 = arith.addf %add3A_3560, %mul3A_3561 : vector<16xf32>
    %swap3A_3563 = arith.constant 30 : i32
    %swap3A_3564 = arith.index_cast %swap3A_3563 : i32 to index
    %swap3A_3565 = arith.constant 64 : index
    %swap3A_3566 = tpu.vector_load %arg9[%swap3A_3564, %swap3A_3565] {strides = array<i32>} : memref<32x128xf32, #tpu.memory_space<vmem>>, vector<1x16xf32>,
    %swap3A_3567 = vector.shape_cast %swap3A_3566 : vector<1x16xf32> to vector<16xf32>
    %swap3A_3568 = vector.shape_cast %add3A_3562 : vector<16xf32> to vector<1x16xf32>
    tpu.vector_store %arg9[%swap3A_3564, %swap3A_3565], %swap3A_3568 {strides = array<i32>} : memref<32x128xf32, #tpu.memory_space<vmem>>, vector<1x16xf32>,
    %mul3A_3569 = arith.mulf %sub3A_82, %gather3A_3503 : vector<16xf32>
    %add3A_3570 = arith.addf %get3A_37, %mul3A_3569 : vector<16xf32>
    %add3A_3571 = arith.addf %add3A_3570, %get3A_124 : vector<16xf32>
    %mul3A_3572 = arith.mulf %sub3A_170, %gather3A_3513 : vector<16xf32>
    %add3A_3573 = arith.addf %add3A_3571, %mul3A_3572 : vector<16xf32>
    %swap3A_3574 = arith.constant 30 : i32
    %swap3A_3575 = arith.index_cast %swap3A_3574 : i32 to index
    %swap3A_3576 = arith.constant 80 : index
    %swap3A_3577 = tpu.vector_load %arg9[%swap3A_3575, %swap3A_3576] {strides = array<i32>} : memref<32x128xf32, #tpu.memory_space<vmem>>, vector<1x16xf32>,
    %swap3A_3578 = vector.shape_cast %swap3A_3577 : vector<1x16xf32> to vector<16xf32>
    %swap3A_3579 = vector.shape_cast %add3A_3573 : vector<16xf32> to vector<1x16xf32>
    tpu.vector_store %arg9[%swap3A_3575, %swap3A_3576], %swap3A_3579 {strides = array<i32>} : memref<32x128xf32, #tpu.memory_space<vmem>>, vector<1x16xf32>,
    %mul3A_3580 = arith.mulf %sub3A_88, %gather3A_3503 : vector<16xf32>
    %add3A_3581 = arith.addf %get3A_42, %mul3A_3580 : vector<16xf32>
    %add3A_3582 = arith.addf %add3A_3581, %get3A_129 : vector<16xf32>
    %mul3A_3583 = arith.mulf %sub3A_176, %gather3A_3513 : vector<16xf32>
    %add3A_3584 = arith.addf %add3A_3582, %mul3A_3583 : vector<16xf32>
    %swap3A_3585 = arith.constant 30 : i32
    %swap3A_3586 = arith.index_cast %swap3A_3585 : i32 to index
    %swap3A_3587 = arith.constant 96 : index
    %swap3A_3588 = tpu.vector_load %arg9[%swap3A_3586, %swap3A_3587] {strides = array<i32>} : memref<32x128xf32, #tpu.memory_space<vmem>>, vector<1x16xf32>,
    %swap3A_3589 = vector.shape_cast %swap3A_3588 : vector<1x16xf32> to vector<16xf32>
    %swap3A_3590 = vector.shape_cast %add3A_3584 : vector<16xf32> to vector<1x16xf32>
    tpu.vector_store %arg9[%swap3A_3586, %swap3A_3587], %swap3A_3590 {strides = array<i32>} : memref<32x128xf32, #tpu.memory_space<vmem>>, vector<1x16xf32>,
    %mul3A_3591 = arith.mulf %sub3A_94, %gather3A_3503 : vector<16xf32>
    %add3A_3592 = arith.addf %get3A_47, %mul3A_3591 : vector<16xf32>
    %add3A_3593 = arith.addf %add3A_3592, %get3A_134 : vector<16xf32>
    %mul3A_3594 = arith.mulf %sub3A_182, %gather3A_3513 : vector<16xf32>
    %add3A_3595 = arith.addf %add3A_3593, %mul3A_3594 : vector<16xf32>
    %swap3A_3596 = arith.constant 30 : i32
    %swap3A_3597 = arith.index_cast %swap3A_3596 : i32 to index
    %swap3A_3598 = arith.constant 112 : index
    %swap3A_3599 = tpu.vector_load %arg9[%swap3A_3597, %swap3A_3598] {strides = array<i32>} : memref<32x128xf32, #tpu.memory_space<vmem>>, vector<1x16xf32>,
    %swap3A_3600 = vector.shape_cast %swap3A_3599 : vector<1x16xf32> to vector<16xf32>
    %swap3A_3601 = vector.shape_cast %add3A_3595 : vector<16xf32> to vector<1x16xf32>
    tpu.vector_store %arg9[%swap3A_3597, %swap3A_3598], %swap3A_3601 {strides = array<i32>} : memref<32x128xf32, #tpu.memory_space<vmem>>, vector<1x16xf32>,
    %broadcast_in_dim3A_3602 = arith.constant 15 : i32
    %broadcast_in_dim3A_3603 = vector.broadcast %broadcast_in_dim3A_3602 : i32 to vector<16xi32>
    %lt3A_3604 = arith.constant 0 : i32
    %lt3A_3605 = vector.broadcast %lt3A_3604 : i32 to vector<16xi32>
    %lt3A_3606 = arith.cmpi slt, %broadcast_in_dim3A_3603, %lt3A_3605 : vector<16xi32>
    %add3A_3607 = arith.constant 16 : i32
    %add3A_3608 = vector.broadcast %add3A_3607 : i32 to vector<16xi32>
    %add3A_3609 = arith.addi %broadcast_in_dim3A_3603, %add3A_3608 : vector<16xi32>
    %select_n3A_3610 = arith.select %lt3A_3606, %add3A_3609, %broadcast_in_dim3A_3603 : vector<16xi1>, vector<16xi32>
    %reshape3A_3611 = vector.shape_cast %select_n3A_3610 : vector<16xi32> to vector<16x1xi32>
    %gather3A_3612 = vector.shape_cast %reshape3A_3611 : vector<16x1xi32> to vector<16xi32>
    %gather3A_3613 = tpu.dynamic_gather %convert_element_type3A_1947[%gather3A_3612] in [0] : vector<16xf32>, vector<16xi32> -> vector<16xf32>
    %lt3A_3614 = arith.constant 0 : i32
    %lt3A_3615 = vector.broadcast %lt3A_3614 : i32 to vector<16xi32>
    %lt3A_3616 = arith.cmpi slt, %broadcast_in_dim3A_3603, %lt3A_3615 : vector<16xi32>
    %add3A_3617 = arith.constant 16 : i32
    %add3A_3618 = vector.broadcast %add3A_3617 : i32 to vector<16xi32>
    %add3A_3619 = arith.addi %broadcast_in_dim3A_3603, %add3A_3618 : vector<16xi32>
    %select_n3A_3620 = arith.select %lt3A_3616, %add3A_3619, %broadcast_in_dim3A_3603 : vector<16xi1>, vector<16xi32>
    %reshape3A_3621 = vector.shape_cast %select_n3A_3620 : vector<16xi32> to vector<16x1xi32>
    %gather3A_3622 = vector.shape_cast %reshape3A_3621 : vector<16x1xi32> to vector<16xi32>
    %gather3A_3623 = tpu.dynamic_gather %convert_element_type3A_1951[%gather3A_3622] in [0] : vector<16xf32>, vector<16xi32> -> vector<16xf32>
    %mul3A_3624 = arith.mulf %sub3A, %gather3A_3613 : vector<16xf32>
    %add3A_3625 = arith.addf %get3A_12, %mul3A_3624 : vector<16xf32>
    %add3A_3626 = arith.addf %add3A_3625, %get3A_99 : vector<16xf32>
    %mul3A_3627 = arith.mulf %sub3A_140, %gather3A_3623 : vector<16xf32>
    %add3A_3628 = arith.addf %add3A_3626, %mul3A_3627 : vector<16xf32>
    %swap3A_3629 = arith.constant 31 : i32
    %swap3A_3630 = arith.index_cast %swap3A_3629 : i32 to index
    %swap3A_3631 = arith.constant 0 : index
    %swap3A_3632 = tpu.vector_load %arg9[%swap3A_3630, %swap3A_3631] {strides = array<i32>} : memref<32x128xf32, #tpu.memory_space<vmem>>, vector<1x16xf32>,
    %swap3A_3633 = vector.shape_cast %swap3A_3632 : vector<1x16xf32> to vector<16xf32>
    %swap3A_3634 = vector.shape_cast %add3A_3628 : vector<16xf32> to vector<1x16xf32>
    tpu.vector_store %arg9[%swap3A_3630, %swap3A_3631], %swap3A_3634 {strides = array<i32>} : memref<32x128xf32, #tpu.memory_space<vmem>>, vector<1x16xf32>,
    %mul3A_3635 = arith.mulf %sub3A_58, %gather3A_3613 : vector<16xf32>
    %add3A_3636 = arith.addf %get3A_17, %mul3A_3635 : vector<16xf32>
    %add3A_3637 = arith.addf %add3A_3636, %get3A_104 : vector<16xf32>
    %mul3A_3638 = arith.mulf %sub3A_146, %gather3A_3623 : vector<16xf32>
    %add3A_3639 = arith.addf %add3A_3637, %mul3A_3638 : vector<16xf32>
    %swap3A_3640 = arith.constant 31 : i32
    %swap3A_3641 = arith.index_cast %swap3A_3640 : i32 to index
    %swap3A_3642 = arith.constant 16 : index
    %swap3A_3643 = tpu.vector_load %arg9[%swap3A_3641, %swap3A_3642] {strides = array<i32>} : memref<32x128xf32, #tpu.memory_space<vmem>>, vector<1x16xf32>,
    %swap3A_3644 = vector.shape_cast %swap3A_3643 : vector<1x16xf32> to vector<16xf32>
    %swap3A_3645 = vector.shape_cast %add3A_3639 : vector<16xf32> to vector<1x16xf32>
    tpu.vector_store %arg9[%swap3A_3641, %swap3A_3642], %swap3A_3645 {strides = array<i32>} : memref<32x128xf32, #tpu.memory_space<vmem>>, vector<1x16xf32>,
    %mul3A_3646 = arith.mulf %sub3A_64, %gather3A_3613 : vector<16xf32>
    %add3A_3647 = arith.addf %get3A_22, %mul3A_3646 : vector<16xf32>
    %add3A_3648 = arith.addf %add3A_3647, %get3A_109 : vector<16xf32>
    %mul3A_3649 = arith.mulf %sub3A_152, %gather3A_3623 : vector<16xf32>
    %add3A_3650 = arith.addf %add3A_3648, %mul3A_3649 : vector<16xf32>
    %swap3A_3651 = arith.constant 31 : i32
    %swap3A_3652 = arith.index_cast %swap3A_3651 : i32 to index
    %swap3A_3653 = arith.constant 32 : index
    %swap3A_3654 = tpu.vector_load %arg9[%swap3A_3652, %swap3A_3653] {strides = array<i32>} : memref<32x128xf32, #tpu.memory_space<vmem>>, vector<1x16xf32>,
    %swap3A_3655 = vector.shape_cast %swap3A_3654 : vector<1x16xf32> to vector<16xf32>
    %swap3A_3656 = vector.shape_cast %add3A_3650 : vector<16xf32> to vector<1x16xf32>
    tpu.vector_store %arg9[%swap3A_3652, %swap3A_3653], %swap3A_3656 {strides = array<i32>} : memref<32x128xf32, #tpu.memory_space<vmem>>, vector<1x16xf32>,
    %mul3A_3657 = arith.mulf %sub3A_70, %gather3A_3613 : vector<16xf32>
    %add3A_3658 = arith.addf %get3A_27, %mul3A_3657 : vector<16xf32>
    %add3A_3659 = arith.addf %add3A_3658, %get3A_114 : vector<16xf32>
    %mul3A_3660 = arith.mulf %sub3A_158, %gather3A_3623 : vector<16xf32>
    %add3A_3661 = arith.addf %add3A_3659, %mul3A_3660 : vector<16xf32>
    %swap3A_3662 = arith.constant 31 : i32
    %swap3A_3663 = arith.index_cast %swap3A_3662 : i32 to index
    %swap3A_3664 = arith.constant 48 : index
    %swap3A_3665 = tpu.vector_load %arg9[%swap3A_3663, %swap3A_3664] {strides = array<i32>} : memref<32x128xf32, #tpu.memory_space<vmem>>, vector<1x16xf32>,
    %swap3A_3666 = vector.shape_cast %swap3A_3665 : vector<1x16xf32> to vector<16xf32>
    %swap3A_3667 = vector.shape_cast %add3A_3661 : vector<16xf32> to vector<1x16xf32>
    tpu.vector_store %arg9[%swap3A_3663, %swap3A_3664], %swap3A_3667 {strides = array<i32>} : memref<32x128xf32, #tpu.memory_space<vmem>>, vector<1x16xf32>,
    %mul3A_3668 = arith.mulf %sub3A_76, %gather3A_3613 : vector<16xf32>
    %add3A_3669 = arith.addf %get3A_32, %mul3A_3668 : vector<16xf32>
    %add3A_3670 = arith.addf %add3A_3669, %get3A_119 : vector<16xf32>
    %mul3A_3671 = arith.mulf %sub3A_164, %gather3A_3623 : vector<16xf32>
    %add3A_3672 = arith.addf %add3A_3670, %mul3A_3671 : vector<16xf32>
    %swap3A_3673 = arith.constant 31 : i32
    %swap3A_3674 = arith.index_cast %swap3A_3673 : i32 to index
    %swap3A_3675 = arith.constant 64 : index
    %swap3A_3676 = tpu.vector_load %arg9[%swap3A_3674, %swap3A_3675] {strides = array<i32>} : memref<32x128xf32, #tpu.memory_space<vmem>>, vector<1x16xf32>,
    %swap3A_3677 = vector.shape_cast %swap3A_3676 : vector<1x16xf32> to vector<16xf32>
    %swap3A_3678 = vector.shape_cast %add3A_3672 : vector<16xf32> to vector<1x16xf32>
    tpu.vector_store %arg9[%swap3A_3674, %swap3A_3675], %swap3A_3678 {strides = array<i32>} : memref<32x128xf32, #tpu.memory_space<vmem>>, vector<1x16xf32>,
    %mul3A_3679 = arith.mulf %sub3A_82, %gather3A_3613 : vector<16xf32>
    %add3A_3680 = arith.addf %get3A_37, %mul3A_3679 : vector<16xf32>
    %add3A_3681 = arith.addf %add3A_3680, %get3A_124 : vector<16xf32>
    %mul3A_3682 = arith.mulf %sub3A_170, %gather3A_3623 : vector<16xf32>
    %add3A_3683 = arith.addf %add3A_3681, %mul3A_3682 : vector<16xf32>
    %swap3A_3684 = arith.constant 31 : i32
    %swap3A_3685 = arith.index_cast %swap3A_3684 : i32 to index
    %swap3A_3686 = arith.constant 80 : index
    %swap3A_3687 = tpu.vector_load %arg9[%swap3A_3685, %swap3A_3686] {strides = array<i32>} : memref<32x128xf32, #tpu.memory_space<vmem>>, vector<1x16xf32>,
    %swap3A_3688 = vector.shape_cast %swap3A_3687 : vector<1x16xf32> to vector<16xf32>
    %swap3A_3689 = vector.shape_cast %add3A_3683 : vector<16xf32> to vector<1x16xf32>
    tpu.vector_store %arg9[%swap3A_3685, %swap3A_3686], %swap3A_3689 {strides = array<i32>} : memref<32x128xf32, #tpu.memory_space<vmem>>, vector<1x16xf32>,
    %mul3A_3690 = arith.mulf %sub3A_88, %gather3A_3613 : vector<16xf32>
    %add3A_3691 = arith.addf %get3A_42, %mul3A_3690 : vector<16xf32>
    %add3A_3692 = arith.addf %add3A_3691, %get3A_129 : vector<16xf32>
    %mul3A_3693 = arith.mulf %sub3A_176, %gather3A_3623 : vector<16xf32>
    %add3A_3694 = arith.addf %add3A_3692, %mul3A_3693 : vector<16xf32>
    %swap3A_3695 = arith.constant 31 : i32
    %swap3A_3696 = arith.index_cast %swap3A_3695 : i32 to index
    %swap3A_3697 = arith.constant 96 : index
    %swap3A_3698 = tpu.vector_load %arg9[%swap3A_3696, %swap3A_3697] {strides = array<i32>} : memref<32x128xf32, #tpu.memory_space<vmem>>, vector<1x16xf32>,
    %swap3A_3699 = vector.shape_cast %swap3A_3698 : vector<1x16xf32> to vector<16xf32>
    %swap3A_3700 = vector.shape_cast %add3A_3694 : vector<16xf32> to vector<1x16xf32>
    tpu.vector_store %arg9[%swap3A_3696, %swap3A_3697], %swap3A_3700 {strides = array<i32>} : memref<32x128xf32, #tpu.memory_space<vmem>>, vector<1x16xf32>,
    %mul3A_3701 = arith.mulf %sub3A_94, %gather3A_3613 : vector<16xf32>
    %add3A_3702 = arith.addf %get3A_47, %mul3A_3701 : vector<16xf32>
    %add3A_3703 = arith.addf %add3A_3702, %get3A_134 : vector<16xf32>
    %mul3A_3704 = arith.mulf %sub3A_182, %gather3A_3623 : vector<16xf32>
    %add3A_3705 = arith.addf %add3A_3703, %mul3A_3704 : vector<16xf32>
    %swap3A_3706 = arith.constant 31 : i32
    %swap3A_3707 = arith.index_cast %swap3A_3706 : i32 to index
    %swap3A_3708 = arith.constant 112 : index
    %swap3A_3709 = tpu.vector_load %arg9[%swap3A_3707, %swap3A_3708] {strides = array<i32>} : memref<32x128xf32, #tpu.memory_space<vmem>>, vector<1x16xf32>,
    %swap3A_3710 = vector.shape_cast %swap3A_3709 : vector<1x16xf32> to vector<16xf32>
    %swap3A_3711 = vector.shape_cast %add3A_3705 : vector<16xf32> to vector<1x16xf32>
    tpu.vector_store %arg9[%swap3A_3707, %swap3A_3708], %swap3A_3711 {strides = array<i32>} : memref<32x128xf32, #tpu.memory_space<vmem>>, vector<1x16xf32>,
    "tpu.region"() ({
      %run_scoped3A = tpu.sem_alloc : memref<!tpu.dma_semaphore, #tpu.memory_space<semaphore_mem>>
      %dma_start3A_3712 = arith.constant 0 : i32
      %dma_start3A_3713 = tpu.memref_slice %arg5[%mul3A_2, %dma_start3A_3712] : memref<1024x128xf32, #tpu.memory_space<hbm>> -> memref<32x128xf32, #tpu.memory_space<hbm>>
      %dma_start3A_3714 = arith.constant 0 : i32
      %dma_start3A_3715 = tpu.memref_slice %arg5[%mul3A_2, %dma_start3A_3714] : memref<1024x128xf32, #tpu.memory_space<hbm>> -> memref<32x128xf32, #tpu.memory_space<hbm>>
      tpu.enqueue_dma source(%arg9 : memref<32x128xf32, #tpu.memory_space<vmem>>) target(%dma_start3A_3715 : memref<32x128xf32, #tpu.memory_space<hbm>>) target_semaphore(%run_scoped3A : memref<!tpu.dma_semaphore, #tpu.memory_space<semaphore_mem>>)
      %dma_wait3A_3716 = arith.constant 0 : i32
      %dma_wait3A_3717 = tpu.memref_slice %arg5[%mul3A_2, %dma_wait3A_3716] : memref<1024x128xf32, #tpu.memory_space<hbm>> -> memref<32x128xf32, #tpu.memory_space<hbm>>
      %dma_wait3A_3718 = arith.constant 0 : i32
      %dma_wait3A_3719 = tpu.memref_slice %arg5[%mul3A_2, %dma_wait3A_3718] : memref<1024x128xf32, #tpu.memory_space<hbm>> -> memref<32x128xf32, #tpu.memory_space<hbm>>
      tpu.wait_dma2 semaphore(%run_scoped3A : memref<!tpu.dma_semaphore, #tpu.memory_space<semaphore_mem>>) src(%arg9 : memref<32x128xf32, #tpu.memory_space<vmem>>) dst(%dma_wait3A_3719 : memref<32x128xf32, #tpu.memory_space<hbm>>)
      tpu.yield
    }) : () -> ()
    return
  }
}

module attributes {stable_mosaic.version = 14 : i64} {
  func.func @_renorm_body(%arg0: memref<8x128xf32, #tpu.memory_space<vmem>>, %arg1: memref<8x128xf32, #tpu.memory_space<vmem>>) attributes {dimension_semantics = [], scalar_prefetch = 0 : i64, scratch_operands = 0 : i64, tpu.core_type = #tpu.core_type<tc>} {
    %get3A = arith.constant 0 : index
    %get3A_0 = arith.constant 0 : index
    %get3A_1 = vector.load %arg0[%get3A, %get3A_0] : memref<8x128xf32, #tpu.memory_space<vmem>>, vector<8x128xf32>
    %mul3A = arith.mulf %get3A_1, %get3A_1 : vector<8x128xf32>
    %reduce_sum3A = arith.constant dense<0.000000e+00> : vector<8xf32>
    %reduce_sum3A_2 = vector.multi_reduction <add>, %mul3A, %reduce_sum3A [1] : vector<8x128xf32> to vector<8xf32>
    %broadcast_in_dim3A = vector.shape_cast %reduce_sum3A_2 : vector<8xf32> to vector<8x1xf32>
    %sqrt3A = math.sqrt %broadcast_in_dim3A : vector<8x1xf32>
    %gt3A = arith.constant 1.000000e+00 : f32
    %gt3A_3 = vector.broadcast %gt3A : f32 to vector<8x1xf32>
    %gt3A_4 = arith.cmpf ogt, %sqrt3A, %gt3A_3 : vector<8x1xf32>
    %add3A = arith.constant 1.000000e-07 : f32
    %add3A_5 = vector.broadcast %add3A : f32 to vector<8x1xf32>
    %add3A_6 = arith.addf %sqrt3A, %add3A_5 : vector<8x1xf32>
    %div3A = arith.constant 1.000000e+00 : f32
    %div3A_7 = vector.broadcast %div3A : f32 to vector<8x1xf32>
    %div3A_8 = arith.divf %div3A_7, %add3A_6 : vector<8x1xf32>
    %jit3A = arith.constant 1.000000e+00 : f32
    %broadcast_in_dim3A_9 = vector.broadcast %jit3A : f32 to vector<8x1xf32>
    %select_n3A = arith.select %gt3A_4, %div3A_8, %broadcast_in_dim3A_9 : vector<8x1xi1>, vector<8x1xf32>
    %mul3A_10 = vector.broadcast %select_n3A : vector<8x1xf32> to vector<8x128xf32>
    %mul3A_11 = arith.mulf %get3A_1, %mul3A_10 : vector<8x128xf32>
    %swap3A = arith.constant 0 : index
    %swap3A_12 = arith.constant 0 : index
    %swap3A_13 = vector.load %arg1[%swap3A, %swap3A_12] : memref<8x128xf32, #tpu.memory_space<vmem>>, vector<8x128xf32>
    tpu.vector_store %arg1[%swap3A, %swap3A_12], %mul3A_11 {strides = array<i32>} : memref<8x128xf32, #tpu.memory_space<vmem>>, vector<8x128xf32>,
    return
  }
}

module attributes {stable_mosaic.version = 14 : i64} {
  func.func @_dense_body(%arg0: i32, %arg1: memref<1024x128xf32, #tpu.memory_space<vmem>>, %arg2: memref<8x128xf32, #tpu.memory_space<vmem>>, %arg3: memref<1x128xf32, #tpu.memory_space<vmem>>, %arg4: memref<8x1024x128xf32, #tpu.memory_space<vmem>>, %arg5: memref<1024x8x128xf32, #tpu.memory_space<vmem>>, %arg6: memref<1x1024x128xf32, #tpu.memory_space<vmem>>) attributes {dimension_semantics = [#tpu.dimension_semantics<arbitrary>], iteration_bounds = array<i64: 25>, scalar_prefetch = 0 : i64, scratch_operands = 1 : i64, tpu.core_type = #tpu.core_type<tc>, window_params = [{pipeline_mode = #tpu.pipeline_mode<synchronous>, transform_indices = @transform_0, window_bounds = array<i64: 1024, 128>}, {transform_indices = @transform_1, window_bounds = array<i64: 8, 128>}, {pipeline_mode = #tpu.pipeline_mode<synchronous>, transform_indices = @transform_2, window_bounds = array<i64: 1, 128>}, {transform_indices = @transform_3, window_bounds = array<i64: 8, 1024, 128>}, {transform_indices = @transform_4, window_bounds = array<i64: 1024, 8, 128>}]} {
    %get3A = arith.constant 0 : index
    %get3A_0 = arith.constant 0 : index
    %get3A_1 = vector.load %arg1[%get3A, %get3A_0] : memref<1024x128xf32, #tpu.memory_space<vmem>>, vector<1024x128xf32>
    %get3A_2 = arith.constant 0 : index
    %get3A_3 = arith.constant 0 : index
    %get3A_4 = vector.load %arg2[%get3A_2, %get3A_3] : memref<8x128xf32, #tpu.memory_space<vmem>>, vector<8x128xf32>
    %get3A_5 = arith.constant 0 : index
    %get3A_6 = arith.constant 0 : index
    %get3A_7 = arith.constant 0 : index
    %get3A_8 = vector.load %arg6[%get3A_5, %get3A_6, %get3A_7] : memref<1x1024x128xf32, #tpu.memory_space<vmem>>, vector<1x1024x128xf32>
    %get3A_9 = arith.constant 0 : index
    %get3A_10 = arith.constant 0 : index
    %get3A_11 = arith.constant 0 : index
    %get3A_12 = vector.load %arg4[%get3A_9, %get3A_10, %get3A_11] : memref<8x1024x128xf32, #tpu.memory_space<vmem>>, vector<7x1024x128xf32>
    %concatenate3A = tpu.concatenate %get3A_8, %get3A_12 in 0 : vector<1x1024x128xf32>, vector<7x1024x128xf32> -> vector<8x1024x128xf32>
    %transpose3A = tpu.transpose %concatenate3A, [1, 0, 2] : vector<8x1024x128xf32> -> vector<1024x8x128xf32>
    %broadcast_in_dim3A = vector.shape_cast %get3A_4 : vector<8x128xf32> to vector<1x8x128xf32>
    %add3A = vector.broadcast %broadcast_in_dim3A : vector<1x8x128xf32> to vector<1024x8x128xf32>
    %add3A_13 = arith.addf %transpose3A, %add3A : vector<1024x8x128xf32>
    %broadcast_in_dim3A_14 = vector.shape_cast %get3A_1 : vector<1024x128xf32> to vector<1024x1x128xf32>
    %add3A_15 = vector.broadcast %broadcast_in_dim3A_14 : vector<1024x1x128xf32> to vector<1024x8x128xf32>
    %add3A_16 = arith.addf %add3A_13, %add3A_15 : vector<1024x8x128xf32>
    %swap3A = arith.constant 0 : index
    %swap3A_17 = arith.constant 0 : index
    %swap3A_18 = arith.constant 0 : index
    %swap3A_19 = vector.load %arg5[%swap3A, %swap3A_17, %swap3A_18] : memref<1024x8x128xf32, #tpu.memory_space<vmem>>, vector<1024x8x128xf32>
    tpu.vector_store %arg5[%swap3A, %swap3A_17, %swap3A_18], %add3A_16 {strides = array<i32>} : memref<1024x8x128xf32, #tpu.memory_space<vmem>>, vector<1024x8x128xf32>,
    %eq3A = arith.constant 0 : i32
    %eq3A_20 = arith.cmpi eq, %arg0, %eq3A : i32
    %convert_element_type3A = arith.extui %eq3A_20 : i1 to i32
    %cond3A = arith.constant 0 : i32
    %cond3A_21 = arith.cmpi ne, %convert_element_type3A, %cond3A : i32
    scf.if %cond3A_21 {
      %get3A_30 = arith.constant 0 : index
      %get3A_31 = arith.constant 0 : index
      %get3A_32 = vector.load %arg3[%get3A_30, %get3A_31] : memref<1x128xf32, #tpu.memory_space<vmem>>, vector<1x128xf32>
      %slice3A = vector.extract_strided_slice %get3A_4 {offsets = [0, 0], sizes = [1, 128], strides = [1, 1]} : vector<8x128xf32> to vector<1x128xf32>
      %add3A_33 = arith.addf %get3A_32, %slice3A : vector<1x128xf32>
      %add3A_34 = vector.broadcast %add3A_33 : vector<1x128xf32> to vector<1024x128xf32>
      %add3A_35 = arith.addf %add3A_34, %get3A_1 : vector<1024x128xf32>
      %swap3A_36 = arith.constant 0 : index
      %swap3A_37 = arith.constant 0 : index
      %swap3A_38 = arith.constant 0 : index
      %swap3A_39 = vector.load %arg5[%swap3A_36, %swap3A_37, %swap3A_38] : memref<1024x8x128xf32, #tpu.memory_space<vmem>>, vector<1024x1x128xf32>
      %swap3A_40 = vector.shape_cast %swap3A_39 : vector<1024x1x128xf32> to vector<1024x128xf32>
      %swap3A_41 = vector.shape_cast %add3A_35 : vector<1024x128xf32> to vector<1024x1x128xf32>
      tpu.vector_store %arg5[%swap3A_36, %swap3A_37, %swap3A_38], %swap3A_41 {strides = array<i32>} : memref<1024x8x128xf32, #tpu.memory_space<vmem>>, vector<1024x1x128xf32>,
    } else {
    }
    %get3A_22 = arith.constant 7 : index
    %get3A_23 = arith.constant 0 : index
    %get3A_24 = arith.constant 0 : index
    %get3A_25 = vector.load %arg4[%get3A_22, %get3A_23, %get3A_24] : memref<8x1024x128xf32, #tpu.memory_space<vmem>>, vector<1x1024x128xf32>
    %swap3A_26 = arith.constant 0 : index
    %swap3A_27 = arith.constant 0 : index
    %swap3A_28 = arith.constant 0 : index
    %swap3A_29 = vector.load %arg6[%swap3A_26, %swap3A_27, %swap3A_28] : memref<1x1024x128xf32, #tpu.memory_space<vmem>>, vector<1x1024x128xf32>
    tpu.vector_store %arg6[%swap3A_26, %swap3A_27, %swap3A_28], %get3A_25 {strides = array<i32>} : memref<1x1024x128xf32, #tpu.memory_space<vmem>>, vector<1x1024x128xf32>,
    return
  }
  func.func @transform_0(%arg0: i32) -> (i32, i32) {
    %c0_i32 = arith.constant 0 : i32
    %c0_i32_0 = arith.constant 0 : i32
    %c0_i32_1 = arith.constant 0 : i32
    return %c0_i32, %c0_i32_0 : i32, i32
  }
  func.func @transform_1(%arg0: i32) -> (i32, i32) {
    %c0_i32 = arith.constant 0 : i32
    %c0_i32_0 = arith.constant 0 : i32
    return %arg0, %c0_i32 : i32, i32
  }
  func.func @transform_2(%arg0: i32) -> (i32, i32) {
    %c0_i32 = arith.constant 0 : i32
    %c0_i32_0 = arith.constant 0 : i32
    %c0_i32_1 = arith.constant 0 : i32
    return %c0_i32, %c0_i32_0 : i32, i32
  }
  func.func @transform_3(%arg0: i32) -> (i32, i32, i32) {
    %c0_i32 = arith.constant 0 : i32
    %c0_i32_0 = arith.constant 0 : i32
    %c0_i32_1 = arith.constant 0 : i32
    return %arg0, %c0_i32, %c0_i32_0 : i32, i32, i32
  }
  func.func @transform_4(%arg0: i32) -> (i32, i32, i32) {
    %c0_i32 = arith.constant 0 : i32
    %c0_i32_0 = arith.constant 0 : i32
    %c0_i32_1 = arith.constant 0 : i32
    return %c0_i32, %arg0, %c0_i32_0 : i32, i32, i32
  }
}

module attributes {stable_mosaic.version = 14 : i64} {
  func.func @_renorm_body(%arg0: memref<200x128xf32, #tpu.memory_space<vmem>>, %arg1: memref<200x128xf32, #tpu.memory_space<vmem>>) attributes {dimension_semantics = [], scalar_prefetch = 0 : i64, scratch_operands = 0 : i64, tpu.core_type = #tpu.core_type<tc>} {
    %get3A = arith.constant 0 : index
    %get3A_0 = arith.constant 0 : index
    %get3A_1 = vector.load %arg0[%get3A, %get3A_0] : memref<200x128xf32, #tpu.memory_space<vmem>>, vector<200x128xf32>
    %mul3A = arith.mulf %get3A_1, %get3A_1 : vector<200x128xf32>
    %reduce_sum3A = arith.constant dense<0.000000e+00> : vector<200xf32>
    %reduce_sum3A_2 = vector.multi_reduction <add>, %mul3A, %reduce_sum3A [1] : vector<200x128xf32> to vector<200xf32>
    %broadcast_in_dim3A = vector.shape_cast %reduce_sum3A_2 : vector<200xf32> to vector<200x1xf32>
    %sqrt3A = math.sqrt %broadcast_in_dim3A : vector<200x1xf32>
    %gt3A = arith.constant 1.000000e+00 : f32
    %gt3A_3 = vector.broadcast %gt3A : f32 to vector<200x1xf32>
    %gt3A_4 = arith.cmpf ogt, %sqrt3A, %gt3A_3 : vector<200x1xf32>
    %add3A = arith.constant 1.000000e-07 : f32
    %add3A_5 = vector.broadcast %add3A : f32 to vector<200x1xf32>
    %add3A_6 = arith.addf %sqrt3A, %add3A_5 : vector<200x1xf32>
    %div3A = arith.constant 1.000000e+00 : f32
    %div3A_7 = vector.broadcast %div3A : f32 to vector<200x1xf32>
    %div3A_8 = arith.divf %div3A_7, %add3A_6 : vector<200x1xf32>
    %jit3A = arith.constant 1.000000e+00 : f32
    %broadcast_in_dim3A_9 = vector.broadcast %jit3A : f32 to vector<200x1xf32>
    %select_n3A = arith.select %gt3A_4, %div3A_8, %broadcast_in_dim3A_9 : vector<200x1xi1>, vector<200x1xf32>
    %mul3A_10 = vector.broadcast %select_n3A : vector<200x1xf32> to vector<200x128xf32>
    %mul3A_11 = arith.mulf %get3A_1, %mul3A_10 : vector<200x128xf32>
    %swap3A = arith.constant 0 : index
    %swap3A_12 = arith.constant 0 : index
    %swap3A_13 = vector.load %arg1[%swap3A, %swap3A_12] : memref<200x128xf32, #tpu.memory_space<vmem>>, vector<200x128xf32>
    tpu.vector_store %arg1[%swap3A, %swap3A_12], %mul3A_11 {strides = array<i32>} : memref<200x128xf32, #tpu.memory_space<vmem>>, vector<200x128xf32>,
    return
  }
}

</mosaic_0001>

<sc_bundles>
// kernel: kernel.6.cloned.1.call-start
scs
__scs_entry_jumppad:
0x0: {  	(pc) =	sbr.rel $0x88, $3  }
0x1: {  	(tag) =	ssettag $0x0;
	lr =	simm.s32 $0x1  }
0x2: {  	[smem:$0x3F9A] =	sst lr;
	_ =	strace $0xD0000000  }
0x3: {  	_ = 	snop  }
0x4: {  	_ = 	snop  }
0x5: {  	_ = 	snop  }
0x6: {  	_ = 	snop  }
0x7: {  	_ = 	snop  }
__scs_overlays_trampoline_lowered:
0x8: {  	[smem:$0x3FA9] =	sst s0  }
0x9: {  	[smem:$0x3FAA] =	sst s1  }
0xa: {  	[smem:$0x3FAB] =	sst s2  }
0xb: {  	[smem:$0x3FAC] =	sst s3  }
0xc: {  	[smem:$0x3FAD] =	sst s4  }
0xd: {  	[smem:$0x3FAE] =	sst s5  }
0xe: {  	[smem:$0x3FAF] =	sst s6  }
0xf: {  	[smem:$0x3FB0] =	sst s7  }
0x10: {  	[smem:$0x3FB1] =	sst s8  }
0x11: {  	[smem:$0x3FB2] =	sst s9;
	s0 =	simm.s32 @!p0 $0x0  }
0x12: {  	s1 =	sld [smem:$0x3F98];
	s0 =	simm.s32 @p0 $0x1  }
0x13: {  	[smem:$0x3FB3] =	sst s0;
	s0 =	simm.s32 @!p1 $0x0  }
0x14: {  	s2 =	sld [smem:$0x3F97];
	s0 =	simm.s32 @p1 $0x1  }
0x15: {  	[smem:$0x3FB4] =	sst s0;
	s0 =	simm.s32 @!p2 $0x0  }
0x16: {  	s3 =	sld [smem:$0x3FDB];
	s0 =	simm.s32 @p2 $0x1  }
0x17: {  	s4 =	simm.s32 $0x1BF5;
	[smem:$0x3FB6] =	sst s0  }
0x18: {  	s0 =	sld [smem:$0x3F99];
	_ =	swait.ge [sflag:s4], $0x0  }
0x19: {  	s7 =	sld [smem:$0x3F9A]  }
0x1a: {  	s8 =	sadd.s32 $0xFFFFE003, lr  }
0x1b: {  	s9 =	sadd.s32 $0xFFFFFEF7, lr;
	s5 =	simm.s32 $0xFFFFFFFF;
	p2 =	slt.u32 s8, $0xFFFFF086  }
0x1c: {  	p1 =	slt.u32 s9, $0xF7A;
	s5 =	simm.s32 @!p2 $0x0  }
0x1d: {  	s5 =	simm.s32 @p1 $0x1;
	p0 =	seq.s32 s7, s2  }
0x1e: {  	s7 =	smul.u32 @!p0 $0xF7A, s2;
	p2 =	seq.s32 @!p0 s5, $0x0  }
0x1f: {  	s9 =	smul.u32 $0xF7A, s1;
	s8 =	simm.s32 @!p0 $0x1BF5;
	p2 =	por !p2, p0  }
0x20: {  	[sflag:s8] =	ssyncset.s32 @!p0 $0xFFFFF086;
	s6 =	sadd.s32 @!p0 s3, s7;
	s7 =	simm.s32 @!p0 $0x108  }
0x21: {  	s3 =	sadd.s32 s3, s9;
	s6 =	sadd.s32 @!p0 $0x88, s6;
	s7 =	simm.s32 @p2 $0x1082  }
0x22: {  	[simem:s7], [sflag:s8] =	dma.local @!p0 [hbm:s6], $0xF7A  }
0x23: {  	s9 =	sor.u32 $0xD0000000, s2;
	s6 =	simm.s32 $0x108;
	_ =	swait.ge @!p0 [sflag:s8], $0x0  }
0x24: {  	s3 =	sadd.s32 $0x88, s3;
	s6 =	simm.s32 @!p1 $0x1082;
	[sflag:s4] =	ssyncset.s32 $0xFFFFF086  }
0x25: {  	[simem:s6], [sflag:s4] =	dma.local [hbm:s3], $0xF7A  }
0x26: {  	[smem:$0x3F9A] =	sst s1;
	(tag) =	ssettag s2;
	_ =	strace s9  }
0x27: {  	s1 =	sld [smem:$0x3FAA]  }
0x28: {  	s2 =	sld [smem:$0x3FAB]  }
0x29: {  	s4 =	sld [smem:$0x3FAD]  }
0x2a: {  	p0 =	seq.s32 s5, $0x0;
	s5 =	sld [smem:$0x3FAE]  }
0x2b: {  	s6 =	sld [smem:$0x3FAF]  }
0x2c: {  	s7 =	sld [smem:$0x3FB0]  }
0x2d: {  	s3 =	simm.s32 $0x108;
	s8 =	sld [smem:$0x3FB1]  }
0x2e: {  	s3 =	simm.s32 @!p0 $0x1082;
	s9 =	sld [smem:$0x3FB2]  }
0x2f: {  	lr =	sadd.s32 s0, s3;
	s0 =	sld [smem:$0x3FA9]  }
0x30: {  	s3 =	sld [smem:$0x3FAC]  }
0x31: {  	[smem:$0x3FB5] =	sst s10  }
0x32: {  	s10 =	sld [smem:$0x3FB3];
	_ =	sdelay $0x3  }
0x33: {  	p0 =	seq.s32 s10, $0x1;
	s10 =	sld [smem:$0x3FB5];
	_ =	sdelay $0x3  }
0x34: {  	[smem:$0x3FB5] =	sst s10  }
0x35: {  	s10 =	sld [smem:$0x3FB4];
	_ =	sdelay $0x3  }
0x36: {  	p1 =	seq.s32 s10, $0x1;
	s10 =	sld [smem:$0x3FB5];
	_ =	sdelay $0x3  }
0x37: {  	[smem:$0x3FB5] =	sst s10  }
0x38: {  	s10 =	sld [smem:$0x3FB6]  }
0x39: {  	_ = 	snop;
	(pc) =	sbr.ind lr, $3  }
0x3a: {  	_ = 	snop  }
0x3b: {  	_ = 	snop  }
0x3c: {  	p2 =	seq.s32 s10, $0x1;
	s10 =	sld [smem:$0x3FB5]  }
0x3d: {  	_ =	shalt  }
0x3e: {  	_ =	shalt  }
0x3f: {  	_ =	shalt  }
0x40: {  	_ =	shalt  }
0x41: {  	_ =	shalt  }
0x42: {  	_ =	shalt  }
0x43: {  	_ =	shalt  }
0x44: {  	_ =	shalt  }
0x45: {  	_ =	shalt  }
0x46: {  	_ =	shalt  }
0x47: {  	_ =	shalt  }
0x48: {  	_ =	shalt  }
0x49: {  	_ =	shalt  }
0x4a: {  	_ =	shalt  }
0x4b: {  	_ =	shalt  }
0x4c: {  	_ =	shalt  }
0x4d: {  	_ =	shalt  }
0x4e: {  	_ =	shalt  }
0x4f: {  	_ =	shalt  }
0x50: {  	_ =	shalt  }
0x51: {  	_ =	shalt  }
0x52: {  	_ =	shalt  }
0x53: {  	_ =	shalt  }
0x54: {  	_ =	shalt  }
0x55: {  	_ =	shalt  }
0x56: {  	_ =	shalt  }
0x57: {  	_ =	shalt  }
0x58: {  	_ =	shalt  }
0x59: {  	_ =	shalt  }
0x5a: {  	_ =	shalt  }
0x5b: {  	_ =	shalt  }
0x5c: {  	_ =	shalt  }
0x5d: {  	_ =	shalt  }
0x5e: {  	_ =	shalt  }
0x5f: {  	_ =	shalt  }
0x60: {  	_ =	shalt  }
0x61: {  	_ =	shalt  }
0x62: {  	_ =	shalt  }
0x63: {  	_ =	shalt  }
0x64: {  	_ =	shalt  }
0x65: {  	_ =	shalt  }
0x66: {  	_ =	shalt  }
0x67: {  	_ =	shalt  }
0x68: {  	_ =	shalt  }
0x69: {  	_ =	shalt  }
0x6a: {  	_ =	shalt  }
0x6b: {  	_ =	shalt  }
0x6c: {  	_ =	shalt  }
0x6d: {  	_ =	shalt  }
0x6e: {  	_ =	shalt  }
0x6f: {  	_ =	shalt  }
0x70: {  	_ =	shalt  }
0x71: {  	_ =	shalt  }
0x72: {  	_ =	shalt  }
0x73: {  	_ =	shalt  }
0x74: {  	_ =	shalt  }
0x75: {  	_ =	shalt  }
0x76: {  	_ =	shalt  }
0x77: {  	_ =	shalt  }
0x78: {  	_ =	shalt  }
0x79: {  	_ =	shalt  }
0x7a: {  	_ =	shalt  }
0x7b: {  	_ =	shalt  }
0x7c: {  	_ =	shalt  }
0x7d: {  	_ =	shalt  }
0x7e: {  	_ =	shalt  }
0x7f: {  	_ =	shalt  }
0x80: {  	_ =	shalt  }
0x81: {  	_ =	shalt  }
0x82: {  	_ =	shalt  }
0x83: {  	_ =	shalt  }
0x84: {  	_ =	shalt  }
0x85: {  	_ =	shalt  }
0x86: {  	_ =	shalt  }
0x87: {  	_ =	shalt  }
.Lfunc_end0:
.L_simem_size_0:
called_computation_lowered:
.L_overlay_start_0:
0x88: {  	s2 =	sld [smem:$0x3FD9]  }
0x89: {  	s3 =	sld [smem:$0x3FFE];
	_ =	sdelay $0x1  }
0x8a: {  	s1 =	srdreg.scid  }
0x8b: {  	s0 =	sand.u32 $0x1, s1  }
0x8c: {  	s17 =	sshll.u32 s0, $0xA;
	s2 =	sadd.s32 s3, s2  }
0x8d: {  	s2 =	sadd.s32 s2, s17  }
0x8e: {  	[smem:$0x3FC1] =	sst s2  }
0x8f: {  	_ = 	snop  }
0x90: {  	s2 =	sld [smem:$0x3FC8]  }
0x91: {  	s18 =	sld [smem:$0x3FC7]  }
0x92: {  	s4 =	sld [smem:$0x3FD0];
	(tm) =	ssettm $0x1  }
0x93: {  	s5 =	sld [smem:$0x3FFB];
	_ =	sdelay $0x3  }
0x94: {  	_ =	strace s5  }
0x95: {  	s5 =	sld [smem:$0x3FFC];
	_ =	sdelay $0x3  }
0x96: {  	_ =	strace s5  }
0x97: {  	s5 =	sld [smem:$0x3FFD];
	_ =	sdelay $0x3  }
0x98: {  	_ =	strace s5  }
0x99: {  	_ =	strace $0x8FFFFFFF  }
0x9a: {  	s19 =	sld [smem:$0x3FDB];
	_ =	sdelay $0x1  }
0x9b: {  	s6 =	simm.s32 $_scs_section_size  }
0x9c: {  	s7 =	simm.s32 $_size__tile_overlayer_lowered;
	s8 =	simm.s32 $_tile_overlayer_lowered  }
0x9d: {  	s22 =	simm.s32 $0x1BFF;
	s21 =	sshll.u32 s8, $0x1;
	s5 =	sadd.s32 s6, s19  }
0x9e: {  	s9 =	simm.s32 $0x0;
	s20 =	sshll.u32 s7, $0x1;
	s7 =	sadd.s32 s21, s5  }
0x9f: {  	[timem:s9], [sflag:s22] =	dma.local [hbm:s7], s20  }
0xa0: {  	_ =	swait.ge [sflag:s22], s20  }
0xa1: {  	s6 =	ssub.s32 $0x0, s20;
	[sflag:s22] =	ssyncset.done $0x0  }
0xa2: {  	[sflag:s22] =	ssyncadd.s32 s6;
	_ =	sdelay $0x1  }
0xa3: {  	s23 =	simm.s32 $0x1B8B  }
0xa4: {  	_ =	swait.ge [sflag:s23], $0x1  }
0xa5: {  	[sflag:s23] =	ssyncset.done $0x0  }
0xa6: {  	s25 =	simm.s32 $0x1B8E;
	s24 =	sld [smem:$0x3FFE];
	[sflag:s23] =	ssyncadd.s32 $0xFFFFFFFF  }
0xa7: {  	s26 =	simm.s32 $execute0_lowered;
	[smem:$0x3FD2] =	sst s25  }
0xa8: {  	s7 =	sshll.u32 s26, $0x1;
	_ =	strace $0x80000046;
	[dreg:$0x1] =	wrdreg $0xFFFFFFFF  }
0xa9: {  	s28 =	simm.s32 $_size_execute0_lowered;
	s5 =	sadd.s32 s5, s7;
	[dreg:$0x0] =	wrdreg $0x0  }
0xaa: {  	s7 =	sshll.u32 s28, $0x1;
	[dreg:$0x2] =	wrdreg s5  }
0xab: {  	[dreg:$0x3] =	wrdreg s7  }
0xac: {  	[dreg:$0x4] =	wrdreg $0xC0  }
0xad: {  	_ =	task [dreg:s9], $0x5FFFF  }
0xae: {  	[dreg:$0x1] =	wrdreg $0xFFFFFFFF  }
0xaf: {  	[dreg:$0x0] =	wrdreg $0x60  }
0xb0: {  	[dreg:$0x2] =	wrdreg s2  }
0xb1: {  	[dreg:$0x3] =	wrdreg s18  }
0xb2: {  	[dreg:$0x4] =	wrdreg s24  }
0xb3: {  	[dreg:$0x5] =	wrdreg s4  }
0xb4: {  	[dreg:$0x6] =	wrdreg $0x9  }
0xb5: {  	_ =	task.clear_ibuf [dreg:s9], $0x7FFFF;
	_ =	strace $0x90000046  }
0xb6: {  	s29 =	simm.s32 $0x9;
	_ =	strace $0x80000048  }
0xb7: {  	_ =	swait.ge [sflag:s29], $0x1  }
0xb8: {  	[sflag:s29] =	ssyncadd.s32 $0xFFFFFFFF  }
0xb9: {  	_ =	strace $0x90000048  }
0xba: {  	_ =	sfence  }
0xbb: {  	s30 =	sld [smem:$0x0];
	_ =	sdelay $0x2  }
0xbc: {  	s31 =	sshll.u32 s1, $0xD;
	s1 =	sshrl.u32 s1, $0x2  }
0xbd: {  	s3 =	sand.u32 $0x4000, s31;
	s1 =	sadd.s32 s1, s30  }
0xbe: {  	s0 =	sor.u32 s3, s0;
	s1 =	sshll.u32 s1, $0x11  }
0xbf: {  	s0 =	sor.u32 s1, s0  }
0xc0: {  	s0 =	sadd.s32 $0x8F2B, s0  }
0xc1: {  	[sflag:s0] =	ssyncadd.remote.s32 $0x1  }
0xc2: {  	_ =	sfence.sel $0xFFFF  }
0xc3: {  	[dreg:$0x0] =	wrdreg $0xFFFFFFFF;
	(pc) =	sbr.abs _section_cstart, $3  }
0xc4: {  	[dreg:$0x1] =	wrdreg $0xFFFFFFFF  }
0xc5: {  	_ =	task.clear_ibuf [dreg:s9], $0x2FFFF;
	_ =	strace $0x9FFFFFFF  }
0xc6: {  	(tm) =	ssettm $0x7FFFFFFF  }
0xc7: {  	_ =	shalt  }
tec
execute0_lowered:
.L_overlay_start_1:
0x0: {  	(tag) =	ssettag $0x1  }
0x1: {  	s4 =	rddreg [dreg:$0x0]  }
0x2: {  	s5 =	rddreg [dreg:$0x1]  }
0x3: {  	s3 =	rddreg [dreg:$0x2]  }
0x4: {  	s6 =	rddreg [dreg:$0x3]  }
0x5: {  	s0 =	rddreg [dreg:$0x4];
	s2 =	simm.s32 $0x0;
	s7 =	srdreg.scid  }
0x6: {  	s1 =	stileid.u32;
	s11 =	simm.s32 $0x2;
	s12 =	simm.s32 $0x3  }
0x7: {  	s13 =	simm.s32 $0x500;
	s14 =	simm.s32 $0x4;
	s7 =	sand.u32 $0x1, s7  }
0x8: {  	[smem:$0x7FF] =	sst s2;
	s9 =	sshll.u32 s1, $0x6;
	s8 =	ssub.s32 $0x2, s7  }
0x9: {  	s3 =	sadd.s32 $0xC00, s3;
	s7 =	sshll.u32 s7, $0x5;
	s10 =	sshrl.u32 s8, $0x1  }
0xa: {  	_ =	strace $0x80000047;
	s7 =	sor.u32 s7, s9;
	s8 =	ssub.s32 s8, s10  }
0xb: {  	s9 =	sshrl.u32 s7, $0x3;
	s7 =	sshll.u32 s7, $0x4;
	s10 =	simm.s32 $0x1  }
0xc: {  	s4 =	sadd.s32 s4, s9;
	s5 =	sadd.s32 s5, s9;
	s6 =	sadd.s32 s6, s7  }
0xd: {  	s7 =	smax.u32 s8, $0x1;
	s8 =	simm.s32 $0x80;
	s9 =	simm.s32 $0x100  }
.LBB2_1:
0xe: {  	[tilespmem:s2], [sflag:$0x1] =	stream.linear.gather [hbm4b:s4+s2], $0x20, $0x38;
	[tilespmem:$0x1500] =	vst v63  }
0xf: {  	_ = 	snop  }
0x10: {  	[tilespmem:s8], [sflag:$0x2] =	stream.linear.gather [hbm4b:s5+s2], $0x20, $0x38;
	[tilespmem:$0x1500] =	vst v63  }
0x11: {  	_ = 	snop  }
0x12: {  	[tilespmem:s9], [sflag:$0x3] =	stream.linear.gather [hbm4b:s3+s2], $0x400, $0x38;
	[tilespmem:$0x1500] =	vst v63  }
0x13: {  	_ =	swait.ge [sflag:s10], $0x20  }
0x14: {  	[sflag:s10] =	ssyncset.done $0x0  }
0x15: {  	[sflag:s10] =	ssyncadd.s32 $0xFFFFFFE0  }
0x16: {  	_ =	swait.ge [sflag:s11], $0x20  }
0x17: {  	[sflag:s11] =	ssyncset.done $0x0  }
0x18: {  	[sflag:s11] =	ssyncadd.s32 $0xFFFFFFE0  }
0x19: {  	_ =	swait.ge [sflag:s12], $0x400  }
0x1a: {  	[sflag:s12] =	ssyncset.done $0x0  }
0x1b: {  	[sflag:s12] =	ssyncadd.s32 $0xFFFFFC00  }
0x1c: {  	v29 =	vld [tilespmem:$0x100]  }
0x1d: {  	v27 =	vld [tilespmem:$0x110]  }
0x1e: {  	v25 =	vld [tilespmem:$0x120]  }
0x1f: {  	v24 =	vld [tilespmem:$0x130]  }
0x20: {  	v20 =	vld [tilespmem:$0x140]  }
0x21: {  	v18 =	vld [tilespmem:$0x150]  }
0x22: {  	v17 =	vld [tilespmem:$0x160]  }
0x23: {  	v16 =	vld [tilespmem:$0x170]  }
0x24: {  	v0 =	vld [tilespmem:$0x180]  }
0x25: {  	v1 =	vld [tilespmem:$0x190]  }
0x26: {  	v2 =	vld [tilespmem:$0x1A0]  }
0x27: {  	v3 =	vld [tilespmem:$0x1B0]  }
0x28: {  	v4 =	vld [tilespmem:$0x1C0]  }
0x29: {  	v5 =	vld [tilespmem:$0x1D0]  }
0x2a: {  	v6 =	vld [tilespmem:$0x1E0]  }
0x2b: {  	v7 =	vld [tilespmem:$0x1F0]  }
0x2c: {  	v35 =	vld [tilespmem:$0x200]  }
0x2d: {  	v32 =	vld [tilespmem:$0x210]  }
0x2e: {  	v28 =	vld [tilespmem:$0x220]  }
0x2f: {  	v26 =	vld [tilespmem:$0x230]  }
0x30: {  	v23 =	vld [tilespmem:$0x240]  }
0x31: {  	v22 =	vld [tilespmem:$0x250]  }
0x32: {  	v21 =	vld [tilespmem:$0x260]  }
0x33: {  	v19 =	vld [tilespmem:$0x270]  }
0x34: {  	v8 =	vld [tilespmem:$0x280]  }
0x35: {  	v9 =	vld [tilespmem:$0x290]  }
0x36: {  	v10 =	vld [tilespmem:$0x0]  }
0x37: {  	v11 =	vld [tilespmem:$0x2A0]  }
0x38: {  	v60 =	vld [tilespmem:$0x80]  }
0x39: {  	v12 =	vld [tilespmem:$0x2B0];
	v47 =	vsub.f32 v0, v29  }
0x3a: {  	v59 =	vld [tilespmem:$0x2C0];
	v44 =	vsub.f32 v1, v27;
	v42 =	vsub.f32 v2, v25  }
0x3b: {  	v61 =	vld [tilespmem:$0x2D0];
	v40 =	vsub.f32 v3, v24;
	v38 =	vsub.f32 v4, v20  }
0x3c: {  	v62 =	vld [tilespmem:$0x2E0];
	v48 =	vcvt.s32.f32 v10;
	v37 =	vsub.f32 v5, v18;
	v34 =	vsub.f32 v6, v17  }
0x3d: {  	v63 =	vld [tilespmem:$0x2F0];
	v31 =	vsub.f32 v7, v16;
	v10 =	vimm.s32 $0x0;
	v49 =	vcvt.s32.f32 v60  }
0x3e: {  	v46 =	vsub.f32 v8, v35;
	v45 =	vsub.f32 v9, v32;
	v5 =	vperm.xlane v48, v10  }
0x3f: {  	v43 =	vsub.f32 v11, v28;
	v41 =	vsub.f32 v12, v26;
	v2 =	vperm.xlane v49, v10  }
0x40: {  	v39 =	vsub.f32 v59, v23;
	v36 =	vsub.f32 v61, v22;
	v12 =	vmul.f32 v5, v47  }
0x41: {  	v33 =	vsub.f32 v62, v21;
	v13 =	vmul.f32 v5, v44;
	v14 =	vmul.f32 v2, v46  }
0x42: {  	v30 =	vsub.f32 v63, v19;
	v15 =	vmul.f32 v5, v42;
	v50 =	vmul.f32 v2, v45  }
0x43: {  	v51 =	vmul.f32 v5, v40;
	v61 =	vmul.f32 v2, v43;
	v1 =	vadd.f32 v12, v29  }
0x44: {  	v62 =	vmul.f32 v5, v38;
	v9 =	vmul.f32 v5, v37;
	v0 =	vadd.f32 v13, v27  }
0x45: {  	v63 =	vmul.f32 v2, v41;
	v59 =	vadd.f32 v15, v25;
	v1 =	vadd.f32 v1, v35  }
0x46: {  	v12 =	vadd.f32 v9, v18;
	v9 =	vimm.s32 $0x1;
	v0 =	vadd.f32 v0, v32  }
0x47: {  	v3 =	vperm.xlane v48, v9;
	v56 =	vadd.f32 v1, v14;
	v1 =	vadd.f32 v59, v28  }
0x48: {  	v60 =	vadd.f32 v51, v24;
	v11 =	vadd.f32 v62, v20;
	v14 =	vmul.f32 v5, v34  }
0x49: {  	v53 =	vmul.f32 v3, v47;
	v55 =	vadd.f32 v0, v50;
	v58 =	vadd.f32 v1, v61  }
0x4a: {  	v13 =	vmul.f32 v2, v39;
	v1 =	vadd.f32 v11, v23;
	v50 =	vadd.f32 v14, v17  }
0x4b: {  	v52 =	vmul.f32 v2, v33;
	v0 =	vadd.f32 v60, v26;
	v8 =	vadd.f32 v53, v29  }
0x4c: {  	v5 =	vmul.f32 v5, v31;
	v60 =	vadd.f32 v1, v13;
	v1 =	vadd.f32 v50, v21  }
0x4d: {  	v15 =	vmul.f32 v2, v36;
	v57 =	vadd.f32 v0, v63;
	v0 =	vadd.f32 v12, v22  }
0x4e: {  	v51 =	vadd.f32 v5, v16;
	v61 =	vadd.f32 v1, v52;
	v1 =	vperm.xlane v49, v9  }
0x4f: {  	v2 =	vmul.f32 v2, v30;
	v14 =	vmul.f32 v3, v42;
	v12 =	vadd.f32 v8, v35  }
0x50: {  	v59 =	vadd.f32 v0, v15;
	v0 =	vadd.f32 v51, v19;
	v13 =	vmul.f32 v1, v46  }
0x51: {  	v54 =	vmul.f32 v3, v44;
	v51 =	vadd.f32 v14, v25  }
0x52: {  	v62 =	vadd.f32 v0, v2;
	v2 =	vadd.f32 v12, v13  }
0x53: {  	v11 =	vadd.f32 v54, v27;
	v50 =	vmul.f32 v3, v40  }
0x54: {  	v54 =	vmul.f32 v3, v38;
	v53 =	vmul.f32 v1, v43;
	[tilespmem:$0x1F4B0] =	vst v2;
	v2 =	vadd.f32 v51, v28  }
0x55: {  	v0 =	vadd.f32 v11, v32;
	v52 =	vadd.f32 v50, v24;
	v15 =	vmul.f32 v1, v45  }
0x56: {  	v11 =	vmul.f32 v1, v41;
	v13 =	vadd.f32 v54, v20;
	v2 =	vadd.f32 v2, v53  }
0x57: {  	v63 =	vadd.f32 v0, v15;
	v0 =	vadd.f32 v52, v26;
	v12 =	vmul.f32 v3, v37  }
0x58: {  	v50 =	vmul.f32 v3, v34;
	v15 =	vmul.f32 v1, v39;
	[tilespmem:$0x1F4C0] =	vst v2;
	v2 =	vadd.f32 v13, v23  }
0x59: {  	v0 =	vadd.f32 v0, v11;
	v14 =	vadd.f32 v12, v18  }
0x5a: {  	v3 =	vmul.f32 v3, v31;
	v52 =	vadd.f32 v50, v17;
	v2 =	vadd.f32 v2, v15  }
0x5b: {  	v51 =	vmul.f32 v1, v36;
	v11 =	vimm.s32 $0x2;
	[tilespmem:$0x1F4D0] =	vst v0;
	v0 =	vadd.f32 v14, v22  }
0x5c: {  	v54 =	vmul.f32 v1, v33;
	v4 =	vperm.xlane v48, v11;
	[tilespmem:$0x1F4E0] =	vst v2;
	v2 =	vadd.f32 v52, v21  }
0x5d: {  	v53 =	vadd.f32 v3, v16;
	v0 =	vadd.f32 v0, v51  }
0x5e: {  	v12 =	vmul.f32 v4, v47;
	v2 =	vadd.f32 v2, v54  }
0x5f: {  	v1 =	vmul.f32 v1, v30;
	v13 =	vmul.f32 v4, v44;
	[tilespmem:$0x1F4F0] =	vst v0;
	v0 =	vadd.f32 v53, v19  }
0x60: {  	v14 =	vadd.f32 v12, v29;
	[tilespmem:$0x1F500] =	vst v2;
	v2 =	vperm.xlane v49, v11  }
0x61: {  	v15 =	vadd.f32 v13, v27;
	v0 =	vadd.f32 v0, v1  }
0x62: {  	v50 =	vadd.f32 v14, v35;
	v52 =	vmul.f32 v4, v42;
	v51 =	vmul.f32 v2, v46  }
0x63: {  	[tilespmem:$0x1F510] =	vst v0;
	v0 =	vadd.f32 v15, v32;
	v54 =	vmul.f32 v4, v40  }
0x64: {  	v5 =	vadd.f32 v52, v25;
	v53 =	vmul.f32 v2, v45;
	v1 =	vadd.f32 v50, v51  }
0x65: {  	v13 =	vmul.f32 v4, v38;
	v8 =	vadd.f32 v54, v24  }
0x66: {  	v12 =	vmul.f32 v2, v43;
	v0 =	vadd.f32 v0, v53;
	[tilespmem:$0x1F520] =	vst v1;
	v1 =	vadd.f32 v5, v28  }
0x67: {  	v15 =	vmul.f32 v4, v37;
	v50 =	vadd.f32 v13, v20  }
0x68: {  	v14 =	vmul.f32 v2, v41;
	[tilespmem:$0x1F530] =	vst v0;
	v0 =	vadd.f32 v8, v26;
	v1 =	vadd.f32 v1, v12  }
0x69: {  	v51 =	vadd.f32 v15, v18;
	v53 =	vmul.f32 v4, v34  }
0x6a: {  	v52 =	vmul.f32 v2, v39;
	v0 =	vadd.f32 v0, v14;
	[tilespmem:$0x1F540] =	vst v1;
	v1 =	vadd.f32 v50, v23  }
0x6b: {  	v4 =	vmul.f32 v4, v31;
	v7 =	vadd.f32 v53, v17  }
0x6c: {  	v54 =	vmul.f32 v2, v36;
	[tilespmem:$0x1F550] =	vst v0;
	v0 =	vadd.f32 v51, v22;
	v1 =	vadd.f32 v1, v52  }
0x6d: {  	v13 =	vmul.f32 v2, v33;
	v8 =	vadd.f32 v4, v16;
	v12 =	vimm.s32 $0x3  }
0x6e: {  	v3 =	vperm.xlane v48, v12;
	v0 =	vadd.f32 v0, v54;
	[tilespmem:$0x1F560] =	vst v1;
	v1 =	vadd.f32 v7, v21  }
0x6f: {  	v2 =	vmul.f32 v2, v30  }
0x70: {  	v15 =	vmul.f32 v3, v44;
	[tilespmem:$0x1F570] =	vst v0;
	v0 =	vadd.f32 v8, v19;
	v1 =	vadd.f32 v1, v13  }
0x71: {  	v14 =	vmul.f32 v3, v47  }
0x72: {  	v51 =	vadd.f32 v15, v27;
	v0 =	vadd.f32 v0, v2;
	[tilespmem:$0x1F580] =	vst v1;
	v1 =	vperm.xlane v49, v12  }
0x73: {  	v50 =	vadd.f32 v14, v29  }
0x74: {  	v14 =	vmul.f32 v3, v40;
	[tilespmem:$0x1F590] =	vst v0;
	v0 =	vadd.f32 v51, v32;
	v13 =	vmul.f32 v1, v45  }
0x75: {  	v54 =	vmul.f32 v3, v42;
	v52 =	vadd.f32 v50, v35;
	v53 =	vmul.f32 v1, v46  }
0x76: {  	v50 =	vadd.f32 v14, v24;
	v0 =	vadd.f32 v0, v13  }
0x77: {  	v15 =	vadd.f32 v54, v25;
	v54 =	vmul.f32 v3, v37;
	v2 =	vadd.f32 v52, v53  }
0x78: {  	v52 =	vmul.f32 v3, v38;
	v53 =	vmul.f32 v1, v41;
	[tilespmem:$0x1F5B0] =	vst v0;
	v0 =	vadd.f32 v50, v26  }
0x79: {  	v51 =	vmul.f32 v1, v43;
	v13 =	vadd.f32 v54, v18;
	[tilespmem:$0x1F5A0] =	vst v2;
	v2 =	vadd.f32 v15, v28  }
0x7a: {  	v14 =	vmul.f32 v1, v39;
	v8 =	vadd.f32 v52, v20;
	v0 =	vadd.f32 v0, v53  }
0x7b: {  	v15 =	vmul.f32 v3, v34;
	v3 =	vmul.f32 v3, v31;
	v2 =	vadd.f32 v2, v51  }
0x7c: {  	v50 =	vmul.f32 v1, v36;
	[tilespmem:$0x1F5D0] =	vst v0;
	v0 =	vadd.f32 v13, v22;
	v13 =	vimm.s32 $0x4  }
0x7d: {  	v51 =	vadd.f32 v15, v17;
	[tilespmem:$0x1F5C0] =	vst v2;
	v2 =	vadd.f32 v8, v23;
	v4 =	vperm.xlane v48, v13  }
0x7e: {  	v52 =	vadd.f32 v3, v16;
	v53 =	vmul.f32 v1, v33;
	v0 =	vadd.f32 v0, v50  }
0x7f: {  	v1 =	vmul.f32 v1, v30;
	v2 =	vadd.f32 v2, v14;
	v54 =	vmul.f32 v4, v47  }
0x80: {  	v3 =	vperm.xlane v49, v13;
	v14 =	vmul.f32 v4, v44;
	[tilespmem:$0x1F5F0] =	vst v0;
	v0 =	vadd.f32 v52, v19  }
0x81: {  	[tilespmem:$0x1F5E0] =	vst v2;
	v2 =	vadd.f32 v51, v21;
	v15 =	vadd.f32 v54, v29  }
0x82: {  	v52 =	vmul.f32 v3, v46;
	v50 =	vadd.f32 v14, v27;
	v0 =	vadd.f32 v0, v1  }
0x83: {  	v2 =	vadd.f32 v2, v53;
	v53 =	vmul.f32 v4, v42;
	v51 =	vadd.f32 v15, v35  }
0x84: {  	v14 =	vmul.f32 v4, v40;
	[tilespmem:$0x1F610] =	vst v0;
	v0 =	vadd.f32 v50, v32  }
0x85: {  	v54 =	vmul.f32 v3, v45;
	v15 =	vadd.f32 v53, v25;
	v1 =	vadd.f32 v51, v52  }
0x86: {  	v50 =	vadd.f32 v14, v24;
	v52 =	vmul.f32 v4, v38  }
0x87: {  	v51 =	vmul.f32 v3, v43;
	v0 =	vadd.f32 v0, v54;
	[tilespmem:$0x1F620] =	vst v1;
	v1 =	vadd.f32 v15, v28  }
0x88: {  	v54 =	vmul.f32 v4, v37;
	v5 =	vadd.f32 v52, v20  }
0x89: {  	v53 =	vmul.f32 v3, v41;
	[tilespmem:$0x1F630] =	vst v0;
	v0 =	vadd.f32 v50, v26;
	v1 =	vadd.f32 v1, v51  }
0x8a: {  	v14 =	vmul.f32 v3, v39;
	v8 =	vadd.f32 v54, v18  }
0x8b: {  	v15 =	vmul.f32 v4, v34;
	v0 =	vadd.f32 v0, v53;
	[tilespmem:$0x1F640] =	vst v1;
	v1 =	vadd.f32 v5, v23  }
0x8c: {  	v4 =	vmul.f32 v4, v31;
	v50 =	vmul.f32 v3, v36  }
0x8d: {  	[tilespmem:$0x1F650] =	vst v0;
	v0 =	vadd.f32 v8, v22;
	v1 =	vadd.f32 v1, v14;
	v14 =	vimm.s32 $0x5  }
0x8e: {  	[tilespmem:$0x1F600] =	vst v2;
	v51 =	vadd.f32 v15, v17;
	v2 =	vperm.xlane v48, v14  }
0x8f: {  	v52 =	vadd.f32 v4, v16;
	v0 =	vadd.f32 v0, v50  }
0x90: {  	v53 =	vmul.f32 v3, v33;
	[tilespmem:$0x1F660] =	vst v1;
	v1 =	vadd.f32 v51, v21;
	v54 =	vmul.f32 v2, v47  }
0x91: {  	v3 =	vmul.f32 v3, v30;
	[tilespmem:$0x1F670] =	vst v0;
	v0 =	vadd.f32 v52, v19;
	v15 =	vmul.f32 v2, v44  }
0x92: {  	v4 =	vperm.xlane v49, v14;
	v1 =	vadd.f32 v1, v53;
	v50 =	vadd.f32 v54, v29  }
0x93: {  	v0 =	vadd.f32 v0, v3;
	v51 =	vadd.f32 v15, v27  }
0x94: {  	v52 =	vmul.f32 v4, v46;
	v53 =	vmul.f32 v2, v42;
	[tilespmem:$0x1F680] =	vst v1;
	v1 =	vadd.f32 v50, v35  }
0x95: {  	v54 =	vmul.f32 v4, v45;
	v15 =	vmul.f32 v2, v40;
	[tilespmem:$0x1F690] =	vst v0;
	v0 =	vadd.f32 v51, v32  }
0x96: {  	v50 =	vadd.f32 v53, v25;
	v1 =	vadd.f32 v1, v52  }
0x97: {  	v51 =	vadd.f32 v15, v24;
	v0 =	vadd.f32 v0, v54  }
0x98: {  	v53 =	vmul.f32 v2, v38;
	v52 =	vmul.f32 v4, v43;
	[tilespmem:$0x1F6A0] =	vst v1;
	v1 =	vadd.f32 v50, v28  }
0x99: {  	v15 =	vmul.f32 v2, v37;
	v54 =	vmul.f32 v4, v41;
	[tilespmem:$0x1F6B0] =	vst v0;
	v0 =	vadd.f32 v51, v26  }
0x9a: {  	v50 =	vadd.f32 v53, v20;
	v1 =	vadd.f32 v1, v52  }
0x9b: {  	v51 =	vadd.f32 v15, v18;
	v53 =	vmul.f32 v2, v34;
	v0 =	vadd.f32 v0, v54  }
0x9c: {  	v2 =	vmul.f32 v2, v31;
	v52 =	vmul.f32 v4, v39;
	[tilespmem:$0x1F6C0] =	vst v1;
	v1 =	vadd.f32 v50, v23  }
0x9d: {  	v15 =	vimm.s32 $0x6;
	v54 =	vmul.f32 v4, v36;
	[tilespmem:$0x1F6D0] =	vst v0;
	v0 =	vadd.f32 v51, v22  }
0x9e: {  	v3 =	vperm.xlane v48, v15;
	v50 =	vadd.f32 v53, v17;
	v1 =	vadd.f32 v1, v52  }
0x9f: {  	v51 =	vadd.f32 v2, v16;
	v0 =	vadd.f32 v0, v54  }
0xa0: {  	v53 =	vmul.f32 v3, v47;
	v52 =	vmul.f32 v4, v33;
	[tilespmem:$0x1F6E0] =	vst v1;
	v1 =	vadd.f32 v50, v21  }
0xa1: {  	v4 =	vmul.f32 v4, v30;
	v54 =	vmul.f32 v3, v44;
	[tilespmem:$0x1F6F0] =	vst v0;
	v0 =	vadd.f32 v51, v19  }
0xa2: {  	v2 =	vperm.xlane v49, v15;
	v8 =	vadd.f32 v53, v29;
	v1 =	vadd.f32 v1, v52  }
0xa3: {  	v50 =	vadd.f32 v54, v27;
	v0 =	vadd.f32 v0, v4  }
0xa4: {  	v51 =	vmul.f32 v2, v46;
	v52 =	vmul.f32 v3, v42;
	[tilespmem:$0x1F700] =	vst v1;
	v1 =	vadd.f32 v8, v35  }
0xa5: {  	v53 =	vmul.f32 v2, v45;
	v54 =	vmul.f32 v3, v40;
	[tilespmem:$0x1F710] =	vst v0;
	v0 =	vadd.f32 v50, v32  }
0xa6: {  	v8 =	vadd.f32 v52, v25;
	v1 =	vadd.f32 v1, v51  }
0xa7: {  	v50 =	vadd.f32 v54, v24;
	v0 =	vadd.f32 v0, v53  }
0xa8: {  	v52 =	vmul.f32 v3, v38;
	v51 =	vmul.f32 v2, v43;
	[tilespmem:$0x1F720] =	vst v1;
	v1 =	vadd.f32 v8, v28  }
0xa9: {  	v54 =	vmul.f32 v3, v37;
	v53 =	vmul.f32 v2, v41;
	[tilespmem:$0x1F730] =	vst v0;
	v0 =	vadd.f32 v50, v26  }
0xaa: {  	v50 =	vadd.f32 v52, v20;
	v1 =	vadd.f32 v1, v51  }
0xab: {  	v52 =	vmul.f32 v2, v39;
	v0 =	vadd.f32 v0, v53;
	v51 =	vadd.f32 v54, v18  }
0xac: {  	v53 =	vmul.f32 v3, v34;
	v3 =	vmul.f32 v3, v31;
	[tilespmem:$0x1F740] =	vst v1;
	v1 =	vadd.f32 v50, v23  }
0xad: {  	v54 =	vmul.f32 v2, v36;
	[tilespmem:$0x1F750] =	vst v0;
	v0 =	vadd.f32 v51, v22;
	v50 =	vimm.s32 $0x7  }
0xae: {  	v8 =	vadd.f32 v53, v17;
	v4 =	vperm.xlane v48, v50;
	v1 =	vadd.f32 v1, v52  }
0xaf: {  	v51 =	vadd.f32 v3, v16;
	v0 =	vadd.f32 v0, v54  }
0xb0: {  	v52 =	vmul.f32 v2, v33;
	v53 =	vmul.f32 v4, v47;
	[tilespmem:$0x1F760] =	vst v1;
	v1 =	vadd.f32 v8, v21  }
0xb1: {  	v2 =	vmul.f32 v2, v30;
	v54 =	vmul.f32 v4, v44;
	[tilespmem:$0x1F770] =	vst v0;
	v0 =	vadd.f32 v51, v19  }
0xb2: {  	v3 =	vperm.xlane v49, v50;
	v7 =	vadd.f32 v53, v29;
	v1 =	vadd.f32 v1, v52  }
0xb3: {  	v8 =	vadd.f32 v54, v27;
	v0 =	vadd.f32 v0, v2  }
0xb4: {  	v51 =	vmul.f32 v3, v46;
	v52 =	vmul.f32 v4, v42;
	[tilespmem:$0x1F780] =	vst v1;
	v1 =	vadd.f32 v7, v35  }
0xb5: {  	v53 =	vmul.f32 v3, v45;
	v54 =	vmul.f32 v4, v40;
	[tilespmem:$0x1F790] =	vst v0;
	v0 =	vadd.f32 v8, v32  }
0xb6: {  	v5 =	vadd.f32 v52, v25;
	v1 =	vadd.f32 v1, v51  }
0xb7: {  	v8 =	vadd.f32 v54, v24;
	v0 =	vadd.f32 v0, v53  }
0xb8: {  	v52 =	vmul.f32 v4, v38;
	v51 =	vmul.f32 v3, v43;
	[tilespmem:$0x1F7A0] =	vst v1;
	v1 =	vadd.f32 v5, v28  }
0xb9: {  	v54 =	vmul.f32 v4, v37;
	v53 =	vmul.f32 v3, v41;
	[tilespmem:$0x1F7B0] =	vst v0;
	v0 =	vadd.f32 v8, v26  }
0xba: {  	v8 =	vadd.f32 v52, v20;
	v1 =	vadd.f32 v1, v51  }
0xbb: {  	v52 =	vmul.f32 v3, v39;
	v0 =	vadd.f32 v0, v53;
	v51 =	vadd.f32 v54, v18  }
0xbc: {  	v53 =	vmul.f32 v4, v34;
	v4 =	vmul.f32 v4, v31;
	[tilespmem:$0x1F7C0] =	vst v1;
	v1 =	vadd.f32 v8, v23  }
0xbd: {  	v54 =	vmul.f32 v3, v36;
	[tilespmem:$0x1F7D0] =	vst v0;
	v0 =	vadd.f32 v51, v22;
	v51 =	vimm.s32 $0x8  }
0xbe: {  	v8 =	vadd.f32 v53, v17;
	v2 =	vperm.xlane v48, v51;
	v1 =	vadd.f32 v1, v52  }
0xbf: {  	v53 =	vadd.f32 v4, v16;
	v0 =	vadd.f32 v0, v54  }
0xc0: {  	v54 =	vmul.f32 v3, v33;
	v52 =	vmul.f32 v2, v47;
	[tilespmem:$0x1F7E0] =	vst v1;
	v1 =	vadd.f32 v8, v21  }
0xc1: {  	v3 =	vmul.f32 v3, v30;
	[tilespmem:$0x1F7F0] =	vst v0;
	v0 =	vadd.f32 v53, v19;
	v53 =	vmul.f32 v2, v44  }
0xc2: {  	v4 =	vperm.xlane v49, v51;
	v1 =	vadd.f32 v1, v54;
	v54 =	vadd.f32 v52, v29  }
0xc3: {  	v0 =	vadd.f32 v0, v3;
	v8 =	vadd.f32 v53, v27  }
0xc4: {  	v3 =	vmul.f32 v4, v46;
	v52 =	vmul.f32 v2, v42;
	[tilespmem:$0x1F800] =	vst v1;
	v1 =	vadd.f32 v54, v35  }
0xc5: {  	v53 =	vmul.f32 v4, v45;
	[tilespmem:$0x1F810] =	vst v0;
	v0 =	vadd.f32 v8, v32;
	v54 =	vmul.f32 v2, v40  }
0xc6: {  	v5 =	vadd.f32 v52, v25;
	v1 =	vadd.f32 v1, v3  }
0xc7: {  	v0 =	vadd.f32 v0, v53;
	v8 =	vadd.f32 v54, v24  }
0xc8: {  	v52 =	vmul.f32 v2, v38;
	v3 =	vmul.f32 v4, v43;
	[tilespmem:$0x1F820] =	vst v1;
	v1 =	vadd.f32 v5, v28  }
0xc9: {  	v53 =	vmul.f32 v4, v41;
	v54 =	vmul.f32 v2, v37;
	[tilespmem:$0x1F830] =	vst v0;
	v0 =	vadd.f32 v8, v26  }
0xca: {  	v8 =	vadd.f32 v52, v20;
	v1 =	vadd.f32 v1, v3  }
0xcb: {  	v6 =	vmul.f32 v4, v36;
	v52 =	vadd.f32 v54, v18;
	v0 =	vadd.f32 v0, v53  }
0xcc: {  	v54 =	vmul.f32 v2, v34;
	v53 =	vmul.f32 v4, v39;
	[tilespmem:$0x1F840] =	vst v1;
	v1 =	vadd.f32 v8, v23  }
0xcd: {  	v2 =	vmul.f32 v2, v31;
	[tilespmem:$0x1F850] =	vst v0;
	v0 =	vadd.f32 v52, v22;
	v52 =	vimm.s32 $0x9  }
0xce: {  	v7 =	vadd.f32 v54, v17;
	v3 =	vperm.xlane v48, v52;
	v1 =	vadd.f32 v1, v53  }
0xcf: {  	v8 =	vadd.f32 v2, v16;
	v0 =	vadd.f32 v0, v6  }
0xd0: {  	v2 =	vmul.f32 v4, v33;
	v53 =	vmul.f32 v3, v47;
	[tilespmem:$0x1F860] =	vst v1;
	v1 =	vadd.f32 v7, v21  }
0xd1: {  	v4 =	vmul.f32 v4, v30;
	v54 =	vmul.f32 v3, v44;
	[tilespmem:$0x1F870] =	vst v0;
	v0 =	vadd.f32 v8, v19  }
0xd2: {  	v7 =	vadd.f32 v53, v29;
	v1 =	vadd.f32 v1, v2;
	v2 =	vperm.xlane v49, v52  }
0xd3: {  	v8 =	vadd.f32 v54, v27;
	v0 =	vadd.f32 v0, v4  }
0xd4: {  	v5 =	vmul.f32 v3, v42;
	[tilespmem:$0x1F880] =	vst v1;
	v1 =	vadd.f32 v7, v35;
	v4 =	vmul.f32 v2, v46  }
0xd5: {  	v54 =	vmul.f32 v3, v40;
	[tilespmem:$0x1F890] =	vst v0;
	v0 =	vadd.f32 v8, v32;
	v53 =	vmul.f32 v2, v45  }
0xd6: {  	v5 =	vadd.f32 v5, v25;
	v1 =	vadd.f32 v1, v4  }
0xd7: {  	v8 =	vadd.f32 v54, v24;
	v0 =	vadd.f32 v0, v53  }
0xd8: {  	v4 =	vmul.f32 v2, v43;
	[tilespmem:$0x1F8A0] =	vst v1;
	v1 =	vadd.f32 v5, v28;
	v5 =	vmul.f32 v3, v38  }
0xd9: {  	[tilespmem:$0x1F8B0] =	vst v0;
	v0 =	vadd.f32 v8, v26  }
0xda: {  	v53 =	vmul.f32 v2, v41;
	v1 =	vadd.f32 v1, v4;
	v5 =	vadd.f32 v5, v20  }
0xdb: {  	v54 =	vmul.f32 v3, v37  }
0xdc: {  	v0 =	vadd.f32 v0, v53;
	v53 =	vmul.f32 v2, v39;
	[tilespmem:$0x1F8C0] =	vst v1;
	v1 =	vadd.f32 v5, v23  }
0xdd: {  	v8 =	vadd.f32 v54, v18  }
0xde: {  	v6 =	vmul.f32 v2, v36;
	v54 =	vmul.f32 v3, v34;
	v1 =	vadd.f32 v1, v53  }
0xdf: {  	v3 =	vmul.f32 v3, v31;
	[tilespmem:$0x1F8D0] =	vst v0;
	v0 =	vadd.f32 v8, v22;
	v53 =	vimm.s32 $0xA  }
0xe0: {  	v4 =	vperm.xlane v48, v53;
	[tilespmem:$0x1F8E0] =	vst v1;
	v1 =	vadd.f32 v54, v17  }
0xe1: {  	v8 =	vadd.f32 v3, v16;
	v0 =	vadd.f32 v0, v6  }
0xe2: {  	v3 =	vmul.f32 v2, v33;
	v5 =	vmul.f32 v4, v47;
	v1 =	vadd.f32 v1, v21  }
0xe3: {  	v2 =	vmul.f32 v2, v30;
	[tilespmem:$0x1F8F0] =	vst v0;
	v0 =	vadd.f32 v8, v19  }
0xe4: {  	v7 =	vadd.f32 v5, v29;
	v1 =	vadd.f32 v1, v3;
	v3 =	vperm.xlane v49, v53  }
0xe5: {  	v54 =	vmul.f32 v4, v44;
	v0 =	vadd.f32 v0, v2  }
0xe6: {  	v5 =	vmul.f32 v4, v42;
	[tilespmem:$0x1F900] =	vst v1;
	v1 =	vadd.f32 v7, v35;
	v2 =	vmul.f32 v3, v46  }
0xe7: {  	v8 =	vadd.f32 v54, v27  }
0xe8: {  	v5 =	vadd.f32 v5, v25;
	v1 =	vadd.f32 v1, v2  }
0xe9: {  	v54 =	vmul.f32 v4, v40;
	[tilespmem:$0x1F910] =	vst v0;
	v0 =	vadd.f32 v8, v32;
	v6 =	vmul.f32 v3, v45  }
0xea: {  	v2 =	vmul.f32 v3, v43;
	[tilespmem:$0x1F920] =	vst v1;
	v1 =	vadd.f32 v5, v28;
	v5 =	vmul.f32 v4, v38  }
0xeb: {  	v8 =	vadd.f32 v54, v24;
	v54 =	vmul.f32 v4, v37;
	v0 =	vadd.f32 v0, v6  }
0xec: {  	v1 =	vadd.f32 v1, v2;
	v5 =	vadd.f32 v5, v20  }
0xed: {  	v6 =	vmul.f32 v3, v41;
	[tilespmem:$0x1F930] =	vst v0;
	v0 =	vadd.f32 v8, v26;
	v8 =	vadd.f32 v54, v18  }
0xee: {  	v54 =	vmul.f32 v4, v34;
	v2 =	vmul.f32 v3, v39;
	[tilespmem:$0x1F940] =	vst v1;
	v1 =	vadd.f32 v5, v23  }
0xef: {  	v4 =	vmul.f32 v4, v31;
	v0 =	vadd.f32 v0, v6  }
0xf0: {  	v6 =	vmul.f32 v3, v36;
	v7 =	vadd.f32 v54, v17;
	v1 =	vadd.f32 v1, v2  }
0xf1: {  	v54 =	vimm.s32 $0xB;
	[tilespmem:$0x1F950] =	vst v0;
	v0 =	vadd.f32 v8, v22;
	v8 =	vadd.f32 v4, v16  }
0xf2: {  	v4 =	vmul.f32 v3, v33;
	v2 =	vperm.xlane v48, v54;
	[tilespmem:$0x1F960] =	vst v1;
	v1 =	vadd.f32 v7, v21  }
0xf3: {  	v0 =	vadd.f32 v0, v6  }
0xf4: {  	v5 =	vmul.f32 v2, v47;
	v1 =	vadd.f32 v1, v4  }
0xf5: {  	v3 =	vmul.f32 v3, v30;
	[tilespmem:$0x1F970] =	vst v0;
	v0 =	vadd.f32 v8, v19  }
0xf6: {  	v4 =	vperm.xlane v49, v54;
	[tilespmem:$0x1F980] =	vst v1;
	v1 =	vadd.f32 v5, v29  }
0xf7: {  	v6 =	vmul.f32 v2, v44;
	v0 =	vadd.f32 v0, v3  }
0xf8: {  	v3 =	vmul.f32 v4, v46;
	v5 =	vmul.f32 v2, v42;
	v1 =	vadd.f32 v1, v35  }
0xf9: {  	v8 =	vadd.f32 v6, v27  }
0xfa: {  	v5 =	vadd.f32 v5, v25;
	v1 =	vadd.f32 v1, v3  }
0xfb: {  	v7 =	vmul.f32 v2, v40;
	[tilespmem:$0x1F990] =	vst v0;
	v0 =	vadd.f32 v8, v32;
	v6 =	vmul.f32 v4, v45  }
0xfc: {  	v3 =	vmul.f32 v4, v43;
	[tilespmem:$0x1F9A0] =	vst v1;
	v1 =	vadd.f32 v5, v28;
	v5 =	vmul.f32 v2, v38  }
0xfd: {  	v8 =	vadd.f32 v7, v24;
	v0 =	vadd.f32 v0, v6  }
0xfe: {  	v1 =	vadd.f32 v1, v3;
	v5 =	vadd.f32 v5, v20  }
0xff: {  	v7 =	vmul.f32 v2, v37;
	v6 =	vmul.f32 v4, v41;
	[tilespmem:$0x1F9B0] =	vst v0;
	v0 =	vadd.f32 v8, v26  }
0x100: {  	v3 =	vmul.f32 v4, v39;
	[tilespmem:$0x1F9C0] =	vst v1;
	v1 =	vadd.f32 v5, v23  }
0x101: {  	v8 =	vadd.f32 v7, v18;
	v0 =	vadd.f32 v0, v6  }
0x102: {  	v7 =	vimm.s32 $0xC;
	v5 =	vmul.f32 v2, v34;
	v1 =	vadd.f32 v1, v3  }
0x103: {  	v6 =	vmul.f32 v4, v36;
	[tilespmem:$0x1F9D0] =	vst v0;
	v0 =	vadd.f32 v8, v22;
	v2 =	vmul.f32 v2, v31  }
0x104: {  	v3 =	vperm.xlane v48, v7;
	[tilespmem:$0x1F9E0] =	vst v1;
	v1 =	vadd.f32 v5, v17  }
0x105: {  	v0 =	vadd.f32 v0, v6;
	v8 =	vadd.f32 v2, v16  }
0x106: {  	v2 =	vmul.f32 v4, v33;
	v5 =	vmul.f32 v3, v47;
	v1 =	vadd.f32 v1, v21  }
0x107: {  	v7 =	vimm.s32 $0xC;
	[tilespmem:$0x1F9F0] =	vst v0;
	v4 =	vmul.f32 v4, v30;
	v0 =	vadd.f32 v8, v19  }
0x108: {  	v5 =	vadd.f32 v5, v29;
	v1 =	vadd.f32 v1, v2;
	v2 =	vperm.xlane v49, v7  }
0x109: {  	v6 =	vmul.f32 v3, v44;
	v0 =	vadd.f32 v0, v4  }
0x10a: {  	[tilespmem:$0x1FA00] =	vst v1;
	v1 =	vadd.f32 v5, v35;
	v4 =	vmul.f32 v2, v46;
	v5 =	vmul.f32 v3, v42  }
0x10b: {  	v8 =	vadd.f32 v6, v27  }
0x10c: {  	v1 =	vadd.f32 v1, v4;
	v5 =	vadd.f32 v5, v25  }
0x10d: {  	[tilespmem:$0x1FA10] =	vst v0;
	v0 =	vadd.f32 v8, v32;
	v7 =	vmul.f32 v3, v40;
	v6 =	vmul.f32 v2, v45  }
0x10e: {  	v4 =	vmul.f32 v2, v43;
	[tilespmem:$0x1FA20] =	vst v1;
	v1 =	vadd.f32 v5, v28;
	v5 =	vmul.f32 v3, v38  }
0x10f: {  	v8 =	vadd.f32 v7, v24;
	v0 =	vadd.f32 v0, v6  }
0x110: {  	v1 =	vadd.f32 v1, v4;
	v5 =	vadd.f32 v5, v20  }
0x111: {  	v7 =	vmul.f32 v3, v37;
	v6 =	vmul.f32 v2, v41;
	[tilespmem:$0x1FA30] =	vst v0;
	v0 =	vadd.f32 v8, v26  }
0x112: {  	v4 =	vmul.f32 v2, v39;
	[tilespmem:$0x1FA40] =	vst v1;
	v1 =	vadd.f32 v5, v23  }
0x113: {  	v8 =	vadd.f32 v7, v18;
	v0 =	vadd.f32 v0, v6  }
0x114: {  	v5 =	vmul.f32 v3, v34;
	v1 =	vadd.f32 v1, v4  }
0x115: {  	[tilespmem:$0x1FA50] =	vst v0;
	v0 =	vadd.f32 v8, v22  }
0x116: {  	v3 =	vmul.f32 v3, v31;
	v8 =	vimm.s32 $0xD;
	[tilespmem:$0x1FA60] =	vst v1;
	v1 =	vadd.f32 v5, v17  }
0x117: {  	v6 =	vmul.f32 v2, v36;
	v4 =	vperm.xlane v48, v8  }
0x118: {  	v8 =	vadd.f32 v3, v16;
	v3 =	vmul.f32 v2, v33;
	v1 =	vadd.f32 v1, v21  }
0x119: {  	v0 =	vadd.f32 v0, v6  }
0x11a: {  	v5 =	vmul.f32 v4, v47;
	v1 =	vadd.f32 v1, v3  }
0x11b: {  	v7 =	vimm.s32 $0xD;
	v2 =	vmul.f32 v2, v30;
	[tilespmem:$0x1FA70] =	vst v0;
	v0 =	vadd.f32 v8, v19  }
0x11c: {  	v3 =	vperm.xlane v49, v7;
	[tilespmem:$0x1FA80] =	vst v1;
	v1 =	vadd.f32 v5, v29  }
0x11d: {  	v0 =	vadd.f32 v0, v2  }
0x11e: {  	v2 =	vmul.f32 v3, v46;
	v5 =	vmul.f32 v4, v42;
	v1 =	vadd.f32 v1, v35  }
0x11f: {  	v6 =	vmul.f32 v4, v44  }
0x120: {  	v5 =	vadd.f32 v5, v25;
	v1 =	vadd.f32 v1, v2  }
0x121: {  	v8 =	vadd.f32 v6, v27  }
0x122: {  	v2 =	vmul.f32 v3, v43;
	[tilespmem:$0x1FAA0] =	vst v1;
	v1 =	vadd.f32 v5, v28;
	v5 =	vmul.f32 v4, v38  }
0x123: {  	[tilespmem:$0x1FA90] =	vst v0;
	v0 =	vadd.f32 v8, v32;
	v7 =	vmul.f32 v4, v40;
	v6 =	vmul.f32 v3, v45  }
0x124: {  	v1 =	vadd.f32 v1, v2;
	v5 =	vadd.f32 v5, v20  }
0x125: {  	v8 =	vadd.f32 v7, v24;
	v0 =	vadd.f32 v0, v6  }
0x126: {  	v2 =	vmul.f32 v3, v39;
	[tilespmem:$0x1FAC0] =	vst v1;
	v1 =	vadd.f32 v5, v23  }
0x127: {  	v7 =	vmul.f32 v4, v37;
	v6 =	vmul.f32 v3, v41;
	[tilespmem:$0x1FAB0] =	vst v0;
	v0 =	vadd.f32 v8, v26  }
0x128: {  	v5 =	vmul.f32 v4, v34;
	v1 =	vadd.f32 v1, v2  }
0x129: {  	v8 =	vadd.f32 v7, v18;
	v0 =	vadd.f32 v0, v6  }
0x12a: {  	v7 =	vimm.s32 $0xE;
	v4 =	vmul.f32 v4, v31;
	[tilespmem:$0x1FAE0] =	vst v1;
	v1 =	vadd.f32 v5, v17  }
0x12b: {  	v6 =	vmul.f32 v3, v36;
	[tilespmem:$0x1FAD0] =	vst v0;
	v0 =	vadd.f32 v8, v22;
	v2 =	vperm.xlane v48, v7  }
0x12c: {  	v8 =	vadd.f32 v4, v16;
	v4 =	vmul.f32 v3, v33;
	v1 =	vadd.f32 v1, v21  }
0x12d: {  	v0 =	vadd.f32 v0, v6  }
0x12e: {  	v5 =	vmul.f32 v2, v47;
	v1 =	vadd.f32 v1, v4  }
0x12f: {  	v7 =	vimm.s32 $0xE;
	[tilespmem:$0x1FAF0] =	vst v0;
	v3 =	vmul.f32 v3, v30;
	v0 =	vadd.f32 v8, v19  }
0x130: {  	v4 =	vperm.xlane v49, v7;
	[tilespmem:$0x1FB00] =	vst v1;
	v1 =	vadd.f32 v5, v29  }
0x131: {  	v0 =	vadd.f32 v0, v3  }
0x132: {  	v3 =	vmul.f32 v4, v46;
	v5 =	vmul.f32 v2, v42;
	v1 =	vadd.f32 v1, v35  }
0x133: {  	v6 =	vmul.f32 v2, v44  }
0x134: {  	v5 =	vadd.f32 v5, v25;
	v1 =	vadd.f32 v1, v3  }
0x135: {  	v8 =	vadd.f32 v6, v27  }
0x136: {  	v3 =	vmul.f32 v4, v43;
	[tilespmem:$0x1FB20] =	vst v1;
	v1 =	vadd.f32 v5, v28;
	v5 =	vmul.f32 v2, v38  }
0x137: {  	[tilespmem:$0x1FB10] =	vst v0;
	v0 =	vadd.f32 v8, v32;
	v7 =	vmul.f32 v2, v40;
	v6 =	vmul.f32 v4, v45  }
0x138: {  	v1 =	vadd.f32 v1, v3;
	v5 =	vadd.f32 v5, v20  }
0x139: {  	v8 =	vadd.f32 v7, v24;
	v0 =	vadd.f32 v0, v6  }
0x13a: {  	v3 =	vmul.f32 v4, v39;
	[tilespmem:$0x1FB40] =	vst v1;
	v1 =	vadd.f32 v5, v23  }
0x13b: {  	v7 =	vmul.f32 v2, v37;
	v6 =	vmul.f32 v4, v41;
	[tilespmem:$0x1FB30] =	vst v0;
	v0 =	vadd.f32 v8, v26  }
0x13c: {  	v5 =	vmul.f32 v2, v34;
	v1 =	vadd.f32 v1, v3  }
0x13d: {  	v8 =	vadd.f32 v7, v18;
	v0 =	vadd.f32 v0, v6  }
0x13e: {  	v7 =	vimm.s32 $0xF;
	v2 =	vmul.f32 v2, v31;
	[tilespmem:$0x1FB60] =	vst v1;
	v1 =	vadd.f32 v5, v17  }
0x13f: {  	v6 =	vmul.f32 v4, v36;
	[tilespmem:$0x1FB50] =	vst v0;
	v0 =	vadd.f32 v8, v22;
	v3 =	vperm.xlane v48, v7  }
0x140: {  	v8 =	vadd.f32 v2, v16;
	v2 =	vmul.f32 v4, v33;
	v1 =	vadd.f32 v1, v21  }
0x141: {  	v0 =	vadd.f32 v0, v6  }
0x142: {  	v7 =	vimm.s32 $0xF;
	v5 =	vmul.f32 v3, v47;
	v1 =	vadd.f32 v1, v2  }
0x143: {  	[tilespmem:$0x1FB70] =	vst v0;
	v4 =	vmul.f32 v4, v30;
	v0 =	vadd.f32 v8, v19;
	v48 =	vmul.f32 v3, v44  }
0x144: {  	[tilespmem:$0x1FB80] =	vst v1;
	v1 =	vperm.xlane v49, v7;
	v7 =	vadd.f32 v5, v29  }
0x145: {  	v0 =	vadd.f32 v0, v4;
	v8 =	vadd.f32 v48, v27  }
0x146: {  	v48 =	vmul.f32 v3, v42;
	v2 =	vadd.f32 v7, v35;
	v4 =	vmul.f32 v1, v46  }
0x147: {  	[tilespmem:$0x1FB90] =	vst v0;
	v0 =	vadd.f32 v8, v32;
	v49 =	vmul.f32 v3, v40;
	v6 =	vmul.f32 v1, v45  }
0x148: {  	v48 =	vadd.f32 v48, v25;
	v2 =	vadd.f32 v2, v4  }
0x149: {  	v49 =	vadd.f32 v49, v24;
	v0 =	vadd.f32 v0, v6  }
0x14a: {  	v5 =	vmul.f32 v1, v43;
	[tilespmem:$0x1FBA0] =	vst v2;
	v2 =	vadd.f32 v48, v28  }
0x14b: {  	v4 =	vld [tilespmem:$0x10];
	[tilespmem:$0x1FBB0] =	vst v0;
	v0 =	vadd.f32 v49, v26;
	v48 =	vmul.f32 v1, v41  }
0x14c: {  	v6 =	vmul.f32 v3, v38;
	v2 =	vadd.f32 v2, v5  }
0x14d: {  	v49 =	vmul.f32 v3, v37;
	v0 =	vadd.f32 v0, v48  }
0x14e: {  	[tilespmem:$0x1FBC0] =	vst v2;
	v2 =	vadd.f32 v6, v20  }
0x14f: {  	v5 =	vld [tilespmem:$0x90];
	[tilespmem:$0x1FBD0] =	vst v0;
	v0 =	vadd.f32 v49, v18  }
0x150: {  	v49 =	vcvt.s32.f32 v4;
	v4 =	vmul.f32 v1, v39;
	v2 =	vadd.f32 v2, v23  }
0x151: {  	v6 =	vmul.f32 v3, v34;
	v3 =	vmul.f32 v3, v31  }
0x152: {  	v48 =	vmul.f32 v1, v36;
	v0 =	vadd.f32 v0, v22;
	v2 =	vadd.f32 v2, v4  }
0x153: {  	v8 =	vadd.f32 v3, v16;
	v3 =	vmul.f32 v1, v33;
	v4 =	vperm.xlane v49, v10  }
0x154: {  	v0 =	vadd.f32 v0, v48;
	v48 =	vcvt.s32.f32 v5;
	[tilespmem:$0x1FBE0] =	vst v2;
	v2 =	vadd.f32 v6, v17  }
0x155: {  	v5 =	vmul.f32 v4, v47;
	v6 =	vmul.f32 v4, v44  }
0x156: {  	v1 =	vmul.f32 v1, v30;
	[tilespmem:$0x1FBF0] =	vst v0;
	v0 =	vadd.f32 v8, v19;
	v2 =	vadd.f32 v2, v21  }
0x157: {  	v7 =	vadd.f32 v5, v29;
	v8 =	vadd.f32 v6, v27;
	v5 =	vmul.f32 v4, v42  }
0x158: {  	[tilespmem:$0x500] =	vst v56;
	v2 =	vadd.f32 v2, v3;
	v3 =	vperm.xlane v48, v10;
	v10 =	vadd.f32 v0, v1  }
0x159: {  	[tilespmem:$0x510] =	vst v55;
	v1 =	vadd.f32 v7, v35;
	v0 =	vadd.f32 v8, v32  }
0x15a: {  	[tilespmem:$0x520] =	vst v58;
	v7 =	vmul.f32 v4, v40;
	v8 =	vadd.f32 v5, v25;
	v5 =	vmul.f32 v4, v38  }
0x15b: {  	[tilespmem:$0x1FC00] =	vst v2;
	v56 =	vmul.f32 v3, v46;
	v6 =	vmul.f32 v3, v45  }
0x15c: {  	[tilespmem:$0x530] =	vst v57;
	v57 =	vadd.f32 v7, v24;
	v58 =	vmul.f32 v3, v43;
	v5 =	vadd.f32 v5, v20  }
0x15d: {  	[tilespmem:$0x540] =	vst v60;
	v60 =	vmul.f32 v4, v37;
	v56 =	vadd.f32 v1, v56;
	v1 =	vadd.f32 v8, v28  }
0x15e: {  	[tilespmem:$0x550] =	vst v59;
	v59 =	vld [tilespmem:$0x1F4B0];
	v55 =	vadd.f32 v0, v6;
	v0 =	vadd.f32 v57, v26;
	v6 =	vmul.f32 v3, v41  }
0x15f: {  	[tilespmem:$0x560] =	vst v61;
	v61 =	vmul.f32 v4, v34;
	v8 =	vadd.f32 v60, v18;
	v57 =	vadd.f32 v1, v58  }
0x160: {  	[tilespmem:$0x590] =	vst v63;
	v63 =	vld [tilespmem:$0x1F4C0];
	v58 =	vadd.f32 v0, v6;
	v1 =	vadd.f32 v5, v23  }
0x161: {  	v60 =	vmul.f32 v3, v39;
	v0 =	vadd.f32 v8, v22;
	v8 =	vadd.f32 v61, v17;
	v61 =	vld [tilespmem:$0x1F4E0];
	_ =	sdelay $0x1  }
0x162: {  	[tilespmem:$0x580] =	vst v59;
	v59 =	vadd.f32 v1, v60;
	v60 =	vld [tilespmem:$0x1F4D0]  }
0x163: {  	[tilespmem:$0x570] =	vst v62  }
0x164: {  	v4 =	vmul.f32 v4, v31;
	[tilespmem:$0x5A0] =	vst v63;
	v63 =	vld [tilespmem:$0x1F4F0]  }
0x165: {  	v62 =	vmul.f32 v3, v36;
	v2 =	vperm.xlane v49, v9;
	[tilespmem:$0x5C0] =	vst v61;
	v61 =	vld [tilespmem:$0x1F500];
	_ =	sdelay $0x1  }
0x166: {  	v6 =	vmul.f32 v2, v44;
	[tilespmem:$0x5B0] =	vst v60;
	v60 =	vadd.f32 v0, v62;
	v0 =	vadd.f32 v4, v16  }
0x167: {  	v1 =	vadd.f32 v8, v21;
	v62 =	vmul.f32 v3, v33  }
0x168: {  	v8 =	vld [tilespmem:$0x1F520];
	[tilespmem:$0x5D0] =	vst v63;
	v3 =	vmul.f32 v3, v30;
	v63 =	vadd.f32 v6, v27;
	v0 =	vadd.f32 v0, v19  }
0x169: {  	v5 =	vmul.f32 v2, v47;
	[tilespmem:$0x5E0] =	vst v61;
	v61 =	vadd.f32 v1, v62;
	v62 =	vld [tilespmem:$0x1F510]  }
0x16a: {  	v4 =	vperm.xlane v48, v9;
	v9 =	vadd.f32 v0, v3;
	v0 =	vadd.f32 v63, v32;
	v63 =	vld [tilespmem:$0x1F540]  }
0x16b: {  	v1 =	vadd.f32 v5, v29;
	v5 =	vmul.f32 v2, v42;
	_ =	sdelay $0x1  }
0x16c: {  	[tilespmem:$0x600] =	vst v8;
	v3 =	vmul.f32 v4, v46;
	v1 =	vadd.f32 v1, v35;
	v8 =	vadd.f32 v5, v25  }
0x16d: {  	[tilespmem:$0x5F0] =	vst v62;
	v62 =	vld [tilespmem:$0x1F530]  }
0x16e: {  	[tilespmem:$0x620] =	vst v63;
	v63 =	vadd.f32 v1, v3;
	v1 =	vadd.f32 v8, v28;
	v8 =	vld [tilespmem:$0x1F580];
	_ =	sdelay $0x3  }
0x16f: {  	[tilespmem:$0x610] =	vst v62;
	v62 =	vld [tilespmem:$0x1F550]  }
0x170: {  	[tilespmem:$0x660] =	vst v8;
	v8 =	vld [tilespmem:$0x1F590];
	_ =	sdelay $0x1  }
0x171: {  	v6 =	vmul.f32 v4, v45;
	_ =	sdelay $0x1  }
0x172: {  	[tilespmem:$0x630] =	vst v62;
	v62 =	vadd.f32 v0, v6;
	v6 =	vld [tilespmem:$0x1F570]  }
0x173: {  	v7 =	vmul.f32 v2, v40;
	[tilespmem:$0x670] =	vst v8;
	v8 =	vld [tilespmem:$0x1F5D0];
	_ =	sdelay $0x1  }
0x174: {  	v0 =	vadd.f32 v7, v24;
	v7 =	vld [tilespmem:$0x1F560];
	_ =	sdelay $0x1  }
0x175: {  	v3 =	vmul.f32 v4, v43;
	v0 =	vadd.f32 v0, v26;
	[tilespmem:$0x650] =	vst v6;
	v6 =	vmul.f32 v4, v41  }
0x176: {  	[tilespmem:$0x6B0] =	vst v8;
	v8 =	vld [tilespmem:$0x1F5E0]  }
0x177: {  	v5 =	vmul.f32 v2, v38;
	v1 =	vadd.f32 v1, v3;
	v0 =	vadd.f32 v0, v6;
	v6 =	vld [tilespmem:$0x1F5B0]  }
0x178: {  	[tilespmem:$0x640] =	vst v7;
	v7 =	vmul.f32 v2, v37  }
0x179: {  	[tilespmem:$0x1FC10] =	vst v1;
	v1 =	vadd.f32 v5, v20  }
0x17a: {  	[tilespmem:$0x1FC20] =	vst v0;
	v0 =	vadd.f32 v7, v18  }
0x17b: {  	v3 =	vmul.f32 v4, v39;
	v1 =	vadd.f32 v1, v23;
	[tilespmem:$0x6C0] =	vst v8  }
0x17c: {  	v0 =	vadd.f32 v0, v22;
	v8 =	vld [tilespmem:$0x1F620];
	[tilespmem:$0x690] =	vst v6;
	v6 =	vmul.f32 v4, v36  }
0x17d: {  	v5 =	vmul.f32 v2, v34;
	v1 =	vadd.f32 v1, v3  }
0x17e: {  	v0 =	vadd.f32 v0, v6  }
0x17f: {  	[tilespmem:$0x1FC30] =	vst v1;
	v1 =	vadd.f32 v5, v17;
	v2 =	vmul.f32 v2, v31;
	v7 =	vld [tilespmem:$0x1F5A0]  }
0x180: {  	v6 =	vld [tilespmem:$0x1F5F0];
	[tilespmem:$0x1FC40] =	vst v0  }
0x181: {  	v1 =	vadd.f32 v1, v21;
	v0 =	vadd.f32 v2, v16;
	v2 =	vmul.f32 v4, v33;
	[tilespmem:$0x700] =	vst v8;
	v8 =	vld [tilespmem:$0x1F640];
	_ =	sdelay $0x1  }
0x182: {  	v3 =	vperm.xlane v49, v11;
	v1 =	vadd.f32 v1, v2;
	v2 =	vperm.xlane v48, v11;
	v11 =	vld [tilespmem:$0x1F610]  }
0x183: {  	[tilespmem:$0x680] =	vst v7;
	v7 =	vld [tilespmem:$0x1F5C0]  }
0x184: {  	[tilespmem:$0x6D0] =	vst v6  }
0x185: {  	v4 =	vmul.f32 v4, v30;
	v0 =	vadd.f32 v0, v19;
	v6 =	vmul.f32 v3, v44;
	[tilespmem:$0x720] =	vst v8;
	v8 =	vld [tilespmem:$0x1F650];
	_ =	sdelay $0x1  }
0x186: {  	v5 =	vmul.f32 v3, v47;
	[tilespmem:$0x6F0] =	vst v11;
	v11 =	vadd.f32 v0, v4;
	v0 =	vadd.f32 v6, v27;
	v6 =	vld [tilespmem:$0x1F630]  }
0x187: {  	[tilespmem:$0x6A0] =	vst v7  }
0x188: {  	v7 =	vld [tilespmem:$0x1F600];
	[tilespmem:$0x1FC50] =	vst v1;
	v1 =	vadd.f32 v5, v29  }
0x189: {  	[tilespmem:$0x730] =	vst v8;
	v8 =	vld [tilespmem:$0x1F660]  }
0x18a: {  	v1 =	vadd.f32 v1, v35  }
0x18b: {  	v4 =	vmul.f32 v2, v46;
	v0 =	vadd.f32 v0, v32;
	[tilespmem:$0x710] =	vst v6;
	v6 =	vmul.f32 v2, v45;
	_ =	sdelay $0x1  }
0x18c: {  	v5 =	vmul.f32 v3, v42;
	[tilespmem:$0x6E0] =	vst v7;
	v1 =	vadd.f32 v1, v4;
	v0 =	vadd.f32 v0, v6;
	v6 =	vld [tilespmem:$0x1F670]  }
0x18d: {  	v7 =	vmul.f32 v3, v40;
	[tilespmem:$0x740] =	vst v8;
	v8 =	vld [tilespmem:$0x1F680]  }
0x18e: {  	[tilespmem:$0x1FC60] =	vst v1;
	v1 =	vadd.f32 v5, v25  }
0x18f: {  	[tilespmem:$0x1FC70] =	vst v0;
	v0 =	vadd.f32 v7, v24  }
0x190: {  	v4 =	vmul.f32 v2, v43;
	v1 =	vadd.f32 v1, v28  }
0x191: {  	v0 =	vadd.f32 v0, v26;
	[tilespmem:$0x750] =	vst v6;
	v6 =	vmul.f32 v2, v41  }
0x192: {  	v5 =	vmul.f32 v3, v38;
	v1 =	vadd.f32 v1, v4;
	[tilespmem:$0x760] =	vst v8;
	v8 =	vld [tilespmem:$0x1F690]  }
0x193: {  	v0 =	vadd.f32 v0, v6;
	v6 =	vld [tilespmem:$0x1F6B0]  }
0x194: {  	v7 =	vmul.f32 v3, v37;
	[tilespmem:$0x1FC80] =	vst v1;
	v1 =	vadd.f32 v5, v20;
	_ =	sdelay $0x1  }
0x195: {  	v4 =	vmul.f32 v2, v39;
	v1 =	vadd.f32 v1, v23;
	[tilespmem:$0x1FC90] =	vst v0;
	v0 =	vadd.f32 v7, v18;
	v7 =	vld [tilespmem:$0x1F6C0]  }
0x196: {  	v5 =	vmul.f32 v3, v34;
	[tilespmem:$0x770] =	vst v8  }
0x197: {  	v1 =	vadd.f32 v1, v4;
	v8 =	vld [tilespmem:$0x1F6A0];
	v0 =	vadd.f32 v0, v22;
	[tilespmem:$0x790] =	vst v6;
	v6 =	vmul.f32 v2, v36;
	_ =	sdelay $0x1  }
0x198: {  	v3 =	vmul.f32 v3, v31;
	[tilespmem:$0x1FCA0] =	vst v1;
	v1 =	vadd.f32 v5, v17;
	v0 =	vadd.f32 v0, v6  }
0x199: {  	[tilespmem:$0x7A0] =	vst v7;
	v7 =	vld [tilespmem:$0x1F6E0]  }
0x19a: {  	v1 =	vadd.f32 v1, v21;
	v6 =	vld [tilespmem:$0x1F6F0];
	[tilespmem:$0x1FCB0] =	vst v0;
	v0 =	vadd.f32 v3, v16;
	v3 =	vmul.f32 v2, v33  }
0x19b: {  	[tilespmem:$0x780] =	vst v8;
	v8 =	vld [tilespmem:$0x1F6D0]  }
0x19c: {  	v4 =	vperm.xlane v49, v12;
	v1 =	vadd.f32 v1, v3;
	v3 =	vperm.xlane v48, v12;
	v12 =	vld [tilespmem:$0x1F710];
	_ =	sdelay $0x1  }
0x19d: {  	v5 =	vmul.f32 v4, v47;
	[tilespmem:$0x7C0] =	vst v7  }
0x19e: {  	v2 =	vmul.f32 v2, v30;
	v0 =	vadd.f32 v0, v19;
	[tilespmem:$0x7D0] =	vst v6;
	v6 =	vmul.f32 v4, v44;
	v7 =	vld [tilespmem:$0x1F700]  }
0x19f: {  	[tilespmem:$0x7B0] =	vst v8;
	v8 =	vadd.f32 v5, v29  }
0x1a0: {  	[tilespmem:$0x7F0] =	vst v12;
	v12 =	vadd.f32 v0, v2;
	v0 =	vadd.f32 v6, v27;
	v6 =	vld [tilespmem:$0x1F730]  }
0x1a1: {  	[tilespmem:$0x1FCC0] =	vst v1;
	v1 =	vadd.f32 v8, v35;
	v8 =	vld [tilespmem:$0x1F740];
	_ =	sdelay $0x1  }
0x1a2: {  	v2 =	vmul.f32 v3, v46;
	[tilespmem:$0x7E0] =	vst v7;
	v7 =	vld [tilespmem:$0x1F720]  }
0x1a3: {  	v5 =	vmul.f32 v4, v42  }
0x1a4: {  	v0 =	vadd.f32 v0, v32;
	v1 =	vadd.f32 v1, v2;
	[tilespmem:$0x810] =	vst v6;
	v6 =	vmul.f32 v3, v45  }
0x1a5: {  	[tilespmem:$0x820] =	vst v8;
	v8 =	vadd.f32 v5, v25;
	v5 =	vld [tilespmem:$0x1F750]  }
0x1a6: {  	[tilespmem:$0x1FCD0] =	vst v1;
	v0 =	vadd.f32 v0, v6;
	v6 =	vld [tilespmem:$0x1F770]  }
0x1a7: {  	[tilespmem:$0x800] =	vst v7;
	v7 =	vmul.f32 v4, v40;
	v1 =	vadd.f32 v8, v28;
	v8 =	vld [tilespmem:$0x1F780];
	_ =	sdelay $0x1  }
0x1a8: {  	v2 =	vmul.f32 v3, v43;
	[tilespmem:$0x1FCE0] =	vst v0;
	v0 =	vadd.f32 v7, v24;
	v7 =	vld [tilespmem:$0x1F760]  }
0x1a9: {  	[tilespmem:$0x830] =	vst v5;
	v5 =	vmul.f32 v4, v38  }
0x1aa: {  	v1 =	vadd.f32 v1, v2;
	v0 =	vadd.f32 v0, v26;
	[tilespmem:$0x850] =	vst v6;
	v6 =	vmul.f32 v3, v41  }
0x1ab: {  	[tilespmem:$0x860] =	vst v8;
	v8 =	vadd.f32 v5, v20;
	v5 =	vld [tilespmem:$0x1F790]  }
0x1ac: {  	[tilespmem:$0x1FCF0] =	vst v1;
	v0 =	vadd.f32 v0, v6;
	v6 =	vld [tilespmem:$0x1F7B0]  }
0x1ad: {  	[tilespmem:$0x840] =	vst v7;
	v7 =	vmul.f32 v4, v37;
	v1 =	vadd.f32 v8, v23;
	v8 =	vld [tilespmem:$0x1F7D0]  }
0x1ae: {  	v2 =	vmul.f32 v3, v39  }
0x1af: {  	[tilespmem:$0x1FD00] =	vst v0;
	v0 =	vadd.f32 v7, v18  }
0x1b0: {  	v1 =	vadd.f32 v1, v2;
	[tilespmem:$0x870] =	vst v5  }
0x1b1: {  	v5 =	vmul.f32 v4, v34;
	v0 =	vadd.f32 v0, v22;
	[tilespmem:$0x890] =	vst v6;
	v6 =	vmul.f32 v3, v36  }
0x1b2: {  	v2 =	vperm.xlane v49, v13;
	[tilespmem:$0x8B0] =	vst v8;
	v8 =	vld [tilespmem:$0x1F7E0]  }
0x1b3: {  	v4 =	vmul.f32 v4, v31;
	[tilespmem:$0x1FD10] =	vst v1;
	v1 =	vadd.f32 v5, v17;
	v0 =	vadd.f32 v0, v6  }
0x1b4: {  	v5 =	vmul.f32 v2, v47  }
0x1b5: {  	v7 =	vld [tilespmem:$0x1F7A0];
	v1 =	vadd.f32 v1, v21;
	[tilespmem:$0x1FD20] =	vst v0;
	v0 =	vadd.f32 v4, v16;
	v4 =	vmul.f32 v3, v33;
	_ =	sdelay $0x1  }
0x1b6: {  	[tilespmem:$0x8C0] =	vst v8;
	v8 =	vadd.f32 v5, v29;
	v1 =	vadd.f32 v1, v4;
	_ =	sdelay $0x1  }
0x1b7: {  	[tilespmem:$0x1FD30] =	vst v1;
	v1 =	vadd.f32 v8, v35;
	v8 =	vld [tilespmem:$0x1F840]  }
0x1b8: {  	[tilespmem:$0x880] =	vst v7;
	v7 =	vld [tilespmem:$0x1F7C0]  }
0x1b9: {  	v6 =	vld [tilespmem:$0x1F7F0];
	_ =	sdelay $0x1  }
0x1ba: {  	v4 =	vperm.xlane v48, v13;
	v13 =	vld [tilespmem:$0x1F810]  }
0x1bb: {  	[tilespmem:$0x920] =	vst v8;
	v8 =	vld [tilespmem:$0x1F850]  }
0x1bc: {  	[tilespmem:$0x8A0] =	vst v7  }
0x1bd: {  	v3 =	vmul.f32 v3, v30;
	v0 =	vadd.f32 v0, v19;
	[tilespmem:$0x8D0] =	vst v6;
	v6 =	vmul.f32 v2, v44;
	v7 =	vld [tilespmem:$0x1F800];
	_ =	sdelay $0x1  }
0x1be: {  	[tilespmem:$0x8F0] =	vst v13;
	v13 =	vadd.f32 v0, v3;
	v0 =	vadd.f32 v6, v27;
	v6 =	vld [tilespmem:$0x1F830]  }
0x1bf: {  	[tilespmem:$0x930] =	vst v8;
	v8 =	vld [tilespmem:$0x1F880];
	_ =	sdelay $0x1  }
0x1c0: {  	v3 =	vmul.f32 v4, v46;
	[tilespmem:$0x8E0] =	vst v7;
	v7 =	vld [tilespmem:$0x1F820];
	_ =	sdelay $0x1  }
0x1c1: {  	v0 =	vadd.f32 v0, v32;
	v1 =	vadd.f32 v1, v3;
	[tilespmem:$0x910] =	vst v6;
	v6 =	vmul.f32 v4, v45  }
0x1c2: {  	v5 =	vmul.f32 v2, v42;
	[tilespmem:$0x960] =	vst v8;
	v8 =	vld [tilespmem:$0x1F890]  }
0x1c3: {  	[tilespmem:$0x1FD40] =	vst v1;
	v0 =	vadd.f32 v0, v6;
	v6 =	vld [tilespmem:$0x1F870]  }
0x1c4: {  	v1 =	vadd.f32 v5, v25;
	[tilespmem:$0x900] =	vst v7;
	v7 =	vmul.f32 v2, v40;
	_ =	sdelay $0x1  }
0x1c5: {  	v3 =	vmul.f32 v4, v43;
	v1 =	vadd.f32 v1, v28;
	[tilespmem:$0x1FD50] =	vst v0;
	v0 =	vadd.f32 v7, v24;
	v7 =	vld [tilespmem:$0x1F860]  }
0x1c6: {  	v5 =	vmul.f32 v2, v38;
	[tilespmem:$0x970] =	vst v8;
	v8 =	vld [tilespmem:$0x1F8D0]  }
0x1c7: {  	v1 =	vadd.f32 v1, v3;
	v0 =	vadd.f32 v0, v26;
	[tilespmem:$0x950] =	vst v6;
	v6 =	vmul.f32 v4, v41;
	_ =	sdelay $0x1  }
0x1c8: {  	[tilespmem:$0x1FD60] =	vst v1;
	v1 =	vadd.f32 v5, v20;
	v0 =	vadd.f32 v0, v6;
	v6 =	vld [tilespmem:$0x1F8B0]  }
0x1c9: {  	[tilespmem:$0x940] =	vst v7;
	v7 =	vmul.f32 v2, v37  }
0x1ca: {  	v3 =	vmul.f32 v4, v39;
	v1 =	vadd.f32 v1, v23;
	[tilespmem:$0x9B0] =	vst v8;
	v8 =	vld [tilespmem:$0x1F8E0]  }
0x1cb: {  	[tilespmem:$0x1FD70] =	vst v0;
	v0 =	vadd.f32 v7, v18  }
0x1cc: {  	v1 =	vadd.f32 v1, v3  }
0x1cd: {  	v5 =	vmul.f32 v2, v34;
	v7 =	vld [tilespmem:$0x1F8A0];
	v0 =	vadd.f32 v0, v22;
	[tilespmem:$0x990] =	vst v6;
	v6 =	vmul.f32 v4, v36  }
0x1ce: {  	[tilespmem:$0x1FD80] =	vst v1  }
0x1cf: {  	v2 =	vmul.f32 v2, v31;
	v1 =	vadd.f32 v5, v17;
	v0 =	vadd.f32 v0, v6;
	[tilespmem:$0x9C0] =	vst v8;
	v8 =	vld [tilespmem:$0x1F920];
	_ =	sdelay $0x1  }
0x1d0: {  	v1 =	vadd.f32 v1, v21;
	v6 =	vld [tilespmem:$0x1F8F0];
	[tilespmem:$0x1FD90] =	vst v0;
	v0 =	vadd.f32 v2, v16;
	v2 =	vmul.f32 v4, v33  }
0x1d1: {  	[tilespmem:$0x980] =	vst v7;
	v7 =	vld [tilespmem:$0x1F8C0]  }
0x1d2: {  	v3 =	vperm.xlane v49, v14;
	v1 =	vadd.f32 v1, v2;
	v2 =	vperm.xlane v48, v14;
	v14 =	vld [tilespmem:$0x1F910]  }
0x1d3: {  	[tilespmem:$0xA00] =	vst v8;
	v8 =	vld [tilespmem:$0x1F940];
	_ =	sdelay $0x1  }
0x1d4: {  	v4 =	vmul.f32 v4, v30;
	v0 =	vadd.f32 v0, v19;
	[tilespmem:$0x9D0] =	vst v6;
	v6 =	vmul.f32 v3, v44  }
0x1d5: {  	[tilespmem:$0x9A0] =	vst v7  }
0x1d6: {  	v5 =	vmul.f32 v3, v47;
	[tilespmem:$0x9F0] =	vst v14;
	v14 =	vadd.f32 v0, v4;
	v0 =	vadd.f32 v6, v27;
	v6 =	vld [tilespmem:$0x1F930]  }
0x1d7: {  	[tilespmem:$0xA20] =	vst v8;
	v8 =	vld [tilespmem:$0x1F950]  }
0x1d8: {  	v7 =	vld [tilespmem:$0x1F900];
	[tilespmem:$0x1FDA0] =	vst v1;
	v1 =	vadd.f32 v5, v29;
	_ =	sdelay $0x1  }
0x1d9: {  	v1 =	vadd.f32 v1, v35;
	v4 =	vmul.f32 v2, v46  }
0x1da: {  	v0 =	vadd.f32 v0, v32;
	[tilespmem:$0xA10] =	vst v6;
	v6 =	vmul.f32 v2, v45  }
0x1db: {  	v5 =	vmul.f32 v3, v42;
	v1 =	vadd.f32 v1, v4;
	[tilespmem:$0xA30] =	vst v8;
	v8 =	vld [tilespmem:$0x1F960]  }
0x1dc: {  	[tilespmem:$0x9E0] =	vst v7;
	v0 =	vadd.f32 v0, v6;
	v6 =	vld [tilespmem:$0x1F970]  }
0x1dd: {  	v7 =	vmul.f32 v3, v40;
	[tilespmem:$0x1FDB0] =	vst v1;
	v1 =	vadd.f32 v5, v25;
	_ =	sdelay $0x1  }
0x1de: {  	v4 =	vmul.f32 v2, v43;
	v1 =	vadd.f32 v1, v28;
	[tilespmem:$0x1FDC0] =	vst v0;
	v0 =	vadd.f32 v7, v24  }
0x1df: {  	v5 =	vmul.f32 v3, v38;
	[tilespmem:$0xA40] =	vst v8;
	v8 =	vld [tilespmem:$0x1F980]  }
0x1e0: {  	v1 =	vadd.f32 v1, v4;
	v0 =	vadd.f32 v0, v26;
	[tilespmem:$0xA50] =	vst v6;
	v6 =	vmul.f32 v2, v41;
	_ =	sdelay $0x1  }
0x1e1: {  	[tilespmem:$0x1FDD0] =	vst v1;
	v1 =	vadd.f32 v5, v20;
	v0 =	vadd.f32 v0, v6;
	v6 =	vld [tilespmem:$0x1F9B0]  }
0x1e2: {  	v7 =	vmul.f32 v3, v37  }
0x1e3: {  	v4 =	vmul.f32 v2, v39;
	v1 =	vadd.f32 v1, v23;
	[tilespmem:$0xA60] =	vst v8;
	v8 =	vld [tilespmem:$0x1F990]  }
0x1e4: {  	[tilespmem:$0x1FDE0] =	vst v0;
	v0 =	vadd.f32 v7, v18;
	v7 =	vld [tilespmem:$0x1F9C0]  }
0x1e5: {  	v1 =	vadd.f32 v1, v4  }
0x1e6: {  	v5 =	vmul.f32 v3, v34;
	v0 =	vadd.f32 v0, v22;
	[tilespmem:$0xA90] =	vst v6;
	v6 =	vmul.f32 v2, v36  }
0x1e7: {  	[tilespmem:$0x1FDF0] =	vst v1  }
0x1e8: {  	v3 =	vmul.f32 v3, v31;
	v1 =	vadd.f32 v5, v17;
	v0 =	vadd.f32 v0, v6;
	[tilespmem:$0xA70] =	vst v8;
	v8 =	vld [tilespmem:$0x1F9A0]  }
0x1e9: {  	[tilespmem:$0xAA0] =	vst v7;
	v7 =	vld [tilespmem:$0x1F9E0]  }
0x1ea: {  	v1 =	vadd.f32 v1, v21;
	v6 =	vld [tilespmem:$0x1F9F0];
	[tilespmem:$0x1FE00] =	vst v0;
	v0 =	vadd.f32 v3, v16;
	v3 =	vmul.f32 v2, v33;
	_ =	sdelay $0x1  }
0x1eb: {  	v4 =	vperm.xlane v49, v15;
	v1 =	vadd.f32 v1, v3;
	v3 =	vperm.xlane v48, v15;
	v15 =	vld [tilespmem:$0x1FA10]  }
0x1ec: {  	[tilespmem:$0xA80] =	vst v8;
	v8 =	vld [tilespmem:$0x1F9D0]  }
0x1ed: {  	[tilespmem:$0xAC0] =	vst v7;
	v7 =	vld [tilespmem:$0x1FA00]  }
0x1ee: {  	v2 =	vmul.f32 v2, v30;
	v0 =	vadd.f32 v0, v19;
	[tilespmem:$0xAD0] =	vst v6;
	v6 =	vmul.f32 v4, v44  }
0x1ef: {  	v5 =	vmul.f32 v4, v47  }
0x1f0: {  	[tilespmem:$0xAF0] =	vst v15;
	v15 =	vadd.f32 v0, v2;
	v0 =	vadd.f32 v6, v27;
	v6 =	vld [tilespmem:$0x1FA30]  }
0x1f1: {  	[tilespmem:$0xAB0] =	vst v8;
	v8 =	vadd.f32 v5, v29  }
0x1f2: {  	[tilespmem:$0xAE0] =	vst v7;
	v7 =	vld [tilespmem:$0x1FA20]  }
0x1f3: {  	[tilespmem:$0x1FE10] =	vst v1;
	v1 =	vadd.f32 v8, v35;
	v8 =	vld [tilespmem:$0x1FA40];
	_ =	sdelay $0x1  }
0x1f4: {  	v0 =	vadd.f32 v0, v32;
	[tilespmem:$0xB10] =	vst v6;
	v6 =	vmul.f32 v3, v45  }
0x1f5: {  	v2 =	vmul.f32 v3, v46;
	v5 =	vmul.f32 v4, v42  }
0x1f6: {  	[tilespmem:$0xB00] =	vst v7;
	v7 =	vmul.f32 v4, v40;
	v0 =	vadd.f32 v0, v6;
	v6 =	vld [tilespmem:$0x1FA70]  }
0x1f7: {  	v1 =	vadd.f32 v1, v2;
	[tilespmem:$0xB20] =	vst v8;
	v8 =	vadd.f32 v5, v25;
	v5 =	vld [tilespmem:$0x1FA50]  }
0x1f8: {  	[tilespmem:$0x1FE30] =	vst v0;
	v0 =	vadd.f32 v7, v24;
	v7 =	vld [tilespmem:$0x1FA60]  }
0x1f9: {  	[tilespmem:$0x1FE20] =	vst v1;
	v1 =	vadd.f32 v8, v28;
	v8 =	vld [tilespmem:$0x1FA80]  }
0x1fa: {  	[tilespmem:$0xCF0] =	vst v10  }
0x1fb: {  	v0 =	vadd.f32 v0, v26;
	[tilespmem:$0xB50] =	vst v6;
	v6 =	vmul.f32 v3, v41  }
0x1fc: {  	[tilespmem:$0xB30] =	vst v5;
	v5 =	vmul.f32 v4, v38  }
0x1fd: {  	v2 =	vmul.f32 v3, v43;
	[tilespmem:$0xB40] =	vst v7;
	v7 =	vmul.f32 v4, v37;
	v0 =	vadd.f32 v0, v6;
	v6 =	vld [tilespmem:$0x1FAB0]  }
0x1fe: {  	[tilespmem:$0xB60] =	vst v8;
	v8 =	vadd.f32 v5, v20;
	v5 =	vld [tilespmem:$0x1FA90]  }
0x1ff: {  	[tilespmem:$0x1FE50] =	vst v0;
	v0 =	vadd.f32 v7, v18;
	v7 =	vld [tilespmem:$0x1FAA0];
	v1 =	vadd.f32 v1, v2  }
0x200: {  	[tilespmem:$0xD00] =	vst v56  }
0x201: {  	v2 =	vmul.f32 v3, v39;
	[tilespmem:$0x1FE40] =	vst v1;
	v1 =	vadd.f32 v8, v23  }
0x202: {  	v0 =	vadd.f32 v0, v22;
	[tilespmem:$0xB90] =	vst v6  }
0x203: {  	v6 =	vmul.f32 v3, v36;
	v1 =	vadd.f32 v1, v2;
	[tilespmem:$0xB70] =	vst v5;
	v5 =	vmul.f32 v4, v34  }
0x204: {  	[tilespmem:$0xB80] =	vst v7  }
0x205: {  	v7 =	vld [tilespmem:$0x1FAC0];
	v0 =	vadd.f32 v0, v6;
	v4 =	vmul.f32 v4, v31;
	[tilespmem:$0x1FE60] =	vst v1;
	v1 =	vadd.f32 v5, v17  }
0x206: {  	[tilespmem:$0xD10] =	vst v55;
	v8 =	vld [tilespmem:$0x1FAD0]  }
0x207: {  	v6 =	vld [tilespmem:$0x1FAF0];
	[tilespmem:$0x1FE70] =	vst v0;
	v0 =	vadd.f32 v4, v16;
	v4 =	vmul.f32 v3, v33;
	v1 =	vadd.f32 v1, v21  }
0x208: {  	[tilespmem:$0xD20] =	vst v57  }
0x209: {  	[tilespmem:$0xD30] =	vst v58;
	v2 =	vperm.xlane v49, v50;
	v1 =	vadd.f32 v1, v4;
	v4 =	vperm.xlane v48, v50;
	v50 =	vld [tilespmem:$0x1FB10]  }
0x20a: {  	[tilespmem:$0xBA0] =	vst v7  }
0x20b: {  	[tilespmem:$0xBB0] =	vst v8;
	v8 =	vld [tilespmem:$0x1FAE0]  }
0x20c: {  	[tilespmem:$0xBD0] =	vst v6;
	v7 =	vld [tilespmem:$0x1FB00];
	v6 =	vmul.f32 v2, v44;
	v3 =	vmul.f32 v3, v30;
	v0 =	vadd.f32 v0, v19  }
0x20d: {  	[tilespmem:$0xD40] =	vst v59  }
0x20e: {  	v5 =	vmul.f32 v2, v47;
	[tilespmem:$0xBF0] =	vst v50;
	v50 =	vadd.f32 v0, v3;
	v0 =	vadd.f32 v6, v27;
	v6 =	vld [tilespmem:$0x1FB30]  }
0x20f: {  	[tilespmem:$0xD50] =	vst v60  }
0x210: {  	[tilespmem:$0xBC0] =	vst v8;
	v8 =	vadd.f32 v5, v29  }
0x211: {  	[tilespmem:$0xBE0] =	vst v7;
	v7 =	vld [tilespmem:$0x1FB20]  }
0x212: {  	[tilespmem:$0x1FE80] =	vst v1;
	v1 =	vadd.f32 v8, v35;
	v8 =	vld [tilespmem:$0x1FB40]  }
0x213: {  	v0 =	vadd.f32 v0, v32;
	[tilespmem:$0xC10] =	vst v6;
	v6 =	vmul.f32 v4, v45  }
0x214: {  	[tilespmem:$0xD60] =	vst v61  }
0x215: {  	[tilespmem:$0xD70] =	vst v9;
	v3 =	vmul.f32 v4, v46;
	v0 =	vadd.f32 v0, v6;
	v6 =	vld [tilespmem:$0x1FB70]  }
0x216: {  	[tilespmem:$0xC00] =	vst v7;
	v7 =	vmul.f32 v2, v40  }
0x217: {  	v1 =	vadd.f32 v1, v3;
	[tilespmem:$0xC20] =	vst v8  }
0x218: {  	v5 =	vmul.f32 v2, v42;
	[tilespmem:$0x1FEA0] =	vst v0;
	v0 =	vadd.f32 v7, v24;
	v7 =	vld [tilespmem:$0x1FB60]  }
0x219: {  	v8 =	vld [tilespmem:$0x1FB50];
	[tilespmem:$0x1FE90] =	vst v1  }
0x21a: {  	v1 =	vadd.f32 v5, v25;
	v0 =	vadd.f32 v0, v26;
	[tilespmem:$0xC50] =	vst v6;
	v6 =	vmul.f32 v4, v41  }
0x21b: {  	[tilespmem:$0xD90] =	vst v62  }
0x21c: {  	[tilespmem:$0xE70] =	vst v12;
	v3 =	vmul.f32 v4, v43;
	v1 =	vadd.f32 v1, v28;
	v0 =	vadd.f32 v0, v6;
	v6 =	vld [tilespmem:$0x1FBB0]  }
0x21d: {  	[tilespmem:$0xC40] =	vst v7;
	v7 =	vmul.f32 v2, v37  }
0x21e: {  	v62 =	vld [tilespmem:$0x1FC40];
	[tilespmem:$0xC30] =	vst v8;
	v1 =	vadd.f32 v1, v3  }
0x21f: {  	v5 =	vmul.f32 v2, v38;
	[tilespmem:$0x1FEC0] =	vst v0;
	v0 =	vadd.f32 v7, v18;
	v7 =	vld [tilespmem:$0x1FBA0]  }
0x220: {  	v8 =	vld [tilespmem:$0x1FB80];
	[tilespmem:$0x1FEB0] =	vst v1  }
0x221: {  	v12 =	vld [tilespmem:$0x1FCE0];
	v1 =	vadd.f32 v5, v20;
	v0 =	vadd.f32 v0, v22;
	[tilespmem:$0xC90] =	vst v6;
	v6 =	vmul.f32 v4, v36  }
0x222: {  	[tilespmem:$0xD80] =	vst v63  }
0x223: {  	[tilespmem:$0xDD0] =	vst v62;
	v3 =	vmul.f32 v4, v39;
	v1 =	vadd.f32 v1, v23;
	v0 =	vadd.f32 v0, v6;
	v6 =	vld [tilespmem:$0x1FBE0]  }
0x224: {  	[tilespmem:$0xC80] =	vst v7;
	v7 =	vld [tilespmem:$0x1FBC0]  }
0x225: {  	[tilespmem:$0xC60] =	vst v8;
	v8 =	vld [tilespmem:$0x1FB90];
	v1 =	vadd.f32 v1, v3  }
0x226: {  	[tilespmem:$0xE90] =	vst v12  }
0x227: {  	[tilespmem:$0x1FED0] =	vst v1  }
0x228: {  	v5 =	vmul.f32 v2, v34;
	[tilespmem:$0xCC0] =	vst v6;
	v6 =	vld [tilespmem:$0x1FBF0]  }
0x229: {  	v2 =	vmul.f32 v2, v31;
	[tilespmem:$0xCA0] =	vst v7;
	v7 =	vld [tilespmem:$0x1FC00]  }
0x22a: {  	v3 =	vperm.xlane v49, v51;
	v1 =	vadd.f32 v5, v17;
	[tilespmem:$0xC70] =	vst v8;
	v8 =	vld [tilespmem:$0x1FBD0]  }
0x22b: {  	[tilespmem:$0x1FEE0] =	vst v0;
	v0 =	vadd.f32 v2, v16  }
0x22c: {  	[tilespmem:$0xF70] =	vst v14;
	v5 =	vmul.f32 v3, v47;
	v1 =	vadd.f32 v1, v21;
	v2 =	vmul.f32 v4, v33  }
0x22d: {  	v14 =	vld [tilespmem:$0x1FDD0];
	v4 =	vmul.f32 v4, v30;
	v0 =	vadd.f32 v0, v19;
	[tilespmem:$0xCD0] =	vst v6;
	v6 =	vmul.f32 v3, v44  }
0x22e: {  	v1 =	vadd.f32 v1, v2;
	v2 =	vperm.xlane v48, v51;
	[tilespmem:$0xCE0] =	vst v7;
	v7 =	vadd.f32 v5, v29  }
0x22f: {  	[tilespmem:$0xCB0] =	vst v8;
	v51 =	vmul.f32 v3, v42;
	v8 =	vadd.f32 v6, v27  }
0x230: {  	v12 =	vld [tilespmem:$0x1FD40];
	[tilespmem:$0x1FEF0] =	vst v1;
	v10 =	vadd.f32 v0, v4;
	v4 =	vmul.f32 v2, v46;
	v1 =	vadd.f32 v7, v35  }
0x231: {  	[tilespmem:$0xDF0] =	vst v11;
	v0 =	vadd.f32 v8, v32  }
0x232: {  	[tilespmem:$0xFA0] =	vst v14;
	v14 =	vld [tilespmem:$0x1FE10];
	v55 =	vmul.f32 v2, v45;
	v1 =	vadd.f32 v1, v4;
	v8 =	vadd.f32 v51, v25  }
0x233: {  	[tilespmem:$0xEF0] =	vst v13;
	v56 =	vmul.f32 v3, v40;
	v4 =	vperm.xlane v49, v52  }
0x234: {  	[tilespmem:$0x1FF00] =	vst v1;
	v0 =	vadd.f32 v0, v55;
	v1 =	vadd.f32 v8, v28;
	v55 =	vmul.f32 v2, v43  }
0x235: {  	[tilespmem:$0xF00] =	vst v12;
	v51 =	vadd.f32 v56, v24;
	v56 =	vmul.f32 v3, v38;
	v62 =	vmul.f32 v4, v40;
	v8 =	vld [tilespmem:$0x1FC90]  }
0x236: {  	[tilespmem:$0xFF0] =	vst v15;
	v58 =	vmul.f32 v3, v37;
	v1 =	vadd.f32 v1, v55;
	v55 =	vld [tilespmem:$0x1FC10]  }
0x237: {  	[tilespmem:$0xFE0] =	vst v14;
	v59 =	vadd.f32 v56, v20;
	v11 =	vadd.f32 v62, v24;
	v62 =	vld [tilespmem:$0x1FCD0]  }
0x238: {  	v60 =	vadd.f32 v58, v18;
	v57 =	vmul.f32 v2, v41;
	[tilespmem:$0x1FF10] =	vst v0;
	v0 =	vadd.f32 v51, v26  }
0x239: {  	v63 =	vmul.f32 v3, v34;
	v61 =	vmul.f32 v2, v39;
	[tilespmem:$0x1FF20] =	vst v1;
	v1 =	vadd.f32 v59, v23  }
0x23a: {  	v51 =	vmul.f32 v2, v36;
	v9 =	vadd.f32 v0, v57;
	v0 =	vadd.f32 v60, v22;
	v57 =	vld [tilespmem:$0x1FC20];
	[tilespmem:$0xE30] =	vst v8  }
0x23b: {  	v3 =	vmul.f32 v3, v31;
	v59 =	vld [tilespmem:$0x1FC30];
	v1 =	vadd.f32 v1, v61;
	[tilespmem:$0xDA0] =	vst v55  }
0x23c: {  	v56 =	vadd.f32 v63, v17;
	v0 =	vadd.f32 v0, v51;
	v51 =	vld [tilespmem:$0x1FC50];
	[tilespmem:$0xE80] =	vst v62  }
0x23d: {  	v58 =	vadd.f32 v3, v16;
	v63 =	vmul.f32 v4, v44;
	[tilespmem:$0x1FF30] =	vst v1  }
0x23e: {  	v60 =	vmul.f32 v2, v33;
	v2 =	vmul.f32 v2, v30;
	[tilespmem:$0x1FF40] =	vst v0;
	v1 =	vadd.f32 v56, v21  }
0x23f: {  	v61 =	vmul.f32 v4, v47;
	v0 =	vadd.f32 v58, v19;
	v56 =	vadd.f32 v63, v27;
	v63 =	vld [tilespmem:$0x1FC80];
	[tilespmem:$0xDB0] =	vst v57  }
0x240: {  	[tilespmem:$0xDC0] =	vst v59;
	v57 =	vld [tilespmem:$0x1FC60];
	v1 =	vadd.f32 v1, v60  }
0x241: {  	v3 =	vperm.xlane v48, v52;
	v55 =	vadd.f32 v61, v29;
	v0 =	vadd.f32 v0, v2;
	v60 =	vld [tilespmem:$0x1FC70];
	[tilespmem:$0xDE0] =	vst v51  }
0x242: {  	[tilespmem:$0x1FF50] =	vst v1  }
0x243: {  	v58 =	vmul.f32 v3, v46;
	[tilespmem:$0x1FF60] =	vst v0;
	v1 =	vadd.f32 v55, v35  }
0x244: {  	v61 =	vmul.f32 v3, v45;
	v59 =	vmul.f32 v4, v42;
	v51 =	vld [tilespmem:$0x1FCA0];
	v0 =	vadd.f32 v56, v32;
	[tilespmem:$0xE20] =	vst v63  }
0x245: {  	v56 =	vld [tilespmem:$0x1FCB0];
	[tilespmem:$0xE00] =	vst v57;
	v1 =	vadd.f32 v1, v58  }
0x246: {  	v5 =	vadd.f32 v59, v25;
	v59 =	vld [tilespmem:$0x1FCC0];
	v0 =	vadd.f32 v0, v61;
	[tilespmem:$0xE10] =	vst v60  }
0x247: {  	v58 =	vmul.f32 v4, v37;
	[tilespmem:$0x1FF70] =	vst v1  }
0x248: {  	v52 =	vmul.f32 v3, v43;
	v55 =	vmul.f32 v4, v38;
	[tilespmem:$0x1FF80] =	vst v0;
	v1 =	vadd.f32 v5, v28  }
0x249: {  	v57 =	vmul.f32 v3, v41;
	[tilespmem:$0xE40] =	vst v51;
	v0 =	vadd.f32 v11, v26;
	v61 =	vadd.f32 v58, v18;
	v58 =	vld [tilespmem:$0x1FD10]  }
0x24a: {  	v60 =	vadd.f32 v55, v20;
	[tilespmem:$0xE50] =	vst v56;
	v56 =	vld [tilespmem:$0x1FD00];
	v1 =	vadd.f32 v1, v52  }
0x24b: {  	v2 =	vperm.xlane v49, v53;
	[tilespmem:$0xE60] =	vst v59;
	v0 =	vadd.f32 v0, v57  }
0x24c: {  	v63 =	vmul.f32 v3, v39;
	v11 =	vmul.f32 v4, v34;
	[tilespmem:$0x1FF90] =	vst v1;
	v1 =	vadd.f32 v60, v23  }
0x24d: {  	v4 =	vmul.f32 v4, v31;
	v51 =	vmul.f32 v3, v36;
	v52 =	vld [tilespmem:$0x1FCF0];
	[tilespmem:$0x1FFA0] =	vst v0;
	v0 =	vadd.f32 v61, v22  }
0x24e: {  	v55 =	vadd.f32 v11, v17;
	v61 =	vld [tilespmem:$0x1FD20];
	[tilespmem:$0xEC0] =	vst v58;
	v1 =	vadd.f32 v1, v63  }
0x24f: {  	v62 =	vmul.f32 v2, v44;
	v57 =	vadd.f32 v4, v16;
	[tilespmem:$0xEB0] =	vst v56;
	v0 =	vadd.f32 v0, v51  }
0x250: {  	v59 =	vmul.f32 v3, v33;
	v3 =	vmul.f32 v3, v30;
	[tilespmem:$0x1FFB0] =	vst v1;
	v1 =	vadd.f32 v55, v21  }
0x251: {  	v4 =	vperm.xlane v48, v53;
	v60 =	vmul.f32 v2, v47;
	v58 =	vld [tilespmem:$0x1FD70];
	[tilespmem:$0x1FFC0] =	vst v0;
	v0 =	vadd.f32 v57, v19  }
0x252: {  	v12 =	vmul.f32 v2, v38;
	v11 =	vadd.f32 v62, v27;
	[tilespmem:$0xEA0] =	vst v52;
	v52 =	vld [tilespmem:$0x1FD50];
	v1 =	vadd.f32 v1, v59  }
0x253: {  	v13 =	vmul.f32 v4, v46;
	v63 =	vld [tilespmem:$0x1FD30];
	v8 =	vadd.f32 v60, v29;
	[tilespmem:$0xED0] =	vst v61;
	v0 =	vadd.f32 v0, v3  }
0x254: {  	v51 =	vmul.f32 v2, v42;
	v56 =	vld [tilespmem:$0x1FD60];
	v55 =	vmul.f32 v2, v40;
	[tilespmem:$0x1FFD0] =	vst v1  }
0x255: {  	v53 =	vmul.f32 v4, v45;
	v60 =	vld [tilespmem:$0x1FD80];
	[tilespmem:$0x1FFE0] =	vst v0;
	v1 =	vadd.f32 v8, v35;
	v0 =	vadd.f32 v11, v32  }
0x256: {  	v57 =	vadd.f32 v51, v25;
	v51 =	vmul.f32 v4, v41;
	[tilespmem:$0xF30] =	vst v58;
	v59 =	vadd.f32 v55, v24  }
0x257: {  	[tilespmem:$0xF10] =	vst v52;
	v52 =	vmul.f32 v2, v37;
	v61 =	vadd.f32 v1, v13;
	v62 =	vadd.f32 v0, v53;
	v53 =	vld [tilespmem:$0x1FDA0]  }
0x258: {  	[tilespmem:$0xEE0] =	vst v63;
	v63 =	vmul.f32 v4, v43;
	v1 =	vadd.f32 v57, v28;
	v13 =	vld [tilespmem:$0x1FD90];
	v0 =	vadd.f32 v59, v26  }
0x259: {  	v55 =	vadd.f32 v12, v20;
	v58 =	vmul.f32 v4, v39;
	[tilespmem:$0xF20] =	vst v56;
	v11 =	vld [tilespmem:$0x1FDC0];
	v56 =	vadd.f32 v52, v18  }
0x25a: {  	[tilespmem:$0xF40] =	vst v60;
	v57 =	vld [tilespmem:$0x1FDB0];
	v60 =	vadd.f32 v1, v63;
	v59 =	vadd.f32 v0, v51;
	v63 =	vmul.f32 v2, v34  }
0x25b: {  	[tilespmem:$0x1070] =	vst v50;
	v52 =	vld [tilespmem:$0x1FDE0];
	v1 =	vadd.f32 v55, v23;
	v12 =	vadd.f32 v56, v22;
	v0 =	vperm.xlane v49, v54  }
0x25c: {  	v2 =	vmul.f32 v2, v31;
	v56 =	vmul.f32 v4, v33;
	v51 =	vadd.f32 v63, v17;
	[tilespmem:$0xF60] =	vst v53;
	v53 =	vld [tilespmem:$0x1FDF0]  }
0x25d: {  	v50 =	vld [tilespmem:$0x1FE90];
	v58 =	vadd.f32 v1, v58;
	v63 =	vmul.f32 v0, v47;
	[tilespmem:$0xF50] =	vst v13;
	v13 =	vmul.f32 v4, v36  }
0x25e: {  	[tilespmem:$0xF90] =	vst v11;
	v11 =	vld [tilespmem:$0x1FE00];
	v2 =	vadd.f32 v2, v16;
	v1 =	vperm.xlane v48, v54;
	v55 =	vadd.f32 v51, v21  }
0x25f: {  	v54 =	vld [tilespmem:$0x1FE30];
	[tilespmem:$0xF80] =	vst v57;
	v51 =	vadd.f32 v63, v29;
	v57 =	vadd.f32 v12, v13;
	v13 =	vmul.f32 v0, v44  }
0x260: {  	v15 =	vmul.f32 v0, v42;
	[tilespmem:$0xFB0] =	vst v52;
	v4 =	vmul.f32 v4, v30;
	v52 =	vld [tilespmem:$0x1FE20];
	v12 =	vadd.f32 v2, v19  }
0x261: {  	v14 =	vmul.f32 v1, v46;
	v2 =	vadd.f32 v13, v27;
	v13 =	vld [tilespmem:$0x1FE40];
	[tilespmem:$0xFC0] =	vst v53;
	v53 =	vadd.f32 v51, v35  }
0x262: {  	[tilespmem:$0x1080] =	vst v50;
	v56 =	vadd.f32 v55, v56;
	v55 =	vadd.f32 v12, v4;
	v51 =	vld [tilespmem:$0x1FE60]  }
0x263: {  	[tilespmem:$0xFD0] =	vst v11;
	v12 =	vmul.f32 v0, v40;
	v53 =	vadd.f32 v53, v14;
	v14 =	vadd.f32 v15, v25;
	v15 =	vld [tilespmem:$0x1FE50]  }
0x264: {  	v63 =	vmul.f32 v1, v45;
	[tilespmem:$0x1010] =	vst v54;
	v3 =	vadd.f32 v2, v32  }
0x265: {  	[tilespmem:$0x1000] =	vst v52;
	v52 =	vmul.f32 v1, v43;
	v2 =	vadd.f32 v12, v24  }
0x266: {  	v54 =	vadd.f32 v3, v63;
	v63 =	vmul.f32 v0, v38;
	[tilespmem:$0x1020] =	vst v13;
	v5 =	vadd.f32 v14, v28  }
0x267: {  	v50 =	vld [tilespmem:$0x1FEB0];
	v12 =	vmul.f32 v1, v41;
	v11 =	vadd.f32 v2, v26;
	v13 =	vmul.f32 v0, v37;
	[tilespmem:$0x1040] =	vst v51  }
0x268: {  	v51 =	vadd.f32 v5, v52;
	[tilespmem:$0x1030] =	vst v15;
	v15 =	vadd.f32 v63, v20  }
0x269: {  	v52 =	vadd.f32 v11, v12;
	v3 =	vadd.f32 v13, v18  }
0x26a: {  	v12 =	vmul.f32 v1, v39;
	v13 =	vmul.f32 v0, v34;
	v63 =	vadd.f32 v15, v23  }
0x26b: {  	v11 =	vld [tilespmem:$0x1FEC0]  }
0x26c: {  	[tilespmem:$0x10A0] =	vst v50;
	v50 =	vadd.f32 v63, v12;
	v63 =	vadd.f32 v13, v17  }
0x26d: {  	v6 =	vimm.s32 $0xC  }
0x26e: {  	v8 =	vperm.xlane v49, v6;
	v2 =	vmul.f32 v0, v31;
	v13 =	vadd.f32 v63, v21;
	v63 =	vld [tilespmem:$0x1FEE0]  }
0x26f: {  	v14 =	vld [tilespmem:$0x1FE80]  }
0x270: {  	v2 =	vadd.f32 v2, v16;
	[tilespmem:$0x10B0] =	vst v11;
	v11 =	vmul.f32 v8, v44  }
0x271: {  	v0 =	vmul.f32 v8, v47  }
0x272: {  	v4 =	vadd.f32 v2, v19;
	v2 =	vadd.f32 v11, v27;
	v11 =	vld [tilespmem:$0x1FF10]  }
0x273: {  	v5 =	vperm.xlane v48, v6;
	v0 =	vadd.f32 v0, v29;
	[tilespmem:$0x10D0] =	vst v63;
	v63 =	vld [tilespmem:$0x1FEF0]  }
0x274: {  	[tilespmem:$0x1060] =	vst v14;
	v14 =	vld [tilespmem:$0x1FEA0]  }
0x275: {  	[tilespmem:$0x10F0] =	vst v10;
	v10 =	vmul.f32 v5, v46;
	v6 =	vadd.f32 v0, v35  }
0x276: {  	v12 =	vld [tilespmem:$0x1FED0]  }
0x277: {  	[tilespmem:$0x1110] =	vst v11;
	v11 =	vadd.f32 v6, v10;
	v10 =	vld [tilespmem:$0x1FF30]  }
0x278: {  	v15 =	vmul.f32 v1, v36;
	[tilespmem:$0x10E0] =	vst v63;
	v63 =	vld [tilespmem:$0x1FF20]  }
0x279: {  	[tilespmem:$0x1090] =	vst v14;
	v14 =	vmul.f32 v1, v33;
	v1 =	vmul.f32 v1, v30  }
0x27a: {  	v7 =	vld [tilespmem:$0x1FE70]  }
0x27b: {  	[tilespmem:$0x10C0] =	vst v12;
	v14 =	vadd.f32 v13, v14;
	v13 =	vadd.f32 v4, v1;
	v1 =	vmul.f32 v8, v40  }
0x27c: {  	v2 =	vadd.f32 v2, v32;
	v12 =	vmul.f32 v5, v45;
	[tilespmem:$0x1140] =	vst v10;
	v10 =	vld [tilespmem:$0x1FF50]  }
0x27d: {  	v1 =	vadd.f32 v1, v24;
	[tilespmem:$0x1120] =	vst v63;
	v63 =	vmul.f32 v8, v38  }
0x27e: {  	v12 =	vadd.f32 v2, v12  }
0x27f: {  	[tilespmem:$0x1050] =	vst v7;
	v7 =	vld [tilespmem:$0x1FF00];
	v0 =	vmul.f32 v5, v41;
	v2 =	vadd.f32 v1, v26;
	v63 =	vadd.f32 v63, v20;
	_ =	sdelay $0x1  }
0x280: {  	[tilespmem:$0x1160] =	vst v10;
	v10 =	vadd.f32 v2, v0;
	v2 =	vadd.f32 v63, v23;
	v63 =	vld [tilespmem:$0x1FF80];
	_ =	sdelay $0x2  }
0x281: {  	[tilespmem:$0x1100] =	vst v7;
	v7 =	vld [tilespmem:$0x1FF70];
	_ =	sdelay $0x1  }
0x282: {  	v3 =	vadd.f32 v3, v22;
	[tilespmem:$0x1190] =	vst v63;
	v63 =	vld [tilespmem:$0x1FFA0]  }
0x283: {  	v6 =	vld [tilespmem:$0x1FF60]  }
0x284: {  	[tilespmem:$0x1130] =	vst v9;
	v9 =	vld [tilespmem:$0x1FF40];
	v15 =	vadd.f32 v3, v15;
	v3 =	vmul.f32 v8, v42  }
0x285: {  	[tilespmem:$0x1180] =	vst v7;
	v7 =	vld [tilespmem:$0x1FF90];
	v1 =	vmul.f32 v8, v37  }
0x286: {  	v3 =	vadd.f32 v3, v25  }
0x287: {  	v1 =	vadd.f32 v1, v18;
	[tilespmem:$0x11B0] =	vst v63;
	v63 =	vld [tilespmem:$0x1FFC0]  }
0x288: {  	v4 =	vadd.f32 v3, v28;
	v3 =	vmul.f32 v5, v43;
	[tilespmem:$0x1170] =	vst v6;
	v6 =	vmul.f32 v8, v34  }
0x289: {  	[tilespmem:$0x1150] =	vst v9;
	v1 =	vadd.f32 v1, v22;
	v8 =	vmul.f32 v8, v31;
	v0 =	vmul.f32 v5, v36  }
0x28a: {  	[tilespmem:$0x11A0] =	vst v7;
	v9 =	vadd.f32 v4, v3  }
0x28b: {  	[tilespmem:$0x1200] =	vst v61;
	v4 =	vmul.f32 v5, v39;
	v0 =	vadd.f32 v1, v0;
	v1 =	vadd.f32 v8, v16;
	v8 =	vld [tilespmem:$0x1FFB0]  }
0x28c: {  	v3 =	vimm.s32 $0xD;
	[tilespmem:$0x11D0] =	vst v63;
	v63 =	vld [tilespmem:$0x1FFD0]  }
0x28d: {  	[tilespmem:$0x1210] =	vst v62;
	v7 =	vadd.f32 v2, v4;
	v4 =	vadd.f32 v6, v17;
	v6 =	vperm.xlane v49, v3  }
0x28e: {  	[tilespmem:$0x1220] =	vst v60  }
0x28f: {  	[tilespmem:$0x1FFF0] =	vst v0;
	v2 =	vmul.f32 v6, v47  }
0x290: {  	[tilespmem:$0x11C0] =	vst v8;
	v8 =	vmul.f32 v5, v33;
	v4 =	vadd.f32 v4, v21;
	v0 =	vmul.f32 v6, v44  }
0x291: {  	v1 =	vadd.f32 v1, v19;
	v5 =	vmul.f32 v5, v30;
	v2 =	vadd.f32 v2, v29;
	[tilespmem:$0x11E0] =	vst v63;
	v63 =	vld [tilespmem:$0x1FFE0]  }
0x292: {  	[tilespmem:$0x1230] =	vst v59;
	v4 =	vadd.f32 v4, v8;
	v8 =	vperm.xlane v48, v3;
	v0 =	vadd.f32 v0, v27  }
0x293: {  	[tilespmem:$0x1240] =	vst v58;
	v61 =	vmul.f32 v6, v42;
	v1 =	vadd.f32 v1, v5;
	v2 =	vadd.f32 v2, v35  }
0x294: {  	[tilespmem:$0x1250] =	vst v57;
	v5 =	vmul.f32 v8, v46;
	v0 =	vadd.f32 v0, v32;
	v62 =	vmul.f32 v8, v45  }
0x295: {  	[tilespmem:$0x1260] =	vst v56;
	v60 =	vmul.f32 v6, v38;
	v61 =	vadd.f32 v61, v25;
	v3 =	vmul.f32 v8, v43  }
0x296: {  	v2 =	vadd.f32 v2, v5;
	v0 =	vadd.f32 v0, v62;
	[tilespmem:$0x11F0] =	vst v63;
	v63 =	vmul.f32 v6, v40  }
0x297: {  	[tilespmem:$0x1270] =	vst v55;
	v5 =	vadd.f32 v61, v28;
	v61 =	vmul.f32 v6, v37;
	v62 =	vmul.f32 v6, v34  }
0x298: {  	[tilespmem:$0x1280] =	vst v53;
	v6 =	vmul.f32 v6, v31;
	v59 =	vadd.f32 v63, v24;
	v63 =	vadd.f32 v60, v20  }
0x299: {  	[tilespmem:$0x1290] =	vst v54;
	v5 =	vadd.f32 v5, v3;
	v3 =	vadd.f32 v61, v18  }
0x29a: {  	[tilespmem:$0x12A0] =	vst v51;
	v61 =	vmul.f32 v8, v39;
	v6 =	vadd.f32 v6, v16;
	v60 =	vadd.f32 v63, v23  }
0x29b: {  	[tilespmem:$0x12B0] =	vst v52;
	v57 =	vadd.f32 v59, v26;
	v63 =	vadd.f32 v3, v22;
	v3 =	vmul.f32 v8, v36  }
0x29c: {  	[tilespmem:$0x12C0] =	vst v50;
	v59 =	vmul.f32 v8, v41;
	v51 =	vadd.f32 v60, v61;
	v60 =	vadd.f32 v62, v17  }
0x29d: {  	[tilespmem:$0x12D0] =	vst v15;
	v61 =	vimm.s32 $0xE;
	v52 =	vadd.f32 v63, v3;
	v63 =	vmul.f32 v8, v33  }
0x29e: {  	[tilespmem:$0x12E0] =	vst v14;
	v6 =	vadd.f32 v6, v19;
	v8 =	vmul.f32 v8, v30;
	v56 =	vperm.xlane v49, v61  }
0x29f: {  	[tilespmem:$0x12F0] =	vst v13;
	v55 =	vadd.f32 v57, v59;
	v50 =	vperm.xlane v48, v61;
	v62 =	vadd.f32 v60, v21  }
0x2a0: {  	[tilespmem:$0x1300] =	vst v11;
	v6 =	vadd.f32 v6, v8;
	v3 =	vmul.f32 v56, v47;
	v57 =	vmul.f32 v56, v44  }
0x2a1: {  	[tilespmem:$0x1310] =	vst v12;
	v61 =	vmul.f32 v50, v46;
	v14 =	vadd.f32 v62, v63;
	v62 =	vmul.f32 v56, v42  }
0x2a2: {  	[tilespmem:$0x13B0] =	vst v55;
	v55 =	vmul.f32 v50, v30;
	v58 =	vadd.f32 v3, v29;
	v3 =	vmul.f32 v56, v40  }
0x2a3: {  	[tilespmem:$0x1320] =	vst v9;
	v63 =	vmul.f32 v50, v45;
	v59 =	vadd.f32 v57, v27;
	v15 =	vadd.f32 v62, v25  }
0x2a4: {  	[tilespmem:$0x1330] =	vst v10;
	v62 =	vmul.f32 v50, v41;
	v60 =	vadd.f32 v58, v35;
	v54 =	vadd.f32 v3, v24  }
0x2a5: {  	[tilespmem:$0x1340] =	vst v7;
	v8 =	vadd.f32 v59, v32;
	v59 =	vmul.f32 v56, v38;
	v57 =	vadd.f32 v15, v28  }
0x2a6: {  	[tilespmem:$0x1370] =	vst v1;
	v58 =	vmul.f32 v50, v43;
	v9 =	vadd.f32 v60, v61;
	v61 =	vadd.f32 v54, v26  }
0x2a7: {  	[tilespmem:$0x1360] =	vst v4;
	v8 =	vadd.f32 v8, v63;
	v60 =	vld [tilespmem:$0x1FFF0];
	v63 =	vmul.f32 v56, v37;
	v15 =	vadd.f32 v59, v20  }
0x2a8: {  	[tilespmem:$0x1380] =	vst v2;
	v4 =	vadd.f32 v57, v58;
	v58 =	vmul.f32 v56, v34;
	v1 =	vadd.f32 v61, v62  }
0x2a9: {  	[tilespmem:$0x1390] =	vst v0;
	v57 =	vmul.f32 v50, v39;
	v53 =	vadd.f32 v63, v18;
	v54 =	vadd.f32 v15, v23  }
0x2aa: {  	[tilespmem:$0x13A0] =	vst v5;
	v61 =	vmul.f32 v56, v31;
	v63 =	vimm.s32 $0xF;
	v62 =	vadd.f32 v58, v17  }
0x2ab: {  	[tilespmem:$0x13C0] =	vst v51;
	v7 =	vperm.xlane v49, v63;
	v11 =	vperm.xlane v48, v63;
	v59 =	vadd.f32 v53, v22  }
0x2ac: {  	v2 =	vadd.f32 v54, v57;
	v53 =	vmul.f32 v50, v33;
	[tilespmem:$0x1350] =	vst v60;
	v60 =	vmul.f32 v50, v36  }
0x2ad: {  	[tilespmem:$0x13D0] =	vst v52;
	v49 =	vadd.f32 v61, v16;
	v54 =	vmul.f32 v7, v47;
	v56 =	vmul.f32 v7, v44  }
0x2ae: {  	[tilespmem:$0x13F0] =	vst v6;
	v5 =	vadd.f32 v62, v21;
	v61 =	vmul.f32 v7, v42;
	v42 =	vmul.f32 v11, v43  }
0x2af: {  	[tilespmem:$0x13E0] =	vst v14;
	v43 =	vmul.f32 v7, v38;
	v3 =	vadd.f32 v49, v19;
	v0 =	vadd.f32 v59, v60  }
0x2b0: {  	[tilespmem:$0x1400] =	vst v9;
	v48 =	vmul.f32 v7, v34;
	v5 =	vadd.f32 v5, v53;
	v57 =	vadd.f32 v54, v29  }
0x2b1: {  	[tilespmem:$0x1410] =	vst v8;
	v63 =	vmul.f32 v7, v40;
	v58 =	vadd.f32 v56, v27;
	v29 =	vadd.f32 v61, v25  }
0x2b2: {  	[tilespmem:$0x1420] =	vst v4;
	v60 =	vmul.f32 v11, v46;
	v47 =	vadd.f32 v43, v20;
	v53 =	vadd.f32 v48, v17  }
0x2b3: {  	[tilespmem:$0x1430] =	vst v1;
	v46 =	vmul.f32 v7, v37;
	v3 =	vadd.f32 v3, v55;
	v59 =	vadd.f32 v57, v35  }
0x2b4: {  	[tilespmem:$0x1440] =	vst v2;
	v6 =	vadd.f32 v58, v32;
	v35 =	vadd.f32 v63, v24  }
0x2b5: {  	v62 =	vmul.f32 v11, v45;
	v40 =	vadd.f32 v29, v28;
	[tilespmem:$0x1450] =	vst v0;
	v49 =	vadd.f32 v46, v18  }
0x2b6: {  	v50 =	vmul.f32 v7, v31;
	[tilespmem:$0x1460] =	vst v5;
	v51 =	vadd.f32 v47, v23;
	v27 =	vadd.f32 v59, v60  }
0x2b7: {  	v52 =	vmul.f32 v11, v39;
	v57 =	vadd.f32 v53, v21;
	[tilespmem:$0x1470] =	vst v3;
	v32 =	vadd.f32 v6, v62  }
0x2b8: {  	v58 =	vmul.f32 v11, v33;
	v44 =	vadd.f32 v35, v26;
	v2 =	vadd.f32 v40, v42;
	[tilespmem:$0x1480] =	vst v27  }
0x2b9: {  	v45 =	vmul.f32 v11, v41;
	v6 =	vadd.f32 v50, v16;
	v56 =	vadd.f32 v51, v52;
	[tilespmem:$0x1490] =	vst v32  }
0x2ba: {  	v55 =	vmul.f32 v11, v36;
	v54 =	vadd.f32 v49, v22;
	v62 =	vadd.f32 v57, v58;
	[tilespmem:$0x14A0] =	vst v2  }
0x2bb: {  	v61 =	vmul.f32 v11, v30;
	v0 =	vadd.f32 v44, v45;
	v60 =	vadd.f32 v6, v19;
	[tilespmem:$0x14C0] =	vst v56  }
0x2bc: {  	v59 =	vadd.f32 v54, v55;
	[tilespmem:$0x14E0] =	vst v62  }
0x2bd: {  	[tilespmem:$0x14B0] =	vst v0;
	v63 =	vadd.f32 v60, v61  }
0x2be: {  	p0 =	sne.s32 s7, $0x1;
	[tilespmem:$0x14D0] =	vst v59  }
.Ltmp0:
0x2bf: {  	[tilespmem:$0x14F0] =	vst v63;
	(pc) =	sbr.rel @p0 .LBB2_1-.Ltmp0, $4  }
0x2c0: {  	[hbm4b:s6+s2] =	stream.linear.scatter [tilespmem:s13], [sflag:$0x4], $0x1000, $0x38;
	[tilespmem:$0x1500] =	vst v63  }
0x2c1: {  	_ =	swait.ge [sflag:s14], $0x1000  }
0x2c2: {  	[sflag:s14] =	ssyncset.done $0x0  }
0x2c3: {  	s7 =	sadd.s32 $0xFFFFFFFF, s7;
	[sflag:s14] =	ssyncadd.s32 $0xFFFFF000  }
0x2c4: {  	_ =	sfence.sel $0x180000  }
0x2c5: {  	[bflag:$0x0] =	sbarrier.arrive $0xFFFF  }
0x2c6: {  	p0 =	sne.s32 s1, $0x0;
	_ =	strace $0x90000047  }
0x2c7: {  	s0 =	sadd.s32 @!p0 $0x100000, s0;
	[bflag:$0x2] =	sbarrier.arrive $0xFFFF  }
0x2c8: {  	[sflag:s0] =	ssyncadd.tile.s32 @!p0 $0x1;
	_ =	shalt  }
.Lfunc_end2:
_tile_overlayer_lowered:
.L_overlay_start_2:
0x2c9: {  	(tag) =	ssettag $0x2  }
0x2ca: {  	s0 =	rddreg [dreg:$0x0];
	s2 =	stileid.u32  }
0x2cb: {  	s1 =	rddreg [dreg:$0x1];
	p0 =	sne.s32 s2, $0x0  }
0x2cc: {  	s3 =	rddreg [dreg:$0x2];
	[bflag:$0x3] =	sbarrier.arrive $0xFFFF;
	s2 =	simm.s32 @!p0 $0x1C04  }
0x2cd: {  	[timem:s3], [sflag:s2] =	dma.local @!p0 [hbm:s0], s1  }
0x2ce: {  	s0 =	simm.s32 @!p0 $0x4  }
0x2cf: {  	_ =	swait.ge @!p0 [sflag:s0], s1  }
0x2d0: {  	s1 =	ssub.s32 @!p0 $0x0, s1;
	[sflag:s0] =	ssyncset.done @!p0 $0x0  }
0x2d1: {  	[sflag:s0] =	ssyncadd.s32 @!p0 s1  }
0x2d2: {  	[bflag:$0x3] =	sbarrier.arrive $0xFFFF  }
0x2d3: {  	_ =	shalt  }

</sc_bundles>
